<compile_context>
chip_gen: v7x
topology: tpu7x:2x2x1
jax: 0.10.2.dev20260603
libtpu: 0.0.44.dev20260713+nightly
codegen_flags: <defaults>
</compile_context>

<pallas_src>
import functools

import jax
from jax import lax
import jax.numpy as jnp
from jax.experimental import pallas as pl
from jax.experimental.pallas import tpu as pltpu
from jax.experimental.pallas import tpu_sc as plsc

N = 10000
D = 256
HALF = 128
NSUB = 16
NCORE = 2
ACC_ROWS = N + 112
BN = 1000


def _sc_mesh():
    return plsc.VectorSubcoreMesh(core_axis_name="c", subcore_axis_name="s")


def _degree_sc(dst_rows, zeros_feat, ones_feat):
    r_total = dst_rows.shape[0]
    rpw = r_total // (NSUB * NCORE)
    zr = ACC_ROWS // NSUB

    @functools.partial(
        pl.kernel,
        out_type=(
            jax.ShapeDtypeStruct((ACC_ROWS, HALF), jnp.float32),
            jax.ShapeDtypeStruct((ACC_ROWS, HALF), jnp.float32),
        ),
        mesh=_sc_mesh(),
        scratch_types=[
            pltpu.VMEM_SHARED((ACC_ROWS, HALF), jnp.float32),
            pltpu.VMEM((rpw, 128), jnp.int32),
            pltpu.VMEM((128, HALF), jnp.float32),
            pltpu.SemaphoreType.DMA,
            pltpu.SemaphoreType.DMA,
            pltpu.SemaphoreType.DMA,
            pltpu.SemaphoreType.DMA,
        ],
    )
    def k(dst_hbm, z_hbm, ones_hbm, o0_hbm, o1_hbm, acc, dst_v, ones_v,
          ssem0, ssem1, ssem2, ssem3):
        c = lax.axis_index("c")
        s = lax.axis_index("s")
        w = s * NCORE + c
        pltpu.sync_copy(z_hbm, acc.at[pl.ds(s * zr, zr)])
        pltpu.sync_copy(ones_hbm, ones_v)
        pltpu.sync_copy(dst_hbm.at[pl.ds(w * rpw, rpw)], dst_v)
        plsc.subcore_barrier()
        ssems = (ssem0, ssem1, ssem2, ssem3)

        @pl.loop(0, rpw, step=4)
        def _(j):
            sh = [pltpu.async_copy(ones_v, acc.at[dst_v.at[j + b]],
                                   ssems[b], add=True)
                  for b in range(4)]
            for h in sh:
                h.wait()

        plsc.subcore_barrier()

        @pl.when(c == 0)
        def _():
            pltpu.sync_copy(acc.at[pl.ds(s * zr, zr)],
                            o0_hbm.at[pl.ds(s * zr, zr)])

        @pl.when(c != 0)
        def _():
            pltpu.sync_copy(acc.at[pl.ds(s * zr, zr)],
                            o1_hbm.at[pl.ds(s * zr, zr)])

    return k(dst_rows, zeros_feat, ones_feat)


def _seg_sum_sc(h_lo, h_hi, src_rows, dst_rows, zeros_feat):
    r_total = src_rows.shape[0]
    rpw = r_total // NSUB
    zr = ACC_ROWS // NSUB

    ch = 8
    nch = rpw // ch
    assert rpw % ch == 0

    @functools.partial(
        pl.kernel,
        out_type=(
            jax.ShapeDtypeStruct((ACC_ROWS, HALF), jnp.float32),
            jax.ShapeDtypeStruct((ACC_ROWS, HALF), jnp.float32),
        ),
        mesh=_sc_mesh(),
        scratch_types=[
            pltpu.VMEM_SHARED((ACC_ROWS, HALF), jnp.float32),
            pltpu.VMEM((rpw, 128), jnp.int32),
            pltpu.VMEM((ch, 128), jnp.int32),
            pltpu.VMEM((128, HALF), jnp.float32),
            pltpu.VMEM((128, HALF), jnp.float32),
            pltpu.SemaphoreType.DMA,
            pltpu.SemaphoreType.DMA,
            pltpu.SemaphoreType.DMA,
            pltpu.SemaphoreType.DMA,
            pltpu.SemaphoreType.DMA,
        ],
    )
    def k(hlo_hbm, hhi_hbm, src_hbm, dst_hbm, z_hbm, olo_hbm, ohi_hbm,
          acc, src_v, dst_v, buf0, buf1, gsem0, gsem1, ssem0, ssem1, zsem):
        c = lax.axis_index("c")
        s = lax.axis_index("s")
        bufs = (buf0, buf1)
        gsems = (gsem0, gsem1)
        ssems = (ssem0, ssem1)
        zcopy = pltpu.async_copy(z_hbm, acc.at[pl.ds(s * zr, zr)], zsem)
        pltpu.sync_copy(src_hbm.at[pl.ds(s * rpw, rpw)], src_v)

        def pipeline(h_hbm, o_hbm):
            for b in range(2):
                pltpu.async_copy(h_hbm.at[src_v.at[b]], bufs[b], gsems[b])
            zcopy.wait()
            plsc.subcore_barrier()

            @pl.loop(0, nch)
            def _(kc):
                base = kc * ch
                pltpu.sync_copy(dst_hbm.at[pl.ds(s * rpw + base, ch)], dst_v)
                for jp in range(0, ch, 2):
                    sh = []
                    for b in range(2):
                        pltpu.make_async_copy(
                            h_hbm.at[src_v.at[base + jp + b]],
                            bufs[b], gsems[b]).wait()
                        sh.append(pltpu.async_copy(
                            bufs[b], acc.at[dst_v.at[jp + b]], ssems[b],
                            add=True))
                    for b in range(2):
                        sh[b].wait()

                        @pl.when(base + jp + 2 + b < rpw)
                        def _():
                            pltpu.async_copy(
                                h_hbm.at[src_v.at[base + jp + 2 + b]],
                                bufs[b], gsems[b])

            plsc.subcore_barrier()
            pltpu.sync_copy(acc.at[pl.ds(s * zr, zr)],
                            o_hbm.at[pl.ds(s * zr, zr)])

        @pl.when(c == 0)
        def _():
            pipeline(hlo_hbm, olo_hbm)

        @pl.when(c != 0)
        def _():
            pipeline(hhi_hbm, ohi_hbm)

    return k(h_lo, h_hi, src_rows, dst_rows, zeros_feat)


def _encode_tc(x, nt_col, w0, w1, w2, c0, c1, c2):

    def body(x_ref, nt_ref, w0_ref, w1_ref, w2_ref, c0_ref, c1_ref, c2_ref,
             lo_ref, hi_ref):
        xb = jnp.clip(x_ref[...], -10.0, 10.0)
        mu = jnp.mean(xb, axis=-1, keepdims=True)
        xc = xb - mu
        var = jnp.mean(xc * xc, axis=-1, keepdims=True)
        xn = xc * lax.rsqrt(var + 1e-5)
        p0 = jnp.dot(xn, w0_ref[...], preferred_element_type=jnp.float32) + c0_ref[...]
        p1 = jnp.dot(xn, w1_ref[...], preferred_element_type=jnp.float32) + c1_ref[...]
        p2 = jnp.dot(xn, w2_ref[...], preferred_element_type=jnp.float32) + c2_ref[...]
        nt = nt_ref[...]
        h = jnp.where(nt == 0, p0, jnp.where(nt == 1, p1, p2))
        lo_ref[...] = h[:, :HALF]
        hi_ref[...] = h[:, HALF:]

    wspec = pl.BlockSpec((D, D), lambda i: (0, 0))
    cspec = pl.BlockSpec((1, D), lambda i: (0, 0))
    return pl.pallas_call(
        body,
        grid=(N // BN,),
        in_specs=[
            pl.BlockSpec((BN, D), lambda i: (i, 0)),
            pl.BlockSpec((BN, 1), lambda i: (i, 0)),
            wspec, wspec, wspec, cspec, cspec, cspec,
        ],
        out_specs=[
            pl.BlockSpec((BN, HALF), lambda i: (i, 0)),
            pl.BlockSpec((BN, HALF), lambda i: (i, 0)),
        ],
        out_shape=(
            jax.ShapeDtypeStruct((N, HALF), jnp.float32),
            jax.ShapeDtypeStruct((N, HALF), jnp.float32),
        ),
    )(x, nt_col, w0, w1, w2, c0, c1, c2)


def _layer_pre_tc(h_lo, h_hi, rWT, lb):

    def body(hlo_ref, hhi_ref, rwt_ref, lb_ref, r_ref):
        h = jnp.concatenate([hlo_ref[...], hhi_ref[...]], axis=-1)
        r_ref[...] = (jnp.dot(h, rwt_ref[...],
                              preferred_element_type=jnp.float32)
                      + lb_ref[...] + h)

    hspec = pl.BlockSpec((BN, HALF), lambda i: (i, 0))
    return pl.pallas_call(
        body,
        grid=(N // BN,),
        in_specs=[hspec, hspec,
                  pl.BlockSpec((D, D), lambda i: (0, 0)),
                  pl.BlockSpec((1, D), lambda i: (0, 0))],
        out_specs=pl.BlockSpec((BN, D), lambda i: (i, 0)),
        out_shape=jax.ShapeDtypeStruct((N, D), jnp.float32),
    )(h_lo, h_hi, rWT, lb)


def _layer_post_tc(r, s_lo, s_hi, cnt0, cnt1, lWT, ln_w, ln_b, final):

    def body(r_ref, slo_ref, shi_ref, c0_ref, c1_ref,
             lwt_ref, lnw_ref, lnb_ref, *out_refs):
        sm = jnp.concatenate([slo_ref[...], shi_ref[...]], axis=-1)
        cnt = c0_ref[...][:, :1] + c1_ref[...][:, :1]
        mean = sm / jnp.maximum(cnt, 1.0)
        z = (jnp.dot(mean, lwt_ref[...], preferred_element_type=jnp.float32)
             + r_ref[...])
        mu = jnp.mean(z, axis=-1, keepdims=True)
        zc = z - mu
        var = jnp.mean(zc * zc, axis=-1, keepdims=True)
        y = zc * lax.rsqrt(var + 1e-5) * lnw_ref[...] + lnb_ref[...]
        y = jnp.maximum(y, 0.0)
        if final:
            out_refs[0][...] = y
        else:
            out_refs[0][...] = y[:, :HALF]
            out_refs[1][...] = y[:, HALF:]

    hspec = pl.BlockSpec((BN, HALF), lambda i: (i, 0))
    wspec = pl.BlockSpec((D, D), lambda i: (0, 0))
    vspec = pl.BlockSpec((1, D), lambda i: (0, 0))
    if final:
        out_specs = [pl.BlockSpec((BN, D), lambda i: (i, 0))]
        out_shape = (jax.ShapeDtypeStruct((N, D), jnp.float32),)
    else:
        out_specs = [hspec, hspec]
        out_shape = (
            jax.ShapeDtypeStruct((N, HALF), jnp.float32),
            jax.ShapeDtypeStruct((N, HALF), jnp.float32),
        )
    out = pl.pallas_call(
        body,
        grid=(N // BN,),
        in_specs=[pl.BlockSpec((BN, D), lambda i: (i, 0)),
                  hspec, hspec, hspec, hspec, wspec, vspec, vspec],
        out_specs=out_specs,
        out_shape=out_shape,
    )(r, s_lo, s_hi, cnt0, cnt1, lWT, ln_w, ln_b)
    return out[0] if final else out


def kernel(x, edge_index, node_type,
           proc_ln_w, proc_ln_b, proc_W, proc_b,
           file_ln_w, file_ln_b, file_W, file_b,
           sock_ln_w, sock_ln_b, sock_W, sock_b,
           type_emb,
           l0_lW, l0_lb, l0_rW, l0_ln_w, l0_ln_b,
           l1_lW, l1_lb, l1_rW, l1_ln_w, l1_ln_b):
    f32 = jnp.float32
    src = edge_index[0]
    dst = edge_index[1]
    e = src.shape[0]

    rows = -(-e // 128)
    rows = -(-rows // (NSUB * 8)) * (NSUB * 8)
    pad = rows * 128 - e
    pad_dst = N + jnp.arange(pad, dtype=jnp.int32) % (ACC_ROWS - N)
    srcp = jnp.concatenate([src, jnp.zeros((pad,), jnp.int32)]).reshape(rows, 128)
    dstp = jnp.concatenate([dst, pad_dst]).reshape(rows, 128)

    zeros_feat = jnp.zeros((ACC_ROWS // NSUB, HALF), f32)
    ones_feat = jnp.ones((128, HALF), f32)
    nt_col = node_type[:, None]

    w0 = proc_W.T * proc_ln_w[:, None]
    w1 = file_W.T * file_ln_w[:, None]
    w2 = sock_W.T * sock_ln_w[:, None]
    c0 = (proc_W @ proc_ln_b + proc_b + type_emb[0])[None, :]
    c1 = (file_W @ file_ln_b + file_b + type_emb[1])[None, :]
    c2 = (sock_W @ sock_ln_b + sock_b + type_emb[2])[None, :]

    cnt0, cnt1 = _degree_sc(dstp, zeros_feat, ones_feat)
    h_lo, h_hi = _encode_tc(x, nt_col, w0, w1, w2, c0, c1, c2)

    for (lW, lb, rW, ln_w, ln_b, final) in (
            (l0_lW, l0_lb, l0_rW, l0_ln_w, l0_ln_b, False),
            (l1_lW, l1_lb, l1_rW, l1_ln_w, l1_ln_b, True)):
        s_lo, s_hi = _seg_sum_sc(h_lo, h_hi, srcp, dstp, zeros_feat)
        r = _layer_pre_tc(h_lo, h_hi, rW.T, lb[None, :])
        out = _layer_post_tc(r, s_lo, s_hi, cnt0, cnt1,
                             lW.T, ln_w[None, :], ln_b[None, :], final)
        if final:
            return out
        h_lo, h_hi = out

# --- scband reference (transcript-rebuilt; emitter-appended) ---
"""Pipeline reference for scband-hetero-graph-encoder-7687991460536 (READ-ONLY COPY).

The authoritative reference and input builder live on the scoring server;
editing this copy changes nothing except your own understanding.
"""

import jax, jax.numpy as jnp
import numpy as np

N = 10000
E = 160000
D = 256
H = 256

def _ln(h, w, b):
    mu = jnp.mean(h, axis=-1, keepdims=True)
    var = jnp.mean((h - mu) ** 2, axis=-1, keepdims=True)
    return (h - mu) / jnp.sqrt(var + 1e-5) * w + b

def setup_inputs(seed: int = 0) -> dict:
    key = jax.random.key(seed)
    ks = jax.random.split(key, 32)
    inp = {}
    inp['x'] = jax.random.normal(ks[0], (N, D), dtype=jnp.float32)
    inp['edge_index'] = jax.random.randint(ks[1], (2, E), 0, N, dtype=jnp.int32)
    inp['node_type'] = jax.random.randint(ks[2], (N,), 0, 3, dtype=jnp.int32)
    i = 3
    for t in ['proc', 'file', 'sock']:
        inp[t + '_ln_w'] = jnp.ones((D,), jnp.float32)
        inp[t + '_ln_b'] = jnp.zeros((D,), jnp.float32)
        inp[t + '_W'] = jax.random.normal(ks[i], (H, D), jnp.float32) * 0.05; i += 1
        inp[t + '_b'] = jnp.zeros((H,), jnp.float32)
    inp['type_emb'] = jax.random.normal(ks[i], (3, H), jnp.float32) * 0.01; i += 1
    for l in ['l0', 'l1']:
        inp[l + '_lW'] = jax.random.normal(ks[i], (H, H), jnp.float32) * 0.05; i += 1
        inp[l + '_lb'] = jnp.zeros((H,), jnp.float32)
        inp[l + '_rW'] = jax.random.normal(ks[i], (H, H), jnp.float32) * 0.05; i += 1
        inp[l + '_ln_w'] = jnp.ones((H,), jnp.float32)
        inp[l + '_ln_b'] = jnp.zeros((H,), jnp.float32)
    return inp

def reference(x, edge_index, node_type,
              proc_ln_w, proc_ln_b, proc_W, proc_b,
              file_ln_w, file_ln_b, file_W, file_b,
              sock_ln_w, sock_ln_b, sock_W, sock_b,
              type_emb,
              l0_lW, l0_lb, l0_rW, l0_ln_w, l0_ln_b,
              l1_lW, l1_lb, l1_rW, l1_ln_w, l1_ln_b):
    num_nodes = x.shape[0]
    x = jnp.clip(x, -10.0, 10.0)
    # per-node-type LayerNorm + Linear projection
    proj_p = _ln(x, proc_ln_w, proc_ln_b) @ proc_W.T + proc_b
    proj_f = _ln(x, file_ln_w, file_ln_b) @ file_W.T + file_b
    proj_s = _ln(x, sock_ln_w, sock_ln_b) @ sock_W.T + sock_b
    nt = node_type[:, None]
    h = jnp.where(nt == 0, proj_p, jnp.where(nt == 1, proj_f, jnp.where(nt == 2, proj_s, 0.0)))
    h = h + type_emb[node_type]
    src = edge_index[0]
    dst = edge_index[1]
    layers = [(l0_lW, l0_lb, l0_rW, l0_ln_w, l0_ln_b), (l1_lW, l1_lb, l1_rW, l1_ln_w, l1_ln_b)]
    for (lW, lb, rW, ln_w, ln_b) in layers:
        residual = h
        msgs = h[src]
        sums = jax.ops.segment_sum(msgs, dst, num_segments=num_nodes)
        counts = jax.ops.segment_sum(jnp.ones((msgs.shape[0],), h.dtype), dst, num_segments=num_nodes)
        mean = sums / jnp.clip(counts, 1.0, None)[:, None]
        h = mean @ lW.T + lb + h @ rW.T  # SAGEConv: lin_l(agg_mean) + lin_r(root)
        h = _ln(h + residual, ln_w, ln_b)
        h = jax.nn.relu(h)
        # dropout is identity in eval mode
    return h

if __name__ == "__main__":
    import jax
    _d = setup_inputs()
    print(jax.jit(kernel)(*tuple(_d.values())))

</pallas_src>

<mosaic_0001>
#map = affine_map<(d0, d1) -> (0, 0)>
module attributes {stable_mosaic.version = 14 : i64} {
  func.func @k(%arg0: i32, %arg1: i32, %arg2: memref<10000x128xf32, #tpu.memory_space<hbm>>, %arg3: memref<10000x128xf32, #tpu.memory_space<hbm>>, %arg4: memref<1280x128xi32, #tpu.memory_space<hbm>>, %arg5: memref<1280x128xi32, #tpu.memory_space<hbm>>, %arg6: memref<632x128xf32, #tpu.memory_space<hbm>>, %arg7: memref<10112x128xf32, #tpu.memory_space<hbm>>, %arg8: memref<10112x128xf32, #tpu.memory_space<hbm>>, %arg9: memref<10112x128xf32, #tpu.memory_space<vmem_shared>>, %arg10: memref<80x128xi32, #tpu.memory_space<vmem>>, %arg11: memref<8x128xi32, #tpu.memory_space<vmem>>, %arg12: memref<128x128xf32, #tpu.memory_space<vmem>>, %arg13: memref<128x128xf32, #tpu.memory_space<vmem>>, %arg14: memref<!tpu.dma_semaphore, #tpu.memory_space<semaphore_mem>>, %arg15: memref<!tpu.dma_semaphore, #tpu.memory_space<semaphore_mem>>, %arg16: memref<!tpu.dma_semaphore, #tpu.memory_space<semaphore_mem>>, %arg17: memref<!tpu.dma_semaphore, #tpu.memory_space<semaphore_mem>>, %arg18: memref<!tpu.dma_semaphore, #tpu.memory_space<semaphore_mem>>) attributes {dimension_semantics = [#tpu.dimension_semantics<core_parallel>, #tpu.dimension_semantics<subcore_parallel>], iteration_bounds = array<i64: 2, 16>, scalar_prefetch = 0 : i64, scratch_operands = 10 : i64, tpu.core_type = #tpu.core_type<sc_vector_subcore>, window_params = [{transform_indices = #map}, {transform_indices = #map}, {transform_indices = #map}, {transform_indices = #map}, {transform_indices = #map}, {transform_indices = #map}, {transform_indices = #map}]} {
    %mul3A = arith.constant 632 : i32
    %mul3A_0 = arith.muli %arg1, %mul3A : i32
    %dma_start3A = arith.constant 0 : i32
    %dma_start3A_1 = tpu.memref_slice %arg9[%mul3A_0, %dma_start3A] : memref<10112x128xf32, #tpu.memory_space<vmem_shared>> -> memref<632x128xf32, #tpu.memory_space<vmem_shared>>
    tpu.enqueue_dma source(%arg6 : memref<632x128xf32, #tpu.memory_space<hbm>>) target(%dma_start3A_1 : memref<632x128xf32, #tpu.memory_space<vmem_shared>>) target_semaphore(%arg18 : memref<!tpu.dma_semaphore, #tpu.memory_space<semaphore_mem>>)
    %mul3A_2 = arith.constant 80 : i32
    %mul3A_3 = arith.muli %arg1, %mul3A_2 : i32
    "tpu.region"() ({
      %run_scoped3A = tpu.sem_alloc : memref<!tpu.dma_semaphore, #tpu.memory_space<semaphore_mem>>
      %dma_start3A_10 = arith.constant 0 : i32
      %dma_start3A_11 = tpu.memref_slice %arg4[%mul3A_3, %dma_start3A_10] : memref<1280x128xi32, #tpu.memory_space<hbm>> -> memref<80x128xi32, #tpu.memory_space<hbm>>
      %dma_start3A_12 = arith.constant 0 : i32
      %dma_start3A_13 = tpu.memref_slice %arg4[%mul3A_3, %dma_start3A_12] : memref<1280x128xi32, #tpu.memory_space<hbm>> -> memref<80x128xi32, #tpu.memory_space<hbm>>
      tpu.enqueue_dma source(%dma_start3A_13 : memref<80x128xi32, #tpu.memory_space<hbm>>) target(%arg10 : memref<80x128xi32, #tpu.memory_space<vmem>>) target_semaphore(%run_scoped3A : memref<!tpu.dma_semaphore, #tpu.memory_space<semaphore_mem>>)
      %dma_wait3A = arith.constant 0 : i32
      %dma_wait3A_14 = tpu.memref_slice %arg4[%mul3A_3, %dma_wait3A] : memref<1280x128xi32, #tpu.memory_space<hbm>> -> memref<80x128xi32, #tpu.memory_space<hbm>>
      %dma_wait3A_15 = arith.constant 0 : i32
      %dma_wait3A_16 = tpu.memref_slice %arg4[%mul3A_3, %dma_wait3A_15] : memref<1280x128xi32, #tpu.memory_space<hbm>> -> memref<80x128xi32, #tpu.memory_space<hbm>>
      tpu.wait_dma2 semaphore(%run_scoped3A : memref<!tpu.dma_semaphore, #tpu.memory_space<semaphore_mem>>) src(%dma_wait3A_16 : memref<80x128xi32, #tpu.memory_space<hbm>>) dst(%arg10 : memref<80x128xi32, #tpu.memory_space<vmem>>)
      tpu.yield
    }) : () -> ()
    %eq3A = arith.constant 0 : i32
    %eq3A_4 = arith.cmpi eq, %arg0, %eq3A : i32
    %convert_element_type3A = arith.extui %eq3A_4 : i1 to i32
    %cond3A = arith.constant 0 : i32
    %cond3A_5 = arith.cmpi ne, %convert_element_type3A, %cond3A : i32
    scf.if %cond3A_5 {
      %dma_start3A_10 = arith.constant 0 : i32
      %dma_start3A_11 = arith.constant 0 : i32
      %dma_start3A_12 = tpu.memref_slice %arg10[%dma_start3A_10, %dma_start3A_11] : memref<80x128xi32, #tpu.memory_space<vmem>> -> memref<1x128xi32, #tpu.memory_space<vmem>>
      %dma_start3A_13 = tpu.memref_squeeze %dma_start3A_12 : memref<1x128xi32, #tpu.memory_space<vmem>> -> memref<128xi32, #tpu.memory_space<vmem>>
      %dma_start3A_14 = arith.constant 0 : i32
      %dma_start3A_15 = arith.constant 0 : i32
      %dma_start3A_16 = tpu.memref_slice %arg2[%dma_start3A_14, %dma_start3A_15] : memref<10000x128xf32, #tpu.memory_space<hbm>> -> memref<10000x128xf32, #tpu.memory_space<hbm>>
      tpu.enqueue_indirect_dma source(%dma_start3A_16 : memref<10000x128xf32, #tpu.memory_space<hbm>>) target(%arg12 : memref<128x128xf32, #tpu.memory_space<vmem>>) offsets(%dma_start3A_13 : memref<128xi32, #tpu.memory_space<vmem>>) semaphore(%arg14 : memref<!tpu.dma_semaphore, #tpu.memory_space<semaphore_mem>>)
      %dma_start3A_17 = arith.constant 1 : i32
      %dma_start3A_18 = arith.constant 0 : i32
      %dma_start3A_19 = tpu.memref_slice %arg10[%dma_start3A_17, %dma_start3A_18] : memref<80x128xi32, #tpu.memory_space<vmem>> -> memref<1x128xi32, #tpu.memory_space<vmem>>
      %dma_start3A_20 = tpu.memref_squeeze %dma_start3A_19 : memref<1x128xi32, #tpu.memory_space<vmem>> -> memref<128xi32, #tpu.memory_space<vmem>>
      %dma_start3A_21 = arith.constant 0 : i32
      %dma_start3A_22 = arith.constant 0 : i32
      %dma_start3A_23 = tpu.memref_slice %arg2[%dma_start3A_21, %dma_start3A_22] : memref<10000x128xf32, #tpu.memory_space<hbm>> -> memref<10000x128xf32, #tpu.memory_space<hbm>>
      tpu.enqueue_indirect_dma source(%dma_start3A_23 : memref<10000x128xf32, #tpu.memory_space<hbm>>) target(%arg13 : memref<128x128xf32, #tpu.memory_space<vmem>>) offsets(%dma_start3A_20 : memref<128xi32, #tpu.memory_space<vmem>>) semaphore(%arg15 : memref<!tpu.dma_semaphore, #tpu.memory_space<semaphore_mem>>)
      %dma_wait3A = arith.constant 0 : i32
      %dma_wait3A_24 = tpu.memref_slice %arg9[%mul3A_0, %dma_wait3A] : memref<10112x128xf32, #tpu.memory_space<vmem_shared>> -> memref<632x128xf32, #tpu.memory_space<vmem_shared>>
      tpu.wait_dma2 semaphore(%arg18 : memref<!tpu.dma_semaphore, #tpu.memory_space<semaphore_mem>>) src(%arg6 : memref<632x128xf32, #tpu.memory_space<hbm>>) dst(%dma_wait3A_24 : memref<632x128xf32, #tpu.memory_space<vmem_shared>>)
      %barrier3A = arith.constant 0 : index
      tpu.barrier barrier_id(%barrier3A)
      %scan3A = arith.constant 0 : i32
      %scan3A_25 = arith.constant 10 : i32
      %scan3A_26 = arith.addi %scan3A, %scan3A_25 : i32
      %scan3A_27 = arith.constant 1 : i32
      scf.for %scan3A_34 = %scan3A to %scan3A_26 step %scan3A_27  : i32 {
        %mul3A_35 = arith.constant 1 : i32
        %mul3A_36 = arith.muli %scan3A_34, %mul3A_35 : i32
        %add3A = arith.constant 0 : i32
        %add3A_37 = arith.addi %add3A, %mul3A_36 : i32
        %mul3A_38 = arith.constant 8 : i32
        %mul3A_39 = arith.muli %add3A_37, %mul3A_38 : i32
        %mul3A_40 = arith.constant 80 : i32
        %mul3A_41 = arith.muli %arg1, %mul3A_40 : i32
        %add3A_42 = arith.addi %mul3A_41, %mul3A_39 : i32
        "tpu.region"() ({
          %run_scoped3A = tpu.sem_alloc : memref<!tpu.dma_semaphore, #tpu.memory_space<semaphore_mem>>
          %dma_start3A_322 = arith.constant 0 : i32
          %dma_start3A_323 = tpu.memref_slice %arg5[%add3A_42, %dma_start3A_322] : memref<1280x128xi32, #tpu.memory_space<hbm>> -> memref<8x128xi32, #tpu.memory_space<hbm>>
          %dma_start3A_324 = arith.constant 0 : i32
          %dma_start3A_325 = tpu.memref_slice %arg5[%add3A_42, %dma_start3A_324] : memref<1280x128xi32, #tpu.memory_space<hbm>> -> memref<8x128xi32, #tpu.memory_space<hbm>>
          tpu.enqueue_dma source(%dma_start3A_325 : memref<8x128xi32, #tpu.memory_space<hbm>>) target(%arg11 : memref<8x128xi32, #tpu.memory_space<vmem>>) target_semaphore(%run_scoped3A : memref<!tpu.dma_semaphore, #tpu.memory_space<semaphore_mem>>)
          %dma_wait3A_326 = arith.constant 0 : i32
          %dma_wait3A_327 = tpu.memref_slice %arg5[%add3A_42, %dma_wait3A_326] : memref<1280x128xi32, #tpu.memory_space<hbm>> -> memref<8x128xi32, #tpu.memory_space<hbm>>
          %dma_wait3A_328 = arith.constant 0 : i32
          %dma_wait3A_329 = tpu.memref_slice %arg5[%add3A_42, %dma_wait3A_328] : memref<1280x128xi32, #tpu.memory_space<hbm>> -> memref<8x128xi32, #tpu.memory_space<hbm>>
          tpu.wait_dma2 semaphore(%run_scoped3A : memref<!tpu.dma_semaphore, #tpu.memory_space<semaphore_mem>>) src(%dma_wait3A_329 : memref<8x128xi32, #tpu.memory_space<hbm>>) dst(%arg11 : memref<8x128xi32, #tpu.memory_space<vmem>>)
          tpu.yield
        }) : () -> ()
        %add3A_43 = arith.constant 0 : i32
        %add3A_44 = arith.addi %mul3A_39, %add3A_43 : i32
        %add3A_45 = arith.constant 0 : i32
        %add3A_46 = arith.addi %add3A_44, %add3A_45 : i32
        %dma_wait3A_47 = arith.constant 0 : i32
        %dma_wait3A_48 = tpu.memref_slice %arg10[%add3A_46, %dma_wait3A_47] : memref<80x128xi32, #tpu.memory_space<vmem>> -> memref<1x128xi32, #tpu.memory_space<vmem>>
        %dma_wait3A_49 = tpu.memref_squeeze %dma_wait3A_48 : memref<1x128xi32, #tpu.memory_space<vmem>> -> memref<128xi32, #tpu.memory_space<vmem>>
        %dma_wait3A_50 = arith.constant 0 : i32
        %dma_wait3A_51 = arith.constant 0 : i32
        %dma_wait3A_52 = tpu.memref_slice %arg2[%dma_wait3A_50, %dma_wait3A_51] : memref<10000x128xf32, #tpu.memory_space<hbm>> -> memref<10000x128xf32, #tpu.memory_space<hbm>>
        tpu.wait_indirect_dma semaphore(%arg14 : memref<!tpu.dma_semaphore, #tpu.memory_space<semaphore_mem>>) src(%dma_wait3A_52 : memref<10000x128xf32, #tpu.memory_space<hbm>>) dst(%arg12 : memref<128x128xf32, #tpu.memory_space<vmem>>)
        %dma_start3A_53 = arith.constant 0 : i32
        %dma_start3A_54 = arith.constant 0 : i32
        %dma_start3A_55 = tpu.memref_slice %arg11[%dma_start3A_53, %dma_start3A_54] : memref<8x128xi32, #tpu.memory_space<vmem>> -> memref<1x128xi32, #tpu.memory_space<vmem>>
        %dma_start3A_56 = tpu.memref_squeeze %dma_start3A_55 : memref<1x128xi32, #tpu.memory_space<vmem>> -> memref<128xi32, #tpu.memory_space<vmem>>
        %dma_start3A_57 = arith.constant 0 : i32
        %dma_start3A_58 = arith.constant 0 : i32
        %dma_start3A_59 = tpu.memref_slice %arg9[%dma_start3A_57, %dma_start3A_58] : memref<10112x128xf32, #tpu.memory_space<vmem_shared>> -> memref<10112x128xf32, #tpu.memory_space<vmem_shared>>
        tpu.enqueue_indirect_dma source(%arg12 : memref<128x128xf32, #tpu.memory_space<vmem>>) target(%dma_start3A_59 : memref<10112x128xf32, #tpu.memory_space<vmem_shared>>) offsets(%dma_start3A_56 : memref<128xi32, #tpu.memory_space<vmem>>) semaphore(%arg16 : memref<!tpu.dma_semaphore, #tpu.memory_space<semaphore_mem>>) {add = true}
        %add3A_60 = arith.constant 0 : i32
        %add3A_61 = arith.addi %mul3A_39, %add3A_60 : i32
        %add3A_62 = arith.constant 1 : i32
        %add3A_63 = arith.addi %add3A_61, %add3A_62 : i32
        %dma_wait3A_64 = arith.constant 0 : i32
        %dma_wait3A_65 = tpu.memref_slice %arg10[%add3A_63, %dma_wait3A_64] : memref<80x128xi32, #tpu.memory_space<vmem>> -> memref<1x128xi32, #tpu.memory_space<vmem>>
        %dma_wait3A_66 = tpu.memref_squeeze %dma_wait3A_65 : memref<1x128xi32, #tpu.memory_space<vmem>> -> memref<128xi32, #tpu.memory_space<vmem>>
        %dma_wait3A_67 = arith.constant 0 : i32
        %dma_wait3A_68 = arith.constant 0 : i32
        %dma_wait3A_69 = tpu.memref_slice %arg2[%dma_wait3A_67, %dma_wait3A_68] : memref<10000x128xf32, #tpu.memory_space<hbm>> -> memref<10000x128xf32, #tpu.memory_space<hbm>>
        tpu.wait_indirect_dma semaphore(%arg15 : memref<!tpu.dma_semaphore, #tpu.memory_space<semaphore_mem>>) src(%dma_wait3A_69 : memref<10000x128xf32, #tpu.memory_space<hbm>>) dst(%arg13 : memref<128x128xf32, #tpu.memory_space<vmem>>)
        %dma_start3A_70 = arith.constant 1 : i32
        %dma_start3A_71 = arith.constant 0 : i32
        %dma_start3A_72 = tpu.memref_slice %arg11[%dma_start3A_70, %dma_start3A_71] : memref<8x128xi32, #tpu.memory_space<vmem>> -> memref<1x128xi32, #tpu.memory_space<vmem>>
        %dma_start3A_73 = tpu.memref_squeeze %dma_start3A_72 : memref<1x128xi32, #tpu.memory_space<vmem>> -> memref<128xi32, #tpu.memory_space<vmem>>
        %dma_start3A_74 = arith.constant 0 : i32
        %dma_start3A_75 = arith.constant 0 : i32
        %dma_start3A_76 = tpu.memref_slice %arg9[%dma_start3A_74, %dma_start3A_75] : memref<10112x128xf32, #tpu.memory_space<vmem_shared>> -> memref<10112x128xf32, #tpu.memory_space<vmem_shared>>
        tpu.enqueue_indirect_dma source(%arg13 : memref<128x128xf32, #tpu.memory_space<vmem>>) target(%dma_start3A_76 : memref<10112x128xf32, #tpu.memory_space<vmem_shared>>) offsets(%dma_start3A_73 : memref<128xi32, #tpu.memory_space<vmem>>) semaphore(%arg17 : memref<!tpu.dma_semaphore, #tpu.memory_space<semaphore_mem>>) {add = true}
        %dma_wait3A_77 = arith.constant 0 : i32
        %dma_wait3A_78 = arith.constant 0 : i32
        %dma_wait3A_79 = tpu.memref_slice %arg11[%dma_wait3A_77, %dma_wait3A_78] : memref<8x128xi32, #tpu.memory_space<vmem>> -> memref<1x128xi32, #tpu.memory_space<vmem>>
        %dma_wait3A_80 = tpu.memref_squeeze %dma_wait3A_79 : memref<1x128xi32, #tpu.memory_space<vmem>> -> memref<128xi32, #tpu.memory_space<vmem>>
        %dma_wait3A_81 = arith.constant 0 : i32
        %dma_wait3A_82 = arith.constant 0 : i32
        %dma_wait3A_83 = tpu.memref_slice %arg9[%dma_wait3A_81, %dma_wait3A_82] : memref<10112x128xf32, #tpu.memory_space<vmem_shared>> -> memref<10112x128xf32, #tpu.memory_space<vmem_shared>>
        tpu.wait_indirect_dma semaphore(%arg16 : memref<!tpu.dma_semaphore, #tpu.memory_space<semaphore_mem>>) src(%arg12 : memref<128x128xf32, #tpu.memory_space<vmem>>) dst(%dma_wait3A_83 : memref<10112x128xf32, #tpu.memory_space<vmem_shared>>)
        %add3A_84 = arith.constant 0 : i32
        %add3A_85 = arith.addi %mul3A_39, %add3A_84 : i32
        %add3A_86 = arith.constant 2 : i32
        %add3A_87 = arith.addi %add3A_85, %add3A_86 : i32
        %add3A_88 = arith.constant 0 : i32
        %add3A_89 = arith.addi %add3A_87, %add3A_88 : i32
        %lt3A = arith.constant 80 : i32
        %lt3A_90 = arith.cmpi slt, %add3A_89, %lt3A : i32
        %convert_element_type3A_91 = arith.extui %lt3A_90 : i1 to i32
        %cond3A_92 = arith.constant 0 : i32
        %cond3A_93 = arith.cmpi ne, %convert_element_type3A_91, %cond3A_92 : i32
        scf.if %cond3A_93 {
          %add3A_322 = arith.constant 0 : i32
          %add3A_323 = arith.addi %mul3A_39, %add3A_322 : i32
          %add3A_324 = arith.constant 2 : i32
          %add3A_325 = arith.addi %add3A_323, %add3A_324 : i32
          %add3A_326 = arith.constant 0 : i32
          %add3A_327 = arith.addi %add3A_325, %add3A_326 : i32
          %dma_start3A_328 = arith.constant 0 : i32
          %dma_start3A_329 = tpu.memref_slice %arg10[%add3A_327, %dma_start3A_328] : memref<80x128xi32, #tpu.memory_space<vmem>> -> memref<1x128xi32, #tpu.memory_space<vmem>>
          %dma_start3A_330 = tpu.memref_squeeze %dma_start3A_329 : memref<1x128xi32, #tpu.memory_space<vmem>> -> memref<128xi32, #tpu.memory_space<vmem>>
          %dma_start3A_331 = arith.constant 0 : i32
          %dma_start3A_332 = arith.constant 0 : i32
          %dma_start3A_333 = tpu.memref_slice %arg2[%dma_start3A_331, %dma_start3A_332] : memref<10000x128xf32, #tpu.memory_space<hbm>> -> memref<10000x128xf32, #tpu.memory_space<hbm>>
          tpu.enqueue_indirect_dma source(%dma_start3A_333 : memref<10000x128xf32, #tpu.memory_space<hbm>>) target(%arg12 : memref<128x128xf32, #tpu.memory_space<vmem>>) offsets(%dma_start3A_330 : memref<128xi32, #tpu.memory_space<vmem>>) semaphore(%arg14 : memref<!tpu.dma_semaphore, #tpu.memory_space<semaphore_mem>>)
        } else {
        }
        %dma_wait3A_94 = arith.constant 1 : i32
        %dma_wait3A_95 = arith.constant 0 : i32
        %dma_wait3A_96 = tpu.memref_slice %arg11[%dma_wait3A_94, %dma_wait3A_95] : memref<8x128xi32, #tpu.memory_space<vmem>> -> memref<1x128xi32, #tpu.memory_space<vmem>>
        %dma_wait3A_97 = tpu.memref_squeeze %dma_wait3A_96 : memref<1x128xi32, #tpu.memory_space<vmem>> -> memref<128xi32, #tpu.memory_space<vmem>>
        %dma_wait3A_98 = arith.constant 0 : i32
        %dma_wait3A_99 = arith.constant 0 : i32
        %dma_wait3A_100 = tpu.memref_slice %arg9[%dma_wait3A_98, %dma_wait3A_99] : memref<10112x128xf32, #tpu.memory_space<vmem_shared>> -> memref<10112x128xf32, #tpu.memory_space<vmem_shared>>
        tpu.wait_indirect_dma semaphore(%arg17 : memref<!tpu.dma_semaphore, #tpu.memory_space<semaphore_mem>>) src(%arg13 : memref<128x128xf32, #tpu.memory_space<vmem>>) dst(%dma_wait3A_100 : memref<10112x128xf32, #tpu.memory_space<vmem_shared>>)
        %add3A_101 = arith.constant 0 : i32
        %add3A_102 = arith.addi %mul3A_39, %add3A_101 : i32
        %add3A_103 = arith.constant 2 : i32
        %add3A_104 = arith.addi %add3A_102, %add3A_103 : i32
        %add3A_105 = arith.constant 1 : i32
        %add3A_106 = arith.addi %add3A_104, %add3A_105 : i32
        %lt3A_107 = arith.constant 80 : i32
        %lt3A_108 = arith.cmpi slt, %add3A_106, %lt3A_107 : i32
        %convert_element_type3A_109 = arith.extui %lt3A_108 : i1 to i32
        %cond3A_110 = arith.constant 0 : i32
        %cond3A_111 = arith.cmpi ne, %convert_element_type3A_109, %cond3A_110 : i32
        scf.if %cond3A_111 {
          %add3A_322 = arith.constant 0 : i32
          %add3A_323 = arith.addi %mul3A_39, %add3A_322 : i32
          %add3A_324 = arith.constant 2 : i32
          %add3A_325 = arith.addi %add3A_323, %add3A_324 : i32
          %add3A_326 = arith.constant 1 : i32
          %add3A_327 = arith.addi %add3A_325, %add3A_326 : i32
          %dma_start3A_328 = arith.constant 0 : i32
          %dma_start3A_329 = tpu.memref_slice %arg10[%add3A_327, %dma_start3A_328] : memref<80x128xi32, #tpu.memory_space<vmem>> -> memref<1x128xi32, #tpu.memory_space<vmem>>
          %dma_start3A_330 = tpu.memref_squeeze %dma_start3A_329 : memref<1x128xi32, #tpu.memory_space<vmem>> -> memref<128xi32, #tpu.memory_space<vmem>>
          %dma_start3A_331 = arith.constant 0 : i32
          %dma_start3A_332 = arith.constant 0 : i32
          %dma_start3A_333 = tpu.memref_slice %arg2[%dma_start3A_331, %dma_start3A_332] : memref<10000x128xf32, #tpu.memory_space<hbm>> -> memref<10000x128xf32, #tpu.memory_space<hbm>>
          tpu.enqueue_indirect_dma source(%dma_start3A_333 : memref<10000x128xf32, #tpu.memory_space<hbm>>) target(%arg13 : memref<128x128xf32, #tpu.memory_space<vmem>>) offsets(%dma_start3A_330 : memref<128xi32, #tpu.memory_space<vmem>>) semaphore(%arg15 : memref<!tpu.dma_semaphore, #tpu.memory_space<semaphore_mem>>)
        } else {
        }
        %add3A_112 = arith.constant 2 : i32
        %add3A_113 = arith.addi %mul3A_39, %add3A_112 : i32
        %add3A_114 = arith.constant 0 : i32
        %add3A_115 = arith.addi %add3A_113, %add3A_114 : i32
        %dma_wait3A_116 = arith.constant 0 : i32
        %dma_wait3A_117 = tpu.memref_slice %arg10[%add3A_115, %dma_wait3A_116] : memref<80x128xi32, #tpu.memory_space<vmem>> -> memref<1x128xi32, #tpu.memory_space<vmem>>
        %dma_wait3A_118 = tpu.memref_squeeze %dma_wait3A_117 : memref<1x128xi32, #tpu.memory_space<vmem>> -> memref<128xi32, #tpu.memory_space<vmem>>
        %dma_wait3A_119 = arith.constant 0 : i32
        %dma_wait3A_120 = arith.constant 0 : i32
        %dma_wait3A_121 = tpu.memref_slice %arg2[%dma_wait3A_119, %dma_wait3A_120] : memref<10000x128xf32, #tpu.memory_space<hbm>> -> memref<10000x128xf32, #tpu.memory_space<hbm>>
        tpu.wait_indirect_dma semaphore(%arg14 : memref<!tpu.dma_semaphore, #tpu.memory_space<semaphore_mem>>) src(%dma_wait3A_121 : memref<10000x128xf32, #tpu.memory_space<hbm>>) dst(%arg12 : memref<128x128xf32, #tpu.memory_space<vmem>>)
        %dma_start3A_122 = arith.constant 2 : i32
        %dma_start3A_123 = arith.constant 0 : i32
        %dma_start3A_124 = tpu.memref_slice %arg11[%dma_start3A_122, %dma_start3A_123] : memref<8x128xi32, #tpu.memory_space<vmem>> -> memref<1x128xi32, #tpu.memory_space<vmem>>
        %dma_start3A_125 = tpu.memref_squeeze %dma_start3A_124 : memref<1x128xi32, #tpu.memory_space<vmem>> -> memref<128xi32, #tpu.memory_space<vmem>>
        %dma_start3A_126 = arith.constant 0 : i32
        %dma_start3A_127 = arith.constant 0 : i32
        %dma_start3A_128 = tpu.memref_slice %arg9[%dma_start3A_126, %dma_start3A_127] : memref<10112x128xf32, #tpu.memory_space<vmem_shared>> -> memref<10112x128xf32, #tpu.memory_space<vmem_shared>>
        tpu.enqueue_indirect_dma source(%arg12 : memref<128x128xf32, #tpu.memory_space<vmem>>) target(%dma_start3A_128 : memref<10112x128xf32, #tpu.memory_space<vmem_shared>>) offsets(%dma_start3A_125 : memref<128xi32, #tpu.memory_space<vmem>>) semaphore(%arg16 : memref<!tpu.dma_semaphore, #tpu.memory_space<semaphore_mem>>) {add = true}
        %add3A_129 = arith.constant 2 : i32
        %add3A_130 = arith.addi %mul3A_39, %add3A_129 : i32
        %add3A_131 = arith.constant 1 : i32
        %add3A_132 = arith.addi %add3A_130, %add3A_131 : i32
        %dma_wait3A_133 = arith.constant 0 : i32
        %dma_wait3A_134 = tpu.memref_slice %arg10[%add3A_132, %dma_wait3A_133] : memref<80x128xi32, #tpu.memory_space<vmem>> -> memref<1x128xi32, #tpu.memory_space<vmem>>
        %dma_wait3A_135 = tpu.memref_squeeze %dma_wait3A_134 : memref<1x128xi32, #tpu.memory_space<vmem>> -> memref<128xi32, #tpu.memory_space<vmem>>
        %dma_wait3A_136 = arith.constant 0 : i32
        %dma_wait3A_137 = arith.constant 0 : i32
        %dma_wait3A_138 = tpu.memref_slice %arg2[%dma_wait3A_136, %dma_wait3A_137] : memref<10000x128xf32, #tpu.memory_space<hbm>> -> memref<10000x128xf32, #tpu.memory_space<hbm>>
        tpu.wait_indirect_dma semaphore(%arg15 : memref<!tpu.dma_semaphore, #tpu.memory_space<semaphore_mem>>) src(%dma_wait3A_138 : memref<10000x128xf32, #tpu.memory_space<hbm>>) dst(%arg13 : memref<128x128xf32, #tpu.memory_space<vmem>>)
        %dma_start3A_139 = arith.constant 3 : i32
        %dma_start3A_140 = arith.constant 0 : i32
        %dma_start3A_141 = tpu.memref_slice %arg11[%dma_start3A_139, %dma_start3A_140] : memref<8x128xi32, #tpu.memory_space<vmem>> -> memref<1x128xi32, #tpu.memory_space<vmem>>
        %dma_start3A_142 = tpu.memref_squeeze %dma_start3A_141 : memref<1x128xi32, #tpu.memory_space<vmem>> -> memref<128xi32, #tpu.memory_space<vmem>>
        %dma_start3A_143 = arith.constant 0 : i32
        %dma_start3A_144 = arith.constant 0 : i32
        %dma_start3A_145 = tpu.memref_slice %arg9[%dma_start3A_143, %dma_start3A_144] : memref<10112x128xf32, #tpu.memory_space<vmem_shared>> -> memref<10112x128xf32, #tpu.memory_space<vmem_shared>>
        tpu.enqueue_indirect_dma source(%arg13 : memref<128x128xf32, #tpu.memory_space<vmem>>) target(%dma_start3A_145 : memref<10112x128xf32, #tpu.memory_space<vmem_shared>>) offsets(%dma_start3A_142 : memref<128xi32, #tpu.memory_space<vmem>>) semaphore(%arg17 : memref<!tpu.dma_semaphore, #tpu.memory_space<semaphore_mem>>) {add = true}
        %dma_wait3A_146 = arith.constant 2 : i32
        %dma_wait3A_147 = arith.constant 0 : i32
        %dma_wait3A_148 = tpu.memref_slice %arg11[%dma_wait3A_146, %dma_wait3A_147] : memref<8x128xi32, #tpu.memory_space<vmem>> -> memref<1x128xi32, #tpu.memory_space<vmem>>
        %dma_wait3A_149 = tpu.memref_squeeze %dma_wait3A_148 : memref<1x128xi32, #tpu.memory_space<vmem>> -> memref<128xi32, #tpu.memory_space<vmem>>
        %dma_wait3A_150 = arith.constant 0 : i32
        %dma_wait3A_151 = arith.constant 0 : i32
        %dma_wait3A_152 = tpu.memref_slice %arg9[%dma_wait3A_150, %dma_wait3A_151] : memref<10112x128xf32, #tpu.memory_space<vmem_shared>> -> memref<10112x128xf32, #tpu.memory_space<vmem_shared>>
        tpu.wait_indirect_dma semaphore(%arg16 : memref<!tpu.dma_semaphore, #tpu.memory_space<semaphore_mem>>) src(%arg12 : memref<128x128xf32, #tpu.memory_space<vmem>>) dst(%dma_wait3A_152 : memref<10112x128xf32, #tpu.memory_space<vmem_shared>>)
        %add3A_153 = arith.constant 2 : i32
        %add3A_154 = arith.addi %mul3A_39, %add3A_153 : i32
        %add3A_155 = arith.constant 2 : i32
        %add3A_156 = arith.addi %add3A_154, %add3A_155 : i32
        %add3A_157 = arith.constant 0 : i32
        %add3A_158 = arith.addi %add3A_156, %add3A_157 : i32
        %lt3A_159 = arith.constant 80 : i32
        %lt3A_160 = arith.cmpi slt, %add3A_158, %lt3A_159 : i32
        %convert_element_type3A_161 = arith.extui %lt3A_160 : i1 to i32
        %cond3A_162 = arith.constant 0 : i32
        %cond3A_163 = arith.cmpi ne, %convert_element_type3A_161, %cond3A_162 : i32
        scf.if %cond3A_163 {
          %add3A_322 = arith.constant 2 : i32
          %add3A_323 = arith.addi %mul3A_39, %add3A_322 : i32
          %add3A_324 = arith.constant 2 : i32
          %add3A_325 = arith.addi %add3A_323, %add3A_324 : i32
          %add3A_326 = arith.constant 0 : i32
          %add3A_327 = arith.addi %add3A_325, %add3A_326 : i32
          %dma_start3A_328 = arith.constant 0 : i32
          %dma_start3A_329 = tpu.memref_slice %arg10[%add3A_327, %dma_start3A_328] : memref<80x128xi32, #tpu.memory_space<vmem>> -> memref<1x128xi32, #tpu.memory_space<vmem>>
          %dma_start3A_330 = tpu.memref_squeeze %dma_start3A_329 : memref<1x128xi32, #tpu.memory_space<vmem>> -> memref<128xi32, #tpu.memory_space<vmem>>
          %dma_start3A_331 = arith.constant 0 : i32
          %dma_start3A_332 = arith.constant 0 : i32
          %dma_start3A_333 = tpu.memref_slice %arg2[%dma_start3A_331, %dma_start3A_332] : memref<10000x128xf32, #tpu.memory_space<hbm>> -> memref<10000x128xf32, #tpu.memory_space<hbm>>
          tpu.enqueue_indirect_dma source(%dma_start3A_333 : memref<10000x128xf32, #tpu.memory_space<hbm>>) target(%arg12 : memref<128x128xf32, #tpu.memory_space<vmem>>) offsets(%dma_start3A_330 : memref<128xi32, #tpu.memory_space<vmem>>) semaphore(%arg14 : memref<!tpu.dma_semaphore, #tpu.memory_space<semaphore_mem>>)
        } else {
        }
        %dma_wait3A_164 = arith.constant 3 : i32
        %dma_wait3A_165 = arith.constant 0 : i32
        %dma_wait3A_166 = tpu.memref_slice %arg11[%dma_wait3A_164, %dma_wait3A_165] : memref<8x128xi32, #tpu.memory_space<vmem>> -> memref<1x128xi32, #tpu.memory_space<vmem>>
        %dma_wait3A_167 = tpu.memref_squeeze %dma_wait3A_166 : memref<1x128xi32, #tpu.memory_space<vmem>> -> memref<128xi32, #tpu.memory_space<vmem>>
        %dma_wait3A_168 = arith.constant 0 : i32
        %dma_wait3A_169 = arith.constant 0 : i32
        %dma_wait3A_170 = tpu.memref_slice %arg9[%dma_wait3A_168, %dma_wait3A_169] : memref<10112x128xf32, #tpu.memory_space<vmem_shared>> -> memref<10112x128xf32, #tpu.memory_space<vmem_shared>>
        tpu.wait_indirect_dma semaphore(%arg17 : memref<!tpu.dma_semaphore, #tpu.memory_space<semaphore_mem>>) src(%arg13 : memref<128x128xf32, #tpu.memory_space<vmem>>) dst(%dma_wait3A_170 : memref<10112x128xf32, #tpu.memory_space<vmem_shared>>)
        %add3A_171 = arith.constant 2 : i32
        %add3A_172 = arith.addi %mul3A_39, %add3A_171 : i32
        %add3A_173 = arith.constant 2 : i32
        %add3A_174 = arith.addi %add3A_172, %add3A_173 : i32
        %add3A_175 = arith.constant 1 : i32
        %add3A_176 = arith.addi %add3A_174, %add3A_175 : i32
        %lt3A_177 = arith.constant 80 : i32
        %lt3A_178 = arith.cmpi slt, %add3A_176, %lt3A_177 : i32
        %convert_element_type3A_179 = arith.extui %lt3A_178 : i1 to i32
        %cond3A_180 = arith.constant 0 : i32
        %cond3A_181 = arith.cmpi ne, %convert_element_type3A_179, %cond3A_180 : i32
        scf.if %cond3A_181 {
          %add3A_322 = arith.constant 2 : i32
          %add3A_323 = arith.addi %mul3A_39, %add3A_322 : i32
          %add3A_324 = arith.constant 2 : i32
          %add3A_325 = arith.addi %add3A_323, %add3A_324 : i32
          %add3A_326 = arith.constant 1 : i32
          %add3A_327 = arith.addi %add3A_325, %add3A_326 : i32
          %dma_start3A_328 = arith.constant 0 : i32
          %dma_start3A_329 = tpu.memref_slice %arg10[%add3A_327, %dma_start3A_328] : memref<80x128xi32, #tpu.memory_space<vmem>> -> memref<1x128xi32, #tpu.memory_space<vmem>>
          %dma_start3A_330 = tpu.memref_squeeze %dma_start3A_329 : memref<1x128xi32, #tpu.memory_space<vmem>> -> memref<128xi32, #tpu.memory_space<vmem>>
          %dma_start3A_331 = arith.constant 0 : i32
          %dma_start3A_332 = arith.constant 0 : i32
          %dma_start3A_333 = tpu.memref_slice %arg2[%dma_start3A_331, %dma_start3A_332] : memref<10000x128xf32, #tpu.memory_space<hbm>> -> memref<10000x128xf32, #tpu.memory_space<hbm>>
          tpu.enqueue_indirect_dma source(%dma_start3A_333 : memref<10000x128xf32, #tpu.memory_space<hbm>>) target(%arg13 : memref<128x128xf32, #tpu.memory_space<vmem>>) offsets(%dma_start3A_330 : memref<128xi32, #tpu.memory_space<vmem>>) semaphore(%arg15 : memref<!tpu.dma_semaphore, #tpu.memory_space<semaphore_mem>>)
        } else {
        }
        %add3A_182 = arith.constant 4 : i32
        %add3A_183 = arith.addi %mul3A_39, %add3A_182 : i32
        %add3A_184 = arith.constant 0 : i32
        %add3A_185 = arith.addi %add3A_183, %add3A_184 : i32
        %dma_wait3A_186 = arith.constant 0 : i32
        %dma_wait3A_187 = tpu.memref_slice %arg10[%add3A_185, %dma_wait3A_186] : memref<80x128xi32, #tpu.memory_space<vmem>> -> memref<1x128xi32, #tpu.memory_space<vmem>>
        %dma_wait3A_188 = tpu.memref_squeeze %dma_wait3A_187 : memref<1x128xi32, #tpu.memory_space<vmem>> -> memref<128xi32, #tpu.memory_space<vmem>>
        %dma_wait3A_189 = arith.constant 0 : i32
        %dma_wait3A_190 = arith.constant 0 : i32
        %dma_wait3A_191 = tpu.memref_slice %arg2[%dma_wait3A_189, %dma_wait3A_190] : memref<10000x128xf32, #tpu.memory_space<hbm>> -> memref<10000x128xf32, #tpu.memory_space<hbm>>
        tpu.wait_indirect_dma semaphore(%arg14 : memref<!tpu.dma_semaphore, #tpu.memory_space<semaphore_mem>>) src(%dma_wait3A_191 : memref<10000x128xf32, #tpu.memory_space<hbm>>) dst(%arg12 : memref<128x128xf32, #tpu.memory_space<vmem>>)
        %dma_start3A_192 = arith.constant 4 : i32
        %dma_start3A_193 = arith.constant 0 : i32
        %dma_start3A_194 = tpu.memref_slice %arg11[%dma_start3A_192, %dma_start3A_193] : memref<8x128xi32, #tpu.memory_space<vmem>> -> memref<1x128xi32, #tpu.memory_space<vmem>>
        %dma_start3A_195 = tpu.memref_squeeze %dma_start3A_194 : memref<1x128xi32, #tpu.memory_space<vmem>> -> memref<128xi32, #tpu.memory_space<vmem>>
        %dma_start3A_196 = arith.constant 0 : i32
        %dma_start3A_197 = arith.constant 0 : i32
        %dma_start3A_198 = tpu.memref_slice %arg9[%dma_start3A_196, %dma_start3A_197] : memref<10112x128xf32, #tpu.memory_space<vmem_shared>> -> memref<10112x128xf32, #tpu.memory_space<vmem_shared>>
        tpu.enqueue_indirect_dma source(%arg12 : memref<128x128xf32, #tpu.memory_space<vmem>>) target(%dma_start3A_198 : memref<10112x128xf32, #tpu.memory_space<vmem_shared>>) offsets(%dma_start3A_195 : memref<128xi32, #tpu.memory_space<vmem>>) semaphore(%arg16 : memref<!tpu.dma_semaphore, #tpu.memory_space<semaphore_mem>>) {add = true}
        %add3A_199 = arith.constant 4 : i32
        %add3A_200 = arith.addi %mul3A_39, %add3A_199 : i32
        %add3A_201 = arith.constant 1 : i32
        %add3A_202 = arith.addi %add3A_200, %add3A_201 : i32
        %dma_wait3A_203 = arith.constant 0 : i32
        %dma_wait3A_204 = tpu.memref_slice %arg10[%add3A_202, %dma_wait3A_203] : memref<80x128xi32, #tpu.memory_space<vmem>> -> memref<1x128xi32, #tpu.memory_space<vmem>>
        %dma_wait3A_205 = tpu.memref_squeeze %dma_wait3A_204 : memref<1x128xi32, #tpu.memory_space<vmem>> -> memref<128xi32, #tpu.memory_space<vmem>>
        %dma_wait3A_206 = arith.constant 0 : i32
        %dma_wait3A_207 = arith.constant 0 : i32
        %dma_wait3A_208 = tpu.memref_slice %arg2[%dma_wait3A_206, %dma_wait3A_207] : memref<10000x128xf32, #tpu.memory_space<hbm>> -> memref<10000x128xf32, #tpu.memory_space<hbm>>
        tpu.wait_indirect_dma semaphore(%arg15 : memref<!tpu.dma_semaphore, #tpu.memory_space<semaphore_mem>>) src(%dma_wait3A_208 : memref<10000x128xf32, #tpu.memory_space<hbm>>) dst(%arg13 : memref<128x128xf32, #tpu.memory_space<vmem>>)
        %dma_start3A_209 = arith.constant 5 : i32
        %dma_start3A_210 = arith.constant 0 : i32
        %dma_start3A_211 = tpu.memref_slice %arg11[%dma_start3A_209, %dma_start3A_210] : memref<8x128xi32, #tpu.memory_space<vmem>> -> memref<1x128xi32, #tpu.memory_space<vmem>>
        %dma_start3A_212 = tpu.memref_squeeze %dma_start3A_211 : memref<1x128xi32, #tpu.memory_space<vmem>> -> memref<128xi32, #tpu.memory_space<vmem>>
        %dma_start3A_213 = arith.constant 0 : i32
        %dma_start3A_214 = arith.constant 0 : i32
        %dma_start3A_215 = tpu.memref_slice %arg9[%dma_start3A_213, %dma_start3A_214] : memref<10112x128xf32, #tpu.memory_space<vmem_shared>> -> memref<10112x128xf32, #tpu.memory_space<vmem_shared>>
        tpu.enqueue_indirect_dma source(%arg13 : memref<128x128xf32, #tpu.memory_space<vmem>>) target(%dma_start3A_215 : memref<10112x128xf32, #tpu.memory_space<vmem_shared>>) offsets(%dma_start3A_212 : memref<128xi32, #tpu.memory_space<vmem>>) semaphore(%arg17 : memref<!tpu.dma_semaphore, #tpu.memory_space<semaphore_mem>>) {add = true}
        %dma_wait3A_216 = arith.constant 4 : i32
        %dma_wait3A_217 = arith.constant 0 : i32
        %dma_wait3A_218 = tpu.memref_slice %arg11[%dma_wait3A_216, %dma_wait3A_217] : memref<8x128xi32, #tpu.memory_space<vmem>> -> memref<1x128xi32, #tpu.memory_space<vmem>>
        %dma_wait3A_219 = tpu.memref_squeeze %dma_wait3A_218 : memref<1x128xi32, #tpu.memory_space<vmem>> -> memref<128xi32, #tpu.memory_space<vmem>>
        %dma_wait3A_220 = arith.constant 0 : i32
        %dma_wait3A_221 = arith.constant 0 : i32
        %dma_wait3A_222 = tpu.memref_slice %arg9[%dma_wait3A_220, %dma_wait3A_221] : memref<10112x128xf32, #tpu.memory_space<vmem_shared>> -> memref<10112x128xf32, #tpu.memory_space<vmem_shared>>
        tpu.wait_indirect_dma semaphore(%arg16 : memref<!tpu.dma_semaphore, #tpu.memory_space<semaphore_mem>>) src(%arg12 : memref<128x128xf32, #tpu.memory_space<vmem>>) dst(%dma_wait3A_222 : memref<10112x128xf32, #tpu.memory_space<vmem_shared>>)
        %add3A_223 = arith.constant 4 : i32
        %add3A_224 = arith.addi %mul3A_39, %add3A_223 : i32
        %add3A_225 = arith.constant 2 : i32
        %add3A_226 = arith.addi %add3A_224, %add3A_225 : i32
        %add3A_227 = arith.constant 0 : i32
        %add3A_228 = arith.addi %add3A_226, %add3A_227 : i32
        %lt3A_229 = arith.constant 80 : i32
        %lt3A_230 = arith.cmpi slt, %add3A_228, %lt3A_229 : i32
        %convert_element_type3A_231 = arith.extui %lt3A_230 : i1 to i32
        %cond3A_232 = arith.constant 0 : i32
        %cond3A_233 = arith.cmpi ne, %convert_element_type3A_231, %cond3A_232 : i32
        scf.if %cond3A_233 {
          %add3A_322 = arith.constant 4 : i32
          %add3A_323 = arith.addi %mul3A_39, %add3A_322 : i32
          %add3A_324 = arith.constant 2 : i32
          %add3A_325 = arith.addi %add3A_323, %add3A_324 : i32
          %add3A_326 = arith.constant 0 : i32
          %add3A_327 = arith.addi %add3A_325, %add3A_326 : i32
          %dma_start3A_328 = arith.constant 0 : i32
          %dma_start3A_329 = tpu.memref_slice %arg10[%add3A_327, %dma_start3A_328] : memref<80x128xi32, #tpu.memory_space<vmem>> -> memref<1x128xi32, #tpu.memory_space<vmem>>
          %dma_start3A_330 = tpu.memref_squeeze %dma_start3A_329 : memref<1x128xi32, #tpu.memory_space<vmem>> -> memref<128xi32, #tpu.memory_space<vmem>>
          %dma_start3A_331 = arith.constant 0 : i32
          %dma_start3A_332 = arith.constant 0 : i32
          %dma_start3A_333 = tpu.memref_slice %arg2[%dma_start3A_331, %dma_start3A_332] : memref<10000x128xf32, #tpu.memory_space<hbm>> -> memref<10000x128xf32, #tpu.memory_space<hbm>>
          tpu.enqueue_indirect_dma source(%dma_start3A_333 : memref<10000x128xf32, #tpu.memory_space<hbm>>) target(%arg12 : memref<128x128xf32, #tpu.memory_space<vmem>>) offsets(%dma_start3A_330 : memref<128xi32, #tpu.memory_space<vmem>>) semaphore(%arg14 : memref<!tpu.dma_semaphore, #tpu.memory_space<semaphore_mem>>)
        } else {
        }
        %dma_wait3A_234 = arith.constant 5 : i32
        %dma_wait3A_235 = arith.constant 0 : i32
        %dma_wait3A_236 = tpu.memref_slice %arg11[%dma_wait3A_234, %dma_wait3A_235] : memref<8x128xi32, #tpu.memory_space<vmem>> -> memref<1x128xi32, #tpu.memory_space<vmem>>
        %dma_wait3A_237 = tpu.memref_squeeze %dma_wait3A_236 : memref<1x128xi32, #tpu.memory_space<vmem>> -> memref<128xi32, #tpu.memory_space<vmem>>
        %dma_wait3A_238 = arith.constant 0 : i32
        %dma_wait3A_239 = arith.constant 0 : i32
        %dma_wait3A_240 = tpu.memref_slice %arg9[%dma_wait3A_238, %dma_wait3A_239] : memref<10112x128xf32, #tpu.memory_space<vmem_shared>> -> memref<10112x128xf32, #tpu.memory_space<vmem_shared>>
        tpu.wait_indirect_dma semaphore(%arg17 : memref<!tpu.dma_semaphore, #tpu.memory_space<semaphore_mem>>) src(%arg13 : memref<128x128xf32, #tpu.memory_space<vmem>>) dst(%dma_wait3A_240 : memref<10112x128xf32, #tpu.memory_space<vmem_shared>>)
        %add3A_241 = arith.constant 4 : i32
        %add3A_242 = arith.addi %mul3A_39, %add3A_241 : i32
        %add3A_243 = arith.constant 2 : i32
        %add3A_244 = arith.addi %add3A_242, %add3A_243 : i32
        %add3A_245 = arith.constant 1 : i32
        %add3A_246 = arith.addi %add3A_244, %add3A_245 : i32
        %lt3A_247 = arith.constant 80 : i32
        %lt3A_248 = arith.cmpi slt, %add3A_246, %lt3A_247 : i32
        %convert_element_type3A_249 = arith.extui %lt3A_248 : i1 to i32
        %cond3A_250 = arith.constant 0 : i32
        %cond3A_251 = arith.cmpi ne, %convert_element_type3A_249, %cond3A_250 : i32
        scf.if %cond3A_251 {
          %add3A_322 = arith.constant 4 : i32
          %add3A_323 = arith.addi %mul3A_39, %add3A_322 : i32
          %add3A_324 = arith.constant 2 : i32
          %add3A_325 = arith.addi %add3A_323, %add3A_324 : i32
          %add3A_326 = arith.constant 1 : i32
          %add3A_327 = arith.addi %add3A_325, %add3A_326 : i32
          %dma_start3A_328 = arith.constant 0 : i32
          %dma_start3A_329 = tpu.memref_slice %arg10[%add3A_327, %dma_start3A_328] : memref<80x128xi32, #tpu.memory_space<vmem>> -> memref<1x128xi32, #tpu.memory_space<vmem>>
          %dma_start3A_330 = tpu.memref_squeeze %dma_start3A_329 : memref<1x128xi32, #tpu.memory_space<vmem>> -> memref<128xi32, #tpu.memory_space<vmem>>
          %dma_start3A_331 = arith.constant 0 : i32
          %dma_start3A_332 = arith.constant 0 : i32
          %dma_start3A_333 = tpu.memref_slice %arg2[%dma_start3A_331, %dma_start3A_332] : memref<10000x128xf32, #tpu.memory_space<hbm>> -> memref<10000x128xf32, #tpu.memory_space<hbm>>
          tpu.enqueue_indirect_dma source(%dma_start3A_333 : memref<10000x128xf32, #tpu.memory_space<hbm>>) target(%arg13 : memref<128x128xf32, #tpu.memory_space<vmem>>) offsets(%dma_start3A_330 : memref<128xi32, #tpu.memory_space<vmem>>) semaphore(%arg15 : memref<!tpu.dma_semaphore, #tpu.memory_space<semaphore_mem>>)
        } else {
        }
        %add3A_252 = arith.constant 6 : i32
        %add3A_253 = arith.addi %mul3A_39, %add3A_252 : i32
        %add3A_254 = arith.constant 0 : i32
        %add3A_255 = arith.addi %add3A_253, %add3A_254 : i32
        %dma_wait3A_256 = arith.constant 0 : i32
        %dma_wait3A_257 = tpu.memref_slice %arg10[%add3A_255, %dma_wait3A_256] : memref<80x128xi32, #tpu.memory_space<vmem>> -> memref<1x128xi32, #tpu.memory_space<vmem>>
        %dma_wait3A_258 = tpu.memref_squeeze %dma_wait3A_257 : memref<1x128xi32, #tpu.memory_space<vmem>> -> memref<128xi32, #tpu.memory_space<vmem>>
        %dma_wait3A_259 = arith.constant 0 : i32
        %dma_wait3A_260 = arith.constant 0 : i32
        %dma_wait3A_261 = tpu.memref_slice %arg2[%dma_wait3A_259, %dma_wait3A_260] : memref<10000x128xf32, #tpu.memory_space<hbm>> -> memref<10000x128xf32, #tpu.memory_space<hbm>>
        tpu.wait_indirect_dma semaphore(%arg14 : memref<!tpu.dma_semaphore, #tpu.memory_space<semaphore_mem>>) src(%dma_wait3A_261 : memref<10000x128xf32, #tpu.memory_space<hbm>>) dst(%arg12 : memref<128x128xf32, #tpu.memory_space<vmem>>)
        %dma_start3A_262 = arith.constant 6 : i32
        %dma_start3A_263 = arith.constant 0 : i32
        %dma_start3A_264 = tpu.memref_slice %arg11[%dma_start3A_262, %dma_start3A_263] : memref<8x128xi32, #tpu.memory_space<vmem>> -> memref<1x128xi32, #tpu.memory_space<vmem>>
        %dma_start3A_265 = tpu.memref_squeeze %dma_start3A_264 : memref<1x128xi32, #tpu.memory_space<vmem>> -> memref<128xi32, #tpu.memory_space<vmem>>
        %dma_start3A_266 = arith.constant 0 : i32
        %dma_start3A_267 = arith.constant 0 : i32
        %dma_start3A_268 = tpu.memref_slice %arg9[%dma_start3A_266, %dma_start3A_267] : memref<10112x128xf32, #tpu.memory_space<vmem_shared>> -> memref<10112x128xf32, #tpu.memory_space<vmem_shared>>
        tpu.enqueue_indirect_dma source(%arg12 : memref<128x128xf32, #tpu.memory_space<vmem>>) target(%dma_start3A_268 : memref<10112x128xf32, #tpu.memory_space<vmem_shared>>) offsets(%dma_start3A_265 : memref<128xi32, #tpu.memory_space<vmem>>) semaphore(%arg16 : memref<!tpu.dma_semaphore, #tpu.memory_space<semaphore_mem>>) {add = true}
        %add3A_269 = arith.constant 6 : i32
        %add3A_270 = arith.addi %mul3A_39, %add3A_269 : i32
        %add3A_271 = arith.constant 1 : i32
        %add3A_272 = arith.addi %add3A_270, %add3A_271 : i32
        %dma_wait3A_273 = arith.constant 0 : i32
        %dma_wait3A_274 = tpu.memref_slice %arg10[%add3A_272, %dma_wait3A_273] : memref<80x128xi32, #tpu.memory_space<vmem>> -> memref<1x128xi32, #tpu.memory_space<vmem>>
        %dma_wait3A_275 = tpu.memref_squeeze %dma_wait3A_274 : memref<1x128xi32, #tpu.memory_space<vmem>> -> memref<128xi32, #tpu.memory_space<vmem>>
        %dma_wait3A_276 = arith.constant 0 : i32
        %dma_wait3A_277 = arith.constant 0 : i32
        %dma_wait3A_278 = tpu.memref_slice %arg2[%dma_wait3A_276, %dma_wait3A_277] : memref<10000x128xf32, #tpu.memory_space<hbm>> -> memref<10000x128xf32, #tpu.memory_space<hbm>>
        tpu.wait_indirect_dma semaphore(%arg15 : memref<!tpu.dma_semaphore, #tpu.memory_space<semaphore_mem>>) src(%dma_wait3A_278 : memref<10000x128xf32, #tpu.memory_space<hbm>>) dst(%arg13 : memref<128x128xf32, #tpu.memory_space<vmem>>)
        %dma_start3A_279 = arith.constant 7 : i32
        %dma_start3A_280 = arith.constant 0 : i32
        %dma_start3A_281 = tpu.memref_slice %arg11[%dma_start3A_279, %dma_start3A_280] : memref<8x128xi32, #tpu.memory_space<vmem>> -> memref<1x128xi32, #tpu.memory_space<vmem>>
        %dma_start3A_282 = tpu.memref_squeeze %dma_start3A_281 : memref<1x128xi32, #tpu.memory_space<vmem>> -> memref<128xi32, #tpu.memory_space<vmem>>
        %dma_start3A_283 = arith.constant 0 : i32
        %dma_start3A_284 = arith.constant 0 : i32
        %dma_start3A_285 = tpu.memref_slice %arg9[%dma_start3A_283, %dma_start3A_284] : memref<10112x128xf32, #tpu.memory_space<vmem_shared>> -> memref<10112x128xf32, #tpu.memory_space<vmem_shared>>
        tpu.enqueue_indirect_dma source(%arg13 : memref<128x128xf32, #tpu.memory_space<vmem>>) target(%dma_start3A_285 : memref<10112x128xf32, #tpu.memory_space<vmem_shared>>) offsets(%dma_start3A_282 : memref<128xi32, #tpu.memory_space<vmem>>) semaphore(%arg17 : memref<!tpu.dma_semaphore, #tpu.memory_space<semaphore_mem>>) {add = true}
        %dma_wait3A_286 = arith.constant 6 : i32
        %dma_wait3A_287 = arith.constant 0 : i32
        %dma_wait3A_288 = tpu.memref_slice %arg11[%dma_wait3A_286, %dma_wait3A_287] : memref<8x128xi32, #tpu.memory_space<vmem>> -> memref<1x128xi32, #tpu.memory_space<vmem>>
        %dma_wait3A_289 = tpu.memref_squeeze %dma_wait3A_288 : memref<1x128xi32, #tpu.memory_space<vmem>> -> memref<128xi32, #tpu.memory_space<vmem>>
        %dma_wait3A_290 = arith.constant 0 : i32
        %dma_wait3A_291 = arith.constant 0 : i32
        %dma_wait3A_292 = tpu.memref_slice %arg9[%dma_wait3A_290, %dma_wait3A_291] : memref<10112x128xf32, #tpu.memory_space<vmem_shared>> -> memref<10112x128xf32, #tpu.memory_space<vmem_shared>>
        tpu.wait_indirect_dma semaphore(%arg16 : memref<!tpu.dma_semaphore, #tpu.memory_space<semaphore_mem>>) src(%arg12 : memref<128x128xf32, #tpu.memory_space<vmem>>) dst(%dma_wait3A_292 : memref<10112x128xf32, #tpu.memory_space<vmem_shared>>)
        %add3A_293 = arith.constant 6 : i32
        %add3A_294 = arith.addi %mul3A_39, %add3A_293 : i32
        %add3A_295 = arith.constant 2 : i32
        %add3A_296 = arith.addi %add3A_294, %add3A_295 : i32
        %add3A_297 = arith.constant 0 : i32
        %add3A_298 = arith.addi %add3A_296, %add3A_297 : i32
        %lt3A_299 = arith.constant 80 : i32
        %lt3A_300 = arith.cmpi slt, %add3A_298, %lt3A_299 : i32
        %convert_element_type3A_301 = arith.extui %lt3A_300 : i1 to i32
        %cond3A_302 = arith.constant 0 : i32
        %cond3A_303 = arith.cmpi ne, %convert_element_type3A_301, %cond3A_302 : i32
        scf.if %cond3A_303 {
          %add3A_322 = arith.constant 6 : i32
          %add3A_323 = arith.addi %mul3A_39, %add3A_322 : i32
          %add3A_324 = arith.constant 2 : i32
          %add3A_325 = arith.addi %add3A_323, %add3A_324 : i32
          %add3A_326 = arith.constant 0 : i32
          %add3A_327 = arith.addi %add3A_325, %add3A_326 : i32
          %dma_start3A_328 = arith.constant 0 : i32
          %dma_start3A_329 = tpu.memref_slice %arg10[%add3A_327, %dma_start3A_328] : memref<80x128xi32, #tpu.memory_space<vmem>> -> memref<1x128xi32, #tpu.memory_space<vmem>>
          %dma_start3A_330 = tpu.memref_squeeze %dma_start3A_329 : memref<1x128xi32, #tpu.memory_space<vmem>> -> memref<128xi32, #tpu.memory_space<vmem>>
          %dma_start3A_331 = arith.constant 0 : i32
          %dma_start3A_332 = arith.constant 0 : i32
          %dma_start3A_333 = tpu.memref_slice %arg2[%dma_start3A_331, %dma_start3A_332] : memref<10000x128xf32, #tpu.memory_space<hbm>> -> memref<10000x128xf32, #tpu.memory_space<hbm>>
          tpu.enqueue_indirect_dma source(%dma_start3A_333 : memref<10000x128xf32, #tpu.memory_space<hbm>>) target(%arg12 : memref<128x128xf32, #tpu.memory_space<vmem>>) offsets(%dma_start3A_330 : memref<128xi32, #tpu.memory_space<vmem>>) semaphore(%arg14 : memref<!tpu.dma_semaphore, #tpu.memory_space<semaphore_mem>>)
        } else {
        }
        %dma_wait3A_304 = arith.constant 7 : i32
        %dma_wait3A_305 = arith.constant 0 : i32
        %dma_wait3A_306 = tpu.memref_slice %arg11[%dma_wait3A_304, %dma_wait3A_305] : memref<8x128xi32, #tpu.memory_space<vmem>> -> memref<1x128xi32, #tpu.memory_space<vmem>>
        %dma_wait3A_307 = tpu.memref_squeeze %dma_wait3A_306 : memref<1x128xi32, #tpu.memory_space<vmem>> -> memref<128xi32, #tpu.memory_space<vmem>>
        %dma_wait3A_308 = arith.constant 0 : i32
        %dma_wait3A_309 = arith.constant 0 : i32
        %dma_wait3A_310 = tpu.memref_slice %arg9[%dma_wait3A_308, %dma_wait3A_309] : memref<10112x128xf32, #tpu.memory_space<vmem_shared>> -> memref<10112x128xf32, #tpu.memory_space<vmem_shared>>
        tpu.wait_indirect_dma semaphore(%arg17 : memref<!tpu.dma_semaphore, #tpu.memory_space<semaphore_mem>>) src(%arg13 : memref<128x128xf32, #tpu.memory_space<vmem>>) dst(%dma_wait3A_310 : memref<10112x128xf32, #tpu.memory_space<vmem_shared>>)
        %add3A_311 = arith.constant 6 : i32
        %add3A_312 = arith.addi %mul3A_39, %add3A_311 : i32
        %add3A_313 = arith.constant 2 : i32
        %add3A_314 = arith.addi %add3A_312, %add3A_313 : i32
        %add3A_315 = arith.constant 1 : i32
        %add3A_316 = arith.addi %add3A_314, %add3A_315 : i32
        %lt3A_317 = arith.constant 80 : i32
        %lt3A_318 = arith.cmpi slt, %add3A_316, %lt3A_317 : i32
        %convert_element_type3A_319 = arith.extui %lt3A_318 : i1 to i32
        %cond3A_320 = arith.constant 0 : i32
        %cond3A_321 = arith.cmpi ne, %convert_element_type3A_319, %cond3A_320 : i32
        scf.if %cond3A_321 {
          %add3A_322 = arith.constant 6 : i32
          %add3A_323 = arith.addi %mul3A_39, %add3A_322 : i32
          %add3A_324 = arith.constant 2 : i32
          %add3A_325 = arith.addi %add3A_323, %add3A_324 : i32
          %add3A_326 = arith.constant 1 : i32
          %add3A_327 = arith.addi %add3A_325, %add3A_326 : i32
          %dma_start3A_328 = arith.constant 0 : i32
          %dma_start3A_329 = tpu.memref_slice %arg10[%add3A_327, %dma_start3A_328] : memref<80x128xi32, #tpu.memory_space<vmem>> -> memref<1x128xi32, #tpu.memory_space<vmem>>
          %dma_start3A_330 = tpu.memref_squeeze %dma_start3A_329 : memref<1x128xi32, #tpu.memory_space<vmem>> -> memref<128xi32, #tpu.memory_space<vmem>>
          %dma_start3A_331 = arith.constant 0 : i32
          %dma_start3A_332 = arith.constant 0 : i32
          %dma_start3A_333 = tpu.memref_slice %arg2[%dma_start3A_331, %dma_start3A_332] : memref<10000x128xf32, #tpu.memory_space<hbm>> -> memref<10000x128xf32, #tpu.memory_space<hbm>>
          tpu.enqueue_indirect_dma source(%dma_start3A_333 : memref<10000x128xf32, #tpu.memory_space<hbm>>) target(%arg13 : memref<128x128xf32, #tpu.memory_space<vmem>>) offsets(%dma_start3A_330 : memref<128xi32, #tpu.memory_space<vmem>>) semaphore(%arg15 : memref<!tpu.dma_semaphore, #tpu.memory_space<semaphore_mem>>)
        } else {
        }
      }
      %scan3A_28 = arith.constant 10 : i32
      %barrier3A_29 = arith.constant 0 : index
      tpu.barrier barrier_id(%barrier3A_29)
      %mul3A_30 = arith.constant 632 : i32
      %mul3A_31 = arith.muli %arg1, %mul3A_30 : i32
      %mul3A_32 = arith.constant 632 : i32
      %mul3A_33 = arith.muli %arg1, %mul3A_32 : i32
      "tpu.region"() ({
        %run_scoped3A = tpu.sem_alloc : memref<!tpu.dma_semaphore, #tpu.memory_space<semaphore_mem>>
        %dma_start3A_34 = arith.constant 0 : i32
        %dma_start3A_35 = tpu.memref_slice %arg7[%mul3A_33, %dma_start3A_34] : memref<10112x128xf32, #tpu.memory_space<hbm>> -> memref<632x128xf32, #tpu.memory_space<hbm>>
        %dma_start3A_36 = arith.constant 0 : i32
        %dma_start3A_37 = tpu.memref_slice %arg9[%mul3A_31, %dma_start3A_36] : memref<10112x128xf32, #tpu.memory_space<vmem_shared>> -> memref<632x128xf32, #tpu.memory_space<vmem_shared>>
        tpu.enqueue_dma source(%dma_start3A_37 : memref<632x128xf32, #tpu.memory_space<vmem_shared>>) target(%dma_start3A_35 : memref<632x128xf32, #tpu.memory_space<hbm>>) target_semaphore(%run_scoped3A : memref<!tpu.dma_semaphore, #tpu.memory_space<semaphore_mem>>)
        %dma_wait3A_38 = arith.constant 0 : i32
        %dma_wait3A_39 = tpu.memref_slice %arg7[%mul3A_33, %dma_wait3A_38] : memref<10112x128xf32, #tpu.memory_space<hbm>> -> memref<632x128xf32, #tpu.memory_space<hbm>>
        %dma_wait3A_40 = arith.constant 0 : i32
        %dma_wait3A_41 = tpu.memref_slice %arg9[%mul3A_31, %dma_wait3A_40] : memref<10112x128xf32, #tpu.memory_space<vmem_shared>> -> memref<632x128xf32, #tpu.memory_space<vmem_shared>>
        tpu.wait_dma2 semaphore(%run_scoped3A : memref<!tpu.dma_semaphore, #tpu.memory_space<semaphore_mem>>) src(%dma_wait3A_41 : memref<632x128xf32, #tpu.memory_space<vmem_shared>>) dst(%dma_wait3A_39 : memref<632x128xf32, #tpu.memory_space<hbm>>)
        tpu.yield
      }) : () -> ()
    } else {
    }
    %ne3A = arith.constant 0 : i32
    %ne3A_6 = arith.cmpi ne, %arg0, %ne3A : i32
    %convert_element_type3A_7 = arith.extui %ne3A_6 : i1 to i32
    %cond3A_8 = arith.constant 0 : i32
    %cond3A_9 = arith.cmpi ne, %convert_element_type3A_7, %cond3A_8 : i32
    scf.if %cond3A_9 {
      %dma_start3A_10 = arith.constant 0 : i32
      %dma_start3A_11 = arith.constant 0 : i32
      %dma_start3A_12 = tpu.memref_slice %arg10[%dma_start3A_10, %dma_start3A_11] : memref<80x128xi32, #tpu.memory_space<vmem>> -> memref<1x128xi32, #tpu.memory_space<vmem>>
      %dma_start3A_13 = tpu.memref_squeeze %dma_start3A_12 : memref<1x128xi32, #tpu.memory_space<vmem>> -> memref<128xi32, #tpu.memory_space<vmem>>
      %dma_start3A_14 = arith.constant 0 : i32
      %dma_start3A_15 = arith.constant 0 : i32
      %dma_start3A_16 = tpu.memref_slice %arg3[%dma_start3A_14, %dma_start3A_15] : memref<10000x128xf32, #tpu.memory_space<hbm>> -> memref<10000x128xf32, #tpu.memory_space<hbm>>
      tpu.enqueue_indirect_dma source(%dma_start3A_16 : memref<10000x128xf32, #tpu.memory_space<hbm>>) target(%arg12 : memref<128x128xf32, #tpu.memory_space<vmem>>) offsets(%dma_start3A_13 : memref<128xi32, #tpu.memory_space<vmem>>) semaphore(%arg14 : memref<!tpu.dma_semaphore, #tpu.memory_space<semaphore_mem>>)
      %dma_start3A_17 = arith.constant 1 : i32
      %dma_start3A_18 = arith.constant 0 : i32
      %dma_start3A_19 = tpu.memref_slice %arg10[%dma_start3A_17, %dma_start3A_18] : memref<80x128xi32, #tpu.memory_space<vmem>> -> memref<1x128xi32, #tpu.memory_space<vmem>>
      %dma_start3A_20 = tpu.memref_squeeze %dma_start3A_19 : memref<1x128xi32, #tpu.memory_space<vmem>> -> memref<128xi32, #tpu.memory_space<vmem>>
      %dma_start3A_21 = arith.constant 0 : i32
      %dma_start3A_22 = arith.constant 0 : i32
      %dma_start3A_23 = tpu.memref_slice %arg3[%dma_start3A_21, %dma_start3A_22] : memref<10000x128xf32, #tpu.memory_space<hbm>> -> memref<10000x128xf32, #tpu.memory_space<hbm>>
      tpu.enqueue_indirect_dma source(%dma_start3A_23 : memref<10000x128xf32, #tpu.memory_space<hbm>>) target(%arg13 : memref<128x128xf32, #tpu.memory_space<vmem>>) offsets(%dma_start3A_20 : memref<128xi32, #tpu.memory_space<vmem>>) semaphore(%arg15 : memref<!tpu.dma_semaphore, #tpu.memory_space<semaphore_mem>>)
      %dma_wait3A = arith.constant 0 : i32
      %dma_wait3A_24 = tpu.memref_slice %arg9[%mul3A_0, %dma_wait3A] : memref<10112x128xf32, #tpu.memory_space<vmem_shared>> -> memref<632x128xf32, #tpu.memory_space<vmem_shared>>
      tpu.wait_dma2 semaphore(%arg18 : memref<!tpu.dma_semaphore, #tpu.memory_space<semaphore_mem>>) src(%arg6 : memref<632x128xf32, #tpu.memory_space<hbm>>) dst(%dma_wait3A_24 : memref<632x128xf32, #tpu.memory_space<vmem_shared>>)
      %barrier3A = arith.constant 0 : index
      tpu.barrier barrier_id(%barrier3A)
      %scan3A = arith.constant 0 : i32
      %scan3A_25 = arith.constant 10 : i32
      %scan3A_26 = arith.addi %scan3A, %scan3A_25 : i32
      %scan3A_27 = arith.constant 1 : i32
      scf.for %scan3A_34 = %scan3A to %scan3A_26 step %scan3A_27  : i32 {
        %mul3A_35 = arith.constant 1 : i32
        %mul3A_36 = arith.muli %scan3A_34, %mul3A_35 : i32
        %add3A = arith.constant 0 : i32
        %add3A_37 = arith.addi %add3A, %mul3A_36 : i32
        %mul3A_38 = arith.constant 8 : i32
        %mul3A_39 = arith.muli %add3A_37, %mul3A_38 : i32
        %mul3A_40 = arith.constant 80 : i32
        %mul3A_41 = arith.muli %arg1, %mul3A_40 : i32
        %add3A_42 = arith.addi %mul3A_41, %mul3A_39 : i32
        "tpu.region"() ({
          %run_scoped3A = tpu.sem_alloc : memref<!tpu.dma_semaphore, #tpu.memory_space<semaphore_mem>>
          %dma_start3A_322 = arith.constant 0 : i32
          %dma_start3A_323 = tpu.memref_slice %arg5[%add3A_42, %dma_start3A_322] : memref<1280x128xi32, #tpu.memory_space<hbm>> -> memref<8x128xi32, #tpu.memory_space<hbm>>
          %dma_start3A_324 = arith.constant 0 : i32
          %dma_start3A_325 = tpu.memref_slice %arg5[%add3A_42, %dma_start3A_324] : memref<1280x128xi32, #tpu.memory_space<hbm>> -> memref<8x128xi32, #tpu.memory_space<hbm>>
          tpu.enqueue_dma source(%dma_start3A_325 : memref<8x128xi32, #tpu.memory_space<hbm>>) target(%arg11 : memref<8x128xi32, #tpu.memory_space<vmem>>) target_semaphore(%run_scoped3A : memref<!tpu.dma_semaphore, #tpu.memory_space<semaphore_mem>>)
          %dma_wait3A_326 = arith.constant 0 : i32
          %dma_wait3A_327 = tpu.memref_slice %arg5[%add3A_42, %dma_wait3A_326] : memref<1280x128xi32, #tpu.memory_space<hbm>> -> memref<8x128xi32, #tpu.memory_space<hbm>>
          %dma_wait3A_328 = arith.constant 0 : i32
          %dma_wait3A_329 = tpu.memref_slice %arg5[%add3A_42, %dma_wait3A_328] : memref<1280x128xi32, #tpu.memory_space<hbm>> -> memref<8x128xi32, #tpu.memory_space<hbm>>
          tpu.wait_dma2 semaphore(%run_scoped3A : memref<!tpu.dma_semaphore, #tpu.memory_space<semaphore_mem>>) src(%dma_wait3A_329 : memref<8x128xi32, #tpu.memory_space<hbm>>) dst(%arg11 : memref<8x128xi32, #tpu.memory_space<vmem>>)
          tpu.yield
        }) : () -> ()
        %add3A_43 = arith.constant 0 : i32
        %add3A_44 = arith.addi %mul3A_39, %add3A_43 : i32
        %add3A_45 = arith.constant 0 : i32
        %add3A_46 = arith.addi %add3A_44, %add3A_45 : i32
        %dma_wait3A_47 = arith.constant 0 : i32
        %dma_wait3A_48 = tpu.memref_slice %arg10[%add3A_46, %dma_wait3A_47] : memref<80x128xi32, #tpu.memory_space<vmem>> -> memref<1x128xi32, #tpu.memory_space<vmem>>
        %dma_wait3A_49 = tpu.memref_squeeze %dma_wait3A_48 : memref<1x128xi32, #tpu.memory_space<vmem>> -> memref<128xi32, #tpu.memory_space<vmem>>
        %dma_wait3A_50 = arith.constant 0 : i32
        %dma_wait3A_51 = arith.constant 0 : i32
        %dma_wait3A_52 = tpu.memref_slice %arg3[%dma_wait3A_50, %dma_wait3A_51] : memref<10000x128xf32, #tpu.memory_space<hbm>> -> memref<10000x128xf32, #tpu.memory_space<hbm>>
        tpu.wait_indirect_dma semaphore(%arg14 : memref<!tpu.dma_semaphore, #tpu.memory_space<semaphore_mem>>) src(%dma_wait3A_52 : memref<10000x128xf32, #tpu.memory_space<hbm>>) dst(%arg12 : memref<128x128xf32, #tpu.memory_space<vmem>>)
        %dma_start3A_53 = arith.constant 0 : i32
        %dma_start3A_54 = arith.constant 0 : i32
        %dma_start3A_55 = tpu.memref_slice %arg11[%dma_start3A_53, %dma_start3A_54] : memref<8x128xi32, #tpu.memory_space<vmem>> -> memref<1x128xi32, #tpu.memory_space<vmem>>
        %dma_start3A_56 = tpu.memref_squeeze %dma_start3A_55 : memref<1x128xi32, #tpu.memory_space<vmem>> -> memref<128xi32, #tpu.memory_space<vmem>>
        %dma_start3A_57 = arith.constant 0 : i32
        %dma_start3A_58 = arith.constant 0 : i32
        %dma_start3A_59 = tpu.memref_slice %arg9[%dma_start3A_57, %dma_start3A_58] : memref<10112x128xf32, #tpu.memory_space<vmem_shared>> -> memref<10112x128xf32, #tpu.memory_space<vmem_shared>>
        tpu.enqueue_indirect_dma source(%arg12 : memref<128x128xf32, #tpu.memory_space<vmem>>) target(%dma_start3A_59 : memref<10112x128xf32, #tpu.memory_space<vmem_shared>>) offsets(%dma_start3A_56 : memref<128xi32, #tpu.memory_space<vmem>>) semaphore(%arg16 : memref<!tpu.dma_semaphore, #tpu.memory_space<semaphore_mem>>) {add = true}
        %add3A_60 = arith.constant 0 : i32
        %add3A_61 = arith.addi %mul3A_39, %add3A_60 : i32
        %add3A_62 = arith.constant 1 : i32
        %add3A_63 = arith.addi %add3A_61, %add3A_62 : i32
        %dma_wait3A_64 = arith.constant 0 : i32
        %dma_wait3A_65 = tpu.memref_slice %arg10[%add3A_63, %dma_wait3A_64] : memref<80x128xi32, #tpu.memory_space<vmem>> -> memref<1x128xi32, #tpu.memory_space<vmem>>
        %dma_wait3A_66 = tpu.memref_squeeze %dma_wait3A_65 : memref<1x128xi32, #tpu.memory_space<vmem>> -> memref<128xi32, #tpu.memory_space<vmem>>
        %dma_wait3A_67 = arith.constant 0 : i32
        %dma_wait3A_68 = arith.constant 0 : i32
        %dma_wait3A_69 = tpu.memref_slice %arg3[%dma_wait3A_67, %dma_wait3A_68] : memref<10000x128xf32, #tpu.memory_space<hbm>> -> memref<10000x128xf32, #tpu.memory_space<hbm>>
        tpu.wait_indirect_dma semaphore(%arg15 : memref<!tpu.dma_semaphore, #tpu.memory_space<semaphore_mem>>) src(%dma_wait3A_69 : memref<10000x128xf32, #tpu.memory_space<hbm>>) dst(%arg13 : memref<128x128xf32, #tpu.memory_space<vmem>>)
        %dma_start3A_70 = arith.constant 1 : i32
        %dma_start3A_71 = arith.constant 0 : i32
        %dma_start3A_72 = tpu.memref_slice %arg11[%dma_start3A_70, %dma_start3A_71] : memref<8x128xi32, #tpu.memory_space<vmem>> -> memref<1x128xi32, #tpu.memory_space<vmem>>
        %dma_start3A_73 = tpu.memref_squeeze %dma_start3A_72 : memref<1x128xi32, #tpu.memory_space<vmem>> -> memref<128xi32, #tpu.memory_space<vmem>>
        %dma_start3A_74 = arith.constant 0 : i32
        %dma_start3A_75 = arith.constant 0 : i32
        %dma_start3A_76 = tpu.memref_slice %arg9[%dma_start3A_74, %dma_start3A_75] : memref<10112x128xf32, #tpu.memory_space<vmem_shared>> -> memref<10112x128xf32, #tpu.memory_space<vmem_shared>>
        tpu.enqueue_indirect_dma source(%arg13 : memref<128x128xf32, #tpu.memory_space<vmem>>) target(%dma_start3A_76 : memref<10112x128xf32, #tpu.memory_space<vmem_shared>>) offsets(%dma_start3A_73 : memref<128xi32, #tpu.memory_space<vmem>>) semaphore(%arg17 : memref<!tpu.dma_semaphore, #tpu.memory_space<semaphore_mem>>) {add = true}
        %dma_wait3A_77 = arith.constant 0 : i32
        %dma_wait3A_78 = arith.constant 0 : i32
        %dma_wait3A_79 = tpu.memref_slice %arg11[%dma_wait3A_77, %dma_wait3A_78] : memref<8x128xi32, #tpu.memory_space<vmem>> -> memref<1x128xi32, #tpu.memory_space<vmem>>
        %dma_wait3A_80 = tpu.memref_squeeze %dma_wait3A_79 : memref<1x128xi32, #tpu.memory_space<vmem>> -> memref<128xi32, #tpu.memory_space<vmem>>
        %dma_wait3A_81 = arith.constant 0 : i32
        %dma_wait3A_82 = arith.constant 0 : i32
        %dma_wait3A_83 = tpu.memref_slice %arg9[%dma_wait3A_81, %dma_wait3A_82] : memref<10112x128xf32, #tpu.memory_space<vmem_shared>> -> memref<10112x128xf32, #tpu.memory_space<vmem_shared>>
        tpu.wait_indirect_dma semaphore(%arg16 : memref<!tpu.dma_semaphore, #tpu.memory_space<semaphore_mem>>) src(%arg12 : memref<128x128xf32, #tpu.memory_space<vmem>>) dst(%dma_wait3A_83 : memref<10112x128xf32, #tpu.memory_space<vmem_shared>>)
        %add3A_84 = arith.constant 0 : i32
        %add3A_85 = arith.addi %mul3A_39, %add3A_84 : i32
        %add3A_86 = arith.constant 2 : i32
        %add3A_87 = arith.addi %add3A_85, %add3A_86 : i32
        %add3A_88 = arith.constant 0 : i32
        %add3A_89 = arith.addi %add3A_87, %add3A_88 : i32
        %lt3A = arith.constant 80 : i32
        %lt3A_90 = arith.cmpi slt, %add3A_89, %lt3A : i32
        %convert_element_type3A_91 = arith.extui %lt3A_90 : i1 to i32
        %cond3A_92 = arith.constant 0 : i32
        %cond3A_93 = arith.cmpi ne, %convert_element_type3A_91, %cond3A_92 : i32
        scf.if %cond3A_93 {
          %add3A_322 = arith.constant 0 : i32
          %add3A_323 = arith.addi %mul3A_39, %add3A_322 : i32
          %add3A_324 = arith.constant 2 : i32
          %add3A_325 = arith.addi %add3A_323, %add3A_324 : i32
          %add3A_326 = arith.constant 0 : i32
          %add3A_327 = arith.addi %add3A_325, %add3A_326 : i32
          %dma_start3A_328 = arith.constant 0 : i32
          %dma_start3A_329 = tpu.memref_slice %arg10[%add3A_327, %dma_start3A_328] : memref<80x128xi32, #tpu.memory_space<vmem>> -> memref<1x128xi32, #tpu.memory_space<vmem>>
          %dma_start3A_330 = tpu.memref_squeeze %dma_start3A_329 : memref<1x128xi32, #tpu.memory_space<vmem>> -> memref<128xi32, #tpu.memory_space<vmem>>
          %dma_start3A_331 = arith.constant 0 : i32
          %dma_start3A_332 = arith.constant 0 : i32
          %dma_start3A_333 = tpu.memref_slice %arg3[%dma_start3A_331, %dma_start3A_332] : memref<10000x128xf32, #tpu.memory_space<hbm>> -> memref<10000x128xf32, #tpu.memory_space<hbm>>
          tpu.enqueue_indirect_dma source(%dma_start3A_333 : memref<10000x128xf32, #tpu.memory_space<hbm>>) target(%arg12 : memref<128x128xf32, #tpu.memory_space<vmem>>) offsets(%dma_start3A_330 : memref<128xi32, #tpu.memory_space<vmem>>) semaphore(%arg14 : memref<!tpu.dma_semaphore, #tpu.memory_space<semaphore_mem>>)
        } else {
        }
        %dma_wait3A_94 = arith.constant 1 : i32
        %dma_wait3A_95 = arith.constant 0 : i32
        %dma_wait3A_96 = tpu.memref_slice %arg11[%dma_wait3A_94, %dma_wait3A_95] : memref<8x128xi32, #tpu.memory_space<vmem>> -> memref<1x128xi32, #tpu.memory_space<vmem>>
        %dma_wait3A_97 = tpu.memref_squeeze %dma_wait3A_96 : memref<1x128xi32, #tpu.memory_space<vmem>> -> memref<128xi32, #tpu.memory_space<vmem>>
        %dma_wait3A_98 = arith.constant 0 : i32
        %dma_wait3A_99 = arith.constant 0 : i32
        %dma_wait3A_100 = tpu.memref_slice %arg9[%dma_wait3A_98, %dma_wait3A_99] : memref<10112x128xf32, #tpu.memory_space<vmem_shared>> -> memref<10112x128xf32, #tpu.memory_space<vmem_shared>>
        tpu.wait_indirect_dma semaphore(%arg17 : memref<!tpu.dma_semaphore, #tpu.memory_space<semaphore_mem>>) src(%arg13 : memref<128x128xf32, #tpu.memory_space<vmem>>) dst(%dma_wait3A_100 : memref<10112x128xf32, #tpu.memory_space<vmem_shared>>)
        %add3A_101 = arith.constant 0 : i32
        %add3A_102 = arith.addi %mul3A_39, %add3A_101 : i32
        %add3A_103 = arith.constant 2 : i32
        %add3A_104 = arith.addi %add3A_102, %add3A_103 : i32
        %add3A_105 = arith.constant 1 : i32
        %add3A_106 = arith.addi %add3A_104, %add3A_105 : i32
        %lt3A_107 = arith.constant 80 : i32
        %lt3A_108 = arith.cmpi slt, %add3A_106, %lt3A_107 : i32
        %convert_element_type3A_109 = arith.extui %lt3A_108 : i1 to i32
        %cond3A_110 = arith.constant 0 : i32
        %cond3A_111 = arith.cmpi ne, %convert_element_type3A_109, %cond3A_110 : i32
        scf.if %cond3A_111 {
          %add3A_322 = arith.constant 0 : i32
          %add3A_323 = arith.addi %mul3A_39, %add3A_322 : i32
          %add3A_324 = arith.constant 2 : i32
          %add3A_325 = arith.addi %add3A_323, %add3A_324 : i32
          %add3A_326 = arith.constant 1 : i32
          %add3A_327 = arith.addi %add3A_325, %add3A_326 : i32
          %dma_start3A_328 = arith.constant 0 : i32
          %dma_start3A_329 = tpu.memref_slice %arg10[%add3A_327, %dma_start3A_328] : memref<80x128xi32, #tpu.memory_space<vmem>> -> memref<1x128xi32, #tpu.memory_space<vmem>>
          %dma_start3A_330 = tpu.memref_squeeze %dma_start3A_329 : memref<1x128xi32, #tpu.memory_space<vmem>> -> memref<128xi32, #tpu.memory_space<vmem>>
          %dma_start3A_331 = arith.constant 0 : i32
          %dma_start3A_332 = arith.constant 0 : i32
          %dma_start3A_333 = tpu.memref_slice %arg3[%dma_start3A_331, %dma_start3A_332] : memref<10000x128xf32, #tpu.memory_space<hbm>> -> memref<10000x128xf32, #tpu.memory_space<hbm>>
          tpu.enqueue_indirect_dma source(%dma_start3A_333 : memref<10000x128xf32, #tpu.memory_space<hbm>>) target(%arg13 : memref<128x128xf32, #tpu.memory_space<vmem>>) offsets(%dma_start3A_330 : memref<128xi32, #tpu.memory_space<vmem>>) semaphore(%arg15 : memref<!tpu.dma_semaphore, #tpu.memory_space<semaphore_mem>>)
        } else {
        }
        %add3A_112 = arith.constant 2 : i32
        %add3A_113 = arith.addi %mul3A_39, %add3A_112 : i32
        %add3A_114 = arith.constant 0 : i32
        %add3A_115 = arith.addi %add3A_113, %add3A_114 : i32
        %dma_wait3A_116 = arith.constant 0 : i32
        %dma_wait3A_117 = tpu.memref_slice %arg10[%add3A_115, %dma_wait3A_116] : memref<80x128xi32, #tpu.memory_space<vmem>> -> memref<1x128xi32, #tpu.memory_space<vmem>>
        %dma_wait3A_118 = tpu.memref_squeeze %dma_wait3A_117 : memref<1x128xi32, #tpu.memory_space<vmem>> -> memref<128xi32, #tpu.memory_space<vmem>>
        %dma_wait3A_119 = arith.constant 0 : i32
        %dma_wait3A_120 = arith.constant 0 : i32
        %dma_wait3A_121 = tpu.memref_slice %arg3[%dma_wait3A_119, %dma_wait3A_120] : memref<10000x128xf32, #tpu.memory_space<hbm>> -> memref<10000x128xf32, #tpu.memory_space<hbm>>
        tpu.wait_indirect_dma semaphore(%arg14 : memref<!tpu.dma_semaphore, #tpu.memory_space<semaphore_mem>>) src(%dma_wait3A_121 : memref<10000x128xf32, #tpu.memory_space<hbm>>) dst(%arg12 : memref<128x128xf32, #tpu.memory_space<vmem>>)
        %dma_start3A_122 = arith.constant 2 : i32
        %dma_start3A_123 = arith.constant 0 : i32
        %dma_start3A_124 = tpu.memref_slice %arg11[%dma_start3A_122, %dma_start3A_123] : memref<8x128xi32, #tpu.memory_space<vmem>> -> memref<1x128xi32, #tpu.memory_space<vmem>>
        %dma_start3A_125 = tpu.memref_squeeze %dma_start3A_124 : memref<1x128xi32, #tpu.memory_space<vmem>> -> memref<128xi32, #tpu.memory_space<vmem>>
        %dma_start3A_126 = arith.constant 0 : i32
        %dma_start3A_127 = arith.constant 0 : i32
        %dma_start3A_128 = tpu.memref_slice %arg9[%dma_start3A_126, %dma_start3A_127] : memref<10112x128xf32, #tpu.memory_space<vmem_shared>> -> memref<10112x128xf32, #tpu.memory_space<vmem_shared>>
        tpu.enqueue_indirect_dma source(%arg12 : memref<128x128xf32, #tpu.memory_space<vmem>>) target(%dma_start3A_128 : memref<10112x128xf32, #tpu.memory_space<vmem_shared>>) offsets(%dma_start3A_125 : memref<128xi32, #tpu.memory_space<vmem>>) semaphore(%arg16 : memref<!tpu.dma_semaphore, #tpu.memory_space<semaphore_mem>>) {add = true}
        %add3A_129 = arith.constant 2 : i32
        %add3A_130 = arith.addi %mul3A_39, %add3A_129 : i32
        %add3A_131 = arith.constant 1 : i32
        %add3A_132 = arith.addi %add3A_130, %add3A_131 : i32
        %dma_wait3A_133 = arith.constant 0 : i32
        %dma_wait3A_134 = tpu.memref_slice %arg10[%add3A_132, %dma_wait3A_133] : memref<80x128xi32, #tpu.memory_space<vmem>> -> memref<1x128xi32, #tpu.memory_space<vmem>>
        %dma_wait3A_135 = tpu.memref_squeeze %dma_wait3A_134 : memref<1x128xi32, #tpu.memory_space<vmem>> -> memref<128xi32, #tpu.memory_space<vmem>>
        %dma_wait3A_136 = arith.constant 0 : i32
        %dma_wait3A_137 = arith.constant 0 : i32
        %dma_wait3A_138 = tpu.memref_slice %arg3[%dma_wait3A_136, %dma_wait3A_137] : memref<10000x128xf32, #tpu.memory_space<hbm>> -> memref<10000x128xf32, #tpu.memory_space<hbm>>
        tpu.wait_indirect_dma semaphore(%arg15 : memref<!tpu.dma_semaphore, #tpu.memory_space<semaphore_mem>>) src(%dma_wait3A_138 : memref<10000x128xf32, #tpu.memory_space<hbm>>) dst(%arg13 : memref<128x128xf32, #tpu.memory_space<vmem>>)
        %dma_start3A_139 = arith.constant 3 : i32
        %dma_start3A_140 = arith.constant 0 : i32
        %dma_start3A_141 = tpu.memref_slice %arg11[%dma_start3A_139, %dma_start3A_140] : memref<8x128xi32, #tpu.memory_space<vmem>> -> memref<1x128xi32, #tpu.memory_space<vmem>>
        %dma_start3A_142 = tpu.memref_squeeze %dma_start3A_141 : memref<1x128xi32, #tpu.memory_space<vmem>> -> memref<128xi32, #tpu.memory_space<vmem>>
        %dma_start3A_143 = arith.constant 0 : i32
        %dma_start3A_144 = arith.constant 0 : i32
        %dma_start3A_145 = tpu.memref_slice %arg9[%dma_start3A_143, %dma_start3A_144] : memref<10112x128xf32, #tpu.memory_space<vmem_shared>> -> memref<10112x128xf32, #tpu.memory_space<vmem_shared>>
        tpu.enqueue_indirect_dma source(%arg13 : memref<128x128xf32, #tpu.memory_space<vmem>>) target(%dma_start3A_145 : memref<10112x128xf32, #tpu.memory_space<vmem_shared>>) offsets(%dma_start3A_142 : memref<128xi32, #tpu.memory_space<vmem>>) semaphore(%arg17 : memref<!tpu.dma_semaphore, #tpu.memory_space<semaphore_mem>>) {add = true}
        %dma_wait3A_146 = arith.constant 2 : i32
        %dma_wait3A_147 = arith.constant 0 : i32
        %dma_wait3A_148 = tpu.memref_slice %arg11[%dma_wait3A_146, %dma_wait3A_147] : memref<8x128xi32, #tpu.memory_space<vmem>> -> memref<1x128xi32, #tpu.memory_space<vmem>>
        %dma_wait3A_149 = tpu.memref_squeeze %dma_wait3A_148 : memref<1x128xi32, #tpu.memory_space<vmem>> -> memref<128xi32, #tpu.memory_space<vmem>>
        %dma_wait3A_150 = arith.constant 0 : i32
        %dma_wait3A_151 = arith.constant 0 : i32
        %dma_wait3A_152 = tpu.memref_slice %arg9[%dma_wait3A_150, %dma_wait3A_151] : memref<10112x128xf32, #tpu.memory_space<vmem_shared>> -> memref<10112x128xf32, #tpu.memory_space<vmem_shared>>
        tpu.wait_indirect_dma semaphore(%arg16 : memref<!tpu.dma_semaphore, #tpu.memory_space<semaphore_mem>>) src(%arg12 : memref<128x128xf32, #tpu.memory_space<vmem>>) dst(%dma_wait3A_152 : memref<10112x128xf32, #tpu.memory_space<vmem_shared>>)
        %add3A_153 = arith.constant 2 : i32
        %add3A_154 = arith.addi %mul3A_39, %add3A_153 : i32
        %add3A_155 = arith.constant 2 : i32
        %add3A_156 = arith.addi %add3A_154, %add3A_155 : i32
        %add3A_157 = arith.constant 0 : i32
        %add3A_158 = arith.addi %add3A_156, %add3A_157 : i32
        %lt3A_159 = arith.constant 80 : i32
        %lt3A_160 = arith.cmpi slt, %add3A_158, %lt3A_159 : i32
        %convert_element_type3A_161 = arith.extui %lt3A_160 : i1 to i32
        %cond3A_162 = arith.constant 0 : i32
        %cond3A_163 = arith.cmpi ne, %convert_element_type3A_161, %cond3A_162 : i32
        scf.if %cond3A_163 {
          %add3A_322 = arith.constant 2 : i32
          %add3A_323 = arith.addi %mul3A_39, %add3A_322 : i32
          %add3A_324 = arith.constant 2 : i32
          %add3A_325 = arith.addi %add3A_323, %add3A_324 : i32
          %add3A_326 = arith.constant 0 : i32
          %add3A_327 = arith.addi %add3A_325, %add3A_326 : i32
          %dma_start3A_328 = arith.constant 0 : i32
          %dma_start3A_329 = tpu.memref_slice %arg10[%add3A_327, %dma_start3A_328] : memref<80x128xi32, #tpu.memory_space<vmem>> -> memref<1x128xi32, #tpu.memory_space<vmem>>
          %dma_start3A_330 = tpu.memref_squeeze %dma_start3A_329 : memref<1x128xi32, #tpu.memory_space<vmem>> -> memref<128xi32, #tpu.memory_space<vmem>>
          %dma_start3A_331 = arith.constant 0 : i32
          %dma_start3A_332 = arith.constant 0 : i32
          %dma_start3A_333 = tpu.memref_slice %arg3[%dma_start3A_331, %dma_start3A_332] : memref<10000x128xf32, #tpu.memory_space<hbm>> -> memref<10000x128xf32, #tpu.memory_space<hbm>>
          tpu.enqueue_indirect_dma source(%dma_start3A_333 : memref<10000x128xf32, #tpu.memory_space<hbm>>) target(%arg12 : memref<128x128xf32, #tpu.memory_space<vmem>>) offsets(%dma_start3A_330 : memref<128xi32, #tpu.memory_space<vmem>>) semaphore(%arg14 : memref<!tpu.dma_semaphore, #tpu.memory_space<semaphore_mem>>)
        } else {
        }
        %dma_wait3A_164 = arith.constant 3 : i32
        %dma_wait3A_165 = arith.constant 0 : i32
        %dma_wait3A_166 = tpu.memref_slice %arg11[%dma_wait3A_164, %dma_wait3A_165] : memref<8x128xi32, #tpu.memory_space<vmem>> -> memref<1x128xi32, #tpu.memory_space<vmem>>
        %dma_wait3A_167 = tpu.memref_squeeze %dma_wait3A_166 : memref<1x128xi32, #tpu.memory_space<vmem>> -> memref<128xi32, #tpu.memory_space<vmem>>
        %dma_wait3A_168 = arith.constant 0 : i32
        %dma_wait3A_169 = arith.constant 0 : i32
        %dma_wait3A_170 = tpu.memref_slice %arg9[%dma_wait3A_168, %dma_wait3A_169] : memref<10112x128xf32, #tpu.memory_space<vmem_shared>> -> memref<10112x128xf32, #tpu.memory_space<vmem_shared>>
        tpu.wait_indirect_dma semaphore(%arg17 : memref<!tpu.dma_semaphore, #tpu.memory_space<semaphore_mem>>) src(%arg13 : memref<128x128xf32, #tpu.memory_space<vmem>>) dst(%dma_wait3A_170 : memref<10112x128xf32, #tpu.memory_space<vmem_shared>>)
        %add3A_171 = arith.constant 2 : i32
        %add3A_172 = arith.addi %mul3A_39, %add3A_171 : i32
        %add3A_173 = arith.constant 2 : i32
        %add3A_174 = arith.addi %add3A_172, %add3A_173 : i32
        %add3A_175 = arith.constant 1 : i32
        %add3A_176 = arith.addi %add3A_174, %add3A_175 : i32
        %lt3A_177 = arith.constant 80 : i32
        %lt3A_178 = arith.cmpi slt, %add3A_176, %lt3A_177 : i32
        %convert_element_type3A_179 = arith.extui %lt3A_178 : i1 to i32
        %cond3A_180 = arith.constant 0 : i32
        %cond3A_181 = arith.cmpi ne, %convert_element_type3A_179, %cond3A_180 : i32
        scf.if %cond3A_181 {
          %add3A_322 = arith.constant 2 : i32
          %add3A_323 = arith.addi %mul3A_39, %add3A_322 : i32
          %add3A_324 = arith.constant 2 : i32
          %add3A_325 = arith.addi %add3A_323, %add3A_324 : i32
          %add3A_326 = arith.constant 1 : i32
          %add3A_327 = arith.addi %add3A_325, %add3A_326 : i32
          %dma_start3A_328 = arith.constant 0 : i32
          %dma_start3A_329 = tpu.memref_slice %arg10[%add3A_327, %dma_start3A_328] : memref<80x128xi32, #tpu.memory_space<vmem>> -> memref<1x128xi32, #tpu.memory_space<vmem>>
          %dma_start3A_330 = tpu.memref_squeeze %dma_start3A_329 : memref<1x128xi32, #tpu.memory_space<vmem>> -> memref<128xi32, #tpu.memory_space<vmem>>
          %dma_start3A_331 = arith.constant 0 : i32
          %dma_start3A_332 = arith.constant 0 : i32
          %dma_start3A_333 = tpu.memref_slice %arg3[%dma_start3A_331, %dma_start3A_332] : memref<10000x128xf32, #tpu.memory_space<hbm>> -> memref<10000x128xf32, #tpu.memory_space<hbm>>
          tpu.enqueue_indirect_dma source(%dma_start3A_333 : memref<10000x128xf32, #tpu.memory_space<hbm>>) target(%arg13 : memref<128x128xf32, #tpu.memory_space<vmem>>) offsets(%dma_start3A_330 : memref<128xi32, #tpu.memory_space<vmem>>) semaphore(%arg15 : memref<!tpu.dma_semaphore, #tpu.memory_space<semaphore_mem>>)
        } else {
        }
        %add3A_182 = arith.constant 4 : i32
        %add3A_183 = arith.addi %mul3A_39, %add3A_182 : i32
        %add3A_184 = arith.constant 0 : i32
        %add3A_185 = arith.addi %add3A_183, %add3A_184 : i32
        %dma_wait3A_186 = arith.constant 0 : i32
        %dma_wait3A_187 = tpu.memref_slice %arg10[%add3A_185, %dma_wait3A_186] : memref<80x128xi32, #tpu.memory_space<vmem>> -> memref<1x128xi32, #tpu.memory_space<vmem>>
        %dma_wait3A_188 = tpu.memref_squeeze %dma_wait3A_187 : memref<1x128xi32, #tpu.memory_space<vmem>> -> memref<128xi32, #tpu.memory_space<vmem>>
        %dma_wait3A_189 = arith.constant 0 : i32
        %dma_wait3A_190 = arith.constant 0 : i32
        %dma_wait3A_191 = tpu.memref_slice %arg3[%dma_wait3A_189, %dma_wait3A_190] : memref<10000x128xf32, #tpu.memory_space<hbm>> -> memref<10000x128xf32, #tpu.memory_space<hbm>>
        tpu.wait_indirect_dma semaphore(%arg14 : memref<!tpu.dma_semaphore, #tpu.memory_space<semaphore_mem>>) src(%dma_wait3A_191 : memref<10000x128xf32, #tpu.memory_space<hbm>>) dst(%arg12 : memref<128x128xf32, #tpu.memory_space<vmem>>)
        %dma_start3A_192 = arith.constant 4 : i32
        %dma_start3A_193 = arith.constant 0 : i32
        %dma_start3A_194 = tpu.memref_slice %arg11[%dma_start3A_192, %dma_start3A_193] : memref<8x128xi32, #tpu.memory_space<vmem>> -> memref<1x128xi32, #tpu.memory_space<vmem>>
        %dma_start3A_195 = tpu.memref_squeeze %dma_start3A_194 : memref<1x128xi32, #tpu.memory_space<vmem>> -> memref<128xi32, #tpu.memory_space<vmem>>
        %dma_start3A_196 = arith.constant 0 : i32
        %dma_start3A_197 = arith.constant 0 : i32
        %dma_start3A_198 = tpu.memref_slice %arg9[%dma_start3A_196, %dma_start3A_197] : memref<10112x128xf32, #tpu.memory_space<vmem_shared>> -> memref<10112x128xf32, #tpu.memory_space<vmem_shared>>
        tpu.enqueue_indirect_dma source(%arg12 : memref<128x128xf32, #tpu.memory_space<vmem>>) target(%dma_start3A_198 : memref<10112x128xf32, #tpu.memory_space<vmem_shared>>) offsets(%dma_start3A_195 : memref<128xi32, #tpu.memory_space<vmem>>) semaphore(%arg16 : memref<!tpu.dma_semaphore, #tpu.memory_space<semaphore_mem>>) {add = true}
        %add3A_199 = arith.constant 4 : i32
        %add3A_200 = arith.addi %mul3A_39, %add3A_199 : i32
        %add3A_201 = arith.constant 1 : i32
        %add3A_202 = arith.addi %add3A_200, %add3A_201 : i32
        %dma_wait3A_203 = arith.constant 0 : i32
        %dma_wait3A_204 = tpu.memref_slice %arg10[%add3A_202, %dma_wait3A_203] : memref<80x128xi32, #tpu.memory_space<vmem>> -> memref<1x128xi32, #tpu.memory_space<vmem>>
        %dma_wait3A_205 = tpu.memref_squeeze %dma_wait3A_204 : memref<1x128xi32, #tpu.memory_space<vmem>> -> memref<128xi32, #tpu.memory_space<vmem>>
        %dma_wait3A_206 = arith.constant 0 : i32
        %dma_wait3A_207 = arith.constant 0 : i32
        %dma_wait3A_208 = tpu.memref_slice %arg3[%dma_wait3A_206, %dma_wait3A_207] : memref<10000x128xf32, #tpu.memory_space<hbm>> -> memref<10000x128xf32, #tpu.memory_space<hbm>>
        tpu.wait_indirect_dma semaphore(%arg15 : memref<!tpu.dma_semaphore, #tpu.memory_space<semaphore_mem>>) src(%dma_wait3A_208 : memref<10000x128xf32, #tpu.memory_space<hbm>>) dst(%arg13 : memref<128x128xf32, #tpu.memory_space<vmem>>)
        %dma_start3A_209 = arith.constant 5 : i32
        %dma_start3A_210 = arith.constant 0 : i32
        %dma_start3A_211 = tpu.memref_slice %arg11[%dma_start3A_209, %dma_start3A_210] : memref<8x128xi32, #tpu.memory_space<vmem>> -> memref<1x128xi32, #tpu.memory_space<vmem>>
        %dma_start3A_212 = tpu.memref_squeeze %dma_start3A_211 : memref<1x128xi32, #tpu.memory_space<vmem>> -> memref<128xi32, #tpu.memory_space<vmem>>
        %dma_start3A_213 = arith.constant 0 : i32
        %dma_start3A_214 = arith.constant 0 : i32
        %dma_start3A_215 = tpu.memref_slice %arg9[%dma_start3A_213, %dma_start3A_214] : memref<10112x128xf32, #tpu.memory_space<vmem_shared>> -> memref<10112x128xf32, #tpu.memory_space<vmem_shared>>
        tpu.enqueue_indirect_dma source(%arg13 : memref<128x128xf32, #tpu.memory_space<vmem>>) target(%dma_start3A_215 : memref<10112x128xf32, #tpu.memory_space<vmem_shared>>) offsets(%dma_start3A_212 : memref<128xi32, #tpu.memory_space<vmem>>) semaphore(%arg17 : memref<!tpu.dma_semaphore, #tpu.memory_space<semaphore_mem>>) {add = true}
        %dma_wait3A_216 = arith.constant 4 : i32
        %dma_wait3A_217 = arith.constant 0 : i32
        %dma_wait3A_218 = tpu.memref_slice %arg11[%dma_wait3A_216, %dma_wait3A_217] : memref<8x128xi32, #tpu.memory_space<vmem>> -> memref<1x128xi32, #tpu.memory_space<vmem>>
        %dma_wait3A_219 = tpu.memref_squeeze %dma_wait3A_218 : memref<1x128xi32, #tpu.memory_space<vmem>> -> memref<128xi32, #tpu.memory_space<vmem>>
        %dma_wait3A_220 = arith.constant 0 : i32
        %dma_wait3A_221 = arith.constant 0 : i32
        %dma_wait3A_222 = tpu.memref_slice %arg9[%dma_wait3A_220, %dma_wait3A_221] : memref<10112x128xf32, #tpu.memory_space<vmem_shared>> -> memref<10112x128xf32, #tpu.memory_space<vmem_shared>>
        tpu.wait_indirect_dma semaphore(%arg16 : memref<!tpu.dma_semaphore, #tpu.memory_space<semaphore_mem>>) src(%arg12 : memref<128x128xf32, #tpu.memory_space<vmem>>) dst(%dma_wait3A_222 : memref<10112x128xf32, #tpu.memory_space<vmem_shared>>)
        %add3A_223 = arith.constant 4 : i32
        %add3A_224 = arith.addi %mul3A_39, %add3A_223 : i32
        %add3A_225 = arith.constant 2 : i32
        %add3A_226 = arith.addi %add3A_224, %add3A_225 : i32
        %add3A_227 = arith.constant 0 : i32
        %add3A_228 = arith.addi %add3A_226, %add3A_227 : i32
        %lt3A_229 = arith.constant 80 : i32
        %lt3A_230 = arith.cmpi slt, %add3A_228, %lt3A_229 : i32
        %convert_element_type3A_231 = arith.extui %lt3A_230 : i1 to i32
        %cond3A_232 = arith.constant 0 : i32
        %cond3A_233 = arith.cmpi ne, %convert_element_type3A_231, %cond3A_232 : i32
        scf.if %cond3A_233 {
          %add3A_322 = arith.constant 4 : i32
          %add3A_323 = arith.addi %mul3A_39, %add3A_322 : i32
          %add3A_324 = arith.constant 2 : i32
          %add3A_325 = arith.addi %add3A_323, %add3A_324 : i32
          %add3A_326 = arith.constant 0 : i32
          %add3A_327 = arith.addi %add3A_325, %add3A_326 : i32
          %dma_start3A_328 = arith.constant 0 : i32
          %dma_start3A_329 = tpu.memref_slice %arg10[%add3A_327, %dma_start3A_328] : memref<80x128xi32, #tpu.memory_space<vmem>> -> memref<1x128xi32, #tpu.memory_space<vmem>>
          %dma_start3A_330 = tpu.memref_squeeze %dma_start3A_329 : memref<1x128xi32, #tpu.memory_space<vmem>> -> memref<128xi32, #tpu.memory_space<vmem>>
          %dma_start3A_331 = arith.constant 0 : i32
          %dma_start3A_332 = arith.constant 0 : i32
          %dma_start3A_333 = tpu.memref_slice %arg3[%dma_start3A_331, %dma_start3A_332] : memref<10000x128xf32, #tpu.memory_space<hbm>> -> memref<10000x128xf32, #tpu.memory_space<hbm>>
          tpu.enqueue_indirect_dma source(%dma_start3A_333 : memref<10000x128xf32, #tpu.memory_space<hbm>>) target(%arg12 : memref<128x128xf32, #tpu.memory_space<vmem>>) offsets(%dma_start3A_330 : memref<128xi32, #tpu.memory_space<vmem>>) semaphore(%arg14 : memref<!tpu.dma_semaphore, #tpu.memory_space<semaphore_mem>>)
        } else {
        }
        %dma_wait3A_234 = arith.constant 5 : i32
        %dma_wait3A_235 = arith.constant 0 : i32
        %dma_wait3A_236 = tpu.memref_slice %arg11[%dma_wait3A_234, %dma_wait3A_235] : memref<8x128xi32, #tpu.memory_space<vmem>> -> memref<1x128xi32, #tpu.memory_space<vmem>>
        %dma_wait3A_237 = tpu.memref_squeeze %dma_wait3A_236 : memref<1x128xi32, #tpu.memory_space<vmem>> -> memref<128xi32, #tpu.memory_space<vmem>>
        %dma_wait3A_238 = arith.constant 0 : i32
        %dma_wait3A_239 = arith.constant 0 : i32
        %dma_wait3A_240 = tpu.memref_slice %arg9[%dma_wait3A_238, %dma_wait3A_239] : memref<10112x128xf32, #tpu.memory_space<vmem_shared>> -> memref<10112x128xf32, #tpu.memory_space<vmem_shared>>
        tpu.wait_indirect_dma semaphore(%arg17 : memref<!tpu.dma_semaphore, #tpu.memory_space<semaphore_mem>>) src(%arg13 : memref<128x128xf32, #tpu.memory_space<vmem>>) dst(%dma_wait3A_240 : memref<10112x128xf32, #tpu.memory_space<vmem_shared>>)
        %add3A_241 = arith.constant 4 : i32
        %add3A_242 = arith.addi %mul3A_39, %add3A_241 : i32
        %add3A_243 = arith.constant 2 : i32
        %add3A_244 = arith.addi %add3A_242, %add3A_243 : i32
        %add3A_245 = arith.constant 1 : i32
        %add3A_246 = arith.addi %add3A_244, %add3A_245 : i32
        %lt3A_247 = arith.constant 80 : i32
        %lt3A_248 = arith.cmpi slt, %add3A_246, %lt3A_247 : i32
        %convert_element_type3A_249 = arith.extui %lt3A_248 : i1 to i32
        %cond3A_250 = arith.constant 0 : i32
        %cond3A_251 = arith.cmpi ne, %convert_element_type3A_249, %cond3A_250 : i32
        scf.if %cond3A_251 {
          %add3A_322 = arith.constant 4 : i32
          %add3A_323 = arith.addi %mul3A_39, %add3A_322 : i32
          %add3A_324 = arith.constant 2 : i32
          %add3A_325 = arith.addi %add3A_323, %add3A_324 : i32
          %add3A_326 = arith.constant 1 : i32
          %add3A_327 = arith.addi %add3A_325, %add3A_326 : i32
          %dma_start3A_328 = arith.constant 0 : i32
          %dma_start3A_329 = tpu.memref_slice %arg10[%add3A_327, %dma_start3A_328] : memref<80x128xi32, #tpu.memory_space<vmem>> -> memref<1x128xi32, #tpu.memory_space<vmem>>
          %dma_start3A_330 = tpu.memref_squeeze %dma_start3A_329 : memref<1x128xi32, #tpu.memory_space<vmem>> -> memref<128xi32, #tpu.memory_space<vmem>>
          %dma_start3A_331 = arith.constant 0 : i32
          %dma_start3A_332 = arith.constant 0 : i32
          %dma_start3A_333 = tpu.memref_slice %arg3[%dma_start3A_331, %dma_start3A_332] : memref<10000x128xf32, #tpu.memory_space<hbm>> -> memref<10000x128xf32, #tpu.memory_space<hbm>>
          tpu.enqueue_indirect_dma source(%dma_start3A_333 : memref<10000x128xf32, #tpu.memory_space<hbm>>) target(%arg13 : memref<128x128xf32, #tpu.memory_space<vmem>>) offsets(%dma_start3A_330 : memref<128xi32, #tpu.memory_space<vmem>>) semaphore(%arg15 : memref<!tpu.dma_semaphore, #tpu.memory_space<semaphore_mem>>)
        } else {
        }
        %add3A_252 = arith.constant 6 : i32
        %add3A_253 = arith.addi %mul3A_39, %add3A_252 : i32
        %add3A_254 = arith.constant 0 : i32
        %add3A_255 = arith.addi %add3A_253, %add3A_254 : i32
        %dma_wait3A_256 = arith.constant 0 : i32
        %dma_wait3A_257 = tpu.memref_slice %arg10[%add3A_255, %dma_wait3A_256] : memref<80x128xi32, #tpu.memory_space<vmem>> -> memref<1x128xi32, #tpu.memory_space<vmem>>
        %dma_wait3A_258 = tpu.memref_squeeze %dma_wait3A_257 : memref<1x128xi32, #tpu.memory_space<vmem>> -> memref<128xi32, #tpu.memory_space<vmem>>
        %dma_wait3A_259 = arith.constant 0 : i32
        %dma_wait3A_260 = arith.constant 0 : i32
        %dma_wait3A_261 = tpu.memref_slice %arg3[%dma_wait3A_259, %dma_wait3A_260] : memref<10000x128xf32, #tpu.memory_space<hbm>> -> memref<10000x128xf32, #tpu.memory_space<hbm>>
        tpu.wait_indirect_dma semaphore(%arg14 : memref<!tpu.dma_semaphore, #tpu.memory_space<semaphore_mem>>) src(%dma_wait3A_261 : memref<10000x128xf32, #tpu.memory_space<hbm>>) dst(%arg12 : memref<128x128xf32, #tpu.memory_space<vmem>>)
        %dma_start3A_262 = arith.constant 6 : i32
        %dma_start3A_263 = arith.constant 0 : i32
        %dma_start3A_264 = tpu.memref_slice %arg11[%dma_start3A_262, %dma_start3A_263] : memref<8x128xi32, #tpu.memory_space<vmem>> -> memref<1x128xi32, #tpu.memory_space<vmem>>
        %dma_start3A_265 = tpu.memref_squeeze %dma_start3A_264 : memref<1x128xi32, #tpu.memory_space<vmem>> -> memref<128xi32, #tpu.memory_space<vmem>>
        %dma_start3A_266 = arith.constant 0 : i32
        %dma_start3A_267 = arith.constant 0 : i32
        %dma_start3A_268 = tpu.memref_slice %arg9[%dma_start3A_266, %dma_start3A_267] : memref<10112x128xf32, #tpu.memory_space<vmem_shared>> -> memref<10112x128xf32, #tpu.memory_space<vmem_shared>>
        tpu.enqueue_indirect_dma source(%arg12 : memref<128x128xf32, #tpu.memory_space<vmem>>) target(%dma_start3A_268 : memref<10112x128xf32, #tpu.memory_space<vmem_shared>>) offsets(%dma_start3A_265 : memref<128xi32, #tpu.memory_space<vmem>>) semaphore(%arg16 : memref<!tpu.dma_semaphore, #tpu.memory_space<semaphore_mem>>) {add = true}
        %add3A_269 = arith.constant 6 : i32
        %add3A_270 = arith.addi %mul3A_39, %add3A_269 : i32
        %add3A_271 = arith.constant 1 : i32
        %add3A_272 = arith.addi %add3A_270, %add3A_271 : i32
        %dma_wait3A_273 = arith.constant 0 : i32
        %dma_wait3A_274 = tpu.memref_slice %arg10[%add3A_272, %dma_wait3A_273] : memref<80x128xi32, #tpu.memory_space<vmem>> -> memref<1x128xi32, #tpu.memory_space<vmem>>
        %dma_wait3A_275 = tpu.memref_squeeze %dma_wait3A_274 : memref<1x128xi32, #tpu.memory_space<vmem>> -> memref<128xi32, #tpu.memory_space<vmem>>
        %dma_wait3A_276 = arith.constant 0 : i32
        %dma_wait3A_277 = arith.constant 0 : i32
        %dma_wait3A_278 = tpu.memref_slice %arg3[%dma_wait3A_276, %dma_wait3A_277] : memref<10000x128xf32, #tpu.memory_space<hbm>> -> memref<10000x128xf32, #tpu.memory_space<hbm>>
        tpu.wait_indirect_dma semaphore(%arg15 : memref<!tpu.dma_semaphore, #tpu.memory_space<semaphore_mem>>) src(%dma_wait3A_278 : memref<10000x128xf32, #tpu.memory_space<hbm>>) dst(%arg13 : memref<128x128xf32, #tpu.memory_space<vmem>>)
        %dma_start3A_279 = arith.constant 7 : i32
        %dma_start3A_280 = arith.constant 0 : i32
        %dma_start3A_281 = tpu.memref_slice %arg11[%dma_start3A_279, %dma_start3A_280] : memref<8x128xi32, #tpu.memory_space<vmem>> -> memref<1x128xi32, #tpu.memory_space<vmem>>
        %dma_start3A_282 = tpu.memref_squeeze %dma_start3A_281 : memref<1x128xi32, #tpu.memory_space<vmem>> -> memref<128xi32, #tpu.memory_space<vmem>>
        %dma_start3A_283 = arith.constant 0 : i32
        %dma_start3A_284 = arith.constant 0 : i32
        %dma_start3A_285 = tpu.memref_slice %arg9[%dma_start3A_283, %dma_start3A_284] : memref<10112x128xf32, #tpu.memory_space<vmem_shared>> -> memref<10112x128xf32, #tpu.memory_space<vmem_shared>>
        tpu.enqueue_indirect_dma source(%arg13 : memref<128x128xf32, #tpu.memory_space<vmem>>) target(%dma_start3A_285 : memref<10112x128xf32, #tpu.memory_space<vmem_shared>>) offsets(%dma_start3A_282 : memref<128xi32, #tpu.memory_space<vmem>>) semaphore(%arg17 : memref<!tpu.dma_semaphore, #tpu.memory_space<semaphore_mem>>) {add = true}
        %dma_wait3A_286 = arith.constant 6 : i32
        %dma_wait3A_287 = arith.constant 0 : i32
        %dma_wait3A_288 = tpu.memref_slice %arg11[%dma_wait3A_286, %dma_wait3A_287] : memref<8x128xi32, #tpu.memory_space<vmem>> -> memref<1x128xi32, #tpu.memory_space<vmem>>
        %dma_wait3A_289 = tpu.memref_squeeze %dma_wait3A_288 : memref<1x128xi32, #tpu.memory_space<vmem>> -> memref<128xi32, #tpu.memory_space<vmem>>
        %dma_wait3A_290 = arith.constant 0 : i32
        %dma_wait3A_291 = arith.constant 0 : i32
        %dma_wait3A_292 = tpu.memref_slice %arg9[%dma_wait3A_290, %dma_wait3A_291] : memref<10112x128xf32, #tpu.memory_space<vmem_shared>> -> memref<10112x128xf32, #tpu.memory_space<vmem_shared>>
        tpu.wait_indirect_dma semaphore(%arg16 : memref<!tpu.dma_semaphore, #tpu.memory_space<semaphore_mem>>) src(%arg12 : memref<128x128xf32, #tpu.memory_space<vmem>>) dst(%dma_wait3A_292 : memref<10112x128xf32, #tpu.memory_space<vmem_shared>>)
        %add3A_293 = arith.constant 6 : i32
        %add3A_294 = arith.addi %mul3A_39, %add3A_293 : i32
        %add3A_295 = arith.constant 2 : i32
        %add3A_296 = arith.addi %add3A_294, %add3A_295 : i32
        %add3A_297 = arith.constant 0 : i32
        %add3A_298 = arith.addi %add3A_296, %add3A_297 : i32
        %lt3A_299 = arith.constant 80 : i32
        %lt3A_300 = arith.cmpi slt, %add3A_298, %lt3A_299 : i32
        %convert_element_type3A_301 = arith.extui %lt3A_300 : i1 to i32
        %cond3A_302 = arith.constant 0 : i32
        %cond3A_303 = arith.cmpi ne, %convert_element_type3A_301, %cond3A_302 : i32
        scf.if %cond3A_303 {
          %add3A_322 = arith.constant 6 : i32
          %add3A_323 = arith.addi %mul3A_39, %add3A_322 : i32
          %add3A_324 = arith.constant 2 : i32
          %add3A_325 = arith.addi %add3A_323, %add3A_324 : i32
          %add3A_326 = arith.constant 0 : i32
          %add3A_327 = arith.addi %add3A_325, %add3A_326 : i32
          %dma_start3A_328 = arith.constant 0 : i32
          %dma_start3A_329 = tpu.memref_slice %arg10[%add3A_327, %dma_start3A_328] : memref<80x128xi32, #tpu.memory_space<vmem>> -> memref<1x128xi32, #tpu.memory_space<vmem>>
          %dma_start3A_330 = tpu.memref_squeeze %dma_start3A_329 : memref<1x128xi32, #tpu.memory_space<vmem>> -> memref<128xi32, #tpu.memory_space<vmem>>
          %dma_start3A_331 = arith.constant 0 : i32
          %dma_start3A_332 = arith.constant 0 : i32
          %dma_start3A_333 = tpu.memref_slice %arg3[%dma_start3A_331, %dma_start3A_332] : memref<10000x128xf32, #tpu.memory_space<hbm>> -> memref<10000x128xf32, #tpu.memory_space<hbm>>
          tpu.enqueue_indirect_dma source(%dma_start3A_333 : memref<10000x128xf32, #tpu.memory_space<hbm>>) target(%arg12 : memref<128x128xf32, #tpu.memory_space<vmem>>) offsets(%dma_start3A_330 : memref<128xi32, #tpu.memory_space<vmem>>) semaphore(%arg14 : memref<!tpu.dma_semaphore, #tpu.memory_space<semaphore_mem>>)
        } else {
        }
        %dma_wait3A_304 = arith.constant 7 : i32
        %dma_wait3A_305 = arith.constant 0 : i32
        %dma_wait3A_306 = tpu.memref_slice %arg11[%dma_wait3A_304, %dma_wait3A_305] : memref<8x128xi32, #tpu.memory_space<vmem>> -> memref<1x128xi32, #tpu.memory_space<vmem>>
        %dma_wait3A_307 = tpu.memref_squeeze %dma_wait3A_306 : memref<1x128xi32, #tpu.memory_space<vmem>> -> memref<128xi32, #tpu.memory_space<vmem>>
        %dma_wait3A_308 = arith.constant 0 : i32
        %dma_wait3A_309 = arith.constant 0 : i32
        %dma_wait3A_310 = tpu.memref_slice %arg9[%dma_wait3A_308, %dma_wait3A_309] : memref<10112x128xf32, #tpu.memory_space<vmem_shared>> -> memref<10112x128xf32, #tpu.memory_space<vmem_shared>>
        tpu.wait_indirect_dma semaphore(%arg17 : memref<!tpu.dma_semaphore, #tpu.memory_space<semaphore_mem>>) src(%arg13 : memref<128x128xf32, #tpu.memory_space<vmem>>) dst(%dma_wait3A_310 : memref<10112x128xf32, #tpu.memory_space<vmem_shared>>)
        %add3A_311 = arith.constant 6 : i32
        %add3A_312 = arith.addi %mul3A_39, %add3A_311 : i32
        %add3A_313 = arith.constant 2 : i32
        %add3A_314 = arith.addi %add3A_312, %add3A_313 : i32
        %add3A_315 = arith.constant 1 : i32
        %add3A_316 = arith.addi %add3A_314, %add3A_315 : i32
        %lt3A_317 = arith.constant 80 : i32
        %lt3A_318 = arith.cmpi slt, %add3A_316, %lt3A_317 : i32
        %convert_element_type3A_319 = arith.extui %lt3A_318 : i1 to i32
        %cond3A_320 = arith.constant 0 : i32
        %cond3A_321 = arith.cmpi ne, %convert_element_type3A_319, %cond3A_320 : i32
        scf.if %cond3A_321 {
          %add3A_322 = arith.constant 6 : i32
          %add3A_323 = arith.addi %mul3A_39, %add3A_322 : i32
          %add3A_324 = arith.constant 2 : i32
          %add3A_325 = arith.addi %add3A_323, %add3A_324 : i32
          %add3A_326 = arith.constant 1 : i32
          %add3A_327 = arith.addi %add3A_325, %add3A_326 : i32
          %dma_start3A_328 = arith.constant 0 : i32
          %dma_start3A_329 = tpu.memref_slice %arg10[%add3A_327, %dma_start3A_328] : memref<80x128xi32, #tpu.memory_space<vmem>> -> memref<1x128xi32, #tpu.memory_space<vmem>>
          %dma_start3A_330 = tpu.memref_squeeze %dma_start3A_329 : memref<1x128xi32, #tpu.memory_space<vmem>> -> memref<128xi32, #tpu.memory_space<vmem>>
          %dma_start3A_331 = arith.constant 0 : i32
          %dma_start3A_332 = arith.constant 0 : i32
          %dma_start3A_333 = tpu.memref_slice %arg3[%dma_start3A_331, %dma_start3A_332] : memref<10000x128xf32, #tpu.memory_space<hbm>> -> memref<10000x128xf32, #tpu.memory_space<hbm>>
          tpu.enqueue_indirect_dma source(%dma_start3A_333 : memref<10000x128xf32, #tpu.memory_space<hbm>>) target(%arg13 : memref<128x128xf32, #tpu.memory_space<vmem>>) offsets(%dma_start3A_330 : memref<128xi32, #tpu.memory_space<vmem>>) semaphore(%arg15 : memref<!tpu.dma_semaphore, #tpu.memory_space<semaphore_mem>>)
        } else {
        }
      }
      %scan3A_28 = arith.constant 10 : i32
      %barrier3A_29 = arith.constant 0 : index
      tpu.barrier barrier_id(%barrier3A_29)
      %mul3A_30 = arith.constant 632 : i32
      %mul3A_31 = arith.muli %arg1, %mul3A_30 : i32
      %mul3A_32 = arith.constant 632 : i32
      %mul3A_33 = arith.muli %arg1, %mul3A_32 : i32
      "tpu.region"() ({
        %run_scoped3A = tpu.sem_alloc : memref<!tpu.dma_semaphore, #tpu.memory_space<semaphore_mem>>
        %dma_start3A_34 = arith.constant 0 : i32
        %dma_start3A_35 = tpu.memref_slice %arg8[%mul3A_33, %dma_start3A_34] : memref<10112x128xf32, #tpu.memory_space<hbm>> -> memref<632x128xf32, #tpu.memory_space<hbm>>
        %dma_start3A_36 = arith.constant 0 : i32
        %dma_start3A_37 = tpu.memref_slice %arg9[%mul3A_31, %dma_start3A_36] : memref<10112x128xf32, #tpu.memory_space<vmem_shared>> -> memref<632x128xf32, #tpu.memory_space<vmem_shared>>
        tpu.enqueue_dma source(%dma_start3A_37 : memref<632x128xf32, #tpu.memory_space<vmem_shared>>) target(%dma_start3A_35 : memref<632x128xf32, #tpu.memory_space<hbm>>) target_semaphore(%run_scoped3A : memref<!tpu.dma_semaphore, #tpu.memory_space<semaphore_mem>>)
        %dma_wait3A_38 = arith.constant 0 : i32
        %dma_wait3A_39 = tpu.memref_slice %arg8[%mul3A_33, %dma_wait3A_38] : memref<10112x128xf32, #tpu.memory_space<hbm>> -> memref<632x128xf32, #tpu.memory_space<hbm>>
        %dma_wait3A_40 = arith.constant 0 : i32
        %dma_wait3A_41 = tpu.memref_slice %arg9[%mul3A_31, %dma_wait3A_40] : memref<10112x128xf32, #tpu.memory_space<vmem_shared>> -> memref<632x128xf32, #tpu.memory_space<vmem_shared>>
        tpu.wait_dma2 semaphore(%run_scoped3A : memref<!tpu.dma_semaphore, #tpu.memory_space<semaphore_mem>>) src(%dma_wait3A_41 : memref<632x128xf32, #tpu.memory_space<vmem_shared>>) dst(%dma_wait3A_39 : memref<632x128xf32, #tpu.memory_space<hbm>>)
        tpu.yield
      }) : () -> ()
    } else {
    }
    return
  }
}

#map = affine_map<(d0, d1) -> (0, 0)>
module attributes {stable_mosaic.version = 14 : i64} {
  func.func @k(%arg0: i32, %arg1: i32, %arg2: memref<1280x128xi32, #tpu.memory_space<hbm>>, %arg3: memref<632x128xf32, #tpu.memory_space<hbm>>, %arg4: memref<128x128xf32, #tpu.memory_space<hbm>>, %arg5: memref<10112x128xf32, #tpu.memory_space<hbm>>, %arg6: memref<10112x128xf32, #tpu.memory_space<hbm>>, %arg7: memref<10112x128xf32, #tpu.memory_space<vmem_shared>>, %arg8: memref<40x128xi32, #tpu.memory_space<vmem>>, %arg9: memref<128x128xf32, #tpu.memory_space<vmem>>, %arg10: memref<!tpu.dma_semaphore, #tpu.memory_space<semaphore_mem>>, %arg11: memref<!tpu.dma_semaphore, #tpu.memory_space<semaphore_mem>>, %arg12: memref<!tpu.dma_semaphore, #tpu.memory_space<semaphore_mem>>, %arg13: memref<!tpu.dma_semaphore, #tpu.memory_space<semaphore_mem>>) attributes {dimension_semantics = [#tpu.dimension_semantics<core_parallel>, #tpu.dimension_semantics<subcore_parallel>], iteration_bounds = array<i64: 2, 16>, scalar_prefetch = 0 : i64, scratch_operands = 7 : i64, tpu.core_type = #tpu.core_type<sc_vector_subcore>, window_params = [{transform_indices = #map}, {transform_indices = #map}, {transform_indices = #map}, {transform_indices = #map}, {transform_indices = #map}]} {
    %mul3A = arith.constant 2 : i32
    %mul3A_0 = arith.muli %arg1, %mul3A : i32
    %add3A = arith.addi %mul3A_0, %arg0 : i32
    %mul3A_1 = arith.constant 632 : i32
    %mul3A_2 = arith.muli %arg1, %mul3A_1 : i32
    "tpu.region"() ({
      %run_scoped3A = tpu.sem_alloc : memref<!tpu.dma_semaphore, #tpu.memory_space<semaphore_mem>>
      %dma_start3A = arith.constant 0 : i32
      %dma_start3A_16 = tpu.memref_slice %arg7[%mul3A_2, %dma_start3A] : memref<10112x128xf32, #tpu.memory_space<vmem_shared>> -> memref<632x128xf32, #tpu.memory_space<vmem_shared>>
      tpu.enqueue_dma source(%arg3 : memref<632x128xf32, #tpu.memory_space<hbm>>) target(%dma_start3A_16 : memref<632x128xf32, #tpu.memory_space<vmem_shared>>) target_semaphore(%run_scoped3A : memref<!tpu.dma_semaphore, #tpu.memory_space<semaphore_mem>>)
      %dma_wait3A = arith.constant 0 : i32
      %dma_wait3A_17 = tpu.memref_slice %arg7[%mul3A_2, %dma_wait3A] : memref<10112x128xf32, #tpu.memory_space<vmem_shared>> -> memref<632x128xf32, #tpu.memory_space<vmem_shared>>
      tpu.wait_dma2 semaphore(%run_scoped3A : memref<!tpu.dma_semaphore, #tpu.memory_space<semaphore_mem>>) src(%arg3 : memref<632x128xf32, #tpu.memory_space<hbm>>) dst(%dma_wait3A_17 : memref<632x128xf32, #tpu.memory_space<vmem_shared>>)
      tpu.yield
    }) : () -> ()
    "tpu.region"() ({
      %run_scoped3A = tpu.sem_alloc : memref<!tpu.dma_semaphore, #tpu.memory_space<semaphore_mem>>
      tpu.enqueue_dma source(%arg4 : memref<128x128xf32, #tpu.memory_space<hbm>>) target(%arg9 : memref<128x128xf32, #tpu.memory_space<vmem>>) target_semaphore(%run_scoped3A : memref<!tpu.dma_semaphore, #tpu.memory_space<semaphore_mem>>)
      tpu.wait_dma2 semaphore(%run_scoped3A : memref<!tpu.dma_semaphore, #tpu.memory_space<semaphore_mem>>) src(%arg4 : memref<128x128xf32, #tpu.memory_space<hbm>>) dst(%arg9 : memref<128x128xf32, #tpu.memory_space<vmem>>)
      tpu.yield
    }) : () -> ()
    %mul3A_3 = arith.constant 40 : i32
    %mul3A_4 = arith.muli %add3A, %mul3A_3 : i32
    "tpu.region"() ({
      %run_scoped3A = tpu.sem_alloc : memref<!tpu.dma_semaphore, #tpu.memory_space<semaphore_mem>>
      %dma_start3A = arith.constant 0 : i32
      %dma_start3A_16 = tpu.memref_slice %arg2[%mul3A_4, %dma_start3A] : memref<1280x128xi32, #tpu.memory_space<hbm>> -> memref<40x128xi32, #tpu.memory_space<hbm>>
      %dma_start3A_17 = arith.constant 0 : i32
      %dma_start3A_18 = tpu.memref_slice %arg2[%mul3A_4, %dma_start3A_17] : memref<1280x128xi32, #tpu.memory_space<hbm>> -> memref<40x128xi32, #tpu.memory_space<hbm>>
      tpu.enqueue_dma source(%dma_start3A_18 : memref<40x128xi32, #tpu.memory_space<hbm>>) target(%arg8 : memref<40x128xi32, #tpu.memory_space<vmem>>) target_semaphore(%run_scoped3A : memref<!tpu.dma_semaphore, #tpu.memory_space<semaphore_mem>>)
      %dma_wait3A = arith.constant 0 : i32
      %dma_wait3A_19 = tpu.memref_slice %arg2[%mul3A_4, %dma_wait3A] : memref<1280x128xi32, #tpu.memory_space<hbm>> -> memref<40x128xi32, #tpu.memory_space<hbm>>
      %dma_wait3A_20 = arith.constant 0 : i32
      %dma_wait3A_21 = tpu.memref_slice %arg2[%mul3A_4, %dma_wait3A_20] : memref<1280x128xi32, #tpu.memory_space<hbm>> -> memref<40x128xi32, #tpu.memory_space<hbm>>
      tpu.wait_dma2 semaphore(%run_scoped3A : memref<!tpu.dma_semaphore, #tpu.memory_space<semaphore_mem>>) src(%dma_wait3A_21 : memref<40x128xi32, #tpu.memory_space<hbm>>) dst(%arg8 : memref<40x128xi32, #tpu.memory_space<vmem>>)
      tpu.yield
    }) : () -> ()
    %barrier3A = arith.constant 0 : index
    tpu.barrier barrier_id(%barrier3A)
    %scan3A = arith.constant 0 : i32
    %scan3A_5 = arith.constant 10 : i32
    %scan3A_6 = arith.addi %scan3A, %scan3A_5 : i32
    %scan3A_7 = arith.constant 1 : i32
    scf.for %scan3A_16 = %scan3A to %scan3A_6 step %scan3A_7  : i32 {
      %mul3A_17 = arith.constant 4 : i32
      %mul3A_18 = arith.muli %scan3A_16, %mul3A_17 : i32
      %add3A_19 = arith.constant 0 : i32
      %add3A_20 = arith.addi %add3A_19, %mul3A_18 : i32
      %add3A_21 = arith.constant 0 : i32
      %add3A_22 = arith.addi %add3A_20, %add3A_21 : i32
      %dma_start3A = arith.constant 0 : i32
      %dma_start3A_23 = tpu.memref_slice %arg8[%add3A_22, %dma_start3A] : memref<40x128xi32, #tpu.memory_space<vmem>> -> memref<1x128xi32, #tpu.memory_space<vmem>>
      %dma_start3A_24 = tpu.memref_squeeze %dma_start3A_23 : memref<1x128xi32, #tpu.memory_space<vmem>> -> memref<128xi32, #tpu.memory_space<vmem>>
      %dma_start3A_25 = arith.constant 0 : i32
      %dma_start3A_26 = arith.constant 0 : i32
      %dma_start3A_27 = tpu.memref_slice %arg7[%dma_start3A_25, %dma_start3A_26] : memref<10112x128xf32, #tpu.memory_space<vmem_shared>> -> memref<10112x128xf32, #tpu.memory_space<vmem_shared>>
      tpu.enqueue_indirect_dma source(%arg9 : memref<128x128xf32, #tpu.memory_space<vmem>>) target(%dma_start3A_27 : memref<10112x128xf32, #tpu.memory_space<vmem_shared>>) offsets(%dma_start3A_24 : memref<128xi32, #tpu.memory_space<vmem>>) semaphore(%arg10 : memref<!tpu.dma_semaphore, #tpu.memory_space<semaphore_mem>>) {add = true}
      %add3A_28 = arith.constant 1 : i32
      %add3A_29 = arith.addi %add3A_20, %add3A_28 : i32
      %dma_start3A_30 = arith.constant 0 : i32
      %dma_start3A_31 = tpu.memref_slice %arg8[%add3A_29, %dma_start3A_30] : memref<40x128xi32, #tpu.memory_space<vmem>> -> memref<1x128xi32, #tpu.memory_space<vmem>>
      %dma_start3A_32 = tpu.memref_squeeze %dma_start3A_31 : memref<1x128xi32, #tpu.memory_space<vmem>> -> memref<128xi32, #tpu.memory_space<vmem>>
      %dma_start3A_33 = arith.constant 0 : i32
      %dma_start3A_34 = arith.constant 0 : i32
      %dma_start3A_35 = tpu.memref_slice %arg7[%dma_start3A_33, %dma_start3A_34] : memref<10112x128xf32, #tpu.memory_space<vmem_shared>> -> memref<10112x128xf32, #tpu.memory_space<vmem_shared>>
      tpu.enqueue_indirect_dma source(%arg9 : memref<128x128xf32, #tpu.memory_space<vmem>>) target(%dma_start3A_35 : memref<10112x128xf32, #tpu.memory_space<vmem_shared>>) offsets(%dma_start3A_32 : memref<128xi32, #tpu.memory_space<vmem>>) semaphore(%arg11 : memref<!tpu.dma_semaphore, #tpu.memory_space<semaphore_mem>>) {add = true}
      %add3A_36 = arith.constant 2 : i32
      %add3A_37 = arith.addi %add3A_20, %add3A_36 : i32
      %dma_start3A_38 = arith.constant 0 : i32
      %dma_start3A_39 = tpu.memref_slice %arg8[%add3A_37, %dma_start3A_38] : memref<40x128xi32, #tpu.memory_space<vmem>> -> memref<1x128xi32, #tpu.memory_space<vmem>>
      %dma_start3A_40 = tpu.memref_squeeze %dma_start3A_39 : memref<1x128xi32, #tpu.memory_space<vmem>> -> memref<128xi32, #tpu.memory_space<vmem>>
      %dma_start3A_41 = arith.constant 0 : i32
      %dma_start3A_42 = arith.constant 0 : i32
      %dma_start3A_43 = tpu.memref_slice %arg7[%dma_start3A_41, %dma_start3A_42] : memref<10112x128xf32, #tpu.memory_space<vmem_shared>> -> memref<10112x128xf32, #tpu.memory_space<vmem_shared>>
      tpu.enqueue_indirect_dma source(%arg9 : memref<128x128xf32, #tpu.memory_space<vmem>>) target(%dma_start3A_43 : memref<10112x128xf32, #tpu.memory_space<vmem_shared>>) offsets(%dma_start3A_40 : memref<128xi32, #tpu.memory_space<vmem>>) semaphore(%arg12 : memref<!tpu.dma_semaphore, #tpu.memory_space<semaphore_mem>>) {add = true}
      %add3A_44 = arith.constant 3 : i32
      %add3A_45 = arith.addi %add3A_20, %add3A_44 : i32
      %dma_start3A_46 = arith.constant 0 : i32
      %dma_start3A_47 = tpu.memref_slice %arg8[%add3A_45, %dma_start3A_46] : memref<40x128xi32, #tpu.memory_space<vmem>> -> memref<1x128xi32, #tpu.memory_space<vmem>>
      %dma_start3A_48 = tpu.memref_squeeze %dma_start3A_47 : memref<1x128xi32, #tpu.memory_space<vmem>> -> memref<128xi32, #tpu.memory_space<vmem>>
      %dma_start3A_49 = arith.constant 0 : i32
      %dma_start3A_50 = arith.constant 0 : i32
      %dma_start3A_51 = tpu.memref_slice %arg7[%dma_start3A_49, %dma_start3A_50] : memref<10112x128xf32, #tpu.memory_space<vmem_shared>> -> memref<10112x128xf32, #tpu.memory_space<vmem_shared>>
      tpu.enqueue_indirect_dma source(%arg9 : memref<128x128xf32, #tpu.memory_space<vmem>>) target(%dma_start3A_51 : memref<10112x128xf32, #tpu.memory_space<vmem_shared>>) offsets(%dma_start3A_48 : memref<128xi32, #tpu.memory_space<vmem>>) semaphore(%arg13 : memref<!tpu.dma_semaphore, #tpu.memory_space<semaphore_mem>>) {add = true}
      %dma_wait3A = arith.constant 0 : i32
      %dma_wait3A_52 = tpu.memref_slice %arg8[%add3A_22, %dma_wait3A] : memref<40x128xi32, #tpu.memory_space<vmem>> -> memref<1x128xi32, #tpu.memory_space<vmem>>
      %dma_wait3A_53 = tpu.memref_squeeze %dma_wait3A_52 : memref<1x128xi32, #tpu.memory_space<vmem>> -> memref<128xi32, #tpu.memory_space<vmem>>
      %dma_wait3A_54 = arith.constant 0 : i32
      %dma_wait3A_55 = arith.constant 0 : i32
      %dma_wait3A_56 = tpu.memref_slice %arg7[%dma_wait3A_54, %dma_wait3A_55] : memref<10112x128xf32, #tpu.memory_space<vmem_shared>> -> memref<10112x128xf32, #tpu.memory_space<vmem_shared>>
      tpu.wait_indirect_dma semaphore(%arg10 : memref<!tpu.dma_semaphore, #tpu.memory_space<semaphore_mem>>) src(%arg9 : memref<128x128xf32, #tpu.memory_space<vmem>>) dst(%dma_wait3A_56 : memref<10112x128xf32, #tpu.memory_space<vmem_shared>>)
      %dma_wait3A_57 = arith.constant 0 : i32
      %dma_wait3A_58 = tpu.memref_slice %arg8[%add3A_29, %dma_wait3A_57] : memref<40x128xi32, #tpu.memory_space<vmem>> -> memref<1x128xi32, #tpu.memory_space<vmem>>
      %dma_wait3A_59 = tpu.memref_squeeze %dma_wait3A_58 : memref<1x128xi32, #tpu.memory_space<vmem>> -> memref<128xi32, #tpu.memory_space<vmem>>
      %dma_wait3A_60 = arith.constant 0 : i32
      %dma_wait3A_61 = arith.constant 0 : i32
      %dma_wait3A_62 = tpu.memref_slice %arg7[%dma_wait3A_60, %dma_wait3A_61] : memref<10112x128xf32, #tpu.memory_space<vmem_shared>> -> memref<10112x128xf32, #tpu.memory_space<vmem_shared>>
      tpu.wait_indirect_dma semaphore(%arg11 : memref<!tpu.dma_semaphore, #tpu.memory_space<semaphore_mem>>) src(%arg9 : memref<128x128xf32, #tpu.memory_space<vmem>>) dst(%dma_wait3A_62 : memref<10112x128xf32, #tpu.memory_space<vmem_shared>>)
      %dma_wait3A_63 = arith.constant 0 : i32
      %dma_wait3A_64 = tpu.memref_slice %arg8[%add3A_37, %dma_wait3A_63] : memref<40x128xi32, #tpu.memory_space<vmem>> -> memref<1x128xi32, #tpu.memory_space<vmem>>
      %dma_wait3A_65 = tpu.memref_squeeze %dma_wait3A_64 : memref<1x128xi32, #tpu.memory_space<vmem>> -> memref<128xi32, #tpu.memory_space<vmem>>
      %dma_wait3A_66 = arith.constant 0 : i32
      %dma_wait3A_67 = arith.constant 0 : i32
      %dma_wait3A_68 = tpu.memref_slice %arg7[%dma_wait3A_66, %dma_wait3A_67] : memref<10112x128xf32, #tpu.memory_space<vmem_shared>> -> memref<10112x128xf32, #tpu.memory_space<vmem_shared>>
      tpu.wait_indirect_dma semaphore(%arg12 : memref<!tpu.dma_semaphore, #tpu.memory_space<semaphore_mem>>) src(%arg9 : memref<128x128xf32, #tpu.memory_space<vmem>>) dst(%dma_wait3A_68 : memref<10112x128xf32, #tpu.memory_space<vmem_shared>>)
      %dma_wait3A_69 = arith.constant 0 : i32
      %dma_wait3A_70 = tpu.memref_slice %arg8[%add3A_45, %dma_wait3A_69] : memref<40x128xi32, #tpu.memory_space<vmem>> -> memref<1x128xi32, #tpu.memory_space<vmem>>
      %dma_wait3A_71 = tpu.memref_squeeze %dma_wait3A_70 : memref<1x128xi32, #tpu.memory_space<vmem>> -> memref<128xi32, #tpu.memory_space<vmem>>
      %dma_wait3A_72 = arith.constant 0 : i32
      %dma_wait3A_73 = arith.constant 0 : i32
      %dma_wait3A_74 = tpu.memref_slice %arg7[%dma_wait3A_72, %dma_wait3A_73] : memref<10112x128xf32, #tpu.memory_space<vmem_shared>> -> memref<10112x128xf32, #tpu.memory_space<vmem_shared>>
      tpu.wait_indirect_dma semaphore(%arg13 : memref<!tpu.dma_semaphore, #tpu.memory_space<semaphore_mem>>) src(%arg9 : memref<128x128xf32, #tpu.memory_space<vmem>>) dst(%dma_wait3A_74 : memref<10112x128xf32, #tpu.memory_space<vmem_shared>>)
    }
    %scan3A_8 = arith.constant 10 : i32
    %barrier3A_9 = arith.constant 0 : index
    tpu.barrier barrier_id(%barrier3A_9)
    %eq3A = arith.constant 0 : i32
    %eq3A_10 = arith.cmpi eq, %arg0, %eq3A : i32
    %convert_element_type3A = arith.extui %eq3A_10 : i1 to i32
    %cond3A = arith.constant 0 : i32
    %cond3A_11 = arith.cmpi ne, %convert_element_type3A, %cond3A : i32
    scf.if %cond3A_11 {
      %mul3A_16 = arith.constant 632 : i32
      %mul3A_17 = arith.muli %arg1, %mul3A_16 : i32
      %mul3A_18 = arith.constant 632 : i32
      %mul3A_19 = arith.muli %arg1, %mul3A_18 : i32
      "tpu.region"() ({
        %run_scoped3A = tpu.sem_alloc : memref<!tpu.dma_semaphore, #tpu.memory_space<semaphore_mem>>
        %dma_start3A = arith.constant 0 : i32
        %dma_start3A_20 = tpu.memref_slice %arg5[%mul3A_19, %dma_start3A] : memref<10112x128xf32, #tpu.memory_space<hbm>> -> memref<632x128xf32, #tpu.memory_space<hbm>>
        %dma_start3A_21 = arith.constant 0 : i32
        %dma_start3A_22 = tpu.memref_slice %arg7[%mul3A_17, %dma_start3A_21] : memref<10112x128xf32, #tpu.memory_space<vmem_shared>> -> memref<632x128xf32, #tpu.memory_space<vmem_shared>>
        tpu.enqueue_dma source(%dma_start3A_22 : memref<632x128xf32, #tpu.memory_space<vmem_shared>>) target(%dma_start3A_20 : memref<632x128xf32, #tpu.memory_space<hbm>>) target_semaphore(%run_scoped3A : memref<!tpu.dma_semaphore, #tpu.memory_space<semaphore_mem>>)
        %dma_wait3A = arith.constant 0 : i32
        %dma_wait3A_23 = tpu.memref_slice %arg5[%mul3A_19, %dma_wait3A] : memref<10112x128xf32, #tpu.memory_space<hbm>> -> memref<632x128xf32, #tpu.memory_space<hbm>>
        %dma_wait3A_24 = arith.constant 0 : i32
        %dma_wait3A_25 = tpu.memref_slice %arg7[%mul3A_17, %dma_wait3A_24] : memref<10112x128xf32, #tpu.memory_space<vmem_shared>> -> memref<632x128xf32, #tpu.memory_space<vmem_shared>>
        tpu.wait_dma2 semaphore(%run_scoped3A : memref<!tpu.dma_semaphore, #tpu.memory_space<semaphore_mem>>) src(%dma_wait3A_25 : memref<632x128xf32, #tpu.memory_space<vmem_shared>>) dst(%dma_wait3A_23 : memref<632x128xf32, #tpu.memory_space<hbm>>)
        tpu.yield
      }) : () -> ()
    } else {
    }
    %ne3A = arith.constant 0 : i32
    %ne3A_12 = arith.cmpi ne, %arg0, %ne3A : i32
    %convert_element_type3A_13 = arith.extui %ne3A_12 : i1 to i32
    %cond3A_14 = arith.constant 0 : i32
    %cond3A_15 = arith.cmpi ne, %convert_element_type3A_13, %cond3A_14 : i32
    scf.if %cond3A_15 {
      %mul3A_16 = arith.constant 632 : i32
      %mul3A_17 = arith.muli %arg1, %mul3A_16 : i32
      %mul3A_18 = arith.constant 632 : i32
      %mul3A_19 = arith.muli %arg1, %mul3A_18 : i32
      "tpu.region"() ({
        %run_scoped3A = tpu.sem_alloc : memref<!tpu.dma_semaphore, #tpu.memory_space<semaphore_mem>>
        %dma_start3A = arith.constant 0 : i32
        %dma_start3A_20 = tpu.memref_slice %arg6[%mul3A_19, %dma_start3A] : memref<10112x128xf32, #tpu.memory_space<hbm>> -> memref<632x128xf32, #tpu.memory_space<hbm>>
        %dma_start3A_21 = arith.constant 0 : i32
        %dma_start3A_22 = tpu.memref_slice %arg7[%mul3A_17, %dma_start3A_21] : memref<10112x128xf32, #tpu.memory_space<vmem_shared>> -> memref<632x128xf32, #tpu.memory_space<vmem_shared>>
        tpu.enqueue_dma source(%dma_start3A_22 : memref<632x128xf32, #tpu.memory_space<vmem_shared>>) target(%dma_start3A_20 : memref<632x128xf32, #tpu.memory_space<hbm>>) target_semaphore(%run_scoped3A : memref<!tpu.dma_semaphore, #tpu.memory_space<semaphore_mem>>)
        %dma_wait3A = arith.constant 0 : i32
        %dma_wait3A_23 = tpu.memref_slice %arg6[%mul3A_19, %dma_wait3A] : memref<10112x128xf32, #tpu.memory_space<hbm>> -> memref<632x128xf32, #tpu.memory_space<hbm>>
        %dma_wait3A_24 = arith.constant 0 : i32
        %dma_wait3A_25 = tpu.memref_slice %arg7[%mul3A_17, %dma_wait3A_24] : memref<10112x128xf32, #tpu.memory_space<vmem_shared>> -> memref<632x128xf32, #tpu.memory_space<vmem_shared>>
        tpu.wait_dma2 semaphore(%run_scoped3A : memref<!tpu.dma_semaphore, #tpu.memory_space<semaphore_mem>>) src(%dma_wait3A_25 : memref<632x128xf32, #tpu.memory_space<vmem_shared>>) dst(%dma_wait3A_23 : memref<632x128xf32, #tpu.memory_space<hbm>>)
        tpu.yield
      }) : () -> ()
    } else {
    }
    return
  }
}

#map = affine_map<(d0, d1) -> (0, 0)>
module attributes {stable_mosaic.version = 14 : i64} {
  func.func @k(%arg0: i32, %arg1: i32, %arg2: memref<10000x128xf32, #tpu.memory_space<hbm>>, %arg3: memref<10000x128xf32, #tpu.memory_space<hbm>>, %arg4: memref<1280x128xi32, #tpu.memory_space<hbm>>, %arg5: memref<1280x128xi32, #tpu.memory_space<hbm>>, %arg6: memref<632x128xf32, #tpu.memory_space<hbm>>, %arg7: memref<10112x128xf32, #tpu.memory_space<hbm>>, %arg8: memref<10112x128xf32, #tpu.memory_space<hbm>>, %arg9: memref<10112x128xf32, #tpu.memory_space<vmem_shared>>, %arg10: memref<80x128xi32, #tpu.memory_space<vmem>>, %arg11: memref<8x128xi32, #tpu.memory_space<vmem>>, %arg12: memref<128x128xf32, #tpu.memory_space<vmem>>, %arg13: memref<128x128xf32, #tpu.memory_space<vmem>>, %arg14: memref<!tpu.dma_semaphore, #tpu.memory_space<semaphore_mem>>, %arg15: memref<!tpu.dma_semaphore, #tpu.memory_space<semaphore_mem>>, %arg16: memref<!tpu.dma_semaphore, #tpu.memory_space<semaphore_mem>>, %arg17: memref<!tpu.dma_semaphore, #tpu.memory_space<semaphore_mem>>, %arg18: memref<!tpu.dma_semaphore, #tpu.memory_space<semaphore_mem>>) attributes {dimension_semantics = [#tpu.dimension_semantics<core_parallel>, #tpu.dimension_semantics<subcore_parallel>], iteration_bounds = array<i64: 2, 16>, scalar_prefetch = 0 : i64, scratch_operands = 10 : i64, tpu.core_type = #tpu.core_type<sc_vector_subcore>, window_params = [{transform_indices = #map}, {transform_indices = #map}, {transform_indices = #map}, {transform_indices = #map}, {transform_indices = #map}, {transform_indices = #map}, {transform_indices = #map}]} {
    %mul3A = arith.constant 632 : i32
    %mul3A_0 = arith.muli %arg1, %mul3A : i32
    %dma_start3A = arith.constant 0 : i32
    %dma_start3A_1 = tpu.memref_slice %arg9[%mul3A_0, %dma_start3A] : memref<10112x128xf32, #tpu.memory_space<vmem_shared>> -> memref<632x128xf32, #tpu.memory_space<vmem_shared>>
    tpu.enqueue_dma source(%arg6 : memref<632x128xf32, #tpu.memory_space<hbm>>) target(%dma_start3A_1 : memref<632x128xf32, #tpu.memory_space<vmem_shared>>) target_semaphore(%arg18 : memref<!tpu.dma_semaphore, #tpu.memory_space<semaphore_mem>>)
    %mul3A_2 = arith.constant 80 : i32
    %mul3A_3 = arith.muli %arg1, %mul3A_2 : i32
    "tpu.region"() ({
      %run_scoped3A = tpu.sem_alloc : memref<!tpu.dma_semaphore, #tpu.memory_space<semaphore_mem>>
      %dma_start3A_10 = arith.constant 0 : i32
      %dma_start3A_11 = tpu.memref_slice %arg4[%mul3A_3, %dma_start3A_10] : memref<1280x128xi32, #tpu.memory_space<hbm>> -> memref<80x128xi32, #tpu.memory_space<hbm>>
      %dma_start3A_12 = arith.constant 0 : i32
      %dma_start3A_13 = tpu.memref_slice %arg4[%mul3A_3, %dma_start3A_12] : memref<1280x128xi32, #tpu.memory_space<hbm>> -> memref<80x128xi32, #tpu.memory_space<hbm>>
      tpu.enqueue_dma source(%dma_start3A_13 : memref<80x128xi32, #tpu.memory_space<hbm>>) target(%arg10 : memref<80x128xi32, #tpu.memory_space<vmem>>) target_semaphore(%run_scoped3A : memref<!tpu.dma_semaphore, #tpu.memory_space<semaphore_mem>>)
      %dma_wait3A = arith.constant 0 : i32
      %dma_wait3A_14 = tpu.memref_slice %arg4[%mul3A_3, %dma_wait3A] : memref<1280x128xi32, #tpu.memory_space<hbm>> -> memref<80x128xi32, #tpu.memory_space<hbm>>
      %dma_wait3A_15 = arith.constant 0 : i32
      %dma_wait3A_16 = tpu.memref_slice %arg4[%mul3A_3, %dma_wait3A_15] : memref<1280x128xi32, #tpu.memory_space<hbm>> -> memref<80x128xi32, #tpu.memory_space<hbm>>
      tpu.wait_dma2 semaphore(%run_scoped3A : memref<!tpu.dma_semaphore, #tpu.memory_space<semaphore_mem>>) src(%dma_wait3A_16 : memref<80x128xi32, #tpu.memory_space<hbm>>) dst(%arg10 : memref<80x128xi32, #tpu.memory_space<vmem>>)
      tpu.yield
    }) : () -> ()
    %eq3A = arith.constant 0 : i32
    %eq3A_4 = arith.cmpi eq, %arg0, %eq3A : i32
    %convert_element_type3A = arith.extui %eq3A_4 : i1 to i32
    %cond3A = arith.constant 0 : i32
    %cond3A_5 = arith.cmpi ne, %convert_element_type3A, %cond3A : i32
    scf.if %cond3A_5 {
      %dma_start3A_10 = arith.constant 0 : i32
      %dma_start3A_11 = arith.constant 0 : i32
      %dma_start3A_12 = tpu.memref_slice %arg10[%dma_start3A_10, %dma_start3A_11] : memref<80x128xi32, #tpu.memory_space<vmem>> -> memref<1x128xi32, #tpu.memory_space<vmem>>
      %dma_start3A_13 = tpu.memref_squeeze %dma_start3A_12 : memref<1x128xi32, #tpu.memory_space<vmem>> -> memref<128xi32, #tpu.memory_space<vmem>>
      %dma_start3A_14 = arith.constant 0 : i32
      %dma_start3A_15 = arith.constant 0 : i32
      %dma_start3A_16 = tpu.memref_slice %arg2[%dma_start3A_14, %dma_start3A_15] : memref<10000x128xf32, #tpu.memory_space<hbm>> -> memref<10000x128xf32, #tpu.memory_space<hbm>>
      tpu.enqueue_indirect_dma source(%dma_start3A_16 : memref<10000x128xf32, #tpu.memory_space<hbm>>) target(%arg12 : memref<128x128xf32, #tpu.memory_space<vmem>>) offsets(%dma_start3A_13 : memref<128xi32, #tpu.memory_space<vmem>>) semaphore(%arg14 : memref<!tpu.dma_semaphore, #tpu.memory_space<semaphore_mem>>)
      %dma_start3A_17 = arith.constant 1 : i32
      %dma_start3A_18 = arith.constant 0 : i32
      %dma_start3A_19 = tpu.memref_slice %arg10[%dma_start3A_17, %dma_start3A_18] : memref<80x128xi32, #tpu.memory_space<vmem>> -> memref<1x128xi32, #tpu.memory_space<vmem>>
      %dma_start3A_20 = tpu.memref_squeeze %dma_start3A_19 : memref<1x128xi32, #tpu.memory_space<vmem>> -> memref<128xi32, #tpu.memory_space<vmem>>
      %dma_start3A_21 = arith.constant 0 : i32
      %dma_start3A_22 = arith.constant 0 : i32
      %dma_start3A_23 = tpu.memref_slice %arg2[%dma_start3A_21, %dma_start3A_22] : memref<10000x128xf32, #tpu.memory_space<hbm>> -> memref<10000x128xf32, #tpu.memory_space<hbm>>
      tpu.enqueue_indirect_dma source(%dma_start3A_23 : memref<10000x128xf32, #tpu.memory_space<hbm>>) target(%arg13 : memref<128x128xf32, #tpu.memory_space<vmem>>) offsets(%dma_start3A_20 : memref<128xi32, #tpu.memory_space<vmem>>) semaphore(%arg15 : memref<!tpu.dma_semaphore, #tpu.memory_space<semaphore_mem>>)
      %dma_wait3A = arith.constant 0 : i32
      %dma_wait3A_24 = tpu.memref_slice %arg9[%mul3A_0, %dma_wait3A] : memref<10112x128xf32, #tpu.memory_space<vmem_shared>> -> memref<632x128xf32, #tpu.memory_space<vmem_shared>>
      tpu.wait_dma2 semaphore(%arg18 : memref<!tpu.dma_semaphore, #tpu.memory_space<semaphore_mem>>) src(%arg6 : memref<632x128xf32, #tpu.memory_space<hbm>>) dst(%dma_wait3A_24 : memref<632x128xf32, #tpu.memory_space<vmem_shared>>)
      %barrier3A = arith.constant 0 : index
      tpu.barrier barrier_id(%barrier3A)
      %scan3A = arith.constant 0 : i32
      %scan3A_25 = arith.constant 10 : i32
      %scan3A_26 = arith.addi %scan3A, %scan3A_25 : i32
      %scan3A_27 = arith.constant 1 : i32
      scf.for %scan3A_34 = %scan3A to %scan3A_26 step %scan3A_27  : i32 {
        %mul3A_35 = arith.constant 1 : i32
        %mul3A_36 = arith.muli %scan3A_34, %mul3A_35 : i32
        %add3A = arith.constant 0 : i32
        %add3A_37 = arith.addi %add3A, %mul3A_36 : i32
        %mul3A_38 = arith.constant 8 : i32
        %mul3A_39 = arith.muli %add3A_37, %mul3A_38 : i32
        %mul3A_40 = arith.constant 80 : i32
        %mul3A_41 = arith.muli %arg1, %mul3A_40 : i32
        %add3A_42 = arith.addi %mul3A_41, %mul3A_39 : i32
        "tpu.region"() ({
          %run_scoped3A = tpu.sem_alloc : memref<!tpu.dma_semaphore, #tpu.memory_space<semaphore_mem>>
          %dma_start3A_322 = arith.constant 0 : i32
          %dma_start3A_323 = tpu.memref_slice %arg5[%add3A_42, %dma_start3A_322] : memref<1280x128xi32, #tpu.memory_space<hbm>> -> memref<8x128xi32, #tpu.memory_space<hbm>>
          %dma_start3A_324 = arith.constant 0 : i32
          %dma_start3A_325 = tpu.memref_slice %arg5[%add3A_42, %dma_start3A_324] : memref<1280x128xi32, #tpu.memory_space<hbm>> -> memref<8x128xi32, #tpu.memory_space<hbm>>
          tpu.enqueue_dma source(%dma_start3A_325 : memref<8x128xi32, #tpu.memory_space<hbm>>) target(%arg11 : memref<8x128xi32, #tpu.memory_space<vmem>>) target_semaphore(%run_scoped3A : memref<!tpu.dma_semaphore, #tpu.memory_space<semaphore_mem>>)
          %dma_wait3A_326 = arith.constant 0 : i32
          %dma_wait3A_327 = tpu.memref_slice %arg5[%add3A_42, %dma_wait3A_326] : memref<1280x128xi32, #tpu.memory_space<hbm>> -> memref<8x128xi32, #tpu.memory_space<hbm>>
          %dma_wait3A_328 = arith.constant 0 : i32
          %dma_wait3A_329 = tpu.memref_slice %arg5[%add3A_42, %dma_wait3A_328] : memref<1280x128xi32, #tpu.memory_space<hbm>> -> memref<8x128xi32, #tpu.memory_space<hbm>>
          tpu.wait_dma2 semaphore(%run_scoped3A : memref<!tpu.dma_semaphore, #tpu.memory_space<semaphore_mem>>) src(%dma_wait3A_329 : memref<8x128xi32, #tpu.memory_space<hbm>>) dst(%arg11 : memref<8x128xi32, #tpu.memory_space<vmem>>)
          tpu.yield
        }) : () -> ()
        %add3A_43 = arith.constant 0 : i32
        %add3A_44 = arith.addi %mul3A_39, %add3A_43 : i32
        %add3A_45 = arith.constant 0 : i32
        %add3A_46 = arith.addi %add3A_44, %add3A_45 : i32
        %dma_wait3A_47 = arith.constant 0 : i32
        %dma_wait3A_48 = tpu.memref_slice %arg10[%add3A_46, %dma_wait3A_47] : memref<80x128xi32, #tpu.memory_space<vmem>> -> memref<1x128xi32, #tpu.memory_space<vmem>>
        %dma_wait3A_49 = tpu.memref_squeeze %dma_wait3A_48 : memref<1x128xi32, #tpu.memory_space<vmem>> -> memref<128xi32, #tpu.memory_space<vmem>>
        %dma_wait3A_50 = arith.constant 0 : i32
        %dma_wait3A_51 = arith.constant 0 : i32
        %dma_wait3A_52 = tpu.memref_slice %arg2[%dma_wait3A_50, %dma_wait3A_51] : memref<10000x128xf32, #tpu.memory_space<hbm>> -> memref<10000x128xf32, #tpu.memory_space<hbm>>
        tpu.wait_indirect_dma semaphore(%arg14 : memref<!tpu.dma_semaphore, #tpu.memory_space<semaphore_mem>>) src(%dma_wait3A_52 : memref<10000x128xf32, #tpu.memory_space<hbm>>) dst(%arg12 : memref<128x128xf32, #tpu.memory_space<vmem>>)
        %dma_start3A_53 = arith.constant 0 : i32
        %dma_start3A_54 = arith.constant 0 : i32
        %dma_start3A_55 = tpu.memref_slice %arg11[%dma_start3A_53, %dma_start3A_54] : memref<8x128xi32, #tpu.memory_space<vmem>> -> memref<1x128xi32, #tpu.memory_space<vmem>>
        %dma_start3A_56 = tpu.memref_squeeze %dma_start3A_55 : memref<1x128xi32, #tpu.memory_space<vmem>> -> memref<128xi32, #tpu.memory_space<vmem>>
        %dma_start3A_57 = arith.constant 0 : i32
        %dma_start3A_58 = arith.constant 0 : i32
        %dma_start3A_59 = tpu.memref_slice %arg9[%dma_start3A_57, %dma_start3A_58] : memref<10112x128xf32, #tpu.memory_space<vmem_shared>> -> memref<10112x128xf32, #tpu.memory_space<vmem_shared>>
        tpu.enqueue_indirect_dma source(%arg12 : memref<128x128xf32, #tpu.memory_space<vmem>>) target(%dma_start3A_59 : memref<10112x128xf32, #tpu.memory_space<vmem_shared>>) offsets(%dma_start3A_56 : memref<128xi32, #tpu.memory_space<vmem>>) semaphore(%arg16 : memref<!tpu.dma_semaphore, #tpu.memory_space<semaphore_mem>>) {add = true}
        %add3A_60 = arith.constant 0 : i32
        %add3A_61 = arith.addi %mul3A_39, %add3A_60 : i32
        %add3A_62 = arith.constant 1 : i32
        %add3A_63 = arith.addi %add3A_61, %add3A_62 : i32
        %dma_wait3A_64 = arith.constant 0 : i32
        %dma_wait3A_65 = tpu.memref_slice %arg10[%add3A_63, %dma_wait3A_64] : memref<80x128xi32, #tpu.memory_space<vmem>> -> memref<1x128xi32, #tpu.memory_space<vmem>>
        %dma_wait3A_66 = tpu.memref_squeeze %dma_wait3A_65 : memref<1x128xi32, #tpu.memory_space<vmem>> -> memref<128xi32, #tpu.memory_space<vmem>>
        %dma_wait3A_67 = arith.constant 0 : i32
        %dma_wait3A_68 = arith.constant 0 : i32
        %dma_wait3A_69 = tpu.memref_slice %arg2[%dma_wait3A_67, %dma_wait3A_68] : memref<10000x128xf32, #tpu.memory_space<hbm>> -> memref<10000x128xf32, #tpu.memory_space<hbm>>
        tpu.wait_indirect_dma semaphore(%arg15 : memref<!tpu.dma_semaphore, #tpu.memory_space<semaphore_mem>>) src(%dma_wait3A_69 : memref<10000x128xf32, #tpu.memory_space<hbm>>) dst(%arg13 : memref<128x128xf32, #tpu.memory_space<vmem>>)
        %dma_start3A_70 = arith.constant 1 : i32
        %dma_start3A_71 = arith.constant 0 : i32
        %dma_start3A_72 = tpu.memref_slice %arg11[%dma_start3A_70, %dma_start3A_71] : memref<8x128xi32, #tpu.memory_space<vmem>> -> memref<1x128xi32, #tpu.memory_space<vmem>>
        %dma_start3A_73 = tpu.memref_squeeze %dma_start3A_72 : memref<1x128xi32, #tpu.memory_space<vmem>> -> memref<128xi32, #tpu.memory_space<vmem>>
        %dma_start3A_74 = arith.constant 0 : i32
        %dma_start3A_75 = arith.constant 0 : i32
        %dma_start3A_76 = tpu.memref_slice %arg9[%dma_start3A_74, %dma_start3A_75] : memref<10112x128xf32, #tpu.memory_space<vmem_shared>> -> memref<10112x128xf32, #tpu.memory_space<vmem_shared>>
        tpu.enqueue_indirect_dma source(%arg13 : memref<128x128xf32, #tpu.memory_space<vmem>>) target(%dma_start3A_76 : memref<10112x128xf32, #tpu.memory_space<vmem_shared>>) offsets(%dma_start3A_73 : memref<128xi32, #tpu.memory_space<vmem>>) semaphore(%arg17 : memref<!tpu.dma_semaphore, #tpu.memory_space<semaphore_mem>>) {add = true}
        %dma_wait3A_77 = arith.constant 0 : i32
        %dma_wait3A_78 = arith.constant 0 : i32
        %dma_wait3A_79 = tpu.memref_slice %arg11[%dma_wait3A_77, %dma_wait3A_78] : memref<8x128xi32, #tpu.memory_space<vmem>> -> memref<1x128xi32, #tpu.memory_space<vmem>>
        %dma_wait3A_80 = tpu.memref_squeeze %dma_wait3A_79 : memref<1x128xi32, #tpu.memory_space<vmem>> -> memref<128xi32, #tpu.memory_space<vmem>>
        %dma_wait3A_81 = arith.constant 0 : i32
        %dma_wait3A_82 = arith.constant 0 : i32
        %dma_wait3A_83 = tpu.memref_slice %arg9[%dma_wait3A_81, %dma_wait3A_82] : memref<10112x128xf32, #tpu.memory_space<vmem_shared>> -> memref<10112x128xf32, #tpu.memory_space<vmem_shared>>
        tpu.wait_indirect_dma semaphore(%arg16 : memref<!tpu.dma_semaphore, #tpu.memory_space<semaphore_mem>>) src(%arg12 : memref<128x128xf32, #tpu.memory_space<vmem>>) dst(%dma_wait3A_83 : memref<10112x128xf32, #tpu.memory_space<vmem_shared>>)
        %add3A_84 = arith.constant 0 : i32
        %add3A_85 = arith.addi %mul3A_39, %add3A_84 : i32
        %add3A_86 = arith.constant 2 : i32
        %add3A_87 = arith.addi %add3A_85, %add3A_86 : i32
        %add3A_88 = arith.constant 0 : i32
        %add3A_89 = arith.addi %add3A_87, %add3A_88 : i32
        %lt3A = arith.constant 80 : i32
        %lt3A_90 = arith.cmpi slt, %add3A_89, %lt3A : i32
        %convert_element_type3A_91 = arith.extui %lt3A_90 : i1 to i32
        %cond3A_92 = arith.constant 0 : i32
        %cond3A_93 = arith.cmpi ne, %convert_element_type3A_91, %cond3A_92 : i32
        scf.if %cond3A_93 {
          %add3A_322 = arith.constant 0 : i32
          %add3A_323 = arith.addi %mul3A_39, %add3A_322 : i32
          %add3A_324 = arith.constant 2 : i32
          %add3A_325 = arith.addi %add3A_323, %add3A_324 : i32
          %add3A_326 = arith.constant 0 : i32
          %add3A_327 = arith.addi %add3A_325, %add3A_326 : i32
          %dma_start3A_328 = arith.constant 0 : i32
          %dma_start3A_329 = tpu.memref_slice %arg10[%add3A_327, %dma_start3A_328] : memref<80x128xi32, #tpu.memory_space<vmem>> -> memref<1x128xi32, #tpu.memory_space<vmem>>
          %dma_start3A_330 = tpu.memref_squeeze %dma_start3A_329 : memref<1x128xi32, #tpu.memory_space<vmem>> -> memref<128xi32, #tpu.memory_space<vmem>>
          %dma_start3A_331 = arith.constant 0 : i32
          %dma_start3A_332 = arith.constant 0 : i32
          %dma_start3A_333 = tpu.memref_slice %arg2[%dma_start3A_331, %dma_start3A_332] : memref<10000x128xf32, #tpu.memory_space<hbm>> -> memref<10000x128xf32, #tpu.memory_space<hbm>>
          tpu.enqueue_indirect_dma source(%dma_start3A_333 : memref<10000x128xf32, #tpu.memory_space<hbm>>) target(%arg12 : memref<128x128xf32, #tpu.memory_space<vmem>>) offsets(%dma_start3A_330 : memref<128xi32, #tpu.memory_space<vmem>>) semaphore(%arg14 : memref<!tpu.dma_semaphore, #tpu.memory_space<semaphore_mem>>)
        } else {
        }
        %dma_wait3A_94 = arith.constant 1 : i32
        %dma_wait3A_95 = arith.constant 0 : i32
        %dma_wait3A_96 = tpu.memref_slice %arg11[%dma_wait3A_94, %dma_wait3A_95] : memref<8x128xi32, #tpu.memory_space<vmem>> -> memref<1x128xi32, #tpu.memory_space<vmem>>
        %dma_wait3A_97 = tpu.memref_squeeze %dma_wait3A_96 : memref<1x128xi32, #tpu.memory_space<vmem>> -> memref<128xi32, #tpu.memory_space<vmem>>
        %dma_wait3A_98 = arith.constant 0 : i32
        %dma_wait3A_99 = arith.constant 0 : i32
        %dma_wait3A_100 = tpu.memref_slice %arg9[%dma_wait3A_98, %dma_wait3A_99] : memref<10112x128xf32, #tpu.memory_space<vmem_shared>> -> memref<10112x128xf32, #tpu.memory_space<vmem_shared>>
        tpu.wait_indirect_dma semaphore(%arg17 : memref<!tpu.dma_semaphore, #tpu.memory_space<semaphore_mem>>) src(%arg13 : memref<128x128xf32, #tpu.memory_space<vmem>>) dst(%dma_wait3A_100 : memref<10112x128xf32, #tpu.memory_space<vmem_shared>>)
        %add3A_101 = arith.constant 0 : i32
        %add3A_102 = arith.addi %mul3A_39, %add3A_101 : i32
        %add3A_103 = arith.constant 2 : i32
        %add3A_104 = arith.addi %add3A_102, %add3A_103 : i32
        %add3A_105 = arith.constant 1 : i32
        %add3A_106 = arith.addi %add3A_104, %add3A_105 : i32
        %lt3A_107 = arith.constant 80 : i32
        %lt3A_108 = arith.cmpi slt, %add3A_106, %lt3A_107 : i32
        %convert_element_type3A_109 = arith.extui %lt3A_108 : i1 to i32
        %cond3A_110 = arith.constant 0 : i32
        %cond3A_111 = arith.cmpi ne, %convert_element_type3A_109, %cond3A_110 : i32
        scf.if %cond3A_111 {
          %add3A_322 = arith.constant 0 : i32
          %add3A_323 = arith.addi %mul3A_39, %add3A_322 : i32
          %add3A_324 = arith.constant 2 : i32
          %add3A_325 = arith.addi %add3A_323, %add3A_324 : i32
          %add3A_326 = arith.constant 1 : i32
          %add3A_327 = arith.addi %add3A_325, %add3A_326 : i32
          %dma_start3A_328 = arith.constant 0 : i32
          %dma_start3A_329 = tpu.memref_slice %arg10[%add3A_327, %dma_start3A_328] : memref<80x128xi32, #tpu.memory_space<vmem>> -> memref<1x128xi32, #tpu.memory_space<vmem>>
          %dma_start3A_330 = tpu.memref_squeeze %dma_start3A_329 : memref<1x128xi32, #tpu.memory_space<vmem>> -> memref<128xi32, #tpu.memory_space<vmem>>
          %dma_start3A_331 = arith.constant 0 : i32
          %dma_start3A_332 = arith.constant 0 : i32
          %dma_start3A_333 = tpu.memref_slice %arg2[%dma_start3A_331, %dma_start3A_332] : memref<10000x128xf32, #tpu.memory_space<hbm>> -> memref<10000x128xf32, #tpu.memory_space<hbm>>
          tpu.enqueue_indirect_dma source(%dma_start3A_333 : memref<10000x128xf32, #tpu.memory_space<hbm>>) target(%arg13 : memref<128x128xf32, #tpu.memory_space<vmem>>) offsets(%dma_start3A_330 : memref<128xi32, #tpu.memory_space<vmem>>) semaphore(%arg15 : memref<!tpu.dma_semaphore, #tpu.memory_space<semaphore_mem>>)
        } else {
        }
        %add3A_112 = arith.constant 2 : i32
        %add3A_113 = arith.addi %mul3A_39, %add3A_112 : i32
        %add3A_114 = arith.constant 0 : i32
        %add3A_115 = arith.addi %add3A_113, %add3A_114 : i32
        %dma_wait3A_116 = arith.constant 0 : i32
        %dma_wait3A_117 = tpu.memref_slice %arg10[%add3A_115, %dma_wait3A_116] : memref<80x128xi32, #tpu.memory_space<vmem>> -> memref<1x128xi32, #tpu.memory_space<vmem>>
        %dma_wait3A_118 = tpu.memref_squeeze %dma_wait3A_117 : memref<1x128xi32, #tpu.memory_space<vmem>> -> memref<128xi32, #tpu.memory_space<vmem>>
        %dma_wait3A_119 = arith.constant 0 : i32
        %dma_wait3A_120 = arith.constant 0 : i32
        %dma_wait3A_121 = tpu.memref_slice %arg2[%dma_wait3A_119, %dma_wait3A_120] : memref<10000x128xf32, #tpu.memory_space<hbm>> -> memref<10000x128xf32, #tpu.memory_space<hbm>>
        tpu.wait_indirect_dma semaphore(%arg14 : memref<!tpu.dma_semaphore, #tpu.memory_space<semaphore_mem>>) src(%dma_wait3A_121 : memref<10000x128xf32, #tpu.memory_space<hbm>>) dst(%arg12 : memref<128x128xf32, #tpu.memory_space<vmem>>)
        %dma_start3A_122 = arith.constant 2 : i32
        %dma_start3A_123 = arith.constant 0 : i32
        %dma_start3A_124 = tpu.memref_slice %arg11[%dma_start3A_122, %dma_start3A_123] : memref<8x128xi32, #tpu.memory_space<vmem>> -> memref<1x128xi32, #tpu.memory_space<vmem>>
        %dma_start3A_125 = tpu.memref_squeeze %dma_start3A_124 : memref<1x128xi32, #tpu.memory_space<vmem>> -> memref<128xi32, #tpu.memory_space<vmem>>
        %dma_start3A_126 = arith.constant 0 : i32
        %dma_start3A_127 = arith.constant 0 : i32
        %dma_start3A_128 = tpu.memref_slice %arg9[%dma_start3A_126, %dma_start3A_127] : memref<10112x128xf32, #tpu.memory_space<vmem_shared>> -> memref<10112x128xf32, #tpu.memory_space<vmem_shared>>
        tpu.enqueue_indirect_dma source(%arg12 : memref<128x128xf32, #tpu.memory_space<vmem>>) target(%dma_start3A_128 : memref<10112x128xf32, #tpu.memory_space<vmem_shared>>) offsets(%dma_start3A_125 : memref<128xi32, #tpu.memory_space<vmem>>) semaphore(%arg16 : memref<!tpu.dma_semaphore, #tpu.memory_space<semaphore_mem>>) {add = true}
        %add3A_129 = arith.constant 2 : i32
        %add3A_130 = arith.addi %mul3A_39, %add3A_129 : i32
        %add3A_131 = arith.constant 1 : i32
        %add3A_132 = arith.addi %add3A_130, %add3A_131 : i32
        %dma_wait3A_133 = arith.constant 0 : i32
        %dma_wait3A_134 = tpu.memref_slice %arg10[%add3A_132, %dma_wait3A_133] : memref<80x128xi32, #tpu.memory_space<vmem>> -> memref<1x128xi32, #tpu.memory_space<vmem>>
        %dma_wait3A_135 = tpu.memref_squeeze %dma_wait3A_134 : memref<1x128xi32, #tpu.memory_space<vmem>> -> memref<128xi32, #tpu.memory_space<vmem>>
        %dma_wait3A_136 = arith.constant 0 : i32
        %dma_wait3A_137 = arith.constant 0 : i32
        %dma_wait3A_138 = tpu.memref_slice %arg2[%dma_wait3A_136, %dma_wait3A_137] : memref<10000x128xf32, #tpu.memory_space<hbm>> -> memref<10000x128xf32, #tpu.memory_space<hbm>>
        tpu.wait_indirect_dma semaphore(%arg15 : memref<!tpu.dma_semaphore, #tpu.memory_space<semaphore_mem>>) src(%dma_wait3A_138 : memref<10000x128xf32, #tpu.memory_space<hbm>>) dst(%arg13 : memref<128x128xf32, #tpu.memory_space<vmem>>)
        %dma_start3A_139 = arith.constant 3 : i32
        %dma_start3A_140 = arith.constant 0 : i32
        %dma_start3A_141 = tpu.memref_slice %arg11[%dma_start3A_139, %dma_start3A_140] : memref<8x128xi32, #tpu.memory_space<vmem>> -> memref<1x128xi32, #tpu.memory_space<vmem>>
        %dma_start3A_142 = tpu.memref_squeeze %dma_start3A_141 : memref<1x128xi32, #tpu.memory_space<vmem>> -> memref<128xi32, #tpu.memory_space<vmem>>
        %dma_start3A_143 = arith.constant 0 : i32
        %dma_start3A_144 = arith.constant 0 : i32
        %dma_start3A_145 = tpu.memref_slice %arg9[%dma_start3A_143, %dma_start3A_144] : memref<10112x128xf32, #tpu.memory_space<vmem_shared>> -> memref<10112x128xf32, #tpu.memory_space<vmem_shared>>
        tpu.enqueue_indirect_dma source(%arg13 : memref<128x128xf32, #tpu.memory_space<vmem>>) target(%dma_start3A_145 : memref<10112x128xf32, #tpu.memory_space<vmem_shared>>) offsets(%dma_start3A_142 : memref<128xi32, #tpu.memory_space<vmem>>) semaphore(%arg17 : memref<!tpu.dma_semaphore, #tpu.memory_space<semaphore_mem>>) {add = true}
        %dma_wait3A_146 = arith.constant 2 : i32
        %dma_wait3A_147 = arith.constant 0 : i32
        %dma_wait3A_148 = tpu.memref_slice %arg11[%dma_wait3A_146, %dma_wait3A_147] : memref<8x128xi32, #tpu.memory_space<vmem>> -> memref<1x128xi32, #tpu.memory_space<vmem>>
        %dma_wait3A_149 = tpu.memref_squeeze %dma_wait3A_148 : memref<1x128xi32, #tpu.memory_space<vmem>> -> memref<128xi32, #tpu.memory_space<vmem>>
        %dma_wait3A_150 = arith.constant 0 : i32
        %dma_wait3A_151 = arith.constant 0 : i32
        %dma_wait3A_152 = tpu.memref_slice %arg9[%dma_wait3A_150, %dma_wait3A_151] : memref<10112x128xf32, #tpu.memory_space<vmem_shared>> -> memref<10112x128xf32, #tpu.memory_space<vmem_shared>>
        tpu.wait_indirect_dma semaphore(%arg16 : memref<!tpu.dma_semaphore, #tpu.memory_space<semaphore_mem>>) src(%arg12 : memref<128x128xf32, #tpu.memory_space<vmem>>) dst(%dma_wait3A_152 : memref<10112x128xf32, #tpu.memory_space<vmem_shared>>)
        %add3A_153 = arith.constant 2 : i32
        %add3A_154 = arith.addi %mul3A_39, %add3A_153 : i32
        %add3A_155 = arith.constant 2 : i32
        %add3A_156 = arith.addi %add3A_154, %add3A_155 : i32
        %add3A_157 = arith.constant 0 : i32
        %add3A_158 = arith.addi %add3A_156, %add3A_157 : i32
        %lt3A_159 = arith.constant 80 : i32
        %lt3A_160 = arith.cmpi slt, %add3A_158, %lt3A_159 : i32
        %convert_element_type3A_161 = arith.extui %lt3A_160 : i1 to i32
        %cond3A_162 = arith.constant 0 : i32
        %cond3A_163 = arith.cmpi ne, %convert_element_type3A_161, %cond3A_162 : i32
        scf.if %cond3A_163 {
          %add3A_322 = arith.constant 2 : i32
          %add3A_323 = arith.addi %mul3A_39, %add3A_322 : i32
          %add3A_324 = arith.constant 2 : i32
          %add3A_325 = arith.addi %add3A_323, %add3A_324 : i32
          %add3A_326 = arith.constant 0 : i32
          %add3A_327 = arith.addi %add3A_325, %add3A_326 : i32
          %dma_start3A_328 = arith.constant 0 : i32
          %dma_start3A_329 = tpu.memref_slice %arg10[%add3A_327, %dma_start3A_328] : memref<80x128xi32, #tpu.memory_space<vmem>> -> memref<1x128xi32, #tpu.memory_space<vmem>>
          %dma_start3A_330 = tpu.memref_squeeze %dma_start3A_329 : memref<1x128xi32, #tpu.memory_space<vmem>> -> memref<128xi32, #tpu.memory_space<vmem>>
          %dma_start3A_331 = arith.constant 0 : i32
          %dma_start3A_332 = arith.constant 0 : i32
          %dma_start3A_333 = tpu.memref_slice %arg2[%dma_start3A_331, %dma_start3A_332] : memref<10000x128xf32, #tpu.memory_space<hbm>> -> memref<10000x128xf32, #tpu.memory_space<hbm>>
          tpu.enqueue_indirect_dma source(%dma_start3A_333 : memref<10000x128xf32, #tpu.memory_space<hbm>>) target(%arg12 : memref<128x128xf32, #tpu.memory_space<vmem>>) offsets(%dma_start3A_330 : memref<128xi32, #tpu.memory_space<vmem>>) semaphore(%arg14 : memref<!tpu.dma_semaphore, #tpu.memory_space<semaphore_mem>>)
        } else {
        }
        %dma_wait3A_164 = arith.constant 3 : i32
        %dma_wait3A_165 = arith.constant 0 : i32
        %dma_wait3A_166 = tpu.memref_slice %arg11[%dma_wait3A_164, %dma_wait3A_165] : memref<8x128xi32, #tpu.memory_space<vmem>> -> memref<1x128xi32, #tpu.memory_space<vmem>>
        %dma_wait3A_167 = tpu.memref_squeeze %dma_wait3A_166 : memref<1x128xi32, #tpu.memory_space<vmem>> -> memref<128xi32, #tpu.memory_space<vmem>>
        %dma_wait3A_168 = arith.constant 0 : i32
        %dma_wait3A_169 = arith.constant 0 : i32
        %dma_wait3A_170 = tpu.memref_slice %arg9[%dma_wait3A_168, %dma_wait3A_169] : memref<10112x128xf32, #tpu.memory_space<vmem_shared>> -> memref<10112x128xf32, #tpu.memory_space<vmem_shared>>
        tpu.wait_indirect_dma semaphore(%arg17 : memref<!tpu.dma_semaphore, #tpu.memory_space<semaphore_mem>>) src(%arg13 : memref<128x128xf32, #tpu.memory_space<vmem>>) dst(%dma_wait3A_170 : memref<10112x128xf32, #tpu.memory_space<vmem_shared>>)
        %add3A_171 = arith.constant 2 : i32
        %add3A_172 = arith.addi %mul3A_39, %add3A_171 : i32
        %add3A_173 = arith.constant 2 : i32
        %add3A_174 = arith.addi %add3A_172, %add3A_173 : i32
        %add3A_175 = arith.constant 1 : i32
        %add3A_176 = arith.addi %add3A_174, %add3A_175 : i32
        %lt3A_177 = arith.constant 80 : i32
        %lt3A_178 = arith.cmpi slt, %add3A_176, %lt3A_177 : i32
        %convert_element_type3A_179 = arith.extui %lt3A_178 : i1 to i32
        %cond3A_180 = arith.constant 0 : i32
        %cond3A_181 = arith.cmpi ne, %convert_element_type3A_179, %cond3A_180 : i32
        scf.if %cond3A_181 {
          %add3A_322 = arith.constant 2 : i32
          %add3A_323 = arith.addi %mul3A_39, %add3A_322 : i32
          %add3A_324 = arith.constant 2 : i32
          %add3A_325 = arith.addi %add3A_323, %add3A_324 : i32
          %add3A_326 = arith.constant 1 : i32
          %add3A_327 = arith.addi %add3A_325, %add3A_326 : i32
          %dma_start3A_328 = arith.constant 0 : i32
          %dma_start3A_329 = tpu.memref_slice %arg10[%add3A_327, %dma_start3A_328] : memref<80x128xi32, #tpu.memory_space<vmem>> -> memref<1x128xi32, #tpu.memory_space<vmem>>
          %dma_start3A_330 = tpu.memref_squeeze %dma_start3A_329 : memref<1x128xi32, #tpu.memory_space<vmem>> -> memref<128xi32, #tpu.memory_space<vmem>>
          %dma_start3A_331 = arith.constant 0 : i32
          %dma_start3A_332 = arith.constant 0 : i32
          %dma_start3A_333 = tpu.memref_slice %arg2[%dma_start3A_331, %dma_start3A_332] : memref<10000x128xf32, #tpu.memory_space<hbm>> -> memref<10000x128xf32, #tpu.memory_space<hbm>>
          tpu.enqueue_indirect_dma source(%dma_start3A_333 : memref<10000x128xf32, #tpu.memory_space<hbm>>) target(%arg13 : memref<128x128xf32, #tpu.memory_space<vmem>>) offsets(%dma_start3A_330 : memref<128xi32, #tpu.memory_space<vmem>>) semaphore(%arg15 : memref<!tpu.dma_semaphore, #tpu.memory_space<semaphore_mem>>)
        } else {
        }
        %add3A_182 = arith.constant 4 : i32
        %add3A_183 = arith.addi %mul3A_39, %add3A_182 : i32
        %add3A_184 = arith.constant 0 : i32
        %add3A_185 = arith.addi %add3A_183, %add3A_184 : i32
        %dma_wait3A_186 = arith.constant 0 : i32
        %dma_wait3A_187 = tpu.memref_slice %arg10[%add3A_185, %dma_wait3A_186] : memref<80x128xi32, #tpu.memory_space<vmem>> -> memref<1x128xi32, #tpu.memory_space<vmem>>
        %dma_wait3A_188 = tpu.memref_squeeze %dma_wait3A_187 : memref<1x128xi32, #tpu.memory_space<vmem>> -> memref<128xi32, #tpu.memory_space<vmem>>
        %dma_wait3A_189 = arith.constant 0 : i32
        %dma_wait3A_190 = arith.constant 0 : i32
        %dma_wait3A_191 = tpu.memref_slice %arg2[%dma_wait3A_189, %dma_wait3A_190] : memref<10000x128xf32, #tpu.memory_space<hbm>> -> memref<10000x128xf32, #tpu.memory_space<hbm>>
        tpu.wait_indirect_dma semaphore(%arg14 : memref<!tpu.dma_semaphore, #tpu.memory_space<semaphore_mem>>) src(%dma_wait3A_191 : memref<10000x128xf32, #tpu.memory_space<hbm>>) dst(%arg12 : memref<128x128xf32, #tpu.memory_space<vmem>>)
        %dma_start3A_192 = arith.constant 4 : i32
        %dma_start3A_193 = arith.constant 0 : i32
        %dma_start3A_194 = tpu.memref_slice %arg11[%dma_start3A_192, %dma_start3A_193] : memref<8x128xi32, #tpu.memory_space<vmem>> -> memref<1x128xi32, #tpu.memory_space<vmem>>
        %dma_start3A_195 = tpu.memref_squeeze %dma_start3A_194 : memref<1x128xi32, #tpu.memory_space<vmem>> -> memref<128xi32, #tpu.memory_space<vmem>>
        %dma_start3A_196 = arith.constant 0 : i32
        %dma_start3A_197 = arith.constant 0 : i32
        %dma_start3A_198 = tpu.memref_slice %arg9[%dma_start3A_196, %dma_start3A_197] : memref<10112x128xf32, #tpu.memory_space<vmem_shared>> -> memref<10112x128xf32, #tpu.memory_space<vmem_shared>>
        tpu.enqueue_indirect_dma source(%arg12 : memref<128x128xf32, #tpu.memory_space<vmem>>) target(%dma_start3A_198 : memref<10112x128xf32, #tpu.memory_space<vmem_shared>>) offsets(%dma_start3A_195 : memref<128xi32, #tpu.memory_space<vmem>>) semaphore(%arg16 : memref<!tpu.dma_semaphore, #tpu.memory_space<semaphore_mem>>) {add = true}
        %add3A_199 = arith.constant 4 : i32
        %add3A_200 = arith.addi %mul3A_39, %add3A_199 : i32
        %add3A_201 = arith.constant 1 : i32
        %add3A_202 = arith.addi %add3A_200, %add3A_201 : i32
        %dma_wait3A_203 = arith.constant 0 : i32
        %dma_wait3A_204 = tpu.memref_slice %arg10[%add3A_202, %dma_wait3A_203] : memref<80x128xi32, #tpu.memory_space<vmem>> -> memref<1x128xi32, #tpu.memory_space<vmem>>
        %dma_wait3A_205 = tpu.memref_squeeze %dma_wait3A_204 : memref<1x128xi32, #tpu.memory_space<vmem>> -> memref<128xi32, #tpu.memory_space<vmem>>
        %dma_wait3A_206 = arith.constant 0 : i32
        %dma_wait3A_207 = arith.constant 0 : i32
        %dma_wait3A_208 = tpu.memref_slice %arg2[%dma_wait3A_206, %dma_wait3A_207] : memref<10000x128xf32, #tpu.memory_space<hbm>> -> memref<10000x128xf32, #tpu.memory_space<hbm>>
        tpu.wait_indirect_dma semaphore(%arg15 : memref<!tpu.dma_semaphore, #tpu.memory_space<semaphore_mem>>) src(%dma_wait3A_208 : memref<10000x128xf32, #tpu.memory_space<hbm>>) dst(%arg13 : memref<128x128xf32, #tpu.memory_space<vmem>>)
        %dma_start3A_209 = arith.constant 5 : i32
        %dma_start3A_210 = arith.constant 0 : i32
        %dma_start3A_211 = tpu.memref_slice %arg11[%dma_start3A_209, %dma_start3A_210] : memref<8x128xi32, #tpu.memory_space<vmem>> -> memref<1x128xi32, #tpu.memory_space<vmem>>
        %dma_start3A_212 = tpu.memref_squeeze %dma_start3A_211 : memref<1x128xi32, #tpu.memory_space<vmem>> -> memref<128xi32, #tpu.memory_space<vmem>>
        %dma_start3A_213 = arith.constant 0 : i32
        %dma_start3A_214 = arith.constant 0 : i32
        %dma_start3A_215 = tpu.memref_slice %arg9[%dma_start3A_213, %dma_start3A_214] : memref<10112x128xf32, #tpu.memory_space<vmem_shared>> -> memref<10112x128xf32, #tpu.memory_space<vmem_shared>>
        tpu.enqueue_indirect_dma source(%arg13 : memref<128x128xf32, #tpu.memory_space<vmem>>) target(%dma_start3A_215 : memref<10112x128xf32, #tpu.memory_space<vmem_shared>>) offsets(%dma_start3A_212 : memref<128xi32, #tpu.memory_space<vmem>>) semaphore(%arg17 : memref<!tpu.dma_semaphore, #tpu.memory_space<semaphore_mem>>) {add = true}
        %dma_wait3A_216 = arith.constant 4 : i32
        %dma_wait3A_217 = arith.constant 0 : i32
        %dma_wait3A_218 = tpu.memref_slice %arg11[%dma_wait3A_216, %dma_wait3A_217] : memref<8x128xi32, #tpu.memory_space<vmem>> -> memref<1x128xi32, #tpu.memory_space<vmem>>
        %dma_wait3A_219 = tpu.memref_squeeze %dma_wait3A_218 : memref<1x128xi32, #tpu.memory_space<vmem>> -> memref<128xi32, #tpu.memory_space<vmem>>
        %dma_wait3A_220 = arith.constant 0 : i32
        %dma_wait3A_221 = arith.constant 0 : i32
        %dma_wait3A_222 = tpu.memref_slice %arg9[%dma_wait3A_220, %dma_wait3A_221] : memref<10112x128xf32, #tpu.memory_space<vmem_shared>> -> memref<10112x128xf32, #tpu.memory_space<vmem_shared>>
        tpu.wait_indirect_dma semaphore(%arg16 : memref<!tpu.dma_semaphore, #tpu.memory_space<semaphore_mem>>) src(%arg12 : memref<128x128xf32, #tpu.memory_space<vmem>>) dst(%dma_wait3A_222 : memref<10112x128xf32, #tpu.memory_space<vmem_shared>>)
        %add3A_223 = arith.constant 4 : i32
        %add3A_224 = arith.addi %mul3A_39, %add3A_223 : i32
        %add3A_225 = arith.constant 2 : i32
        %add3A_226 = arith.addi %add3A_224, %add3A_225 : i32
        %add3A_227 = arith.constant 0 : i32
        %add3A_228 = arith.addi %add3A_226, %add3A_227 : i32
        %lt3A_229 = arith.constant 80 : i32
        %lt3A_230 = arith.cmpi slt, %add3A_228, %lt3A_229 : i32
        %convert_element_type3A_231 = arith.extui %lt3A_230 : i1 to i32
        %cond3A_232 = arith.constant 0 : i32
        %cond3A_233 = arith.cmpi ne, %convert_element_type3A_231, %cond3A_232 : i32
        scf.if %cond3A_233 {
          %add3A_322 = arith.constant 4 : i32
          %add3A_323 = arith.addi %mul3A_39, %add3A_322 : i32
          %add3A_324 = arith.constant 2 : i32
          %add3A_325 = arith.addi %add3A_323, %add3A_324 : i32
          %add3A_326 = arith.constant 0 : i32
          %add3A_327 = arith.addi %add3A_325, %add3A_326 : i32
          %dma_start3A_328 = arith.constant 0 : i32
          %dma_start3A_329 = tpu.memref_slice %arg10[%add3A_327, %dma_start3A_328] : memref<80x128xi32, #tpu.memory_space<vmem>> -> memref<1x128xi32, #tpu.memory_space<vmem>>
          %dma_start3A_330 = tpu.memref_squeeze %dma_start3A_329 : memref<1x128xi32, #tpu.memory_space<vmem>> -> memref<128xi32, #tpu.memory_space<vmem>>
          %dma_start3A_331 = arith.constant 0 : i32
          %dma_start3A_332 = arith.constant 0 : i32
          %dma_start3A_333 = tpu.memref_slice %arg2[%dma_start3A_331, %dma_start3A_332] : memref<10000x128xf32, #tpu.memory_space<hbm>> -> memref<10000x128xf32, #tpu.memory_space<hbm>>
          tpu.enqueue_indirect_dma source(%dma_start3A_333 : memref<10000x128xf32, #tpu.memory_space<hbm>>) target(%arg12 : memref<128x128xf32, #tpu.memory_space<vmem>>) offsets(%dma_start3A_330 : memref<128xi32, #tpu.memory_space<vmem>>) semaphore(%arg14 : memref<!tpu.dma_semaphore, #tpu.memory_space<semaphore_mem>>)
        } else {
        }
        %dma_wait3A_234 = arith.constant 5 : i32
        %dma_wait3A_235 = arith.constant 0 : i32
        %dma_wait3A_236 = tpu.memref_slice %arg11[%dma_wait3A_234, %dma_wait3A_235] : memref<8x128xi32, #tpu.memory_space<vmem>> -> memref<1x128xi32, #tpu.memory_space<vmem>>
        %dma_wait3A_237 = tpu.memref_squeeze %dma_wait3A_236 : memref<1x128xi32, #tpu.memory_space<vmem>> -> memref<128xi32, #tpu.memory_space<vmem>>
        %dma_wait3A_238 = arith.constant 0 : i32
        %dma_wait3A_239 = arith.constant 0 : i32
        %dma_wait3A_240 = tpu.memref_slice %arg9[%dma_wait3A_238, %dma_wait3A_239] : memref<10112x128xf32, #tpu.memory_space<vmem_shared>> -> memref<10112x128xf32, #tpu.memory_space<vmem_shared>>
        tpu.wait_indirect_dma semaphore(%arg17 : memref<!tpu.dma_semaphore, #tpu.memory_space<semaphore_mem>>) src(%arg13 : memref<128x128xf32, #tpu.memory_space<vmem>>) dst(%dma_wait3A_240 : memref<10112x128xf32, #tpu.memory_space<vmem_shared>>)
        %add3A_241 = arith.constant 4 : i32
        %add3A_242 = arith.addi %mul3A_39, %add3A_241 : i32
        %add3A_243 = arith.constant 2 : i32
        %add3A_244 = arith.addi %add3A_242, %add3A_243 : i32
        %add3A_245 = arith.constant 1 : i32
        %add3A_246 = arith.addi %add3A_244, %add3A_245 : i32
        %lt3A_247 = arith.constant 80 : i32
        %lt3A_248 = arith.cmpi slt, %add3A_246, %lt3A_247 : i32
        %convert_element_type3A_249 = arith.extui %lt3A_248 : i1 to i32
        %cond3A_250 = arith.constant 0 : i32
        %cond3A_251 = arith.cmpi ne, %convert_element_type3A_249, %cond3A_250 : i32
        scf.if %cond3A_251 {
          %add3A_322 = arith.constant 4 : i32
          %add3A_323 = arith.addi %mul3A_39, %add3A_322 : i32
          %add3A_324 = arith.constant 2 : i32
          %add3A_325 = arith.addi %add3A_323, %add3A_324 : i32
          %add3A_326 = arith.constant 1 : i32
          %add3A_327 = arith.addi %add3A_325, %add3A_326 : i32
          %dma_start3A_328 = arith.constant 0 : i32
          %dma_start3A_329 = tpu.memref_slice %arg10[%add3A_327, %dma_start3A_328] : memref<80x128xi32, #tpu.memory_space<vmem>> -> memref<1x128xi32, #tpu.memory_space<vmem>>
          %dma_start3A_330 = tpu.memref_squeeze %dma_start3A_329 : memref<1x128xi32, #tpu.memory_space<vmem>> -> memref<128xi32, #tpu.memory_space<vmem>>
          %dma_start3A_331 = arith.constant 0 : i32
          %dma_start3A_332 = arith.constant 0 : i32
          %dma_start3A_333 = tpu.memref_slice %arg2[%dma_start3A_331, %dma_start3A_332] : memref<10000x128xf32, #tpu.memory_space<hbm>> -> memref<10000x128xf32, #tpu.memory_space<hbm>>
          tpu.enqueue_indirect_dma source(%dma_start3A_333 : memref<10000x128xf32, #tpu.memory_space<hbm>>) target(%arg13 : memref<128x128xf32, #tpu.memory_space<vmem>>) offsets(%dma_start3A_330 : memref<128xi32, #tpu.memory_space<vmem>>) semaphore(%arg15 : memref<!tpu.dma_semaphore, #tpu.memory_space<semaphore_mem>>)
        } else {
        }
        %add3A_252 = arith.constant 6 : i32
        %add3A_253 = arith.addi %mul3A_39, %add3A_252 : i32
        %add3A_254 = arith.constant 0 : i32
        %add3A_255 = arith.addi %add3A_253, %add3A_254 : i32
        %dma_wait3A_256 = arith.constant 0 : i32
        %dma_wait3A_257 = tpu.memref_slice %arg10[%add3A_255, %dma_wait3A_256] : memref<80x128xi32, #tpu.memory_space<vmem>> -> memref<1x128xi32, #tpu.memory_space<vmem>>
        %dma_wait3A_258 = tpu.memref_squeeze %dma_wait3A_257 : memref<1x128xi32, #tpu.memory_space<vmem>> -> memref<128xi32, #tpu.memory_space<vmem>>
        %dma_wait3A_259 = arith.constant 0 : i32
        %dma_wait3A_260 = arith.constant 0 : i32
        %dma_wait3A_261 = tpu.memref_slice %arg2[%dma_wait3A_259, %dma_wait3A_260] : memref<10000x128xf32, #tpu.memory_space<hbm>> -> memref<10000x128xf32, #tpu.memory_space<hbm>>
        tpu.wait_indirect_dma semaphore(%arg14 : memref<!tpu.dma_semaphore, #tpu.memory_space<semaphore_mem>>) src(%dma_wait3A_261 : memref<10000x128xf32, #tpu.memory_space<hbm>>) dst(%arg12 : memref<128x128xf32, #tpu.memory_space<vmem>>)
        %dma_start3A_262 = arith.constant 6 : i32
        %dma_start3A_263 = arith.constant 0 : i32
        %dma_start3A_264 = tpu.memref_slice %arg11[%dma_start3A_262, %dma_start3A_263] : memref<8x128xi32, #tpu.memory_space<vmem>> -> memref<1x128xi32, #tpu.memory_space<vmem>>
        %dma_start3A_265 = tpu.memref_squeeze %dma_start3A_264 : memref<1x128xi32, #tpu.memory_space<vmem>> -> memref<128xi32, #tpu.memory_space<vmem>>
        %dma_start3A_266 = arith.constant 0 : i32
        %dma_start3A_267 = arith.constant 0 : i32
        %dma_start3A_268 = tpu.memref_slice %arg9[%dma_start3A_266, %dma_start3A_267] : memref<10112x128xf32, #tpu.memory_space<vmem_shared>> -> memref<10112x128xf32, #tpu.memory_space<vmem_shared>>
        tpu.enqueue_indirect_dma source(%arg12 : memref<128x128xf32, #tpu.memory_space<vmem>>) target(%dma_start3A_268 : memref<10112x128xf32, #tpu.memory_space<vmem_shared>>) offsets(%dma_start3A_265 : memref<128xi32, #tpu.memory_space<vmem>>) semaphore(%arg16 : memref<!tpu.dma_semaphore, #tpu.memory_space<semaphore_mem>>) {add = true}
        %add3A_269 = arith.constant 6 : i32
        %add3A_270 = arith.addi %mul3A_39, %add3A_269 : i32
        %add3A_271 = arith.constant 1 : i32
        %add3A_272 = arith.addi %add3A_270, %add3A_271 : i32
        %dma_wait3A_273 = arith.constant 0 : i32
        %dma_wait3A_274 = tpu.memref_slice %arg10[%add3A_272, %dma_wait3A_273] : memref<80x128xi32, #tpu.memory_space<vmem>> -> memref<1x128xi32, #tpu.memory_space<vmem>>
        %dma_wait3A_275 = tpu.memref_squeeze %dma_wait3A_274 : memref<1x128xi32, #tpu.memory_space<vmem>> -> memref<128xi32, #tpu.memory_space<vmem>>
        %dma_wait3A_276 = arith.constant 0 : i32
        %dma_wait3A_277 = arith.constant 0 : i32
        %dma_wait3A_278 = tpu.memref_slice %arg2[%dma_wait3A_276, %dma_wait3A_277] : memref<10000x128xf32, #tpu.memory_space<hbm>> -> memref<10000x128xf32, #tpu.memory_space<hbm>>
        tpu.wait_indirect_dma semaphore(%arg15 : memref<!tpu.dma_semaphore, #tpu.memory_space<semaphore_mem>>) src(%dma_wait3A_278 : memref<10000x128xf32, #tpu.memory_space<hbm>>) dst(%arg13 : memref<128x128xf32, #tpu.memory_space<vmem>>)
        %dma_start3A_279 = arith.constant 7 : i32
        %dma_start3A_280 = arith.constant 0 : i32
        %dma_start3A_281 = tpu.memref_slice %arg11[%dma_start3A_279, %dma_start3A_280] : memref<8x128xi32, #tpu.memory_space<vmem>> -> memref<1x128xi32, #tpu.memory_space<vmem>>
        %dma_start3A_282 = tpu.memref_squeeze %dma_start3A_281 : memref<1x128xi32, #tpu.memory_space<vmem>> -> memref<128xi32, #tpu.memory_space<vmem>>
        %dma_start3A_283 = arith.constant 0 : i32
        %dma_start3A_284 = arith.constant 0 : i32
        %dma_start3A_285 = tpu.memref_slice %arg9[%dma_start3A_283, %dma_start3A_284] : memref<10112x128xf32, #tpu.memory_space<vmem_shared>> -> memref<10112x128xf32, #tpu.memory_space<vmem_shared>>
        tpu.enqueue_indirect_dma source(%arg13 : memref<128x128xf32, #tpu.memory_space<vmem>>) target(%dma_start3A_285 : memref<10112x128xf32, #tpu.memory_space<vmem_shared>>) offsets(%dma_start3A_282 : memref<128xi32, #tpu.memory_space<vmem>>) semaphore(%arg17 : memref<!tpu.dma_semaphore, #tpu.memory_space<semaphore_mem>>) {add = true}
        %dma_wait3A_286 = arith.constant 6 : i32
        %dma_wait3A_287 = arith.constant 0 : i32
        %dma_wait3A_288 = tpu.memref_slice %arg11[%dma_wait3A_286, %dma_wait3A_287] : memref<8x128xi32, #tpu.memory_space<vmem>> -> memref<1x128xi32, #tpu.memory_space<vmem>>
        %dma_wait3A_289 = tpu.memref_squeeze %dma_wait3A_288 : memref<1x128xi32, #tpu.memory_space<vmem>> -> memref<128xi32, #tpu.memory_space<vmem>>
        %dma_wait3A_290 = arith.constant 0 : i32
        %dma_wait3A_291 = arith.constant 0 : i32
        %dma_wait3A_292 = tpu.memref_slice %arg9[%dma_wait3A_290, %dma_wait3A_291] : memref<10112x128xf32, #tpu.memory_space<vmem_shared>> -> memref<10112x128xf32, #tpu.memory_space<vmem_shared>>
        tpu.wait_indirect_dma semaphore(%arg16 : memref<!tpu.dma_semaphore, #tpu.memory_space<semaphore_mem>>) src(%arg12 : memref<128x128xf32, #tpu.memory_space<vmem>>) dst(%dma_wait3A_292 : memref<10112x128xf32, #tpu.memory_space<vmem_shared>>)
        %add3A_293 = arith.constant 6 : i32
        %add3A_294 = arith.addi %mul3A_39, %add3A_293 : i32
        %add3A_295 = arith.constant 2 : i32
        %add3A_296 = arith.addi %add3A_294, %add3A_295 : i32
        %add3A_297 = arith.constant 0 : i32
        %add3A_298 = arith.addi %add3A_296, %add3A_297 : i32
        %lt3A_299 = arith.constant 80 : i32
        %lt3A_300 = arith.cmpi slt, %add3A_298, %lt3A_299 : i32
        %convert_element_type3A_301 = arith.extui %lt3A_300 : i1 to i32
        %cond3A_302 = arith.constant 0 : i32
        %cond3A_303 = arith.cmpi ne, %convert_element_type3A_301, %cond3A_302 : i32
        scf.if %cond3A_303 {
          %add3A_322 = arith.constant 6 : i32
          %add3A_323 = arith.addi %mul3A_39, %add3A_322 : i32
          %add3A_324 = arith.constant 2 : i32
          %add3A_325 = arith.addi %add3A_323, %add3A_324 : i32
          %add3A_326 = arith.constant 0 : i32
          %add3A_327 = arith.addi %add3A_325, %add3A_326 : i32
          %dma_start3A_328 = arith.constant 0 : i32
          %dma_start3A_329 = tpu.memref_slice %arg10[%add3A_327, %dma_start3A_328] : memref<80x128xi32, #tpu.memory_space<vmem>> -> memref<1x128xi32, #tpu.memory_space<vmem>>
          %dma_start3A_330 = tpu.memref_squeeze %dma_start3A_329 : memref<1x128xi32, #tpu.memory_space<vmem>> -> memref<128xi32, #tpu.memory_space<vmem>>
          %dma_start3A_331 = arith.constant 0 : i32
          %dma_start3A_332 = arith.constant 0 : i32
          %dma_start3A_333 = tpu.memref_slice %arg2[%dma_start3A_331, %dma_start3A_332] : memref<10000x128xf32, #tpu.memory_space<hbm>> -> memref<10000x128xf32, #tpu.memory_space<hbm>>
          tpu.enqueue_indirect_dma source(%dma_start3A_333 : memref<10000x128xf32, #tpu.memory_space<hbm>>) target(%arg12 : memref<128x128xf32, #tpu.memory_space<vmem>>) offsets(%dma_start3A_330 : memref<128xi32, #tpu.memory_space<vmem>>) semaphore(%arg14 : memref<!tpu.dma_semaphore, #tpu.memory_space<semaphore_mem>>)
        } else {
        }
        %dma_wait3A_304 = arith.constant 7 : i32
        %dma_wait3A_305 = arith.constant 0 : i32
        %dma_wait3A_306 = tpu.memref_slice %arg11[%dma_wait3A_304, %dma_wait3A_305] : memref<8x128xi32, #tpu.memory_space<vmem>> -> memref<1x128xi32, #tpu.memory_space<vmem>>
        %dma_wait3A_307 = tpu.memref_squeeze %dma_wait3A_306 : memref<1x128xi32, #tpu.memory_space<vmem>> -> memref<128xi32, #tpu.memory_space<vmem>>
        %dma_wait3A_308 = arith.constant 0 : i32
        %dma_wait3A_309 = arith.constant 0 : i32
        %dma_wait3A_310 = tpu.memref_slice %arg9[%dma_wait3A_308, %dma_wait3A_309] : memref<10112x128xf32, #tpu.memory_space<vmem_shared>> -> memref<10112x128xf32, #tpu.memory_space<vmem_shared>>
        tpu.wait_indirect_dma semaphore(%arg17 : memref<!tpu.dma_semaphore, #tpu.memory_space<semaphore_mem>>) src(%arg13 : memref<128x128xf32, #tpu.memory_space<vmem>>) dst(%dma_wait3A_310 : memref<10112x128xf32, #tpu.memory_space<vmem_shared>>)
        %add3A_311 = arith.constant 6 : i32
        %add3A_312 = arith.addi %mul3A_39, %add3A_311 : i32
        %add3A_313 = arith.constant 2 : i32
        %add3A_314 = arith.addi %add3A_312, %add3A_313 : i32
        %add3A_315 = arith.constant 1 : i32
        %add3A_316 = arith.addi %add3A_314, %add3A_315 : i32
        %lt3A_317 = arith.constant 80 : i32
        %lt3A_318 = arith.cmpi slt, %add3A_316, %lt3A_317 : i32
        %convert_element_type3A_319 = arith.extui %lt3A_318 : i1 to i32
        %cond3A_320 = arith.constant 0 : i32
        %cond3A_321 = arith.cmpi ne, %convert_element_type3A_319, %cond3A_320 : i32
        scf.if %cond3A_321 {
          %add3A_322 = arith.constant 6 : i32
          %add3A_323 = arith.addi %mul3A_39, %add3A_322 : i32
          %add3A_324 = arith.constant 2 : i32
          %add3A_325 = arith.addi %add3A_323, %add3A_324 : i32
          %add3A_326 = arith.constant 1 : i32
          %add3A_327 = arith.addi %add3A_325, %add3A_326 : i32
          %dma_start3A_328 = arith.constant 0 : i32
          %dma_start3A_329 = tpu.memref_slice %arg10[%add3A_327, %dma_start3A_328] : memref<80x128xi32, #tpu.memory_space<vmem>> -> memref<1x128xi32, #tpu.memory_space<vmem>>
          %dma_start3A_330 = tpu.memref_squeeze %dma_start3A_329 : memref<1x128xi32, #tpu.memory_space<vmem>> -> memref<128xi32, #tpu.memory_space<vmem>>
          %dma_start3A_331 = arith.constant 0 : i32
          %dma_start3A_332 = arith.constant 0 : i32
          %dma_start3A_333 = tpu.memref_slice %arg2[%dma_start3A_331, %dma_start3A_332] : memref<10000x128xf32, #tpu.memory_space<hbm>> -> memref<10000x128xf32, #tpu.memory_space<hbm>>
          tpu.enqueue_indirect_dma source(%dma_start3A_333 : memref<10000x128xf32, #tpu.memory_space<hbm>>) target(%arg13 : memref<128x128xf32, #tpu.memory_space<vmem>>) offsets(%dma_start3A_330 : memref<128xi32, #tpu.memory_space<vmem>>) semaphore(%arg15 : memref<!tpu.dma_semaphore, #tpu.memory_space<semaphore_mem>>)
        } else {
        }
      }
      %scan3A_28 = arith.constant 10 : i32
      %barrier3A_29 = arith.constant 0 : index
      tpu.barrier barrier_id(%barrier3A_29)
      %mul3A_30 = arith.constant 632 : i32
      %mul3A_31 = arith.muli %arg1, %mul3A_30 : i32
      %mul3A_32 = arith.constant 632 : i32
      %mul3A_33 = arith.muli %arg1, %mul3A_32 : i32
      "tpu.region"() ({
        %run_scoped3A = tpu.sem_alloc : memref<!tpu.dma_semaphore, #tpu.memory_space<semaphore_mem>>
        %dma_start3A_34 = arith.constant 0 : i32
        %dma_start3A_35 = tpu.memref_slice %arg7[%mul3A_33, %dma_start3A_34] : memref<10112x128xf32, #tpu.memory_space<hbm>> -> memref<632x128xf32, #tpu.memory_space<hbm>>
        %dma_start3A_36 = arith.constant 0 : i32
        %dma_start3A_37 = tpu.memref_slice %arg9[%mul3A_31, %dma_start3A_36] : memref<10112x128xf32, #tpu.memory_space<vmem_shared>> -> memref<632x128xf32, #tpu.memory_space<vmem_shared>>
        tpu.enqueue_dma source(%dma_start3A_37 : memref<632x128xf32, #tpu.memory_space<vmem_shared>>) target(%dma_start3A_35 : memref<632x128xf32, #tpu.memory_space<hbm>>) target_semaphore(%run_scoped3A : memref<!tpu.dma_semaphore, #tpu.memory_space<semaphore_mem>>)
        %dma_wait3A_38 = arith.constant 0 : i32
        %dma_wait3A_39 = tpu.memref_slice %arg7[%mul3A_33, %dma_wait3A_38] : memref<10112x128xf32, #tpu.memory_space<hbm>> -> memref<632x128xf32, #tpu.memory_space<hbm>>
        %dma_wait3A_40 = arith.constant 0 : i32
        %dma_wait3A_41 = tpu.memref_slice %arg9[%mul3A_31, %dma_wait3A_40] : memref<10112x128xf32, #tpu.memory_space<vmem_shared>> -> memref<632x128xf32, #tpu.memory_space<vmem_shared>>
        tpu.wait_dma2 semaphore(%run_scoped3A : memref<!tpu.dma_semaphore, #tpu.memory_space<semaphore_mem>>) src(%dma_wait3A_41 : memref<632x128xf32, #tpu.memory_space<vmem_shared>>) dst(%dma_wait3A_39 : memref<632x128xf32, #tpu.memory_space<hbm>>)
        tpu.yield
      }) : () -> ()
    } else {
    }
    %ne3A = arith.constant 0 : i32
    %ne3A_6 = arith.cmpi ne, %arg0, %ne3A : i32
    %convert_element_type3A_7 = arith.extui %ne3A_6 : i1 to i32
    %cond3A_8 = arith.constant 0 : i32
    %cond3A_9 = arith.cmpi ne, %convert_element_type3A_7, %cond3A_8 : i32
    scf.if %cond3A_9 {
      %dma_start3A_10 = arith.constant 0 : i32
      %dma_start3A_11 = arith.constant 0 : i32
      %dma_start3A_12 = tpu.memref_slice %arg10[%dma_start3A_10, %dma_start3A_11] : memref<80x128xi32, #tpu.memory_space<vmem>> -> memref<1x128xi32, #tpu.memory_space<vmem>>
      %dma_start3A_13 = tpu.memref_squeeze %dma_start3A_12 : memref<1x128xi32, #tpu.memory_space<vmem>> -> memref<128xi32, #tpu.memory_space<vmem>>
      %dma_start3A_14 = arith.constant 0 : i32
      %dma_start3A_15 = arith.constant 0 : i32
      %dma_start3A_16 = tpu.memref_slice %arg3[%dma_start3A_14, %dma_start3A_15] : memref<10000x128xf32, #tpu.memory_space<hbm>> -> memref<10000x128xf32, #tpu.memory_space<hbm>>
      tpu.enqueue_indirect_dma source(%dma_start3A_16 : memref<10000x128xf32, #tpu.memory_space<hbm>>) target(%arg12 : memref<128x128xf32, #tpu.memory_space<vmem>>) offsets(%dma_start3A_13 : memref<128xi32, #tpu.memory_space<vmem>>) semaphore(%arg14 : memref<!tpu.dma_semaphore, #tpu.memory_space<semaphore_mem>>)
      %dma_start3A_17 = arith.constant 1 : i32
      %dma_start3A_18 = arith.constant 0 : i32
      %dma_start3A_19 = tpu.memref_slice %arg10[%dma_start3A_17, %dma_start3A_18] : memref<80x128xi32, #tpu.memory_space<vmem>> -> memref<1x128xi32, #tpu.memory_space<vmem>>
      %dma_start3A_20 = tpu.memref_squeeze %dma_start3A_19 : memref<1x128xi32, #tpu.memory_space<vmem>> -> memref<128xi32, #tpu.memory_space<vmem>>
      %dma_start3A_21 = arith.constant 0 : i32
      %dma_start3A_22 = arith.constant 0 : i32
      %dma_start3A_23 = tpu.memref_slice %arg3[%dma_start3A_21, %dma_start3A_22] : memref<10000x128xf32, #tpu.memory_space<hbm>> -> memref<10000x128xf32, #tpu.memory_space<hbm>>
      tpu.enqueue_indirect_dma source(%dma_start3A_23 : memref<10000x128xf32, #tpu.memory_space<hbm>>) target(%arg13 : memref<128x128xf32, #tpu.memory_space<vmem>>) offsets(%dma_start3A_20 : memref<128xi32, #tpu.memory_space<vmem>>) semaphore(%arg15 : memref<!tpu.dma_semaphore, #tpu.memory_space<semaphore_mem>>)
      %dma_wait3A = arith.constant 0 : i32
      %dma_wait3A_24 = tpu.memref_slice %arg9[%mul3A_0, %dma_wait3A] : memref<10112x128xf32, #tpu.memory_space<vmem_shared>> -> memref<632x128xf32, #tpu.memory_space<vmem_shared>>
      tpu.wait_dma2 semaphore(%arg18 : memref<!tpu.dma_semaphore, #tpu.memory_space<semaphore_mem>>) src(%arg6 : memref<632x128xf32, #tpu.memory_space<hbm>>) dst(%dma_wait3A_24 : memref<632x128xf32, #tpu.memory_space<vmem_shared>>)
      %barrier3A = arith.constant 0 : index
      tpu.barrier barrier_id(%barrier3A)
      %scan3A = arith.constant 0 : i32
      %scan3A_25 = arith.constant 10 : i32
      %scan3A_26 = arith.addi %scan3A, %scan3A_25 : i32
      %scan3A_27 = arith.constant 1 : i32
      scf.for %scan3A_34 = %scan3A to %scan3A_26 step %scan3A_27  : i32 {
        %mul3A_35 = arith.constant 1 : i32
        %mul3A_36 = arith.muli %scan3A_34, %mul3A_35 : i32
        %add3A = arith.constant 0 : i32
        %add3A_37 = arith.addi %add3A, %mul3A_36 : i32
        %mul3A_38 = arith.constant 8 : i32
        %mul3A_39 = arith.muli %add3A_37, %mul3A_38 : i32
        %mul3A_40 = arith.constant 80 : i32
        %mul3A_41 = arith.muli %arg1, %mul3A_40 : i32
        %add3A_42 = arith.addi %mul3A_41, %mul3A_39 : i32
        "tpu.region"() ({
          %run_scoped3A = tpu.sem_alloc : memref<!tpu.dma_semaphore, #tpu.memory_space<semaphore_mem>>
          %dma_start3A_322 = arith.constant 0 : i32
          %dma_start3A_323 = tpu.memref_slice %arg5[%add3A_42, %dma_start3A_322] : memref<1280x128xi32, #tpu.memory_space<hbm>> -> memref<8x128xi32, #tpu.memory_space<hbm>>
          %dma_start3A_324 = arith.constant 0 : i32
          %dma_start3A_325 = tpu.memref_slice %arg5[%add3A_42, %dma_start3A_324] : memref<1280x128xi32, #tpu.memory_space<hbm>> -> memref<8x128xi32, #tpu.memory_space<hbm>>
          tpu.enqueue_dma source(%dma_start3A_325 : memref<8x128xi32, #tpu.memory_space<hbm>>) target(%arg11 : memref<8x128xi32, #tpu.memory_space<vmem>>) target_semaphore(%run_scoped3A : memref<!tpu.dma_semaphore, #tpu.memory_space<semaphore_mem>>)
          %dma_wait3A_326 = arith.constant 0 : i32
          %dma_wait3A_327 = tpu.memref_slice %arg5[%add3A_42, %dma_wait3A_326] : memref<1280x128xi32, #tpu.memory_space<hbm>> -> memref<8x128xi32, #tpu.memory_space<hbm>>
          %dma_wait3A_328 = arith.constant 0 : i32
          %dma_wait3A_329 = tpu.memref_slice %arg5[%add3A_42, %dma_wait3A_328] : memref<1280x128xi32, #tpu.memory_space<hbm>> -> memref<8x128xi32, #tpu.memory_space<hbm>>
          tpu.wait_dma2 semaphore(%run_scoped3A : memref<!tpu.dma_semaphore, #tpu.memory_space<semaphore_mem>>) src(%dma_wait3A_329 : memref<8x128xi32, #tpu.memory_space<hbm>>) dst(%arg11 : memref<8x128xi32, #tpu.memory_space<vmem>>)
          tpu.yield
        }) : () -> ()
        %add3A_43 = arith.constant 0 : i32
        %add3A_44 = arith.addi %mul3A_39, %add3A_43 : i32
        %add3A_45 = arith.constant 0 : i32
        %add3A_46 = arith.addi %add3A_44, %add3A_45 : i32
        %dma_wait3A_47 = arith.constant 0 : i32
        %dma_wait3A_48 = tpu.memref_slice %arg10[%add3A_46, %dma_wait3A_47] : memref<80x128xi32, #tpu.memory_space<vmem>> -> memref<1x128xi32, #tpu.memory_space<vmem>>
        %dma_wait3A_49 = tpu.memref_squeeze %dma_wait3A_48 : memref<1x128xi32, #tpu.memory_space<vmem>> -> memref<128xi32, #tpu.memory_space<vmem>>
        %dma_wait3A_50 = arith.constant 0 : i32
        %dma_wait3A_51 = arith.constant 0 : i32
        %dma_wait3A_52 = tpu.memref_slice %arg3[%dma_wait3A_50, %dma_wait3A_51] : memref<10000x128xf32, #tpu.memory_space<hbm>> -> memref<10000x128xf32, #tpu.memory_space<hbm>>
        tpu.wait_indirect_dma semaphore(%arg14 : memref<!tpu.dma_semaphore, #tpu.memory_space<semaphore_mem>>) src(%dma_wait3A_52 : memref<10000x128xf32, #tpu.memory_space<hbm>>) dst(%arg12 : memref<128x128xf32, #tpu.memory_space<vmem>>)
        %dma_start3A_53 = arith.constant 0 : i32
        %dma_start3A_54 = arith.constant 0 : i32
        %dma_start3A_55 = tpu.memref_slice %arg11[%dma_start3A_53, %dma_start3A_54] : memref<8x128xi32, #tpu.memory_space<vmem>> -> memref<1x128xi32, #tpu.memory_space<vmem>>
        %dma_start3A_56 = tpu.memref_squeeze %dma_start3A_55 : memref<1x128xi32, #tpu.memory_space<vmem>> -> memref<128xi32, #tpu.memory_space<vmem>>
        %dma_start3A_57 = arith.constant 0 : i32
        %dma_start3A_58 = arith.constant 0 : i32
        %dma_start3A_59 = tpu.memref_slice %arg9[%dma_start3A_57, %dma_start3A_58] : memref<10112x128xf32, #tpu.memory_space<vmem_shared>> -> memref<10112x128xf32, #tpu.memory_space<vmem_shared>>
        tpu.enqueue_indirect_dma source(%arg12 : memref<128x128xf32, #tpu.memory_space<vmem>>) target(%dma_start3A_59 : memref<10112x128xf32, #tpu.memory_space<vmem_shared>>) offsets(%dma_start3A_56 : memref<128xi32, #tpu.memory_space<vmem>>) semaphore(%arg16 : memref<!tpu.dma_semaphore, #tpu.memory_space<semaphore_mem>>) {add = true}
        %add3A_60 = arith.constant 0 : i32
        %add3A_61 = arith.addi %mul3A_39, %add3A_60 : i32
        %add3A_62 = arith.constant 1 : i32
        %add3A_63 = arith.addi %add3A_61, %add3A_62 : i32
        %dma_wait3A_64 = arith.constant 0 : i32
        %dma_wait3A_65 = tpu.memref_slice %arg10[%add3A_63, %dma_wait3A_64] : memref<80x128xi32, #tpu.memory_space<vmem>> -> memref<1x128xi32, #tpu.memory_space<vmem>>
        %dma_wait3A_66 = tpu.memref_squeeze %dma_wait3A_65 : memref<1x128xi32, #tpu.memory_space<vmem>> -> memref<128xi32, #tpu.memory_space<vmem>>
        %dma_wait3A_67 = arith.constant 0 : i32
        %dma_wait3A_68 = arith.constant 0 : i32
        %dma_wait3A_69 = tpu.memref_slice %arg3[%dma_wait3A_67, %dma_wait3A_68] : memref<10000x128xf32, #tpu.memory_space<hbm>> -> memref<10000x128xf32, #tpu.memory_space<hbm>>
        tpu.wait_indirect_dma semaphore(%arg15 : memref<!tpu.dma_semaphore, #tpu.memory_space<semaphore_mem>>) src(%dma_wait3A_69 : memref<10000x128xf32, #tpu.memory_space<hbm>>) dst(%arg13 : memref<128x128xf32, #tpu.memory_space<vmem>>)
        %dma_start3A_70 = arith.constant 1 : i32
        %dma_start3A_71 = arith.constant 0 : i32
        %dma_start3A_72 = tpu.memref_slice %arg11[%dma_start3A_70, %dma_start3A_71] : memref<8x128xi32, #tpu.memory_space<vmem>> -> memref<1x128xi32, #tpu.memory_space<vmem>>
        %dma_start3A_73 = tpu.memref_squeeze %dma_start3A_72 : memref<1x128xi32, #tpu.memory_space<vmem>> -> memref<128xi32, #tpu.memory_space<vmem>>
        %dma_start3A_74 = arith.constant 0 : i32
        %dma_start3A_75 = arith.constant 0 : i32
        %dma_start3A_76 = tpu.memref_slice %arg9[%dma_start3A_74, %dma_start3A_75] : memref<10112x128xf32, #tpu.memory_space<vmem_shared>> -> memref<10112x128xf32, #tpu.memory_space<vmem_shared>>
        tpu.enqueue_indirect_dma source(%arg13 : memref<128x128xf32, #tpu.memory_space<vmem>>) target(%dma_start3A_76 : memref<10112x128xf32, #tpu.memory_space<vmem_shared>>) offsets(%dma_start3A_73 : memref<128xi32, #tpu.memory_space<vmem>>) semaphore(%arg17 : memref<!tpu.dma_semaphore, #tpu.memory_space<semaphore_mem>>) {add = true}
        %dma_wait3A_77 = arith.constant 0 : i32
        %dma_wait3A_78 = arith.constant 0 : i32
        %dma_wait3A_79 = tpu.memref_slice %arg11[%dma_wait3A_77, %dma_wait3A_78] : memref<8x128xi32, #tpu.memory_space<vmem>> -> memref<1x128xi32, #tpu.memory_space<vmem>>
        %dma_wait3A_80 = tpu.memref_squeeze %dma_wait3A_79 : memref<1x128xi32, #tpu.memory_space<vmem>> -> memref<128xi32, #tpu.memory_space<vmem>>
        %dma_wait3A_81 = arith.constant 0 : i32
        %dma_wait3A_82 = arith.constant 0 : i32
        %dma_wait3A_83 = tpu.memref_slice %arg9[%dma_wait3A_81, %dma_wait3A_82] : memref<10112x128xf32, #tpu.memory_space<vmem_shared>> -> memref<10112x128xf32, #tpu.memory_space<vmem_shared>>
        tpu.wait_indirect_dma semaphore(%arg16 : memref<!tpu.dma_semaphore, #tpu.memory_space<semaphore_mem>>) src(%arg12 : memref<128x128xf32, #tpu.memory_space<vmem>>) dst(%dma_wait3A_83 : memref<10112x128xf32, #tpu.memory_space<vmem_shared>>)
        %add3A_84 = arith.constant 0 : i32
        %add3A_85 = arith.addi %mul3A_39, %add3A_84 : i32
        %add3A_86 = arith.constant 2 : i32
        %add3A_87 = arith.addi %add3A_85, %add3A_86 : i32
        %add3A_88 = arith.constant 0 : i32
        %add3A_89 = arith.addi %add3A_87, %add3A_88 : i32
        %lt3A = arith.constant 80 : i32
        %lt3A_90 = arith.cmpi slt, %add3A_89, %lt3A : i32
        %convert_element_type3A_91 = arith.extui %lt3A_90 : i1 to i32
        %cond3A_92 = arith.constant 0 : i32
        %cond3A_93 = arith.cmpi ne, %convert_element_type3A_91, %cond3A_92 : i32
        scf.if %cond3A_93 {
          %add3A_322 = arith.constant 0 : i32
          %add3A_323 = arith.addi %mul3A_39, %add3A_322 : i32
          %add3A_324 = arith.constant 2 : i32
          %add3A_325 = arith.addi %add3A_323, %add3A_324 : i32
          %add3A_326 = arith.constant 0 : i32
          %add3A_327 = arith.addi %add3A_325, %add3A_326 : i32
          %dma_start3A_328 = arith.constant 0 : i32
          %dma_start3A_329 = tpu.memref_slice %arg10[%add3A_327, %dma_start3A_328] : memref<80x128xi32, #tpu.memory_space<vmem>> -> memref<1x128xi32, #tpu.memory_space<vmem>>
          %dma_start3A_330 = tpu.memref_squeeze %dma_start3A_329 : memref<1x128xi32, #tpu.memory_space<vmem>> -> memref<128xi32, #tpu.memory_space<vmem>>
          %dma_start3A_331 = arith.constant 0 : i32
          %dma_start3A_332 = arith.constant 0 : i32
          %dma_start3A_333 = tpu.memref_slice %arg3[%dma_start3A_331, %dma_start3A_332] : memref<10000x128xf32, #tpu.memory_space<hbm>> -> memref<10000x128xf32, #tpu.memory_space<hbm>>
          tpu.enqueue_indirect_dma source(%dma_start3A_333 : memref<10000x128xf32, #tpu.memory_space<hbm>>) target(%arg12 : memref<128x128xf32, #tpu.memory_space<vmem>>) offsets(%dma_start3A_330 : memref<128xi32, #tpu.memory_space<vmem>>) semaphore(%arg14 : memref<!tpu.dma_semaphore, #tpu.memory_space<semaphore_mem>>)
        } else {
        }
        %dma_wait3A_94 = arith.constant 1 : i32
        %dma_wait3A_95 = arith.constant 0 : i32
        %dma_wait3A_96 = tpu.memref_slice %arg11[%dma_wait3A_94, %dma_wait3A_95] : memref<8x128xi32, #tpu.memory_space<vmem>> -> memref<1x128xi32, #tpu.memory_space<vmem>>
        %dma_wait3A_97 = tpu.memref_squeeze %dma_wait3A_96 : memref<1x128xi32, #tpu.memory_space<vmem>> -> memref<128xi32, #tpu.memory_space<vmem>>
        %dma_wait3A_98 = arith.constant 0 : i32
        %dma_wait3A_99 = arith.constant 0 : i32
        %dma_wait3A_100 = tpu.memref_slice %arg9[%dma_wait3A_98, %dma_wait3A_99] : memref<10112x128xf32, #tpu.memory_space<vmem_shared>> -> memref<10112x128xf32, #tpu.memory_space<vmem_shared>>
        tpu.wait_indirect_dma semaphore(%arg17 : memref<!tpu.dma_semaphore, #tpu.memory_space<semaphore_mem>>) src(%arg13 : memref<128x128xf32, #tpu.memory_space<vmem>>) dst(%dma_wait3A_100 : memref<10112x128xf32, #tpu.memory_space<vmem_shared>>)
        %add3A_101 = arith.constant 0 : i32
        %add3A_102 = arith.addi %mul3A_39, %add3A_101 : i32
        %add3A_103 = arith.constant 2 : i32
        %add3A_104 = arith.addi %add3A_102, %add3A_103 : i32
        %add3A_105 = arith.constant 1 : i32
        %add3A_106 = arith.addi %add3A_104, %add3A_105 : i32
        %lt3A_107 = arith.constant 80 : i32
        %lt3A_108 = arith.cmpi slt, %add3A_106, %lt3A_107 : i32
        %convert_element_type3A_109 = arith.extui %lt3A_108 : i1 to i32
        %cond3A_110 = arith.constant 0 : i32
        %cond3A_111 = arith.cmpi ne, %convert_element_type3A_109, %cond3A_110 : i32
        scf.if %cond3A_111 {
          %add3A_322 = arith.constant 0 : i32
          %add3A_323 = arith.addi %mul3A_39, %add3A_322 : i32
          %add3A_324 = arith.constant 2 : i32
          %add3A_325 = arith.addi %add3A_323, %add3A_324 : i32
          %add3A_326 = arith.constant 1 : i32
          %add3A_327 = arith.addi %add3A_325, %add3A_326 : i32
          %dma_start3A_328 = arith.constant 0 : i32
          %dma_start3A_329 = tpu.memref_slice %arg10[%add3A_327, %dma_start3A_328] : memref<80x128xi32, #tpu.memory_space<vmem>> -> memref<1x128xi32, #tpu.memory_space<vmem>>
          %dma_start3A_330 = tpu.memref_squeeze %dma_start3A_329 : memref<1x128xi32, #tpu.memory_space<vmem>> -> memref<128xi32, #tpu.memory_space<vmem>>
          %dma_start3A_331 = arith.constant 0 : i32
          %dma_start3A_332 = arith.constant 0 : i32
          %dma_start3A_333 = tpu.memref_slice %arg3[%dma_start3A_331, %dma_start3A_332] : memref<10000x128xf32, #tpu.memory_space<hbm>> -> memref<10000x128xf32, #tpu.memory_space<hbm>>
          tpu.enqueue_indirect_dma source(%dma_start3A_333 : memref<10000x128xf32, #tpu.memory_space<hbm>>) target(%arg13 : memref<128x128xf32, #tpu.memory_space<vmem>>) offsets(%dma_start3A_330 : memref<128xi32, #tpu.memory_space<vmem>>) semaphore(%arg15 : memref<!tpu.dma_semaphore, #tpu.memory_space<semaphore_mem>>)
        } else {
        }
        %add3A_112 = arith.constant 2 : i32
        %add3A_113 = arith.addi %mul3A_39, %add3A_112 : i32
        %add3A_114 = arith.constant 0 : i32
        %add3A_115 = arith.addi %add3A_113, %add3A_114 : i32
        %dma_wait3A_116 = arith.constant 0 : i32
        %dma_wait3A_117 = tpu.memref_slice %arg10[%add3A_115, %dma_wait3A_116] : memref<80x128xi32, #tpu.memory_space<vmem>> -> memref<1x128xi32, #tpu.memory_space<vmem>>
        %dma_wait3A_118 = tpu.memref_squeeze %dma_wait3A_117 : memref<1x128xi32, #tpu.memory_space<vmem>> -> memref<128xi32, #tpu.memory_space<vmem>>
        %dma_wait3A_119 = arith.constant 0 : i32
        %dma_wait3A_120 = arith.constant 0 : i32
        %dma_wait3A_121 = tpu.memref_slice %arg3[%dma_wait3A_119, %dma_wait3A_120] : memref<10000x128xf32, #tpu.memory_space<hbm>> -> memref<10000x128xf32, #tpu.memory_space<hbm>>
        tpu.wait_indirect_dma semaphore(%arg14 : memref<!tpu.dma_semaphore, #tpu.memory_space<semaphore_mem>>) src(%dma_wait3A_121 : memref<10000x128xf32, #tpu.memory_space<hbm>>) dst(%arg12 : memref<128x128xf32, #tpu.memory_space<vmem>>)
        %dma_start3A_122 = arith.constant 2 : i32
        %dma_start3A_123 = arith.constant 0 : i32
        %dma_start3A_124 = tpu.memref_slice %arg11[%dma_start3A_122, %dma_start3A_123] : memref<8x128xi32, #tpu.memory_space<vmem>> -> memref<1x128xi32, #tpu.memory_space<vmem>>
        %dma_start3A_125 = tpu.memref_squeeze %dma_start3A_124 : memref<1x128xi32, #tpu.memory_space<vmem>> -> memref<128xi32, #tpu.memory_space<vmem>>
        %dma_start3A_126 = arith.constant 0 : i32
        %dma_start3A_127 = arith.constant 0 : i32
        %dma_start3A_128 = tpu.memref_slice %arg9[%dma_start3A_126, %dma_start3A_127] : memref<10112x128xf32, #tpu.memory_space<vmem_shared>> -> memref<10112x128xf32, #tpu.memory_space<vmem_shared>>
        tpu.enqueue_indirect_dma source(%arg12 : memref<128x128xf32, #tpu.memory_space<vmem>>) target(%dma_start3A_128 : memref<10112x128xf32, #tpu.memory_space<vmem_shared>>) offsets(%dma_start3A_125 : memref<128xi32, #tpu.memory_space<vmem>>) semaphore(%arg16 : memref<!tpu.dma_semaphore, #tpu.memory_space<semaphore_mem>>) {add = true}
        %add3A_129 = arith.constant 2 : i32
        %add3A_130 = arith.addi %mul3A_39, %add3A_129 : i32
        %add3A_131 = arith.constant 1 : i32
        %add3A_132 = arith.addi %add3A_130, %add3A_131 : i32
        %dma_wait3A_133 = arith.constant 0 : i32
        %dma_wait3A_134 = tpu.memref_slice %arg10[%add3A_132, %dma_wait3A_133] : memref<80x128xi32, #tpu.memory_space<vmem>> -> memref<1x128xi32, #tpu.memory_space<vmem>>
        %dma_wait3A_135 = tpu.memref_squeeze %dma_wait3A_134 : memref<1x128xi32, #tpu.memory_space<vmem>> -> memref<128xi32, #tpu.memory_space<vmem>>
        %dma_wait3A_136 = arith.constant 0 : i32
        %dma_wait3A_137 = arith.constant 0 : i32
        %dma_wait3A_138 = tpu.memref_slice %arg3[%dma_wait3A_136, %dma_wait3A_137] : memref<10000x128xf32, #tpu.memory_space<hbm>> -> memref<10000x128xf32, #tpu.memory_space<hbm>>
        tpu.wait_indirect_dma semaphore(%arg15 : memref<!tpu.dma_semaphore, #tpu.memory_space<semaphore_mem>>) src(%dma_wait3A_138 : memref<10000x128xf32, #tpu.memory_space<hbm>>) dst(%arg13 : memref<128x128xf32, #tpu.memory_space<vmem>>)
        %dma_start3A_139 = arith.constant 3 : i32
        %dma_start3A_140 = arith.constant 0 : i32
        %dma_start3A_141 = tpu.memref_slice %arg11[%dma_start3A_139, %dma_start3A_140] : memref<8x128xi32, #tpu.memory_space<vmem>> -> memref<1x128xi32, #tpu.memory_space<vmem>>
        %dma_start3A_142 = tpu.memref_squeeze %dma_start3A_141 : memref<1x128xi32, #tpu.memory_space<vmem>> -> memref<128xi32, #tpu.memory_space<vmem>>
        %dma_start3A_143 = arith.constant 0 : i32
        %dma_start3A_144 = arith.constant 0 : i32
        %dma_start3A_145 = tpu.memref_slice %arg9[%dma_start3A_143, %dma_start3A_144] : memref<10112x128xf32, #tpu.memory_space<vmem_shared>> -> memref<10112x128xf32, #tpu.memory_space<vmem_shared>>
        tpu.enqueue_indirect_dma source(%arg13 : memref<128x128xf32, #tpu.memory_space<vmem>>) target(%dma_start3A_145 : memref<10112x128xf32, #tpu.memory_space<vmem_shared>>) offsets(%dma_start3A_142 : memref<128xi32, #tpu.memory_space<vmem>>) semaphore(%arg17 : memref<!tpu.dma_semaphore, #tpu.memory_space<semaphore_mem>>) {add = true}
        %dma_wait3A_146 = arith.constant 2 : i32
        %dma_wait3A_147 = arith.constant 0 : i32
        %dma_wait3A_148 = tpu.memref_slice %arg11[%dma_wait3A_146, %dma_wait3A_147] : memref<8x128xi32, #tpu.memory_space<vmem>> -> memref<1x128xi32, #tpu.memory_space<vmem>>
        %dma_wait3A_149 = tpu.memref_squeeze %dma_wait3A_148 : memref<1x128xi32, #tpu.memory_space<vmem>> -> memref<128xi32, #tpu.memory_space<vmem>>
        %dma_wait3A_150 = arith.constant 0 : i32
        %dma_wait3A_151 = arith.constant 0 : i32
        %dma_wait3A_152 = tpu.memref_slice %arg9[%dma_wait3A_150, %dma_wait3A_151] : memref<10112x128xf32, #tpu.memory_space<vmem_shared>> -> memref<10112x128xf32, #tpu.memory_space<vmem_shared>>
        tpu.wait_indirect_dma semaphore(%arg16 : memref<!tpu.dma_semaphore, #tpu.memory_space<semaphore_mem>>) src(%arg12 : memref<128x128xf32, #tpu.memory_space<vmem>>) dst(%dma_wait3A_152 : memref<10112x128xf32, #tpu.memory_space<vmem_shared>>)
        %add3A_153 = arith.constant 2 : i32
        %add3A_154 = arith.addi %mul3A_39, %add3A_153 : i32
        %add3A_155 = arith.constant 2 : i32
        %add3A_156 = arith.addi %add3A_154, %add3A_155 : i32
        %add3A_157 = arith.constant 0 : i32
        %add3A_158 = arith.addi %add3A_156, %add3A_157 : i32
        %lt3A_159 = arith.constant 80 : i32
        %lt3A_160 = arith.cmpi slt, %add3A_158, %lt3A_159 : i32
        %convert_element_type3A_161 = arith.extui %lt3A_160 : i1 to i32
        %cond3A_162 = arith.constant 0 : i32
        %cond3A_163 = arith.cmpi ne, %convert_element_type3A_161, %cond3A_162 : i32
        scf.if %cond3A_163 {
          %add3A_322 = arith.constant 2 : i32
          %add3A_323 = arith.addi %mul3A_39, %add3A_322 : i32
          %add3A_324 = arith.constant 2 : i32
          %add3A_325 = arith.addi %add3A_323, %add3A_324 : i32
          %add3A_326 = arith.constant 0 : i32
          %add3A_327 = arith.addi %add3A_325, %add3A_326 : i32
          %dma_start3A_328 = arith.constant 0 : i32
          %dma_start3A_329 = tpu.memref_slice %arg10[%add3A_327, %dma_start3A_328] : memref<80x128xi32, #tpu.memory_space<vmem>> -> memref<1x128xi32, #tpu.memory_space<vmem>>
          %dma_start3A_330 = tpu.memref_squeeze %dma_start3A_329 : memref<1x128xi32, #tpu.memory_space<vmem>> -> memref<128xi32, #tpu.memory_space<vmem>>
          %dma_start3A_331 = arith.constant 0 : i32
          %dma_start3A_332 = arith.constant 0 : i32
          %dma_start3A_333 = tpu.memref_slice %arg3[%dma_start3A_331, %dma_start3A_332] : memref<10000x128xf32, #tpu.memory_space<hbm>> -> memref<10000x128xf32, #tpu.memory_space<hbm>>
          tpu.enqueue_indirect_dma source(%dma_start3A_333 : memref<10000x128xf32, #tpu.memory_space<hbm>>) target(%arg12 : memref<128x128xf32, #tpu.memory_space<vmem>>) offsets(%dma_start3A_330 : memref<128xi32, #tpu.memory_space<vmem>>) semaphore(%arg14 : memref<!tpu.dma_semaphore, #tpu.memory_space<semaphore_mem>>)
        } else {
        }
        %dma_wait3A_164 = arith.constant 3 : i32
        %dma_wait3A_165 = arith.constant 0 : i32
        %dma_wait3A_166 = tpu.memref_slice %arg11[%dma_wait3A_164, %dma_wait3A_165] : memref<8x128xi32, #tpu.memory_space<vmem>> -> memref<1x128xi32, #tpu.memory_space<vmem>>
        %dma_wait3A_167 = tpu.memref_squeeze %dma_wait3A_166 : memref<1x128xi32, #tpu.memory_space<vmem>> -> memref<128xi32, #tpu.memory_space<vmem>>
        %dma_wait3A_168 = arith.constant 0 : i32
        %dma_wait3A_169 = arith.constant 0 : i32
        %dma_wait3A_170 = tpu.memref_slice %arg9[%dma_wait3A_168, %dma_wait3A_169] : memref<10112x128xf32, #tpu.memory_space<vmem_shared>> -> memref<10112x128xf32, #tpu.memory_space<vmem_shared>>
        tpu.wait_indirect_dma semaphore(%arg17 : memref<!tpu.dma_semaphore, #tpu.memory_space<semaphore_mem>>) src(%arg13 : memref<128x128xf32, #tpu.memory_space<vmem>>) dst(%dma_wait3A_170 : memref<10112x128xf32, #tpu.memory_space<vmem_shared>>)
        %add3A_171 = arith.constant 2 : i32
        %add3A_172 = arith.addi %mul3A_39, %add3A_171 : i32
        %add3A_173 = arith.constant 2 : i32
        %add3A_174 = arith.addi %add3A_172, %add3A_173 : i32
        %add3A_175 = arith.constant 1 : i32
        %add3A_176 = arith.addi %add3A_174, %add3A_175 : i32
        %lt3A_177 = arith.constant 80 : i32
        %lt3A_178 = arith.cmpi slt, %add3A_176, %lt3A_177 : i32
        %convert_element_type3A_179 = arith.extui %lt3A_178 : i1 to i32
        %cond3A_180 = arith.constant 0 : i32
        %cond3A_181 = arith.cmpi ne, %convert_element_type3A_179, %cond3A_180 : i32
        scf.if %cond3A_181 {
          %add3A_322 = arith.constant 2 : i32
          %add3A_323 = arith.addi %mul3A_39, %add3A_322 : i32
          %add3A_324 = arith.constant 2 : i32
          %add3A_325 = arith.addi %add3A_323, %add3A_324 : i32
          %add3A_326 = arith.constant 1 : i32
          %add3A_327 = arith.addi %add3A_325, %add3A_326 : i32
          %dma_start3A_328 = arith.constant 0 : i32
          %dma_start3A_329 = tpu.memref_slice %arg10[%add3A_327, %dma_start3A_328] : memref<80x128xi32, #tpu.memory_space<vmem>> -> memref<1x128xi32, #tpu.memory_space<vmem>>
          %dma_start3A_330 = tpu.memref_squeeze %dma_start3A_329 : memref<1x128xi32, #tpu.memory_space<vmem>> -> memref<128xi32, #tpu.memory_space<vmem>>
          %dma_start3A_331 = arith.constant 0 : i32
          %dma_start3A_332 = arith.constant 0 : i32
          %dma_start3A_333 = tpu.memref_slice %arg3[%dma_start3A_331, %dma_start3A_332] : memref<10000x128xf32, #tpu.memory_space<hbm>> -> memref<10000x128xf32, #tpu.memory_space<hbm>>
          tpu.enqueue_indirect_dma source(%dma_start3A_333 : memref<10000x128xf32, #tpu.memory_space<hbm>>) target(%arg13 : memref<128x128xf32, #tpu.memory_space<vmem>>) offsets(%dma_start3A_330 : memref<128xi32, #tpu.memory_space<vmem>>) semaphore(%arg15 : memref<!tpu.dma_semaphore, #tpu.memory_space<semaphore_mem>>)
        } else {
        }
        %add3A_182 = arith.constant 4 : i32
        %add3A_183 = arith.addi %mul3A_39, %add3A_182 : i32
        %add3A_184 = arith.constant 0 : i32
        %add3A_185 = arith.addi %add3A_183, %add3A_184 : i32
        %dma_wait3A_186 = arith.constant 0 : i32
        %dma_wait3A_187 = tpu.memref_slice %arg10[%add3A_185, %dma_wait3A_186] : memref<80x128xi32, #tpu.memory_space<vmem>> -> memref<1x128xi32, #tpu.memory_space<vmem>>
        %dma_wait3A_188 = tpu.memref_squeeze %dma_wait3A_187 : memref<1x128xi32, #tpu.memory_space<vmem>> -> memref<128xi32, #tpu.memory_space<vmem>>
        %dma_wait3A_189 = arith.constant 0 : i32
        %dma_wait3A_190 = arith.constant 0 : i32
        %dma_wait3A_191 = tpu.memref_slice %arg3[%dma_wait3A_189, %dma_wait3A_190] : memref<10000x128xf32, #tpu.memory_space<hbm>> -> memref<10000x128xf32, #tpu.memory_space<hbm>>
        tpu.wait_indirect_dma semaphore(%arg14 : memref<!tpu.dma_semaphore, #tpu.memory_space<semaphore_mem>>) src(%dma_wait3A_191 : memref<10000x128xf32, #tpu.memory_space<hbm>>) dst(%arg12 : memref<128x128xf32, #tpu.memory_space<vmem>>)
        %dma_start3A_192 = arith.constant 4 : i32
        %dma_start3A_193 = arith.constant 0 : i32
        %dma_start3A_194 = tpu.memref_slice %arg11[%dma_start3A_192, %dma_start3A_193] : memref<8x128xi32, #tpu.memory_space<vmem>> -> memref<1x128xi32, #tpu.memory_space<vmem>>
        %dma_start3A_195 = tpu.memref_squeeze %dma_start3A_194 : memref<1x128xi32, #tpu.memory_space<vmem>> -> memref<128xi32, #tpu.memory_space<vmem>>
        %dma_start3A_196 = arith.constant 0 : i32
        %dma_start3A_197 = arith.constant 0 : i32
        %dma_start3A_198 = tpu.memref_slice %arg9[%dma_start3A_196, %dma_start3A_197] : memref<10112x128xf32, #tpu.memory_space<vmem_shared>> -> memref<10112x128xf32, #tpu.memory_space<vmem_shared>>
        tpu.enqueue_indirect_dma source(%arg12 : memref<128x128xf32, #tpu.memory_space<vmem>>) target(%dma_start3A_198 : memref<10112x128xf32, #tpu.memory_space<vmem_shared>>) offsets(%dma_start3A_195 : memref<128xi32, #tpu.memory_space<vmem>>) semaphore(%arg16 : memref<!tpu.dma_semaphore, #tpu.memory_space<semaphore_mem>>) {add = true}
        %add3A_199 = arith.constant 4 : i32
        %add3A_200 = arith.addi %mul3A_39, %add3A_199 : i32
        %add3A_201 = arith.constant 1 : i32
        %add3A_202 = arith.addi %add3A_200, %add3A_201 : i32
        %dma_wait3A_203 = arith.constant 0 : i32
        %dma_wait3A_204 = tpu.memref_slice %arg10[%add3A_202, %dma_wait3A_203] : memref<80x128xi32, #tpu.memory_space<vmem>> -> memref<1x128xi32, #tpu.memory_space<vmem>>
        %dma_wait3A_205 = tpu.memref_squeeze %dma_wait3A_204 : memref<1x128xi32, #tpu.memory_space<vmem>> -> memref<128xi32, #tpu.memory_space<vmem>>
        %dma_wait3A_206 = arith.constant 0 : i32
        %dma_wait3A_207 = arith.constant 0 : i32
        %dma_wait3A_208 = tpu.memref_slice %arg3[%dma_wait3A_206, %dma_wait3A_207] : memref<10000x128xf32, #tpu.memory_space<hbm>> -> memref<10000x128xf32, #tpu.memory_space<hbm>>
        tpu.wait_indirect_dma semaphore(%arg15 : memref<!tpu.dma_semaphore, #tpu.memory_space<semaphore_mem>>) src(%dma_wait3A_208 : memref<10000x128xf32, #tpu.memory_space<hbm>>) dst(%arg13 : memref<128x128xf32, #tpu.memory_space<vmem>>)
        %dma_start3A_209 = arith.constant 5 : i32
        %dma_start3A_210 = arith.constant 0 : i32
        %dma_start3A_211 = tpu.memref_slice %arg11[%dma_start3A_209, %dma_start3A_210] : memref<8x128xi32, #tpu.memory_space<vmem>> -> memref<1x128xi32, #tpu.memory_space<vmem>>
        %dma_start3A_212 = tpu.memref_squeeze %dma_start3A_211 : memref<1x128xi32, #tpu.memory_space<vmem>> -> memref<128xi32, #tpu.memory_space<vmem>>
        %dma_start3A_213 = arith.constant 0 : i32
        %dma_start3A_214 = arith.constant 0 : i32
        %dma_start3A_215 = tpu.memref_slice %arg9[%dma_start3A_213, %dma_start3A_214] : memref<10112x128xf32, #tpu.memory_space<vmem_shared>> -> memref<10112x128xf32, #tpu.memory_space<vmem_shared>>
        tpu.enqueue_indirect_dma source(%arg13 : memref<128x128xf32, #tpu.memory_space<vmem>>) target(%dma_start3A_215 : memref<10112x128xf32, #tpu.memory_space<vmem_shared>>) offsets(%dma_start3A_212 : memref<128xi32, #tpu.memory_space<vmem>>) semaphore(%arg17 : memref<!tpu.dma_semaphore, #tpu.memory_space<semaphore_mem>>) {add = true}
        %dma_wait3A_216 = arith.constant 4 : i32
        %dma_wait3A_217 = arith.constant 0 : i32
        %dma_wait3A_218 = tpu.memref_slice %arg11[%dma_wait3A_216, %dma_wait3A_217] : memref<8x128xi32, #tpu.memory_space<vmem>> -> memref<1x128xi32, #tpu.memory_space<vmem>>
        %dma_wait3A_219 = tpu.memref_squeeze %dma_wait3A_218 : memref<1x128xi32, #tpu.memory_space<vmem>> -> memref<128xi32, #tpu.memory_space<vmem>>
        %dma_wait3A_220 = arith.constant 0 : i32
        %dma_wait3A_221 = arith.constant 0 : i32
        %dma_wait3A_222 = tpu.memref_slice %arg9[%dma_wait3A_220, %dma_wait3A_221] : memref<10112x128xf32, #tpu.memory_space<vmem_shared>> -> memref<10112x128xf32, #tpu.memory_space<vmem_shared>>
        tpu.wait_indirect_dma semaphore(%arg16 : memref<!tpu.dma_semaphore, #tpu.memory_space<semaphore_mem>>) src(%arg12 : memref<128x128xf32, #tpu.memory_space<vmem>>) dst(%dma_wait3A_222 : memref<10112x128xf32, #tpu.memory_space<vmem_shared>>)
        %add3A_223 = arith.constant 4 : i32
        %add3A_224 = arith.addi %mul3A_39, %add3A_223 : i32
        %add3A_225 = arith.constant 2 : i32
        %add3A_226 = arith.addi %add3A_224, %add3A_225 : i32
        %add3A_227 = arith.constant 0 : i32
        %add3A_228 = arith.addi %add3A_226, %add3A_227 : i32
        %lt3A_229 = arith.constant 80 : i32
        %lt3A_230 = arith.cmpi slt, %add3A_228, %lt3A_229 : i32
        %convert_element_type3A_231 = arith.extui %lt3A_230 : i1 to i32
        %cond3A_232 = arith.constant 0 : i32
        %cond3A_233 = arith.cmpi ne, %convert_element_type3A_231, %cond3A_232 : i32
        scf.if %cond3A_233 {
          %add3A_322 = arith.constant 4 : i32
          %add3A_323 = arith.addi %mul3A_39, %add3A_322 : i32
          %add3A_324 = arith.constant 2 : i32
          %add3A_325 = arith.addi %add3A_323, %add3A_324 : i32
          %add3A_326 = arith.constant 0 : i32
          %add3A_327 = arith.addi %add3A_325, %add3A_326 : i32
          %dma_start3A_328 = arith.constant 0 : i32
          %dma_start3A_329 = tpu.memref_slice %arg10[%add3A_327, %dma_start3A_328] : memref<80x128xi32, #tpu.memory_space<vmem>> -> memref<1x128xi32, #tpu.memory_space<vmem>>
          %dma_start3A_330 = tpu.memref_squeeze %dma_start3A_329 : memref<1x128xi32, #tpu.memory_space<vmem>> -> memref<128xi32, #tpu.memory_space<vmem>>
          %dma_start3A_331 = arith.constant 0 : i32
          %dma_start3A_332 = arith.constant 0 : i32
          %dma_start3A_333 = tpu.memref_slice %arg3[%dma_start3A_331, %dma_start3A_332] : memref<10000x128xf32, #tpu.memory_space<hbm>> -> memref<10000x128xf32, #tpu.memory_space<hbm>>
          tpu.enqueue_indirect_dma source(%dma_start3A_333 : memref<10000x128xf32, #tpu.memory_space<hbm>>) target(%arg12 : memref<128x128xf32, #tpu.memory_space<vmem>>) offsets(%dma_start3A_330 : memref<128xi32, #tpu.memory_space<vmem>>) semaphore(%arg14 : memref<!tpu.dma_semaphore, #tpu.memory_space<semaphore_mem>>)
        } else {
        }
        %dma_wait3A_234 = arith.constant 5 : i32
        %dma_wait3A_235 = arith.constant 0 : i32
        %dma_wait3A_236 = tpu.memref_slice %arg11[%dma_wait3A_234, %dma_wait3A_235] : memref<8x128xi32, #tpu.memory_space<vmem>> -> memref<1x128xi32, #tpu.memory_space<vmem>>
        %dma_wait3A_237 = tpu.memref_squeeze %dma_wait3A_236 : memref<1x128xi32, #tpu.memory_space<vmem>> -> memref<128xi32, #tpu.memory_space<vmem>>
        %dma_wait3A_238 = arith.constant 0 : i32
        %dma_wait3A_239 = arith.constant 0 : i32
        %dma_wait3A_240 = tpu.memref_slice %arg9[%dma_wait3A_238, %dma_wait3A_239] : memref<10112x128xf32, #tpu.memory_space<vmem_shared>> -> memref<10112x128xf32, #tpu.memory_space<vmem_shared>>
        tpu.wait_indirect_dma semaphore(%arg17 : memref<!tpu.dma_semaphore, #tpu.memory_space<semaphore_mem>>) src(%arg13 : memref<128x128xf32, #tpu.memory_space<vmem>>) dst(%dma_wait3A_240 : memref<10112x128xf32, #tpu.memory_space<vmem_shared>>)
        %add3A_241 = arith.constant 4 : i32
        %add3A_242 = arith.addi %mul3A_39, %add3A_241 : i32
        %add3A_243 = arith.constant 2 : i32
        %add3A_244 = arith.addi %add3A_242, %add3A_243 : i32
        %add3A_245 = arith.constant 1 : i32
        %add3A_246 = arith.addi %add3A_244, %add3A_245 : i32
        %lt3A_247 = arith.constant 80 : i32
        %lt3A_248 = arith.cmpi slt, %add3A_246, %lt3A_247 : i32
        %convert_element_type3A_249 = arith.extui %lt3A_248 : i1 to i32
        %cond3A_250 = arith.constant 0 : i32
        %cond3A_251 = arith.cmpi ne, %convert_element_type3A_249, %cond3A_250 : i32
        scf.if %cond3A_251 {
          %add3A_322 = arith.constant 4 : i32
          %add3A_323 = arith.addi %mul3A_39, %add3A_322 : i32
          %add3A_324 = arith.constant 2 : i32
          %add3A_325 = arith.addi %add3A_323, %add3A_324 : i32
          %add3A_326 = arith.constant 1 : i32
          %add3A_327 = arith.addi %add3A_325, %add3A_326 : i32
          %dma_start3A_328 = arith.constant 0 : i32
          %dma_start3A_329 = tpu.memref_slice %arg10[%add3A_327, %dma_start3A_328] : memref<80x128xi32, #tpu.memory_space<vmem>> -> memref<1x128xi32, #tpu.memory_space<vmem>>
          %dma_start3A_330 = tpu.memref_squeeze %dma_start3A_329 : memref<1x128xi32, #tpu.memory_space<vmem>> -> memref<128xi32, #tpu.memory_space<vmem>>
          %dma_start3A_331 = arith.constant 0 : i32
          %dma_start3A_332 = arith.constant 0 : i32
          %dma_start3A_333 = tpu.memref_slice %arg3[%dma_start3A_331, %dma_start3A_332] : memref<10000x128xf32, #tpu.memory_space<hbm>> -> memref<10000x128xf32, #tpu.memory_space<hbm>>
          tpu.enqueue_indirect_dma source(%dma_start3A_333 : memref<10000x128xf32, #tpu.memory_space<hbm>>) target(%arg13 : memref<128x128xf32, #tpu.memory_space<vmem>>) offsets(%dma_start3A_330 : memref<128xi32, #tpu.memory_space<vmem>>) semaphore(%arg15 : memref<!tpu.dma_semaphore, #tpu.memory_space<semaphore_mem>>)
        } else {
        }
        %add3A_252 = arith.constant 6 : i32
        %add3A_253 = arith.addi %mul3A_39, %add3A_252 : i32
        %add3A_254 = arith.constant 0 : i32
        %add3A_255 = arith.addi %add3A_253, %add3A_254 : i32
        %dma_wait3A_256 = arith.constant 0 : i32
        %dma_wait3A_257 = tpu.memref_slice %arg10[%add3A_255, %dma_wait3A_256] : memref<80x128xi32, #tpu.memory_space<vmem>> -> memref<1x128xi32, #tpu.memory_space<vmem>>
        %dma_wait3A_258 = tpu.memref_squeeze %dma_wait3A_257 : memref<1x128xi32, #tpu.memory_space<vmem>> -> memref<128xi32, #tpu.memory_space<vmem>>
        %dma_wait3A_259 = arith.constant 0 : i32
        %dma_wait3A_260 = arith.constant 0 : i32
        %dma_wait3A_261 = tpu.memref_slice %arg3[%dma_wait3A_259, %dma_wait3A_260] : memref<10000x128xf32, #tpu.memory_space<hbm>> -> memref<10000x128xf32, #tpu.memory_space<hbm>>
        tpu.wait_indirect_dma semaphore(%arg14 : memref<!tpu.dma_semaphore, #tpu.memory_space<semaphore_mem>>) src(%dma_wait3A_261 : memref<10000x128xf32, #tpu.memory_space<hbm>>) dst(%arg12 : memref<128x128xf32, #tpu.memory_space<vmem>>)
        %dma_start3A_262 = arith.constant 6 : i32
        %dma_start3A_263 = arith.constant 0 : i32
        %dma_start3A_264 = tpu.memref_slice %arg11[%dma_start3A_262, %dma_start3A_263] : memref<8x128xi32, #tpu.memory_space<vmem>> -> memref<1x128xi32, #tpu.memory_space<vmem>>
        %dma_start3A_265 = tpu.memref_squeeze %dma_start3A_264 : memref<1x128xi32, #tpu.memory_space<vmem>> -> memref<128xi32, #tpu.memory_space<vmem>>
        %dma_start3A_266 = arith.constant 0 : i32
        %dma_start3A_267 = arith.constant 0 : i32
        %dma_start3A_268 = tpu.memref_slice %arg9[%dma_start3A_266, %dma_start3A_267] : memref<10112x128xf32, #tpu.memory_space<vmem_shared>> -> memref<10112x128xf32, #tpu.memory_space<vmem_shared>>
        tpu.enqueue_indirect_dma source(%arg12 : memref<128x128xf32, #tpu.memory_space<vmem>>) target(%dma_start3A_268 : memref<10112x128xf32, #tpu.memory_space<vmem_shared>>) offsets(%dma_start3A_265 : memref<128xi32, #tpu.memory_space<vmem>>) semaphore(%arg16 : memref<!tpu.dma_semaphore, #tpu.memory_space<semaphore_mem>>) {add = true}
        %add3A_269 = arith.constant 6 : i32
        %add3A_270 = arith.addi %mul3A_39, %add3A_269 : i32
        %add3A_271 = arith.constant 1 : i32
        %add3A_272 = arith.addi %add3A_270, %add3A_271 : i32
        %dma_wait3A_273 = arith.constant 0 : i32
        %dma_wait3A_274 = tpu.memref_slice %arg10[%add3A_272, %dma_wait3A_273] : memref<80x128xi32, #tpu.memory_space<vmem>> -> memref<1x128xi32, #tpu.memory_space<vmem>>
        %dma_wait3A_275 = tpu.memref_squeeze %dma_wait3A_274 : memref<1x128xi32, #tpu.memory_space<vmem>> -> memref<128xi32, #tpu.memory_space<vmem>>
        %dma_wait3A_276 = arith.constant 0 : i32
        %dma_wait3A_277 = arith.constant 0 : i32
        %dma_wait3A_278 = tpu.memref_slice %arg3[%dma_wait3A_276, %dma_wait3A_277] : memref<10000x128xf32, #tpu.memory_space<hbm>> -> memref<10000x128xf32, #tpu.memory_space<hbm>>
        tpu.wait_indirect_dma semaphore(%arg15 : memref<!tpu.dma_semaphore, #tpu.memory_space<semaphore_mem>>) src(%dma_wait3A_278 : memref<10000x128xf32, #tpu.memory_space<hbm>>) dst(%arg13 : memref<128x128xf32, #tpu.memory_space<vmem>>)
        %dma_start3A_279 = arith.constant 7 : i32
        %dma_start3A_280 = arith.constant 0 : i32
        %dma_start3A_281 = tpu.memref_slice %arg11[%dma_start3A_279, %dma_start3A_280] : memref<8x128xi32, #tpu.memory_space<vmem>> -> memref<1x128xi32, #tpu.memory_space<vmem>>
        %dma_start3A_282 = tpu.memref_squeeze %dma_start3A_281 : memref<1x128xi32, #tpu.memory_space<vmem>> -> memref<128xi32, #tpu.memory_space<vmem>>
        %dma_start3A_283 = arith.constant 0 : i32
        %dma_start3A_284 = arith.constant 0 : i32
        %dma_start3A_285 = tpu.memref_slice %arg9[%dma_start3A_283, %dma_start3A_284] : memref<10112x128xf32, #tpu.memory_space<vmem_shared>> -> memref<10112x128xf32, #tpu.memory_space<vmem_shared>>
        tpu.enqueue_indirect_dma source(%arg13 : memref<128x128xf32, #tpu.memory_space<vmem>>) target(%dma_start3A_285 : memref<10112x128xf32, #tpu.memory_space<vmem_shared>>) offsets(%dma_start3A_282 : memref<128xi32, #tpu.memory_space<vmem>>) semaphore(%arg17 : memref<!tpu.dma_semaphore, #tpu.memory_space<semaphore_mem>>) {add = true}
        %dma_wait3A_286 = arith.constant 6 : i32
        %dma_wait3A_287 = arith.constant 0 : i32
        %dma_wait3A_288 = tpu.memref_slice %arg11[%dma_wait3A_286, %dma_wait3A_287] : memref<8x128xi32, #tpu.memory_space<vmem>> -> memref<1x128xi32, #tpu.memory_space<vmem>>
        %dma_wait3A_289 = tpu.memref_squeeze %dma_wait3A_288 : memref<1x128xi32, #tpu.memory_space<vmem>> -> memref<128xi32, #tpu.memory_space<vmem>>
        %dma_wait3A_290 = arith.constant 0 : i32
        %dma_wait3A_291 = arith.constant 0 : i32
        %dma_wait3A_292 = tpu.memref_slice %arg9[%dma_wait3A_290, %dma_wait3A_291] : memref<10112x128xf32, #tpu.memory_space<vmem_shared>> -> memref<10112x128xf32, #tpu.memory_space<vmem_shared>>
        tpu.wait_indirect_dma semaphore(%arg16 : memref<!tpu.dma_semaphore, #tpu.memory_space<semaphore_mem>>) src(%arg12 : memref<128x128xf32, #tpu.memory_space<vmem>>) dst(%dma_wait3A_292 : memref<10112x128xf32, #tpu.memory_space<vmem_shared>>)
        %add3A_293 = arith.constant 6 : i32
        %add3A_294 = arith.addi %mul3A_39, %add3A_293 : i32
        %add3A_295 = arith.constant 2 : i32
        %add3A_296 = arith.addi %add3A_294, %add3A_295 : i32
        %add3A_297 = arith.constant 0 : i32
        %add3A_298 = arith.addi %add3A_296, %add3A_297 : i32
        %lt3A_299 = arith.constant 80 : i32
        %lt3A_300 = arith.cmpi slt, %add3A_298, %lt3A_299 : i32
        %convert_element_type3A_301 = arith.extui %lt3A_300 : i1 to i32
        %cond3A_302 = arith.constant 0 : i32
        %cond3A_303 = arith.cmpi ne, %convert_element_type3A_301, %cond3A_302 : i32
        scf.if %cond3A_303 {
          %add3A_322 = arith.constant 6 : i32
          %add3A_323 = arith.addi %mul3A_39, %add3A_322 : i32
          %add3A_324 = arith.constant 2 : i32
          %add3A_325 = arith.addi %add3A_323, %add3A_324 : i32
          %add3A_326 = arith.constant 0 : i32
          %add3A_327 = arith.addi %add3A_325, %add3A_326 : i32
          %dma_start3A_328 = arith.constant 0 : i32
          %dma_start3A_329 = tpu.memref_slice %arg10[%add3A_327, %dma_start3A_328] : memref<80x128xi32, #tpu.memory_space<vmem>> -> memref<1x128xi32, #tpu.memory_space<vmem>>
          %dma_start3A_330 = tpu.memref_squeeze %dma_start3A_329 : memref<1x128xi32, #tpu.memory_space<vmem>> -> memref<128xi32, #tpu.memory_space<vmem>>
          %dma_start3A_331 = arith.constant 0 : i32
          %dma_start3A_332 = arith.constant 0 : i32
          %dma_start3A_333 = tpu.memref_slice %arg3[%dma_start3A_331, %dma_start3A_332] : memref<10000x128xf32, #tpu.memory_space<hbm>> -> memref<10000x128xf32, #tpu.memory_space<hbm>>
          tpu.enqueue_indirect_dma source(%dma_start3A_333 : memref<10000x128xf32, #tpu.memory_space<hbm>>) target(%arg12 : memref<128x128xf32, #tpu.memory_space<vmem>>) offsets(%dma_start3A_330 : memref<128xi32, #tpu.memory_space<vmem>>) semaphore(%arg14 : memref<!tpu.dma_semaphore, #tpu.memory_space<semaphore_mem>>)
        } else {
        }
        %dma_wait3A_304 = arith.constant 7 : i32
        %dma_wait3A_305 = arith.constant 0 : i32
        %dma_wait3A_306 = tpu.memref_slice %arg11[%dma_wait3A_304, %dma_wait3A_305] : memref<8x128xi32, #tpu.memory_space<vmem>> -> memref<1x128xi32, #tpu.memory_space<vmem>>
        %dma_wait3A_307 = tpu.memref_squeeze %dma_wait3A_306 : memref<1x128xi32, #tpu.memory_space<vmem>> -> memref<128xi32, #tpu.memory_space<vmem>>
        %dma_wait3A_308 = arith.constant 0 : i32
        %dma_wait3A_309 = arith.constant 0 : i32
        %dma_wait3A_310 = tpu.memref_slice %arg9[%dma_wait3A_308, %dma_wait3A_309] : memref<10112x128xf32, #tpu.memory_space<vmem_shared>> -> memref<10112x128xf32, #tpu.memory_space<vmem_shared>>
        tpu.wait_indirect_dma semaphore(%arg17 : memref<!tpu.dma_semaphore, #tpu.memory_space<semaphore_mem>>) src(%arg13 : memref<128x128xf32, #tpu.memory_space<vmem>>) dst(%dma_wait3A_310 : memref<10112x128xf32, #tpu.memory_space<vmem_shared>>)
        %add3A_311 = arith.constant 6 : i32
        %add3A_312 = arith.addi %mul3A_39, %add3A_311 : i32
        %add3A_313 = arith.constant 2 : i32
        %add3A_314 = arith.addi %add3A_312, %add3A_313 : i32
        %add3A_315 = arith.constant 1 : i32
        %add3A_316 = arith.addi %add3A_314, %add3A_315 : i32
        %lt3A_317 = arith.constant 80 : i32
        %lt3A_318 = arith.cmpi slt, %add3A_316, %lt3A_317 : i32
        %convert_element_type3A_319 = arith.extui %lt3A_318 : i1 to i32
        %cond3A_320 = arith.constant 0 : i32
        %cond3A_321 = arith.cmpi ne, %convert_element_type3A_319, %cond3A_320 : i32
        scf.if %cond3A_321 {
          %add3A_322 = arith.constant 6 : i32
          %add3A_323 = arith.addi %mul3A_39, %add3A_322 : i32
          %add3A_324 = arith.constant 2 : i32
          %add3A_325 = arith.addi %add3A_323, %add3A_324 : i32
          %add3A_326 = arith.constant 1 : i32
          %add3A_327 = arith.addi %add3A_325, %add3A_326 : i32
          %dma_start3A_328 = arith.constant 0 : i32
          %dma_start3A_329 = tpu.memref_slice %arg10[%add3A_327, %dma_start3A_328] : memref<80x128xi32, #tpu.memory_space<vmem>> -> memref<1x128xi32, #tpu.memory_space<vmem>>
          %dma_start3A_330 = tpu.memref_squeeze %dma_start3A_329 : memref<1x128xi32, #tpu.memory_space<vmem>> -> memref<128xi32, #tpu.memory_space<vmem>>
          %dma_start3A_331 = arith.constant 0 : i32
          %dma_start3A_332 = arith.constant 0 : i32
          %dma_start3A_333 = tpu.memref_slice %arg3[%dma_start3A_331, %dma_start3A_332] : memref<10000x128xf32, #tpu.memory_space<hbm>> -> memref<10000x128xf32, #tpu.memory_space<hbm>>
          tpu.enqueue_indirect_dma source(%dma_start3A_333 : memref<10000x128xf32, #tpu.memory_space<hbm>>) target(%arg13 : memref<128x128xf32, #tpu.memory_space<vmem>>) offsets(%dma_start3A_330 : memref<128xi32, #tpu.memory_space<vmem>>) semaphore(%arg15 : memref<!tpu.dma_semaphore, #tpu.memory_space<semaphore_mem>>)
        } else {
        }
      }
      %scan3A_28 = arith.constant 10 : i32
      %barrier3A_29 = arith.constant 0 : index
      tpu.barrier barrier_id(%barrier3A_29)
      %mul3A_30 = arith.constant 632 : i32
      %mul3A_31 = arith.muli %arg1, %mul3A_30 : i32
      %mul3A_32 = arith.constant 632 : i32
      %mul3A_33 = arith.muli %arg1, %mul3A_32 : i32
      "tpu.region"() ({
        %run_scoped3A = tpu.sem_alloc : memref<!tpu.dma_semaphore, #tpu.memory_space<semaphore_mem>>
        %dma_start3A_34 = arith.constant 0 : i32
        %dma_start3A_35 = tpu.memref_slice %arg8[%mul3A_33, %dma_start3A_34] : memref<10112x128xf32, #tpu.memory_space<hbm>> -> memref<632x128xf32, #tpu.memory_space<hbm>>
        %dma_start3A_36 = arith.constant 0 : i32
        %dma_start3A_37 = tpu.memref_slice %arg9[%mul3A_31, %dma_start3A_36] : memref<10112x128xf32, #tpu.memory_space<vmem_shared>> -> memref<632x128xf32, #tpu.memory_space<vmem_shared>>
        tpu.enqueue_dma source(%dma_start3A_37 : memref<632x128xf32, #tpu.memory_space<vmem_shared>>) target(%dma_start3A_35 : memref<632x128xf32, #tpu.memory_space<hbm>>) target_semaphore(%run_scoped3A : memref<!tpu.dma_semaphore, #tpu.memory_space<semaphore_mem>>)
        %dma_wait3A_38 = arith.constant 0 : i32
        %dma_wait3A_39 = tpu.memref_slice %arg8[%mul3A_33, %dma_wait3A_38] : memref<10112x128xf32, #tpu.memory_space<hbm>> -> memref<632x128xf32, #tpu.memory_space<hbm>>
        %dma_wait3A_40 = arith.constant 0 : i32
        %dma_wait3A_41 = tpu.memref_slice %arg9[%mul3A_31, %dma_wait3A_40] : memref<10112x128xf32, #tpu.memory_space<vmem_shared>> -> memref<632x128xf32, #tpu.memory_space<vmem_shared>>
        tpu.wait_dma2 semaphore(%run_scoped3A : memref<!tpu.dma_semaphore, #tpu.memory_space<semaphore_mem>>) src(%dma_wait3A_41 : memref<632x128xf32, #tpu.memory_space<vmem_shared>>) dst(%dma_wait3A_39 : memref<632x128xf32, #tpu.memory_space<hbm>>)
        tpu.yield
      }) : () -> ()
    } else {
    }
    return
  }
}

module attributes {stable_mosaic.version = 14 : i64} {
  func.func @body(%arg0: i32, %arg1: memref<1000x256xf32, #tpu.memory_space<vmem>>, %arg2: memref<1000x1xi32, #tpu.memory_space<vmem>>, %arg3: memref<256x256xf32, #tpu.memory_space<vmem>>, %arg4: memref<256x256xf32, #tpu.memory_space<vmem>>, %arg5: memref<256x256xf32, #tpu.memory_space<vmem>>, %arg6: memref<1x256xf32, #tpu.memory_space<vmem>>, %arg7: memref<1x256xf32, #tpu.memory_space<vmem>>, %arg8: memref<1x256xf32, #tpu.memory_space<vmem>>, %arg9: memref<1000x128xf32, #tpu.memory_space<vmem>>, %arg10: memref<1000x128xf32, #tpu.memory_space<vmem>>) attributes {dimension_semantics = [#tpu.dimension_semantics<arbitrary>], iteration_bounds = array<i64: 10>, scalar_prefetch = 0 : i64, scratch_operands = 0 : i64, tpu.core_type = #tpu.core_type<tc>, window_params = [{transform_indices = @transform_0, window_bounds = array<i64: 1000, 256>}, {transform_indices = @transform_1, window_bounds = array<i64: 1000, 1>}, {pipeline_mode = #tpu.pipeline_mode<synchronous>, transform_indices = @transform_2, window_bounds = array<i64: 256, 256>}, {pipeline_mode = #tpu.pipeline_mode<synchronous>, transform_indices = @transform_3, window_bounds = array<i64: 256, 256>}, {pipeline_mode = #tpu.pipeline_mode<synchronous>, transform_indices = @transform_4, window_bounds = array<i64: 256, 256>}, {pipeline_mode = #tpu.pipeline_mode<synchronous>, transform_indices = @transform_5, window_bounds = array<i64: 1, 256>}, {pipeline_mode = #tpu.pipeline_mode<synchronous>, transform_indices = @transform_6, window_bounds = array<i64: 1, 256>}, {pipeline_mode = #tpu.pipeline_mode<synchronous>, transform_indices = @transform_7, window_bounds = array<i64: 1, 256>}, {transform_indices = @transform_8, window_bounds = array<i64: 1000, 128>}, {transform_indices = @transform_9, window_bounds = array<i64: 1000, 128>}]} {
    %get3A = arith.constant 0 : index
    %get3A_0 = arith.constant 0 : index
    %get3A_1 = vector.load %arg1[%get3A, %get3A_0] : memref<1000x256xf32, #tpu.memory_space<vmem>>, vector<1000x256xf32>
    %jit3A = arith.constant -1.000000e+01 : f32
    %jit3A_2 = arith.constant 1.000000e+01 : f32
    %max3A = vector.broadcast %jit3A : f32 to vector<1000x256xf32>
    %max3A_3 = arith.maximumf %max3A, %get3A_1 : vector<1000x256xf32>
    %min3A = vector.broadcast %jit3A_2 : f32 to vector<1000x256xf32>
    %min3A_4 = arith.minimumf %min3A, %max3A_3 : vector<1000x256xf32>
    %reduce_sum3A = arith.constant dense<0.000000e+00> : vector<1000xf32>
    %reduce_sum3A_5 = vector.multi_reduction <add>, %min3A_4, %reduce_sum3A [1] : vector<1000x256xf32> to vector<1000xf32>
    %broadcast_in_dim3A = vector.shape_cast %reduce_sum3A_5 : vector<1000xf32> to vector<1000x1xf32>
    %div3A = arith.constant 2.560000e+02 : f32
    %div3A_6 = vector.broadcast %div3A : f32 to vector<1000x1xf32>
    %div3A_7 = arith.divf %broadcast_in_dim3A, %div3A_6 : vector<1000x1xf32>
    %sub3A = vector.broadcast %div3A_7 : vector<1000x1xf32> to vector<1000x256xf32>
    %sub3A_8 = arith.subf %min3A_4, %sub3A : vector<1000x256xf32>
    %mul3A = arith.mulf %sub3A_8, %sub3A_8 : vector<1000x256xf32>
    %reduce_sum3A_9 = arith.constant dense<0.000000e+00> : vector<1000xf32>
    %reduce_sum3A_10 = vector.multi_reduction <add>, %mul3A, %reduce_sum3A_9 [1] : vector<1000x256xf32> to vector<1000xf32>
    %broadcast_in_dim3A_11 = vector.shape_cast %reduce_sum3A_10 : vector<1000xf32> to vector<1000x1xf32>
    %div3A_12 = arith.constant 2.560000e+02 : f32
    %div3A_13 = vector.broadcast %div3A_12 : f32 to vector<1000x1xf32>
    %div3A_14 = arith.divf %broadcast_in_dim3A_11, %div3A_13 : vector<1000x1xf32>
    %add3A = arith.constant 9.99999974E-6 : f32
    %add3A_15 = vector.broadcast %add3A : f32 to vector<1000x1xf32>
    %add3A_16 = arith.addf %div3A_14, %add3A_15 : vector<1000x1xf32>
    %rsqrt3A = math.rsqrt %add3A_16 : vector<1000x1xf32>
    %mul3A_17 = vector.broadcast %rsqrt3A : vector<1000x1xf32> to vector<1000x256xf32>
    %mul3A_18 = arith.mulf %sub3A_8, %mul3A_17 : vector<1000x256xf32>
    %get3A_19 = arith.constant 0 : index
    %get3A_20 = arith.constant 0 : index
    %get3A_21 = vector.load %arg3[%get3A_19, %get3A_20] : memref<256x256xf32, #tpu.memory_space<vmem>>, vector<256x256xf32>
    %dot_general3A = arith.constant dense<0.000000e+00> : vector<1000x256xf32>
    %dot_general3A_22 = tpu.matmul %mul3A_18, %get3A_21, %dot_general3A {dimension_numbers = #tpu.dot_dimension_numbers<[1], [0], [0], [1], [0, 0, 1, 1], [], []>, transpose_lhs_hint = false} : vector<1000x256xf32>, vector<256x256xf32>, vector<1000x256xf32> -> vector<1000x256xf32>
    %get3A_23 = arith.constant 0 : index
    %get3A_24 = arith.constant 0 : index
    %get3A_25 = vector.load %arg6[%get3A_23, %get3A_24] : memref<1x256xf32, #tpu.memory_space<vmem>>, vector<1x256xf32>
    %add3A_26 = vector.broadcast %get3A_25 : vector<1x256xf32> to vector<1000x256xf32>
    %add3A_27 = arith.addf %dot_general3A_22, %add3A_26 : vector<1000x256xf32>
    %get3A_28 = arith.constant 0 : index
    %get3A_29 = arith.constant 0 : index
    %get3A_30 = vector.load %arg4[%get3A_28, %get3A_29] : memref<256x256xf32, #tpu.memory_space<vmem>>, vector<256x256xf32>
    %dot_general3A_31 = arith.constant dense<0.000000e+00> : vector<1000x256xf32>
    %dot_general3A_32 = tpu.matmul %mul3A_18, %get3A_30, %dot_general3A_31 {dimension_numbers = #tpu.dot_dimension_numbers<[1], [0], [0], [1], [0, 0, 1, 1], [], []>, transpose_lhs_hint = false} : vector<1000x256xf32>, vector<256x256xf32>, vector<1000x256xf32> -> vector<1000x256xf32>
    %get3A_33 = arith.constant 0 : index
    %get3A_34 = arith.constant 0 : index
    %get3A_35 = vector.load %arg7[%get3A_33, %get3A_34] : memref<1x256xf32, #tpu.memory_space<vmem>>, vector<1x256xf32>
    %add3A_36 = vector.broadcast %get3A_35 : vector<1x256xf32> to vector<1000x256xf32>
    %add3A_37 = arith.addf %dot_general3A_32, %add3A_36 : vector<1000x256xf32>
    %get3A_38 = arith.constant 0 : index
    %get3A_39 = arith.constant 0 : index
    %get3A_40 = vector.load %arg5[%get3A_38, %get3A_39] : memref<256x256xf32, #tpu.memory_space<vmem>>, vector<256x256xf32>
    %dot_general3A_41 = arith.constant dense<0.000000e+00> : vector<1000x256xf32>
    %dot_general3A_42 = tpu.matmul %mul3A_18, %get3A_40, %dot_general3A_41 {dimension_numbers = #tpu.dot_dimension_numbers<[1], [0], [0], [1], [0, 0, 1, 1], [], []>, transpose_lhs_hint = false} : vector<1000x256xf32>, vector<256x256xf32>, vector<1000x256xf32> -> vector<1000x256xf32>
    %get3A_43 = arith.constant 0 : index
    %get3A_44 = arith.constant 0 : index
    %get3A_45 = vector.load %arg8[%get3A_43, %get3A_44] : memref<1x256xf32, #tpu.memory_space<vmem>>, vector<1x256xf32>
    %add3A_46 = vector.broadcast %get3A_45 : vector<1x256xf32> to vector<1000x256xf32>
    %add3A_47 = arith.addf %dot_general3A_42, %add3A_46 : vector<1000x256xf32>
    %get3A_48 = arith.constant 0 : index
    %get3A_49 = arith.constant 0 : index
    %get3A_50 = vector.load %arg2[%get3A_48, %get3A_49] : memref<1000x1xi32, #tpu.memory_space<vmem>>, vector<1000x1xi32>
    %eq3A = arith.constant 0 : i32
    %eq3A_51 = vector.broadcast %eq3A : i32 to vector<1000x1xi32>
    %eq3A_52 = arith.cmpi eq, %get3A_50, %eq3A_51 : vector<1000x1xi32>
    %eq3A_53 = arith.constant 1 : i32
    %eq3A_54 = vector.broadcast %eq3A_53 : i32 to vector<1000x1xi32>
    %eq3A_55 = arith.cmpi eq, %get3A_50, %eq3A_54 : vector<1000x1xi32>
    %broadcast_in_dim3A_56 = vector.shape_cast %eq3A_55 : vector<1000x1xi1> to vector<1000x1xi1>
    %broadcast_in_dim3A_57 = vector.broadcast %broadcast_in_dim3A_56 : vector<1000x1xi1> to vector<1000x256xi1>
    %select_n3A = arith.select %broadcast_in_dim3A_57, %add3A_37, %add3A_47 : vector<1000x256xi1>, vector<1000x256xf32>
    %broadcast_in_dim3A_58 = vector.shape_cast %eq3A_52 : vector<1000x1xi1> to vector<1000x1xi1>
    %broadcast_in_dim3A_59 = vector.broadcast %broadcast_in_dim3A_58 : vector<1000x1xi1> to vector<1000x256xi1>
    %select_n3A_60 = arith.select %broadcast_in_dim3A_59, %add3A_27, %select_n3A : vector<1000x256xi1>, vector<1000x256xf32>
    %slice3A = vector.extract_strided_slice %select_n3A_60 {offsets = [0, 0], sizes = [1000, 128], strides = [1, 1]} : vector<1000x256xf32> to vector<1000x128xf32>
    %swap3A = arith.constant 0 : index
    %swap3A_61 = arith.constant 0 : index
    %swap3A_62 = vector.load %arg9[%swap3A, %swap3A_61] : memref<1000x128xf32, #tpu.memory_space<vmem>>, vector<1000x128xf32>
    tpu.vector_store %arg9[%swap3A, %swap3A_61], %slice3A {strides = array<i32>} : memref<1000x128xf32, #tpu.memory_space<vmem>>, vector<1000x128xf32>,
    %slice3A_63 = vector.extract_strided_slice %select_n3A_60 {offsets = [0, 128], sizes = [1000, 128], strides = [1, 1]} : vector<1000x256xf32> to vector<1000x128xf32>
    %swap3A_64 = arith.constant 0 : index
    %swap3A_65 = arith.constant 0 : index
    %swap3A_66 = vector.load %arg10[%swap3A_64, %swap3A_65] : memref<1000x128xf32, #tpu.memory_space<vmem>>, vector<1000x128xf32>
    tpu.vector_store %arg10[%swap3A_64, %swap3A_65], %slice3A_63 {strides = array<i32>} : memref<1000x128xf32, #tpu.memory_space<vmem>>, vector<1000x128xf32>,
    return
  }
  func.func @transform_0(%arg0: i32) -> (i32, i32) {
    %c0_i32 = arith.constant 0 : i32
    %c0_i32_0 = arith.constant 0 : i32
    return %arg0, %c0_i32 : i32, i32
  }
  func.func @transform_1(%arg0: i32) -> (i32, i32) {
    %c0_i32 = arith.constant 0 : i32
    %c0_i32_0 = arith.constant 0 : i32
    return %arg0, %c0_i32 : i32, i32
  }
  func.func @transform_2(%arg0: i32) -> (i32, i32) {
    %c0_i32 = arith.constant 0 : i32
    %c0_i32_0 = arith.constant 0 : i32
    %c0_i32_1 = arith.constant 0 : i32
    return %c0_i32, %c0_i32_0 : i32, i32
  }
  func.func @transform_3(%arg0: i32) -> (i32, i32) {
    %c0_i32 = arith.constant 0 : i32
    %c0_i32_0 = arith.constant 0 : i32
    %c0_i32_1 = arith.constant 0 : i32
    return %c0_i32, %c0_i32_0 : i32, i32
  }
  func.func @transform_4(%arg0: i32) -> (i32, i32) {
    %c0_i32 = arith.constant 0 : i32
    %c0_i32_0 = arith.constant 0 : i32
    %c0_i32_1 = arith.constant 0 : i32
    return %c0_i32, %c0_i32_0 : i32, i32
  }
  func.func @transform_5(%arg0: i32) -> (i32, i32) {
    %c0_i32 = arith.constant 0 : i32
    %c0_i32_0 = arith.constant 0 : i32
    %c0_i32_1 = arith.constant 0 : i32
    return %c0_i32, %c0_i32_0 : i32, i32
  }
  func.func @transform_6(%arg0: i32) -> (i32, i32) {
    %c0_i32 = arith.constant 0 : i32
    %c0_i32_0 = arith.constant 0 : i32
    %c0_i32_1 = arith.constant 0 : i32
    return %c0_i32, %c0_i32_0 : i32, i32
  }
  func.func @transform_7(%arg0: i32) -> (i32, i32) {
    %c0_i32 = arith.constant 0 : i32
    %c0_i32_0 = arith.constant 0 : i32
    %c0_i32_1 = arith.constant 0 : i32
    return %c0_i32, %c0_i32_0 : i32, i32
  }
  func.func @transform_8(%arg0: i32) -> (i32, i32) {
    %c0_i32 = arith.constant 0 : i32
    %c0_i32_0 = arith.constant 0 : i32
    return %arg0, %c0_i32 : i32, i32
  }
  func.func @transform_9(%arg0: i32) -> (i32, i32) {
    %c0_i32 = arith.constant 0 : i32
    %c0_i32_0 = arith.constant 0 : i32
    return %arg0, %c0_i32 : i32, i32
  }
}

module attributes {stable_mosaic.version = 14 : i64} {
  func.func @body(%arg0: i32, %arg1: memref<1000x128xf32, #tpu.memory_space<vmem>>, %arg2: memref<1000x128xf32, #tpu.memory_space<vmem>>, %arg3: memref<256x256xf32, #tpu.memory_space<vmem>>, %arg4: memref<1x256xf32, #tpu.memory_space<vmem>>, %arg5: memref<1000x256xf32, #tpu.memory_space<vmem>>) attributes {dimension_semantics = [#tpu.dimension_semantics<arbitrary>], iteration_bounds = array<i64: 10>, scalar_prefetch = 0 : i64, scratch_operands = 0 : i64, tpu.core_type = #tpu.core_type<tc>, window_params = [{transform_indices = @transform_0, window_bounds = array<i64: 1000, 128>}, {transform_indices = @transform_1, window_bounds = array<i64: 1000, 128>}, {pipeline_mode = #tpu.pipeline_mode<synchronous>, transform_indices = @transform_2, window_bounds = array<i64: 256, 256>}, {pipeline_mode = #tpu.pipeline_mode<synchronous>, transform_indices = @transform_3, window_bounds = array<i64: 1, 256>}, {transform_indices = @transform_4, window_bounds = array<i64: 1000, 256>}]} {
    %get3A = arith.constant 0 : index
    %get3A_0 = arith.constant 0 : index
    %get3A_1 = vector.load %arg1[%get3A, %get3A_0] : memref<1000x128xf32, #tpu.memory_space<vmem>>, vector<1000x128xf32>
    %get3A_2 = arith.constant 0 : index
    %get3A_3 = arith.constant 0 : index
    %get3A_4 = vector.load %arg2[%get3A_2, %get3A_3] : memref<1000x128xf32, #tpu.memory_space<vmem>>, vector<1000x128xf32>
    %concatenate3A = tpu.concatenate %get3A_1, %get3A_4 in 1 : vector<1000x128xf32>, vector<1000x128xf32> -> vector<1000x256xf32>
    %get3A_5 = arith.constant 0 : index
    %get3A_6 = arith.constant 0 : index
    %get3A_7 = vector.load %arg3[%get3A_5, %get3A_6] : memref<256x256xf32, #tpu.memory_space<vmem>>, vector<256x256xf32>
    %dot_general3A = arith.constant dense<0.000000e+00> : vector<1000x256xf32>
    %dot_general3A_8 = tpu.matmul %concatenate3A, %get3A_7, %dot_general3A {dimension_numbers = #tpu.dot_dimension_numbers<[1], [0], [0], [1], [0, 0, 1, 1], [], []>, transpose_lhs_hint = false} : vector<1000x256xf32>, vector<256x256xf32>, vector<1000x256xf32> -> vector<1000x256xf32>
    %get3A_9 = arith.constant 0 : index
    %get3A_10 = arith.constant 0 : index
    %get3A_11 = vector.load %arg4[%get3A_9, %get3A_10] : memref<1x256xf32, #tpu.memory_space<vmem>>, vector<1x256xf32>
    %add3A = vector.broadcast %get3A_11 : vector<1x256xf32> to vector<1000x256xf32>
    %add3A_12 = arith.addf %dot_general3A_8, %add3A : vector<1000x256xf32>
    %add3A_13 = arith.addf %add3A_12, %concatenate3A : vector<1000x256xf32>
    %swap3A = arith.constant 0 : index
    %swap3A_14 = arith.constant 0 : index
    %swap3A_15 = vector.load %arg5[%swap3A, %swap3A_14] : memref<1000x256xf32, #tpu.memory_space<vmem>>, vector<1000x256xf32>
    tpu.vector_store %arg5[%swap3A, %swap3A_14], %add3A_13 {strides = array<i32>} : memref<1000x256xf32, #tpu.memory_space<vmem>>, vector<1000x256xf32>,
    return
  }
  func.func @transform_0(%arg0: i32) -> (i32, i32) {
    %c0_i32 = arith.constant 0 : i32
    %c0_i32_0 = arith.constant 0 : i32
    return %arg0, %c0_i32 : i32, i32
  }
  func.func @transform_1(%arg0: i32) -> (i32, i32) {
    %c0_i32 = arith.constant 0 : i32
    %c0_i32_0 = arith.constant 0 : i32
    return %arg0, %c0_i32 : i32, i32
  }
  func.func @transform_2(%arg0: i32) -> (i32, i32) {
    %c0_i32 = arith.constant 0 : i32
    %c0_i32_0 = arith.constant 0 : i32
    %c0_i32_1 = arith.constant 0 : i32
    return %c0_i32, %c0_i32_0 : i32, i32
  }
  func.func @transform_3(%arg0: i32) -> (i32, i32) {
    %c0_i32 = arith.constant 0 : i32
    %c0_i32_0 = arith.constant 0 : i32
    %c0_i32_1 = arith.constant 0 : i32
    return %c0_i32, %c0_i32_0 : i32, i32
  }
  func.func @transform_4(%arg0: i32) -> (i32, i32) {
    %c0_i32 = arith.constant 0 : i32
    %c0_i32_0 = arith.constant 0 : i32
    return %arg0, %c0_i32 : i32, i32
  }
}

module attributes {stable_mosaic.version = 14 : i64} {
  func.func @body(%arg0: i32, %arg1: memref<1000x256xf32, #tpu.memory_space<vmem>>, %arg2: memref<1000x128xf32, #tpu.memory_space<vmem>>, %arg3: memref<1000x128xf32, #tpu.memory_space<vmem>>, %arg4: memref<1000x128xf32, #tpu.memory_space<vmem>>, %arg5: memref<1000x128xf32, #tpu.memory_space<vmem>>, %arg6: memref<256x256xf32, #tpu.memory_space<vmem>>, %arg7: memref<1x256xf32, #tpu.memory_space<vmem>>, %arg8: memref<1x256xf32, #tpu.memory_space<vmem>>, %arg9: memref<1000x128xf32, #tpu.memory_space<vmem>>, %arg10: memref<1000x128xf32, #tpu.memory_space<vmem>>) attributes {dimension_semantics = [#tpu.dimension_semantics<arbitrary>], iteration_bounds = array<i64: 10>, scalar_prefetch = 0 : i64, scratch_operands = 0 : i64, tpu.core_type = #tpu.core_type<tc>, window_params = [{transform_indices = @transform_0, window_bounds = array<i64: 1000, 256>}, {transform_indices = @transform_1, window_bounds = array<i64: 1000, 128>}, {transform_indices = @transform_2, window_bounds = array<i64: 1000, 128>}, {transform_indices = @transform_3, window_bounds = array<i64: 1000, 128>}, {transform_indices = @transform_4, window_bounds = array<i64: 1000, 128>}, {pipeline_mode = #tpu.pipeline_mode<synchronous>, transform_indices = @transform_5, window_bounds = array<i64: 256, 256>}, {pipeline_mode = #tpu.pipeline_mode<synchronous>, transform_indices = @transform_6, window_bounds = array<i64: 1, 256>}, {pipeline_mode = #tpu.pipeline_mode<synchronous>, transform_indices = @transform_7, window_bounds = array<i64: 1, 256>}, {transform_indices = @transform_8, window_bounds = array<i64: 1000, 128>}, {transform_indices = @transform_9, window_bounds = array<i64: 1000, 128>}]} {
    %get3A = arith.constant 0 : index
    %get3A_0 = arith.constant 0 : index
    %get3A_1 = vector.load %arg2[%get3A, %get3A_0] : memref<1000x128xf32, #tpu.memory_space<vmem>>, vector<1000x128xf32>
    %get3A_2 = arith.constant 0 : index
    %get3A_3 = arith.constant 0 : index
    %get3A_4 = vector.load %arg3[%get3A_2, %get3A_3] : memref<1000x128xf32, #tpu.memory_space<vmem>>, vector<1000x128xf32>
    %concatenate3A = tpu.concatenate %get3A_1, %get3A_4 in 1 : vector<1000x128xf32>, vector<1000x128xf32> -> vector<1000x256xf32>
    %get3A_5 = arith.constant 0 : index
    %get3A_6 = arith.constant 0 : index
    %get3A_7 = vector.load %arg4[%get3A_5, %get3A_6] : memref<1000x128xf32, #tpu.memory_space<vmem>>, vector<1000x128xf32>
    %slice3A = vector.extract_strided_slice %get3A_7 {offsets = [0, 0], sizes = [1000, 1], strides = [1, 1]} : vector<1000x128xf32> to vector<1000x1xf32>
    %get3A_8 = arith.constant 0 : index
    %get3A_9 = arith.constant 0 : index
    %get3A_10 = vector.load %arg5[%get3A_8, %get3A_9] : memref<1000x128xf32, #tpu.memory_space<vmem>>, vector<1000x128xf32>
    %slice3A_11 = vector.extract_strided_slice %get3A_10 {offsets = [0, 0], sizes = [1000, 1], strides = [1, 1]} : vector<1000x128xf32> to vector<1000x1xf32>
    %add3A = arith.addf %slice3A, %slice3A_11 : vector<1000x1xf32>
    %max3A = arith.constant 1.000000e+00 : f32
    %max3A_12 = vector.broadcast %max3A : f32 to vector<1000x1xf32>
    %max3A_13 = arith.maximumf %add3A, %max3A_12 : vector<1000x1xf32>
    %div3A = vector.broadcast %max3A_13 : vector<1000x1xf32> to vector<1000x256xf32>
    %div3A_14 = arith.divf %concatenate3A, %div3A : vector<1000x256xf32>
    %get3A_15 = arith.constant 0 : index
    %get3A_16 = arith.constant 0 : index
    %get3A_17 = vector.load %arg6[%get3A_15, %get3A_16] : memref<256x256xf32, #tpu.memory_space<vmem>>, vector<256x256xf32>
    %dot_general3A = arith.constant dense<0.000000e+00> : vector<1000x256xf32>
    %dot_general3A_18 = tpu.matmul %div3A_14, %get3A_17, %dot_general3A {dimension_numbers = #tpu.dot_dimension_numbers<[1], [0], [0], [1], [0, 0, 1, 1], [], []>, transpose_lhs_hint = false} : vector<1000x256xf32>, vector<256x256xf32>, vector<1000x256xf32> -> vector<1000x256xf32>
    %get3A_19 = arith.constant 0 : index
    %get3A_20 = arith.constant 0 : index
    %get3A_21 = vector.load %arg1[%get3A_19, %get3A_20] : memref<1000x256xf32, #tpu.memory_space<vmem>>, vector<1000x256xf32>
    %add3A_22 = arith.addf %dot_general3A_18, %get3A_21 : vector<1000x256xf32>
    %reduce_sum3A = arith.constant dense<0.000000e+00> : vector<1000xf32>
    %reduce_sum3A_23 = vector.multi_reduction <add>, %add3A_22, %reduce_sum3A [1] : vector<1000x256xf32> to vector<1000xf32>
    %broadcast_in_dim3A = vector.shape_cast %reduce_sum3A_23 : vector<1000xf32> to vector<1000x1xf32>
    %div3A_24 = arith.constant 2.560000e+02 : f32
    %div3A_25 = vector.broadcast %div3A_24 : f32 to vector<1000x1xf32>
    %div3A_26 = arith.divf %broadcast_in_dim3A, %div3A_25 : vector<1000x1xf32>
    %sub3A = vector.broadcast %div3A_26 : vector<1000x1xf32> to vector<1000x256xf32>
    %sub3A_27 = arith.subf %add3A_22, %sub3A : vector<1000x256xf32>
    %mul3A = arith.mulf %sub3A_27, %sub3A_27 : vector<1000x256xf32>
    %reduce_sum3A_28 = arith.constant dense<0.000000e+00> : vector<1000xf32>
    %reduce_sum3A_29 = vector.multi_reduction <add>, %mul3A, %reduce_sum3A_28 [1] : vector<1000x256xf32> to vector<1000xf32>
    %broadcast_in_dim3A_30 = vector.shape_cast %reduce_sum3A_29 : vector<1000xf32> to vector<1000x1xf32>
    %div3A_31 = arith.constant 2.560000e+02 : f32
    %div3A_32 = vector.broadcast %div3A_31 : f32 to vector<1000x1xf32>
    %div3A_33 = arith.divf %broadcast_in_dim3A_30, %div3A_32 : vector<1000x1xf32>
    %add3A_34 = arith.constant 9.99999974E-6 : f32
    %add3A_35 = vector.broadcast %add3A_34 : f32 to vector<1000x1xf32>
    %add3A_36 = arith.addf %div3A_33, %add3A_35 : vector<1000x1xf32>
    %rsqrt3A = math.rsqrt %add3A_36 : vector<1000x1xf32>
    %mul3A_37 = vector.broadcast %rsqrt3A : vector<1000x1xf32> to vector<1000x256xf32>
    %mul3A_38 = arith.mulf %sub3A_27, %mul3A_37 : vector<1000x256xf32>
    %get3A_39 = arith.constant 0 : index
    %get3A_40 = arith.constant 0 : index
    %get3A_41 = vector.load %arg7[%get3A_39, %get3A_40] : memref<1x256xf32, #tpu.memory_space<vmem>>, vector<1x256xf32>
    %mul3A_42 = vector.broadcast %get3A_41 : vector<1x256xf32> to vector<1000x256xf32>
    %mul3A_43 = arith.mulf %mul3A_38, %mul3A_42 : vector<1000x256xf32>
    %get3A_44 = arith.constant 0 : index
    %get3A_45 = arith.constant 0 : index
    %get3A_46 = vector.load %arg8[%get3A_44, %get3A_45] : memref<1x256xf32, #tpu.memory_space<vmem>>, vector<1x256xf32>
    %add3A_47 = vector.broadcast %get3A_46 : vector<1x256xf32> to vector<1000x256xf32>
    %add3A_48 = arith.addf %mul3A_43, %add3A_47 : vector<1000x256xf32>
    %max3A_49 = arith.constant 0.000000e+00 : f32
    %max3A_50 = vector.broadcast %max3A_49 : f32 to vector<1000x256xf32>
    %max3A_51 = arith.maximumf %add3A_48, %max3A_50 : vector<1000x256xf32>
    %slice3A_52 = vector.extract_strided_slice %max3A_51 {offsets = [0, 0], sizes = [1000, 128], strides = [1, 1]} : vector<1000x256xf32> to vector<1000x128xf32>
    %swap3A = arith.constant 0 : index
    %swap3A_53 = arith.constant 0 : index
    %swap3A_54 = vector.load %arg9[%swap3A, %swap3A_53] : memref<1000x128xf32, #tpu.memory_space<vmem>>, vector<1000x128xf32>
    tpu.vector_store %arg9[%swap3A, %swap3A_53], %slice3A_52 {strides = array<i32>} : memref<1000x128xf32, #tpu.memory_space<vmem>>, vector<1000x128xf32>,
    %slice3A_55 = vector.extract_strided_slice %max3A_51 {offsets = [0, 128], sizes = [1000, 128], strides = [1, 1]} : vector<1000x256xf32> to vector<1000x128xf32>
    %swap3A_56 = arith.constant 0 : index
    %swap3A_57 = arith.constant 0 : index
    %swap3A_58 = vector.load %arg10[%swap3A_56, %swap3A_57] : memref<1000x128xf32, #tpu.memory_space<vmem>>, vector<1000x128xf32>
    tpu.vector_store %arg10[%swap3A_56, %swap3A_57], %slice3A_55 {strides = array<i32>} : memref<1000x128xf32, #tpu.memory_space<vmem>>, vector<1000x128xf32>,
    return
  }
  func.func @transform_0(%arg0: i32) -> (i32, i32) {
    %c0_i32 = arith.constant 0 : i32
    %c0_i32_0 = arith.constant 0 : i32
    return %arg0, %c0_i32 : i32, i32
  }
  func.func @transform_1(%arg0: i32) -> (i32, i32) {
    %c0_i32 = arith.constant 0 : i32
    %c0_i32_0 = arith.constant 0 : i32
    return %arg0, %c0_i32 : i32, i32
  }
  func.func @transform_2(%arg0: i32) -> (i32, i32) {
    %c0_i32 = arith.constant 0 : i32
    %c0_i32_0 = arith.constant 0 : i32
    return %arg0, %c0_i32 : i32, i32
  }
  func.func @transform_3(%arg0: i32) -> (i32, i32) {
    %c0_i32 = arith.constant 0 : i32
    %c0_i32_0 = arith.constant 0 : i32
    return %arg0, %c0_i32 : i32, i32
  }
  func.func @transform_4(%arg0: i32) -> (i32, i32) {
    %c0_i32 = arith.constant 0 : i32
    %c0_i32_0 = arith.constant 0 : i32
    return %arg0, %c0_i32 : i32, i32
  }
  func.func @transform_5(%arg0: i32) -> (i32, i32) {
    %c0_i32 = arith.constant 0 : i32
    %c0_i32_0 = arith.constant 0 : i32
    %c0_i32_1 = arith.constant 0 : i32
    return %c0_i32, %c0_i32_0 : i32, i32
  }
  func.func @transform_6(%arg0: i32) -> (i32, i32) {
    %c0_i32 = arith.constant 0 : i32
    %c0_i32_0 = arith.constant 0 : i32
    %c0_i32_1 = arith.constant 0 : i32
    return %c0_i32, %c0_i32_0 : i32, i32
  }
  func.func @transform_7(%arg0: i32) -> (i32, i32) {
    %c0_i32 = arith.constant 0 : i32
    %c0_i32_0 = arith.constant 0 : i32
    %c0_i32_1 = arith.constant 0 : i32
    return %c0_i32, %c0_i32_0 : i32, i32
  }
  func.func @transform_8(%arg0: i32) -> (i32, i32) {
    %c0_i32 = arith.constant 0 : i32
    %c0_i32_0 = arith.constant 0 : i32
    return %arg0, %c0_i32 : i32, i32
  }
  func.func @transform_9(%arg0: i32) -> (i32, i32) {
    %c0_i32 = arith.constant 0 : i32
    %c0_i32_0 = arith.constant 0 : i32
    return %arg0, %c0_i32 : i32, i32
  }
}

module attributes {stable_mosaic.version = 14 : i64} {
  func.func @body(%arg0: i32, %arg1: memref<1000x256xf32, #tpu.memory_space<vmem>>, %arg2: memref<1000x128xf32, #tpu.memory_space<vmem>>, %arg3: memref<1000x128xf32, #tpu.memory_space<vmem>>, %arg4: memref<1000x128xf32, #tpu.memory_space<vmem>>, %arg5: memref<1000x128xf32, #tpu.memory_space<vmem>>, %arg6: memref<256x256xf32, #tpu.memory_space<vmem>>, %arg7: memref<1x256xf32, #tpu.memory_space<vmem>>, %arg8: memref<1x256xf32, #tpu.memory_space<vmem>>, %arg9: memref<1000x256xf32, #tpu.memory_space<vmem>>) attributes {dimension_semantics = [#tpu.dimension_semantics<arbitrary>], iteration_bounds = array<i64: 10>, scalar_prefetch = 0 : i64, scratch_operands = 0 : i64, tpu.core_type = #tpu.core_type<tc>, window_params = [{transform_indices = @transform_0, window_bounds = array<i64: 1000, 256>}, {transform_indices = @transform_1, window_bounds = array<i64: 1000, 128>}, {transform_indices = @transform_2, window_bounds = array<i64: 1000, 128>}, {transform_indices = @transform_3, window_bounds = array<i64: 1000, 128>}, {transform_indices = @transform_4, window_bounds = array<i64: 1000, 128>}, {pipeline_mode = #tpu.pipeline_mode<synchronous>, transform_indices = @transform_5, window_bounds = array<i64: 256, 256>}, {pipeline_mode = #tpu.pipeline_mode<synchronous>, transform_indices = @transform_6, window_bounds = array<i64: 1, 256>}, {pipeline_mode = #tpu.pipeline_mode<synchronous>, transform_indices = @transform_7, window_bounds = array<i64: 1, 256>}, {transform_indices = @transform_8, window_bounds = array<i64: 1000, 256>}]} {
    %get3A = arith.constant 0 : index
    %get3A_0 = arith.constant 0 : index
    %get3A_1 = vector.load %arg2[%get3A, %get3A_0] : memref<1000x128xf32, #tpu.memory_space<vmem>>, vector<1000x128xf32>
    %get3A_2 = arith.constant 0 : index
    %get3A_3 = arith.constant 0 : index
    %get3A_4 = vector.load %arg3[%get3A_2, %get3A_3] : memref<1000x128xf32, #tpu.memory_space<vmem>>, vector<1000x128xf32>
    %concatenate3A = tpu.concatenate %get3A_1, %get3A_4 in 1 : vector<1000x128xf32>, vector<1000x128xf32> -> vector<1000x256xf32>
    %get3A_5 = arith.constant 0 : index
    %get3A_6 = arith.constant 0 : index
    %get3A_7 = vector.load %arg4[%get3A_5, %get3A_6] : memref<1000x128xf32, #tpu.memory_space<vmem>>, vector<1000x128xf32>
    %slice3A = vector.extract_strided_slice %get3A_7 {offsets = [0, 0], sizes = [1000, 1], strides = [1, 1]} : vector<1000x128xf32> to vector<1000x1xf32>
    %get3A_8 = arith.constant 0 : index
    %get3A_9 = arith.constant 0 : index
    %get3A_10 = vector.load %arg5[%get3A_8, %get3A_9] : memref<1000x128xf32, #tpu.memory_space<vmem>>, vector<1000x128xf32>
    %slice3A_11 = vector.extract_strided_slice %get3A_10 {offsets = [0, 0], sizes = [1000, 1], strides = [1, 1]} : vector<1000x128xf32> to vector<1000x1xf32>
    %add3A = arith.addf %slice3A, %slice3A_11 : vector<1000x1xf32>
    %max3A = arith.constant 1.000000e+00 : f32
    %max3A_12 = vector.broadcast %max3A : f32 to vector<1000x1xf32>
    %max3A_13 = arith.maximumf %add3A, %max3A_12 : vector<1000x1xf32>
    %div3A = vector.broadcast %max3A_13 : vector<1000x1xf32> to vector<1000x256xf32>
    %div3A_14 = arith.divf %concatenate3A, %div3A : vector<1000x256xf32>
    %get3A_15 = arith.constant 0 : index
    %get3A_16 = arith.constant 0 : index
    %get3A_17 = vector.load %arg6[%get3A_15, %get3A_16] : memref<256x256xf32, #tpu.memory_space<vmem>>, vector<256x256xf32>
    %dot_general3A = arith.constant dense<0.000000e+00> : vector<1000x256xf32>
    %dot_general3A_18 = tpu.matmul %div3A_14, %get3A_17, %dot_general3A {dimension_numbers = #tpu.dot_dimension_numbers<[1], [0], [0], [1], [0, 0, 1, 1], [], []>, transpose_lhs_hint = false} : vector<1000x256xf32>, vector<256x256xf32>, vector<1000x256xf32> -> vector<1000x256xf32>
    %get3A_19 = arith.constant 0 : index
    %get3A_20 = arith.constant 0 : index
    %get3A_21 = vector.load %arg1[%get3A_19, %get3A_20] : memref<1000x256xf32, #tpu.memory_space<vmem>>, vector<1000x256xf32>
    %add3A_22 = arith.addf %dot_general3A_18, %get3A_21 : vector<1000x256xf32>
    %reduce_sum3A = arith.constant dense<0.000000e+00> : vector<1000xf32>
    %reduce_sum3A_23 = vector.multi_reduction <add>, %add3A_22, %reduce_sum3A [1] : vector<1000x256xf32> to vector<1000xf32>
    %broadcast_in_dim3A = vector.shape_cast %reduce_sum3A_23 : vector<1000xf32> to vector<1000x1xf32>
    %div3A_24 = arith.constant 2.560000e+02 : f32
    %div3A_25 = vector.broadcast %div3A_24 : f32 to vector<1000x1xf32>
    %div3A_26 = arith.divf %broadcast_in_dim3A, %div3A_25 : vector<1000x1xf32>
    %sub3A = vector.broadcast %div3A_26 : vector<1000x1xf32> to vector<1000x256xf32>
    %sub3A_27 = arith.subf %add3A_22, %sub3A : vector<1000x256xf32>
    %mul3A = arith.mulf %sub3A_27, %sub3A_27 : vector<1000x256xf32>
    %reduce_sum3A_28 = arith.constant dense<0.000000e+00> : vector<1000xf32>
    %reduce_sum3A_29 = vector.multi_reduction <add>, %mul3A, %reduce_sum3A_28 [1] : vector<1000x256xf32> to vector<1000xf32>
    %broadcast_in_dim3A_30 = vector.shape_cast %reduce_sum3A_29 : vector<1000xf32> to vector<1000x1xf32>
    %div3A_31 = arith.constant 2.560000e+02 : f32
    %div3A_32 = vector.broadcast %div3A_31 : f32 to vector<1000x1xf32>
    %div3A_33 = arith.divf %broadcast_in_dim3A_30, %div3A_32 : vector<1000x1xf32>
    %add3A_34 = arith.constant 9.99999974E-6 : f32
    %add3A_35 = vector.broadcast %add3A_34 : f32 to vector<1000x1xf32>
    %add3A_36 = arith.addf %div3A_33, %add3A_35 : vector<1000x1xf32>
    %rsqrt3A = math.rsqrt %add3A_36 : vector<1000x1xf32>
    %mul3A_37 = vector.broadcast %rsqrt3A : vector<1000x1xf32> to vector<1000x256xf32>
    %mul3A_38 = arith.mulf %sub3A_27, %mul3A_37 : vector<1000x256xf32>
    %get3A_39 = arith.constant 0 : index
    %get3A_40 = arith.constant 0 : index
    %get3A_41 = vector.load %arg7[%get3A_39, %get3A_40] : memref<1x256xf32, #tpu.memory_space<vmem>>, vector<1x256xf32>
    %mul3A_42 = vector.broadcast %get3A_41 : vector<1x256xf32> to vector<1000x256xf32>
    %mul3A_43 = arith.mulf %mul3A_38, %mul3A_42 : vector<1000x256xf32>
    %get3A_44 = arith.constant 0 : index
    %get3A_45 = arith.constant 0 : index
    %get3A_46 = vector.load %arg8[%get3A_44, %get3A_45] : memref<1x256xf32, #tpu.memory_space<vmem>>, vector<1x256xf32>
    %add3A_47 = vector.broadcast %get3A_46 : vector<1x256xf32> to vector<1000x256xf32>
    %add3A_48 = arith.addf %mul3A_43, %add3A_47 : vector<1000x256xf32>
    %max3A_49 = arith.constant 0.000000e+00 : f32
    %max3A_50 = vector.broadcast %max3A_49 : f32 to vector<1000x256xf32>
    %max3A_51 = arith.maximumf %add3A_48, %max3A_50 : vector<1000x256xf32>
    %swap3A = arith.constant 0 : index
    %swap3A_52 = arith.constant 0 : index
    %swap3A_53 = vector.load %arg9[%swap3A, %swap3A_52] : memref<1000x256xf32, #tpu.memory_space<vmem>>, vector<1000x256xf32>
    tpu.vector_store %arg9[%swap3A, %swap3A_52], %max3A_51 {strides = array<i32>} : memref<1000x256xf32, #tpu.memory_space<vmem>>, vector<1000x256xf32>,
    return
  }
  func.func @transform_0(%arg0: i32) -> (i32, i32) {
    %c0_i32 = arith.constant 0 : i32
    %c0_i32_0 = arith.constant 0 : i32
    return %arg0, %c0_i32 : i32, i32
  }
  func.func @transform_1(%arg0: i32) -> (i32, i32) {
    %c0_i32 = arith.constant 0 : i32
    %c0_i32_0 = arith.constant 0 : i32
    return %arg0, %c0_i32 : i32, i32
  }
  func.func @transform_2(%arg0: i32) -> (i32, i32) {
    %c0_i32 = arith.constant 0 : i32
    %c0_i32_0 = arith.constant 0 : i32
    return %arg0, %c0_i32 : i32, i32
  }
  func.func @transform_3(%arg0: i32) -> (i32, i32) {
    %c0_i32 = arith.constant 0 : i32
    %c0_i32_0 = arith.constant 0 : i32
    return %arg0, %c0_i32 : i32, i32
  }
  func.func @transform_4(%arg0: i32) -> (i32, i32) {
    %c0_i32 = arith.constant 0 : i32
    %c0_i32_0 = arith.constant 0 : i32
    return %arg0, %c0_i32 : i32, i32
  }
  func.func @transform_5(%arg0: i32) -> (i32, i32) {
    %c0_i32 = arith.constant 0 : i32
    %c0_i32_0 = arith.constant 0 : i32
    %c0_i32_1 = arith.constant 0 : i32
    return %c0_i32, %c0_i32_0 : i32, i32
  }
  func.func @transform_6(%arg0: i32) -> (i32, i32) {
    %c0_i32 = arith.constant 0 : i32
    %c0_i32_0 = arith.constant 0 : i32
    %c0_i32_1 = arith.constant 0 : i32
    return %c0_i32, %c0_i32_0 : i32, i32
  }
  func.func @transform_7(%arg0: i32) -> (i32, i32) {
    %c0_i32 = arith.constant 0 : i32
    %c0_i32_0 = arith.constant 0 : i32
    %c0_i32_1 = arith.constant 0 : i32
    return %c0_i32, %c0_i32_0 : i32, i32
  }
  func.func @transform_8(%arg0: i32) -> (i32, i32) {
    %c0_i32 = arith.constant 0 : i32
    %c0_i32_0 = arith.constant 0 : i32
    return %arg0, %c0_i32 : i32, i32
  }
}

</mosaic_0001>

<sc_bundles>
// kernel: kernel.10.cloned.1.call-start
scs
__scs_entry_jumppad:
0x0: {  	(pc) =	sbr.rel $0x88, $3  }
0x1: {  	(tag) =	ssettag $0x0;
	lr =	simm.s32 $0x1  }
0x2: {  	[smem:$0x3F87] =	sst lr;
	_ =	strace $0xD0000000  }
0x3: {  	_ = 	snop  }
0x4: {  	_ = 	snop  }
0x5: {  	_ = 	snop  }
0x6: {  	_ = 	snop  }
0x7: {  	_ = 	snop  }
__scs_overlays_trampoline_lowered:
0x8: {  	[smem:$0x3F96] =	sst s0  }
0x9: {  	[smem:$0x3F97] =	sst s1  }
0xa: {  	[smem:$0x3F98] =	sst s2  }
0xb: {  	[smem:$0x3F99] =	sst s3  }
0xc: {  	[smem:$0x3F9A] =	sst s4  }
0xd: {  	[smem:$0x3F9B] =	sst s5  }
0xe: {  	[smem:$0x3F9C] =	sst s6  }
0xf: {  	[smem:$0x3F9D] =	sst s7  }
0x10: {  	[smem:$0x3F9E] =	sst s8  }
0x11: {  	[smem:$0x3F9F] =	sst s9;
	s0 =	simm.s32 @!p0 $0x0  }
0x12: {  	s1 =	sld [smem:$0x3F85];
	s0 =	simm.s32 @p0 $0x1  }
0x13: {  	[smem:$0x3FA0] =	sst s0;
	s0 =	simm.s32 @!p1 $0x0  }
0x14: {  	s2 =	sld [smem:$0x3F84];
	s0 =	simm.s32 @p1 $0x1  }
0x15: {  	[smem:$0x3FA1] =	sst s0;
	s0 =	simm.s32 @!p2 $0x0  }
0x16: {  	s3 =	sld [smem:$0x3FDB];
	s0 =	simm.s32 @p2 $0x1  }
0x17: {  	s4 =	simm.s32 $0x1BF5;
	[smem:$0x3FA3] =	sst s0  }
0x18: {  	s0 =	sld [smem:$0x3F86];
	_ =	swait.ge [sflag:s4], $0x0  }
0x19: {  	s7 =	sld [smem:$0x3F87]  }
0x1a: {  	s8 =	sadd.s32 $0xFFFFE003, lr  }
0x1b: {  	s9 =	sadd.s32 $0xFFFFFEF7, lr;
	s5 =	simm.s32 $0xFFFFFFFF;
	p2 =	slt.u32 s8, $0xFFFFF086  }
0x1c: {  	p1 =	slt.u32 s9, $0xF7A;
	s5 =	simm.s32 @!p2 $0x0  }
0x1d: {  	s5 =	simm.s32 @p1 $0x1;
	p0 =	seq.s32 s7, s2  }
0x1e: {  	s7 =	smul.u32 @!p0 $0xF7A, s2;
	p2 =	seq.s32 @!p0 s5, $0x0  }
0x1f: {  	s9 =	smul.u32 $0xF7A, s1;
	s8 =	simm.s32 @!p0 $0x1BF5;
	p2 =	por !p2, p0  }
0x20: {  	[sflag:s8] =	ssyncset.s32 @!p0 $0xFFFFF086;
	s6 =	sadd.s32 @!p0 s3, s7;
	s7 =	simm.s32 @!p0 $0x108  }
0x21: {  	s3 =	sadd.s32 s3, s9;
	s6 =	sadd.s32 @!p0 $0x88, s6;
	s7 =	simm.s32 @p2 $0x1082  }
0x22: {  	[simem:s7], [sflag:s8] =	dma.local @!p0 [hbm:s6], $0xF7A  }
0x23: {  	s9 =	sor.u32 $0xD0000000, s2;
	s6 =	simm.s32 $0x108;
	_ =	swait.ge @!p0 [sflag:s8], $0x0  }
0x24: {  	s3 =	sadd.s32 $0x88, s3;
	s6 =	simm.s32 @!p1 $0x1082;
	[sflag:s4] =	ssyncset.s32 $0xFFFFF086  }
0x25: {  	[simem:s6], [sflag:s4] =	dma.local [hbm:s3], $0xF7A  }
0x26: {  	[smem:$0x3F87] =	sst s1;
	(tag) =	ssettag s2;
	_ =	strace s9  }
0x27: {  	s1 =	sld [smem:$0x3F97]  }
0x28: {  	s2 =	sld [smem:$0x3F98]  }
0x29: {  	s4 =	sld [smem:$0x3F9A]  }
0x2a: {  	p0 =	seq.s32 s5, $0x0;
	s5 =	sld [smem:$0x3F9B]  }
0x2b: {  	s6 =	sld [smem:$0x3F9C]  }
0x2c: {  	s7 =	sld [smem:$0x3F9D]  }
0x2d: {  	s3 =	simm.s32 $0x108;
	s8 =	sld [smem:$0x3F9E]  }
0x2e: {  	s3 =	simm.s32 @!p0 $0x1082;
	s9 =	sld [smem:$0x3F9F]  }
0x2f: {  	lr =	sadd.s32 s0, s3;
	s0 =	sld [smem:$0x3F96]  }
0x30: {  	s3 =	sld [smem:$0x3F99]  }
0x31: {  	[smem:$0x3FA2] =	sst s10  }
0x32: {  	s10 =	sld [smem:$0x3FA0];
	_ =	sdelay $0x3  }
0x33: {  	p0 =	seq.s32 s10, $0x1;
	s10 =	sld [smem:$0x3FA2];
	_ =	sdelay $0x3  }
0x34: {  	[smem:$0x3FA2] =	sst s10  }
0x35: {  	s10 =	sld [smem:$0x3FA1];
	_ =	sdelay $0x3  }
0x36: {  	p1 =	seq.s32 s10, $0x1;
	s10 =	sld [smem:$0x3FA2];
	_ =	sdelay $0x3  }
0x37: {  	[smem:$0x3FA2] =	sst s10  }
0x38: {  	s10 =	sld [smem:$0x3FA3]  }
0x39: {  	_ = 	snop;
	(pc) =	sbr.ind lr, $3  }
0x3a: {  	_ = 	snop  }
0x3b: {  	_ = 	snop  }
0x3c: {  	p2 =	seq.s32 s10, $0x1;
	s10 =	sld [smem:$0x3FA2]  }
0x3d: {  	_ =	shalt  }
0x3e: {  	_ =	shalt  }
0x3f: {  	_ =	shalt  }
0x40: {  	_ =	shalt  }
0x41: {  	_ =	shalt  }
0x42: {  	_ =	shalt  }
0x43: {  	_ =	shalt  }
0x44: {  	_ =	shalt  }
0x45: {  	_ =	shalt  }
0x46: {  	_ =	shalt  }
0x47: {  	_ =	shalt  }
0x48: {  	_ =	shalt  }
0x49: {  	_ =	shalt  }
0x4a: {  	_ =	shalt  }
0x4b: {  	_ =	shalt  }
0x4c: {  	_ =	shalt  }
0x4d: {  	_ =	shalt  }
0x4e: {  	_ =	shalt  }
0x4f: {  	_ =	shalt  }
0x50: {  	_ =	shalt  }
0x51: {  	_ =	shalt  }
0x52: {  	_ =	shalt  }
0x53: {  	_ =	shalt  }
0x54: {  	_ =	shalt  }
0x55: {  	_ =	shalt  }
0x56: {  	_ =	shalt  }
0x57: {  	_ =	shalt  }
0x58: {  	_ =	shalt  }
0x59: {  	_ =	shalt  }
0x5a: {  	_ =	shalt  }
0x5b: {  	_ =	shalt  }
0x5c: {  	_ =	shalt  }
0x5d: {  	_ =	shalt  }
0x5e: {  	_ =	shalt  }
0x5f: {  	_ =	shalt  }
0x60: {  	_ =	shalt  }
0x61: {  	_ =	shalt  }
0x62: {  	_ =	shalt  }
0x63: {  	_ =	shalt  }
0x64: {  	_ =	shalt  }
0x65: {  	_ =	shalt  }
0x66: {  	_ =	shalt  }
0x67: {  	_ =	shalt  }
0x68: {  	_ =	shalt  }
0x69: {  	_ =	shalt  }
0x6a: {  	_ =	shalt  }
0x6b: {  	_ =	shalt  }
0x6c: {  	_ =	shalt  }
0x6d: {  	_ =	shalt  }
0x6e: {  	_ =	shalt  }
0x6f: {  	_ =	shalt  }
0x70: {  	_ =	shalt  }
0x71: {  	_ =	shalt  }
0x72: {  	_ =	shalt  }
0x73: {  	_ =	shalt  }
0x74: {  	_ =	shalt  }
0x75: {  	_ =	shalt  }
0x76: {  	_ =	shalt  }
0x77: {  	_ =	shalt  }
0x78: {  	_ =	shalt  }
0x79: {  	_ =	shalt  }
0x7a: {  	_ =	shalt  }
0x7b: {  	_ =	shalt  }
0x7c: {  	_ =	shalt  }
0x7d: {  	_ =	shalt  }
0x7e: {  	_ =	shalt  }
0x7f: {  	_ =	shalt  }
0x80: {  	_ =	shalt  }
0x81: {  	_ =	shalt  }
0x82: {  	_ =	shalt  }
0x83: {  	_ =	shalt  }
0x84: {  	_ =	shalt  }
0x85: {  	_ =	shalt  }
0x86: {  	_ =	shalt  }
0x87: {  	_ =	shalt  }
.Lfunc_end0:
.L_simem_size_0:
called_computation_lowered:
.L_overlay_start_0:
0x88: {  	s2 =	sld [smem:$0x3FD9]  }
0x89: {  	s3 =	sld [smem:$0x3FFE];
	_ =	sdelay $0x1  }
0x8a: {  	s1 =	srdreg.scid  }
0x8b: {  	s0 =	sand.u32 $0x1, s1  }
0x8c: {  	s17 =	sshll.u32 s0, $0xA;
	s2 =	sadd.s32 s3, s2  }
0x8d: {  	s2 =	sadd.s32 s2, s17  }
0x8e: {  	[smem:$0x3FAE] =	sst s2  }
0x8f: {  	_ = 	snop  }
0x90: {  	(tm) =	ssettm $0x1  }
0x91: {  	s18 =	sld [smem:$0x3FFB];
	_ =	sdelay $0x3  }
0x92: {  	_ =	strace s18  }
0x93: {  	s2 =	sld [smem:$0x3FFC];
	_ =	sdelay $0x3  }
0x94: {  	_ =	strace s2  }
0x95: {  	s2 =	sld [smem:$0x3FFD];
	_ =	sdelay $0x3  }
0x96: {  	_ =	strace s2  }
0x97: {  	_ =	strace $0x8FFFFFFF  }
0x98: {  	s19 =	sld [smem:$0x3FDB];
	_ =	sdelay $0x1  }
0x99: {  	s20 =	simm.s32 $_scs_section_size  }
0x9a: {  	s4 =	simm.s32 $_size__tile_overlayer_lowered;
	s5 =	simm.s32 $_tile_overlayer_lowered  }
0x9b: {  	s6 =	simm.s32 $0x1BFF;
	s21 =	sshll.u32 s5, $0x1;
	s3 =	sadd.s32 s20, s19  }
0x9c: {  	s22 =	simm.s32 $0x0;
	s4 =	sshll.u32 s4, $0x1;
	s5 =	sadd.s32 s21, s3  }
0x9d: {  	[timem:s22], [sflag:s6] =	dma.local [hbm:s5], s4  }
0x9e: {  	_ =	swait.ge [sflag:s6], s4  }
0x9f: {  	s4 =	ssub.s32 $0x0, s4;
	[sflag:s6] =	ssyncset.done $0x0  }
0xa0: {  	[sflag:s6] =	ssyncadd.s32 s4;
	_ =	sdelay $0x1  }
0xa1: {  	s23 =	simm.s32 $0x1B8B  }
0xa2: {  	_ =	swait.ge [sflag:s23], $0x1  }
0xa3: {  	[sflag:s23] =	ssyncset.done $0x0  }
0xa4: {  	[sflag:s23] =	ssyncadd.s32 $0xFFFFFFFF  }
0xa5: {  	s4 =	sld [smem:$0x0]  }
0xa6: {  	s5 =	sand.u32 $0xFFFFFFFE, s1  }
0xa7: {  	p0 =	sne.s32 s1, s5  }
0xa8: {  	s5 =	sshll.u32 @p0 s5, $0xE  }
0xa9: {  	s5 =	sadd.s32 @p0 $0x11B8D, s5;
	s6 =	sshll.u32 @p0 s4, $0x11  }
0xaa: {  	s5 =	sor.u32 @p0 s6, s5  }
0xab: {  	[sflag:s5] =	ssyncadd.remote.s32 @p0 $0x1;
	_ =	sdelay $0x1  }
0xac: {  	s5 =	simm.s32 @p0 $0x1B8D  }
0xad: {  	_ =	swait.eq @p0 [sflag:s5], $0x1  }
0xae: {  	[sflag:s5] =	ssyncadd.s32 @p0 $0xFFFFFFFF  }
0xaf: {  	s6 =	sshll.u32 @!p0 s1, $0xE  }
0xb0: {  	s6 =	sor.u32 @!p0 $0x4000, s6;
	s5 =	simm.s32 @!p0 $0x1B8D  }
0xb1: {  	s4 =	sshll.u32 @!p0 s4, $0x11;
	s6 =	sadd.s32 @!p0 $0x11B8D, s6;
	_ =	swait.eq @!p0 [sflag:s5], $0x1  }
0xb2: {  	s4 =	sor.u32 @!p0 s4, s6;
	[sflag:s5] =	ssyncadd.s32 @!p0 $0xFFFFFFFF  }
0xb3: {  	s25 =	simm.s32 $0x1B8E;
	s24 =	sld [smem:$0x3FFE];
	[sflag:s4] =	ssyncadd.remote.s32 @!p0 $0x1  }
0xb4: {  	s26 =	simm.s32 $execute0_lowered;
	[smem:$0x3FD2] =	sst s25  }
0xb5: {  	s5 =	sshll.u32 s26, $0x1;
	_ =	strace $0x80000049;
	[dreg:$0x1] =	wrdreg $0xFFFFFFFF  }
0xb6: {  	s28 =	simm.s32 $_size_execute0_lowered;
	s3 =	sadd.s32 s3, s5;
	[dreg:$0x0] =	wrdreg $0x0  }
0xb7: {  	s5 =	sshll.u32 s28, $0x1;
	[dreg:$0x2] =	wrdreg s3  }
0xb8: {  	[dreg:$0x3] =	wrdreg s5  }
0xb9: {  	[dreg:$0x4] =	wrdreg $0xC0  }
0xba: {  	_ =	task [dreg:s22], $0x5FFFF  }
0xbb: {  	[dreg:$0x1] =	wrdreg $0xFFFFFFFF  }
0xbc: {  	[dreg:$0x0] =	wrdreg $0x60  }
0xbd: {  	[dreg:$0x2] =	wrdreg s24  }
0xbe: {  	[dreg:$0x3] =	wrdreg $0x0  }
0xbf: {  	[dreg:$0x4] =	wrdreg $0x9  }
0xc0: {  	_ =	task.clear_ibuf [dreg:s22], $0x5FFFF;
	_ =	strace $0x90000049  }
0xc1: {  	s29 =	simm.s32 $0x9;
	_ =	strace $0x8000004B  }
0xc2: {  	_ =	swait.ge [sflag:s29], $0x1  }
0xc3: {  	[sflag:s29] =	ssyncadd.s32 $0xFFFFFFFF  }
0xc4: {  	_ =	strace $0x9000004B  }
0xc5: {  	_ =	sfence  }
0xc6: {  	s30 =	sld [smem:$0x0];
	_ =	sdelay $0x2  }
0xc7: {  	s31 =	sshll.u32 s1, $0xD;
	s1 =	sshrl.u32 s1, $0x2  }
0xc8: {  	s4 =	sand.u32 $0x4000, s31;
	s1 =	sadd.s32 s1, s30  }
0xc9: {  	s0 =	sor.u32 s4, s0;
	s1 =	sshll.u32 s1, $0x11  }
0xca: {  	s0 =	sor.u32 s1, s0  }
0xcb: {  	s0 =	sadd.s32 $0x8F2B, s0  }
0xcc: {  	[sflag:s0] =	ssyncadd.remote.s32 $0x1  }
0xcd: {  	_ =	sfence.sel $0xFFFF  }
0xce: {  	[dreg:$0x0] =	wrdreg $0xFFFFFFFF;
	(pc) =	sbr.abs _section_cstart, $3  }
0xcf: {  	[dreg:$0x1] =	wrdreg $0xFFFFFFFF  }
0xd0: {  	_ =	task.clear_ibuf [dreg:s22], $0x2FFFF;
	_ =	strace $0x9FFFFFFF  }
0xd1: {  	(tm) =	ssettm $0x7FFFFFFF  }
tec
execute0_lowered:
.L_overlay_start_1:
0x0: {  	(tag) =	ssettag $0x1  }
0x1: {  	s1 =	rddreg [dreg:$0x0]  }
0x2: {  	s2 =	rddreg [dreg:$0x1];
	s30 =	simm.s32 $0x0  }
0x3: {  	s0 =	srdreg.scid;
	[smem:$0x7FF] =	sst s30;
	s4 =	sadd.s32 $0x5FC00, s1  }
0x4: {  	s5 =	sadd.s32 $0xB1400, s1;
	_ =	strace $0x8000004A;
	[dreg:$0x3] =	wrdreg s4  }
0x5: {  	s12 =	stileid.u32;
	s24 =	simm.s32 $0x13C80;
	[dreg:$0x4] =	wrdreg s5  }
0x6: {  	s25 =	simm.s32 $0x13D00;
	s26 =	simm.s32 $0x13D80;
	[dreg:$0x7] =	wrdreg s24  }
0x7: {  	s8 =	simm.s32 $0x14000;
	s10 =	simm.s32 $0x14080;
	[dreg:$0x8] =	wrdreg s25  }
0x8: {  	s11 =	simm.s32 $0x14100;
	s14 =	simm.s32 $0x14180;
	[dreg:$0x9] =	wrdreg s26  }
0x9: {  	s15 =	simm.s32 $0x14200;
	s17 =	simm.s32 $0x14280;
	[dreg:$0xe] =	wrdreg s8  }
0xa: {  	s18 =	simm.s32 $0x14300;
	s19 =	simm.s32 $0x14380;
	[dreg:$0xf] =	wrdreg s10  }
0xb: {  	s20 =	simm.s32 $0x14400;
	s21 =	simm.s32 $0x14480;
	[dreg:$0x10] =	wrdreg s11  }
0xc: {  	s22 =	simm.s32 $0x14500;
	s31 =	simm.s32 $0x13C00;
	[dreg:$0x11] =	wrdreg s14  }
0xd: {  	s23 =	simm.s32 $0x14580;
	s28 =	simm.s32 $0x14900;
	[dreg:$0x12] =	wrdreg s15  }
0xe: {  	s29 =	simm.s32 $0x14980;
	s0 =	sand.u32 $0x1, s0;
	[dreg:$0x13] =	wrdreg s17  }
0xf: {  	s3 =	sshll.u32 s12, $0x1;
	s6 =	smul.u32 $0x2780, s12;
	[dreg:$0x14] =	wrdreg s18  }
0x10: {  	s9 =	smul.u32 $0x4F000, s12;
	s16 =	sshll.u32 s12, $0x6;
	[dreg:$0x15] =	wrdreg s19  }
0x11: {  	s3 =	sor.u32 s0, s3;
	p0 =	seq.s32 s0, $0x0;
	[dreg:$0x16] =	wrdreg s20  }
0x12: {  	s4 =	simm.s32 $0xB1C00;
	s5 =	simm.s32 $0x13F00;
	[dreg:$0x17] =	wrdreg s21  }
0x13: {  	s0 =	ssub.s32 $0x2, s0;
	[dreg:$0x18] =	wrdreg s22;
	s8 =	simm.s32 $0x80  }
0x14: {  	[dreg:$0x19] =	wrdreg s23;
	s24 =	simm.s32 $0x14600;
	s25 =	simm.s32 $0x14680  }
0x15: {  	s10 =	simm.s32 $0x2;
	s26 =	simm.s32 $0x14700;
	s11 =	simm.s32 $0x3  }
0x16: {  	s17 =	simm.s32 $0x14780;
	s21 =	simm.s32 $0x14A00;
	s22 =	simm.s32 $0x14A80  }
0x17: {  	s23 =	simm.s32 $0x14B00;
	s18 =	simm.s32 $0x14C80;
	s19 =	simm.s32 $0x14D00  }
0x18: {  	s20 =	simm.s32 $0x14D80;
	s14 =	simm.s32 $0x14E80;
	s15 =	simm.s32 $0x14F00  }
0x19: {  	s3 =	smul.u32 $0x280, s3;
	s4 =	simm.s32 @!p0 $0xD9400;
	[dreg:$0xc] =	wrdreg s5  }
0x1a: {  	s7 =	sshrl.u32 s0, $0x1;
	s13 =	sshrl.u32 s9, $0x2;
	[dreg:$0x1a] =	wrdreg s24  }
0x1b: {  	s5 =	simm.s32 $0x5;
	s9 =	simm.s32 $0x1;
	[dreg:$0x1b] =	wrdreg s25  }
0x1c: {  	[dreg:$0x1c] =	wrdreg s26;
	s25 =	simm.s32 $0x14800;
	s26 =	simm.s32 $0x14880  }
0x1d: {  	s24 =	simm.s32 $0x14B80;
	p0 =	por $0x0, $0x0;
	s0 =	ssub.s32 s0, s7  }
0x1e: {  	s7 =	simm.s32 $0x4;
	s3 =	sadd.s32 s3, s1;
	s1 =	sadd.s32 s4, s1  }
0x1f: {  	s4 =	simm.s32 $0x13E80;
	s0 =	smax.u32 s0, $0x1;
	s3 =	sadd.s32 $0x7800, s3  }
0x20: {  	s1 =	sadd.s32 s1, s6;
	[dreg:$0xb] =	wrdreg s4;
	p1 =	sne.s32 s0, $0x1  }
.Ltmp0:
0x21: {  	s6 =	simm.s32 $0x13F80;
	[dreg:$0x5] =	wrdreg s3;
	(pc) =	sbr.rel @!p1 .LBB2_1-.Ltmp0, $4  }
0x22: {  	s4 =	sadd.s32 s13, s2;
	s13 =	simm.s32 $0x14E00;
	[dreg:$0x6] =	wrdreg s1  }
0x23: {  	s3 =	simm.s32 $0x13E00;
	[dreg:$0xd] =	wrdreg s6;
	s4 =	sshrl.u32 s4, $0x3  }
0x24: {  	s6 =	simm.s32 $0x15000;
	s1 =	sadd.s32 $0xFFFFFFFF, s0;
	s0 =	rddreg [dreg:$0x3]  }
0x25: {  	[dreg:$0xa] =	wrdreg s3;
	s3 =	sor.u32 $0x1C05, s16;
	s16 =	simm.s32 $0x14F80  }
0x26: {  	[spmem:s4], [sflag:s3] =	dma.local [hbm:s0], $0x2780  }
0x27: {  	_ =	swait.ge [sflag:s5], $0x2780  }
0x28: {  	[sflag:s5] =	ssyncset.done $0x0  }
0x29: {  	s12 =	rddreg [dreg:$0x4];
	[sflag:s5] =	ssyncadd.s32 $0xFFFFD880  }
0x2a: {  	[tilespmem:s6], [sflag:$0x5] =	stream.linear.gather [hbm4b:s12+s30], $0x4000, $0x38;
	[tilespmem:$0x19000] =	vst v63  }
0x2b: {  	_ =	swait.ge [sflag:s5], $0x4000  }
0x2c: {  	[sflag:s5] =	ssyncset.done $0x0  }
0x2d: {  	s12 =	rddreg [dreg:$0x5];
	[sflag:s5] =	ssyncadd.s32 $0xFFFFC000  }
0x2e: {  	[tilespmem:s31], [sflag:$0x5] =	stream.linear.gather [hbm4b:s12+s30], $0x1400, $0x38;
	[tilespmem:$0x19000] =	vst v63  }
0x2f: {  	_ =	swait.ge [sflag:s5], $0x1400  }
0x30: {  	[sflag:s5] =	ssyncset.done $0x0  }
0x31: {  	[sflag:s5] =	ssyncadd.s32 $0xFFFFEC00  }
0x32: {  	[bflag:$0x0] =	sbarrier.arrive $0xFFFF  }
0x33: {  	[spmem:s2] =	stream.indirect.scatter.add.f32 [tilespmem:s6], [sflag:$0x1], $0x80, s31, s8, $0xb8;
	[tilespmem:$0x19000] =	vst v63  }
0x34: {  	s0 =	rddreg [dreg:$0x7]  }
0x35: {  	[spmem:s2] =	stream.indirect.scatter.add.f32 [tilespmem:s6], [sflag:$0x2], $0x80, s0, s8, $0xb8;
	[tilespmem:$0x19000] =	vst v63  }
0x36: {  	s12 =	smov.u32 s1;
	s1 =	rddreg [dreg:$0x8]  }
0x37: {  	[spmem:s2] =	stream.indirect.scatter.add.f32 [tilespmem:s6], [sflag:$0x3], $0x80, s1, s8, $0xb8;
	[tilespmem:$0x19000] =	vst v63  }
0x38: {  	s0 =	rddreg [dreg:$0x9]  }
0x39: {  	[spmem:s2] =	stream.indirect.scatter.add.f32 [tilespmem:s6], [sflag:$0x4], $0x80, s0, s8, $0xb8;
	[tilespmem:$0x19000] =	vst v63  }
0x3a: {  	_ =	swait.ge [sflag:s9], $0x4000  }
0x3b: {  	[sflag:s9] =	ssyncset.done $0x0  }
0x3c: {  	[sflag:s9] =	ssyncadd.s32 $0xFFFFC000  }
0x3d: {  	_ =	swait.ge [sflag:s10], $0x4000  }
0x3e: {  	[sflag:s10] =	ssyncset.done $0x0  }
0x3f: {  	[sflag:s10] =	ssyncadd.s32 $0xFFFFC000  }
0x40: {  	_ =	swait.ge [sflag:s11], $0x4000  }
0x41: {  	[sflag:s11] =	ssyncset.done $0x0  }
0x42: {  	[sflag:s11] =	ssyncadd.s32 $0xFFFFC000  }
0x43: {  	_ =	swait.ge [sflag:s7], $0x4000  }
0x44: {  	[sflag:s7] =	ssyncset.done $0x0  }
0x45: {  	s0 =	rddreg [dreg:$0xa];
	[sflag:s7] =	ssyncadd.s32 $0xFFFFC000  }
0x46: {  	[spmem:s2] =	stream.indirect.scatter.add.f32 [tilespmem:s6], [sflag:$0x1], $0x80, s0, s8, $0xb8;
	[tilespmem:$0x19000] =	vst v63  }
0x47: {  	s1 =	rddreg [dreg:$0xb]  }
0x48: {  	[spmem:s2] =	stream.indirect.scatter.add.f32 [tilespmem:s6], [sflag:$0x2], $0x80, s1, s8, $0xb8;
	[tilespmem:$0x19000] =	vst v63  }
0x49: {  	s0 =	rddreg [dreg:$0xc]  }
0x4a: {  	[spmem:s2] =	stream.indirect.scatter.add.f32 [tilespmem:s6], [sflag:$0x3], $0x80, s0, s8, $0xb8;
	[tilespmem:$0x19000] =	vst v63  }
0x4b: {  	s1 =	rddreg [dreg:$0xd]  }
0x4c: {  	[spmem:s2] =	stream.indirect.scatter.add.f32 [tilespmem:s6], [sflag:$0x4], $0x80, s1, s8, $0xb8;
	[tilespmem:$0x19000] =	vst v63  }
0x4d: {  	_ =	swait.ge [sflag:s9], $0x4000  }
0x4e: {  	[sflag:s9] =	ssyncset.done $0x0  }
0x4f: {  	[sflag:s9] =	ssyncadd.s32 $0xFFFFC000  }
0x50: {  	_ =	swait.ge [sflag:s10], $0x4000  }
0x51: {  	[sflag:s10] =	ssyncset.done $0x0  }
0x52: {  	[sflag:s10] =	ssyncadd.s32 $0xFFFFC000  }
0x53: {  	_ =	swait.ge [sflag:s11], $0x4000  }
0x54: {  	[sflag:s11] =	ssyncset.done $0x0  }
0x55: {  	[sflag:s11] =	ssyncadd.s32 $0xFFFFC000  }
0x56: {  	_ =	swait.ge [sflag:s7], $0x4000  }
0x57: {  	[sflag:s7] =	ssyncset.done $0x0  }
0x58: {  	s0 =	rddreg [dreg:$0xe];
	[sflag:s7] =	ssyncadd.s32 $0xFFFFC000  }
0x59: {  	[spmem:s2] =	stream.indirect.scatter.add.f32 [tilespmem:s6], [sflag:$0x1], $0x80, s0, s8, $0xb8;
	[tilespmem:$0x19000] =	vst v63  }
0x5a: {  	s1 =	rddreg [dreg:$0xf]  }
0x5b: {  	[spmem:s2] =	stream.indirect.scatter.add.f32 [tilespmem:s6], [sflag:$0x2], $0x80, s1, s8, $0xb8;
	[tilespmem:$0x19000] =	vst v63  }
0x5c: {  	s0 =	rddreg [dreg:$0x10]  }
0x5d: {  	[spmem:s2] =	stream.indirect.scatter.add.f32 [tilespmem:s6], [sflag:$0x3], $0x80, s0, s8, $0xb8;
	[tilespmem:$0x19000] =	vst v63  }
0x5e: {  	s1 =	rddreg [dreg:$0x11]  }
0x5f: {  	[spmem:s2] =	stream.indirect.scatter.add.f32 [tilespmem:s6], [sflag:$0x4], $0x80, s1, s8, $0xb8;
	[tilespmem:$0x19000] =	vst v63  }
0x60: {  	_ =	swait.ge [sflag:s9], $0x4000  }
0x61: {  	[sflag:s9] =	ssyncset.done $0x0  }
0x62: {  	[sflag:s9] =	ssyncadd.s32 $0xFFFFC000  }
0x63: {  	_ =	swait.ge [sflag:s10], $0x4000  }
0x64: {  	[sflag:s10] =	ssyncset.done $0x0  }
0x65: {  	[sflag:s10] =	ssyncadd.s32 $0xFFFFC000  }
0x66: {  	_ =	swait.ge [sflag:s11], $0x4000  }
0x67: {  	[sflag:s11] =	ssyncset.done $0x0  }
0x68: {  	[sflag:s11] =	ssyncadd.s32 $0xFFFFC000  }
0x69: {  	_ =	swait.ge [sflag:s7], $0x4000  }
0x6a: {  	[sflag:s7] =	ssyncset.done $0x0  }
0x6b: {  	s0 =	rddreg [dreg:$0x12];
	[sflag:s7] =	ssyncadd.s32 $0xFFFFC000  }
0x6c: {  	[spmem:s2] =	stream.indirect.scatter.add.f32 [tilespmem:s6], [sflag:$0x1], $0x80, s0, s8, $0xb8;
	[tilespmem:$0x19000] =	vst v63  }
0x6d: {  	s1 =	rddreg [dreg:$0x13]  }
0x6e: {  	[spmem:s2] =	stream.indirect.scatter.add.f32 [tilespmem:s6], [sflag:$0x2], $0x80, s1, s8, $0xb8;
	[tilespmem:$0x19000] =	vst v63  }
0x6f: {  	s0 =	rddreg [dreg:$0x14]  }
0x70: {  	[spmem:s2] =	stream.indirect.scatter.add.f32 [tilespmem:s6], [sflag:$0x3], $0x80, s0, s8, $0xb8;
	[tilespmem:$0x19000] =	vst v63  }
0x71: {  	s1 =	rddreg [dreg:$0x15]  }
0x72: {  	[spmem:s2] =	stream.indirect.scatter.add.f32 [tilespmem:s6], [sflag:$0x4], $0x80, s1, s8, $0xb8;
	[tilespmem:$0x19000] =	vst v63  }
0x73: {  	_ =	swait.ge [sflag:s9], $0x4000  }
0x74: {  	[sflag:s9] =	ssyncset.done $0x0  }
0x75: {  	[sflag:s9] =	ssyncadd.s32 $0xFFFFC000  }
0x76: {  	_ =	swait.ge [sflag:s10], $0x4000  }
0x77: {  	[sflag:s10] =	ssyncset.done $0x0  }
0x78: {  	[sflag:s10] =	ssyncadd.s32 $0xFFFFC000  }
0x79: {  	_ =	swait.ge [sflag:s11], $0x4000  }
0x7a: {  	[sflag:s11] =	ssyncset.done $0x0  }
0x7b: {  	[sflag:s11] =	ssyncadd.s32 $0xFFFFC000  }
0x7c: {  	_ =	swait.ge [sflag:s7], $0x4000  }
0x7d: {  	[sflag:s7] =	ssyncset.done $0x0  }
0x7e: {  	s0 =	rddreg [dreg:$0x16];
	[sflag:s7] =	ssyncadd.s32 $0xFFFFC000  }
0x7f: {  	[spmem:s2] =	stream.indirect.scatter.add.f32 [tilespmem:s6], [sflag:$0x1], $0x80, s0, s8, $0xb8;
	[tilespmem:$0x19000] =	vst v63  }
0x80: {  	s1 =	rddreg [dreg:$0x17]  }
0x81: {  	[spmem:s2] =	stream.indirect.scatter.add.f32 [tilespmem:s6], [sflag:$0x2], $0x80, s1, s8, $0xb8;
	[tilespmem:$0x19000] =	vst v63  }
0x82: {  	s0 =	rddreg [dreg:$0x18]  }
0x83: {  	[spmem:s2] =	stream.indirect.scatter.add.f32 [tilespmem:s6], [sflag:$0x3], $0x80, s0, s8, $0xb8;
	[tilespmem:$0x19000] =	vst v63  }
0x84: {  	s1 =	rddreg [dreg:$0x19]  }
0x85: {  	[spmem:s2] =	stream.indirect.scatter.add.f32 [tilespmem:s6], [sflag:$0x4], $0x80, s1, s8, $0xb8;
	[tilespmem:$0x19000] =	vst v63  }
0x86: {  	_ =	swait.ge [sflag:s9], $0x4000  }
0x87: {  	[sflag:s9] =	ssyncset.done $0x0  }
0x88: {  	[sflag:s9] =	ssyncadd.s32 $0xFFFFC000  }
0x89: {  	_ =	swait.ge [sflag:s10], $0x4000  }
0x8a: {  	[sflag:s10] =	ssyncset.done $0x0  }
0x8b: {  	[sflag:s10] =	ssyncadd.s32 $0xFFFFC000  }
0x8c: {  	_ =	swait.ge [sflag:s11], $0x4000  }
0x8d: {  	[sflag:s11] =	ssyncset.done $0x0  }
0x8e: {  	[sflag:s11] =	ssyncadd.s32 $0xFFFFC000  }
0x8f: {  	_ =	swait.ge [sflag:s7], $0x4000  }
0x90: {  	[sflag:s7] =	ssyncset.done $0x0  }
0x91: {  	s0 =	rddreg [dreg:$0x1a];
	[sflag:s7] =	ssyncadd.s32 $0xFFFFC000  }
0x92: {  	[spmem:s2] =	stream.indirect.scatter.add.f32 [tilespmem:s6], [sflag:$0x1], $0x80, s0, s8, $0xb8;
	[tilespmem:$0x19000] =	vst v63  }
0x93: {  	s1 =	rddreg [dreg:$0x1b]  }
0x94: {  	[spmem:s2] =	stream.indirect.scatter.add.f32 [tilespmem:s6], [sflag:$0x2], $0x80, s1, s8, $0xb8;
	[tilespmem:$0x19000] =	vst v63  }
0x95: {  	s0 =	rddreg [dreg:$0x1c]  }
0x96: {  	[spmem:s2] =	stream.indirect.scatter.add.f32 [tilespmem:s6], [sflag:$0x3], $0x80, s0, s8, $0xb8;
	[tilespmem:$0x19000] =	vst v63  }
0x97: {  	_ = 	snop  }
0x98: {  	[spmem:s2] =	stream.indirect.scatter.add.f32 [tilespmem:s6], [sflag:$0x4], $0x80, s17, s8, $0xb8;
	[tilespmem:$0x19000] =	vst v63  }
0x99: {  	_ =	swait.ge [sflag:s9], $0x4000  }
0x9a: {  	[sflag:s9] =	ssyncset.done $0x0  }
0x9b: {  	[sflag:s9] =	ssyncadd.s32 $0xFFFFC000  }
0x9c: {  	_ =	swait.ge [sflag:s10], $0x4000  }
0x9d: {  	[sflag:s10] =	ssyncset.done $0x0  }
0x9e: {  	[sflag:s10] =	ssyncadd.s32 $0xFFFFC000  }
0x9f: {  	_ =	swait.ge [sflag:s11], $0x4000  }
0xa0: {  	[sflag:s11] =	ssyncset.done $0x0  }
0xa1: {  	[sflag:s11] =	ssyncadd.s32 $0xFFFFC000  }
0xa2: {  	_ =	swait.ge [sflag:s7], $0x4000  }
0xa3: {  	[sflag:s7] =	ssyncset.done $0x0  }
0xa4: {  	[sflag:s7] =	ssyncadd.s32 $0xFFFFC000  }
0xa5: {  	[spmem:s2] =	stream.indirect.scatter.add.f32 [tilespmem:s6], [sflag:$0x1], $0x80, s25, s8, $0xb8;
	[tilespmem:$0x19000] =	vst v63  }
0xa6: {  	_ = 	snop  }
0xa7: {  	[spmem:s2] =	stream.indirect.scatter.add.f32 [tilespmem:s6], [sflag:$0x2], $0x80, s26, s8, $0xb8;
	[tilespmem:$0x19000] =	vst v63  }
0xa8: {  	_ = 	snop  }
0xa9: {  	[spmem:s2] =	stream.indirect.scatter.add.f32 [tilespmem:s6], [sflag:$0x3], $0x80, s28, s8, $0xb8;
	[tilespmem:$0x19000] =	vst v63  }
0xaa: {  	_ = 	snop  }
0xab: {  	[spmem:s2] =	stream.indirect.scatter.add.f32 [tilespmem:s6], [sflag:$0x4], $0x80, s29, s8, $0xb8;
	[tilespmem:$0x19000] =	vst v63  }
0xac: {  	_ =	swait.ge [sflag:s9], $0x4000  }
0xad: {  	[sflag:s9] =	ssyncset.done $0x0  }
0xae: {  	[sflag:s9] =	ssyncadd.s32 $0xFFFFC000  }
0xaf: {  	_ =	swait.ge [sflag:s10], $0x4000  }
0xb0: {  	[sflag:s10] =	ssyncset.done $0x0  }
0xb1: {  	[sflag:s10] =	ssyncadd.s32 $0xFFFFC000  }
0xb2: {  	_ =	swait.ge [sflag:s11], $0x4000  }
0xb3: {  	[sflag:s11] =	ssyncset.done $0x0  }
0xb4: {  	[sflag:s11] =	ssyncadd.s32 $0xFFFFC000  }
0xb5: {  	_ =	swait.ge [sflag:s7], $0x4000  }
0xb6: {  	[sflag:s7] =	ssyncset.done $0x0  }
0xb7: {  	[sflag:s7] =	ssyncadd.s32 $0xFFFFC000  }
0xb8: {  	[spmem:s2] =	stream.indirect.scatter.add.f32 [tilespmem:s6], [sflag:$0x1], $0x80, s21, s8, $0xb8;
	[tilespmem:$0x19000] =	vst v63  }
0xb9: {  	_ = 	snop  }
0xba: {  	[spmem:s2] =	stream.indirect.scatter.add.f32 [tilespmem:s6], [sflag:$0x2], $0x80, s22, s8, $0xb8;
	[tilespmem:$0x19000] =	vst v63  }
0xbb: {  	_ = 	snop  }
0xbc: {  	[spmem:s2] =	stream.indirect.scatter.add.f32 [tilespmem:s6], [sflag:$0x3], $0x80, s23, s8, $0xb8;
	[tilespmem:$0x19000] =	vst v63  }
0xbd: {  	_ = 	snop  }
0xbe: {  	[spmem:s2] =	stream.indirect.scatter.add.f32 [tilespmem:s6], [sflag:$0x4], $0x80, s24, s8, $0xb8;
	[tilespmem:$0x19000] =	vst v63  }
0xbf: {  	_ =	swait.ge [sflag:s9], $0x4000  }
0xc0: {  	[sflag:s9] =	ssyncset.done $0x0  }
0xc1: {  	[sflag:s9] =	ssyncadd.s32 $0xFFFFC000  }
0xc2: {  	_ =	swait.ge [sflag:s10], $0x4000  }
0xc3: {  	[sflag:s10] =	ssyncset.done $0x0  }
0xc4: {  	[sflag:s10] =	ssyncadd.s32 $0xFFFFC000  }
0xc5: {  	_ =	swait.ge [sflag:s11], $0x4000  }
0xc6: {  	[sflag:s11] =	ssyncset.done $0x0  }
0xc7: {  	[sflag:s11] =	ssyncadd.s32 $0xFFFFC000  }
0xc8: {  	_ =	swait.ge [sflag:s7], $0x4000  }
0xc9: {  	[sflag:s7] =	ssyncset.done $0x0  }
0xca: {  	s1 =	simm.s32 $0x14C00;
	[sflag:s7] =	ssyncadd.s32 $0xFFFFC000  }
0xcb: {  	[spmem:s2] =	stream.indirect.scatter.add.f32 [tilespmem:s6], [sflag:$0x1], $0x80, s1, s8, $0xb8;
	[tilespmem:$0x19000] =	vst v63  }
0xcc: {  	_ = 	snop  }
0xcd: {  	[spmem:s2] =	stream.indirect.scatter.add.f32 [tilespmem:s6], [sflag:$0x2], $0x80, s18, s8, $0xb8;
	[tilespmem:$0x19000] =	vst v63  }
0xce: {  	_ = 	snop  }
0xcf: {  	[spmem:s2] =	stream.indirect.scatter.add.f32 [tilespmem:s6], [sflag:$0x3], $0x80, s19, s8, $0xb8;
	[tilespmem:$0x19000] =	vst v63  }
0xd0: {  	_ = 	snop  }
0xd1: {  	[spmem:s2] =	stream.indirect.scatter.add.f32 [tilespmem:s6], [sflag:$0x4], $0x80, s20, s8, $0xb8;
	[tilespmem:$0x19000] =	vst v63  }
0xd2: {  	_ =	swait.ge [sflag:s9], $0x4000  }
0xd3: {  	[sflag:s9] =	ssyncset.done $0x0  }
0xd4: {  	[sflag:s9] =	ssyncadd.s32 $0xFFFFC000  }
0xd5: {  	_ =	swait.ge [sflag:s10], $0x4000  }
0xd6: {  	[sflag:s10] =	ssyncset.done $0x0  }
0xd7: {  	[sflag:s10] =	ssyncadd.s32 $0xFFFFC000  }
0xd8: {  	_ =	swait.ge [sflag:s11], $0x4000  }
0xd9: {  	[sflag:s11] =	ssyncset.done $0x0  }
0xda: {  	[sflag:s11] =	ssyncadd.s32 $0xFFFFC000  }
0xdb: {  	_ =	swait.ge [sflag:s7], $0x4000  }
0xdc: {  	[sflag:s7] =	ssyncset.done $0x0  }
0xdd: {  	[sflag:s7] =	ssyncadd.s32 $0xFFFFC000  }
0xde: {  	[spmem:s2] =	stream.indirect.scatter.add.f32 [tilespmem:s6], [sflag:$0x1], $0x80, s13, s8, $0xb8;
	[tilespmem:$0x19000] =	vst v63  }
0xdf: {  	_ = 	snop  }
0xe0: {  	[spmem:s2] =	stream.indirect.scatter.add.f32 [tilespmem:s6], [sflag:$0x2], $0x80, s14, s8, $0xb8;
	[tilespmem:$0x19000] =	vst v63  }
0xe1: {  	_ = 	snop  }
0xe2: {  	[spmem:s2] =	stream.indirect.scatter.add.f32 [tilespmem:s6], [sflag:$0x3], $0x80, s15, s8, $0xb8;
	[tilespmem:$0x19000] =	vst v63  }
0xe3: {  	_ = 	snop  }
0xe4: {  	[spmem:s2] =	stream.indirect.scatter.add.f32 [tilespmem:s6], [sflag:$0x4], $0x80, s16, s8, $0xb8;
	[tilespmem:$0x19000] =	vst v63  }
0xe5: {  	_ =	swait.ge [sflag:s9], $0x4000  }
0xe6: {  	[sflag:s9] =	ssyncset.done $0x0  }
0xe7: {  	[sflag:s9] =	ssyncadd.s32 $0xFFFFC000  }
0xe8: {  	_ =	swait.ge [sflag:s10], $0x4000  }
0xe9: {  	[sflag:s10] =	ssyncset.done $0x0  }
0xea: {  	[sflag:s10] =	ssyncadd.s32 $0xFFFFC000  }
0xeb: {  	_ =	swait.ge [sflag:s11], $0x4000  }
0xec: {  	[sflag:s11] =	ssyncset.done $0x0  }
0xed: {  	[sflag:s11] =	ssyncadd.s32 $0xFFFFC000  }
0xee: {  	_ =	swait.ge [sflag:s7], $0x4000  }
0xef: {  	[sflag:s7] =	ssyncset.done $0x0  }
0xf0: {  	p1 =	sne.s32 s12, $0x1;
	[sflag:s7] =	ssyncadd.s32 $0xFFFFC000  }
.Ltmp1:
0xf1: {  	[bflag:$0x0] =	sbarrier.arrive $0xFFFF;
	(pc) =	sbr.rel @!p1 .LBB2_3-.Ltmp1, $4  }
0xf2: {  	s1 =	rddreg [dreg:$0x6]  }
0xf3: {  	[hbm:s1], [sflag:s3] =	dma.local [spmem:s4], $0x2780  }
0xf4: {  	p0 =	por $0x1, $0x1;
	_ =	swait.ge [sflag:s5], $0x2780  }
0xf5: {  	s1 =	sadd.s32 $0xFFFFFFFF, s12;
	s0 =	rddreg [dreg:$0x3];
	[sflag:s5] =	ssyncset.done $0x0  }
.LBB2_4:
0xf6: {  	[sflag:s5] =	ssyncadd.s32 $0xFFFFD880  }
0xf7: {  	[spmem:s4], [sflag:s3] =	dma.local [hbm:s0], $0x2780  }
0xf8: {  	_ =	swait.ge [sflag:s5], $0x2780  }
0xf9: {  	[sflag:s5] =	ssyncset.done $0x0  }
0xfa: {  	s12 =	rddreg [dreg:$0x4];
	[sflag:s5] =	ssyncadd.s32 $0xFFFFD880  }
0xfb: {  	[tilespmem:s6], [sflag:$0x5] =	stream.linear.gather [hbm4b:s12+s30], $0x4000, $0x38;
	[tilespmem:$0x19000] =	vst v63  }
0xfc: {  	_ =	swait.ge [sflag:s5], $0x4000  }
0xfd: {  	[sflag:s5] =	ssyncset.done $0x0  }
0xfe: {  	s12 =	rddreg [dreg:$0x5];
	[sflag:s5] =	ssyncadd.s32 $0xFFFFC000  }
0xff: {  	[tilespmem:s31], [sflag:$0x5] =	stream.linear.gather [hbm4b:s12+s30], $0x1400, $0x38;
	[tilespmem:$0x19000] =	vst v63  }
0x100: {  	_ =	swait.ge [sflag:s5], $0x1400  }
0x101: {  	[sflag:s5] =	ssyncset.done $0x0  }
0x102: {  	[sflag:s5] =	ssyncadd.s32 $0xFFFFEC00  }
0x103: {  	[bflag:$0x0] =	sbarrier.arrive $0xFFFF  }
0x104: {  	[spmem:s2] =	stream.indirect.scatter.add.f32 [tilespmem:s6], [sflag:$0x1], $0x80, s31, s8, $0xb8;
	[tilespmem:$0x19000] =	vst v63  }
0x105: {  	s0 =	rddreg [dreg:$0x7]  }
0x106: {  	[spmem:s2] =	stream.indirect.scatter.add.f32 [tilespmem:s6], [sflag:$0x2], $0x80, s0, s8, $0xb8;
	[tilespmem:$0x19000] =	vst v63  }
0x107: {  	s12 =	rddreg [dreg:$0x8]  }
0x108: {  	[spmem:s2] =	stream.indirect.scatter.add.f32 [tilespmem:s6], [sflag:$0x3], $0x80, s12, s8, $0xb8;
	[tilespmem:$0x19000] =	vst v63  }
0x109: {  	s0 =	rddreg [dreg:$0x9]  }
0x10a: {  	[spmem:s2] =	stream.indirect.scatter.add.f32 [tilespmem:s6], [sflag:$0x4], $0x80, s0, s8, $0xb8;
	[tilespmem:$0x19000] =	vst v63  }
0x10b: {  	_ =	swait.ge [sflag:s9], $0x4000  }
0x10c: {  	[sflag:s9] =	ssyncset.done $0x0  }
0x10d: {  	[sflag:s9] =	ssyncadd.s32 $0xFFFFC000  }
0x10e: {  	_ =	swait.ge [sflag:s10], $0x4000  }
0x10f: {  	[sflag:s10] =	ssyncset.done $0x0  }
0x110: {  	[sflag:s10] =	ssyncadd.s32 $0xFFFFC000  }
0x111: {  	_ =	swait.ge [sflag:s11], $0x4000  }
0x112: {  	[sflag:s11] =	ssyncset.done $0x0  }
0x113: {  	[sflag:s11] =	ssyncadd.s32 $0xFFFFC000  }
0x114: {  	_ =	swait.ge [sflag:s7], $0x4000  }
0x115: {  	[sflag:s7] =	ssyncset.done $0x0  }
0x116: {  	s0 =	rddreg [dreg:$0xa];
	[sflag:s7] =	ssyncadd.s32 $0xFFFFC000  }
0x117: {  	[spmem:s2] =	stream.indirect.scatter.add.f32 [tilespmem:s6], [sflag:$0x1], $0x80, s0, s8, $0xb8;
	[tilespmem:$0x19000] =	vst v63  }
0x118: {  	s12 =	rddreg [dreg:$0xb]  }
0x119: {  	[spmem:s2] =	stream.indirect.scatter.add.f32 [tilespmem:s6], [sflag:$0x2], $0x80, s12, s8, $0xb8;
	[tilespmem:$0x19000] =	vst v63  }
0x11a: {  	s0 =	rddreg [dreg:$0xc]  }
0x11b: {  	[spmem:s2] =	stream.indirect.scatter.add.f32 [tilespmem:s6], [sflag:$0x3], $0x80, s0, s8, $0xb8;
	[tilespmem:$0x19000] =	vst v63  }
0x11c: {  	s12 =	rddreg [dreg:$0xd]  }
0x11d: {  	[spmem:s2] =	stream.indirect.scatter.add.f32 [tilespmem:s6], [sflag:$0x4], $0x80, s12, s8, $0xb8;
	[tilespmem:$0x19000] =	vst v63  }
0x11e: {  	_ =	swait.ge [sflag:s9], $0x4000  }
0x11f: {  	[sflag:s9] =	ssyncset.done $0x0  }
0x120: {  	[sflag:s9] =	ssyncadd.s32 $0xFFFFC000  }
0x121: {  	_ =	swait.ge [sflag:s10], $0x4000  }
0x122: {  	[sflag:s10] =	ssyncset.done $0x0  }
0x123: {  	[sflag:s10] =	ssyncadd.s32 $0xFFFFC000  }
0x124: {  	_ =	swait.ge [sflag:s11], $0x4000  }
0x125: {  	[sflag:s11] =	ssyncset.done $0x0  }
0x126: {  	[sflag:s11] =	ssyncadd.s32 $0xFFFFC000  }
0x127: {  	_ =	swait.ge [sflag:s7], $0x4000  }
0x128: {  	[sflag:s7] =	ssyncset.done $0x0  }
0x129: {  	s0 =	rddreg [dreg:$0xe];
	[sflag:s7] =	ssyncadd.s32 $0xFFFFC000  }
0x12a: {  	[spmem:s2] =	stream.indirect.scatter.add.f32 [tilespmem:s6], [sflag:$0x1], $0x80, s0, s8, $0xb8;
	[tilespmem:$0x19000] =	vst v63  }
0x12b: {  	s12 =	rddreg [dreg:$0xf]  }
0x12c: {  	[spmem:s2] =	stream.indirect.scatter.add.f32 [tilespmem:s6], [sflag:$0x2], $0x80, s12, s8, $0xb8;
	[tilespmem:$0x19000] =	vst v63  }
0x12d: {  	s0 =	rddreg [dreg:$0x10]  }
0x12e: {  	[spmem:s2] =	stream.indirect.scatter.add.f32 [tilespmem:s6], [sflag:$0x3], $0x80, s0, s8, $0xb8;
	[tilespmem:$0x19000] =	vst v63  }
0x12f: {  	s12 =	rddreg [dreg:$0x11]  }
0x130: {  	[spmem:s2] =	stream.indirect.scatter.add.f32 [tilespmem:s6], [sflag:$0x4], $0x80, s12, s8, $0xb8;
	[tilespmem:$0x19000] =	vst v63  }
0x131: {  	_ =	swait.ge [sflag:s9], $0x4000  }
0x132: {  	[sflag:s9] =	ssyncset.done $0x0  }
0x133: {  	[sflag:s9] =	ssyncadd.s32 $0xFFFFC000  }
0x134: {  	_ =	swait.ge [sflag:s10], $0x4000  }
0x135: {  	[sflag:s10] =	ssyncset.done $0x0  }
0x136: {  	[sflag:s10] =	ssyncadd.s32 $0xFFFFC000  }
0x137: {  	_ =	swait.ge [sflag:s11], $0x4000  }
0x138: {  	[sflag:s11] =	ssyncset.done $0x0  }
0x139: {  	[sflag:s11] =	ssyncadd.s32 $0xFFFFC000  }
0x13a: {  	_ =	swait.ge [sflag:s7], $0x4000  }
0x13b: {  	[sflag:s7] =	ssyncset.done $0x0  }
0x13c: {  	s0 =	rddreg [dreg:$0x12];
	[sflag:s7] =	ssyncadd.s32 $0xFFFFC000  }
0x13d: {  	[spmem:s2] =	stream.indirect.scatter.add.f32 [tilespmem:s6], [sflag:$0x1], $0x80, s0, s8, $0xb8;
	[tilespmem:$0x19000] =	vst v63  }
0x13e: {  	s12 =	rddreg [dreg:$0x13]  }
0x13f: {  	[spmem:s2] =	stream.indirect.scatter.add.f32 [tilespmem:s6], [sflag:$0x2], $0x80, s12, s8, $0xb8;
	[tilespmem:$0x19000] =	vst v63  }
0x140: {  	s0 =	rddreg [dreg:$0x14]  }
0x141: {  	[spmem:s2] =	stream.indirect.scatter.add.f32 [tilespmem:s6], [sflag:$0x3], $0x80, s0, s8, $0xb8;
	[tilespmem:$0x19000] =	vst v63  }
0x142: {  	s12 =	rddreg [dreg:$0x15]  }
0x143: {  	[spmem:s2] =	stream.indirect.scatter.add.f32 [tilespmem:s6], [sflag:$0x4], $0x80, s12, s8, $0xb8;
	[tilespmem:$0x19000] =	vst v63  }
0x144: {  	_ =	swait.ge [sflag:s9], $0x4000  }
0x145: {  	[sflag:s9] =	ssyncset.done $0x0  }
0x146: {  	[sflag:s9] =	ssyncadd.s32 $0xFFFFC000  }
0x147: {  	_ =	swait.ge [sflag:s10], $0x4000  }
0x148: {  	[sflag:s10] =	ssyncset.done $0x0  }
0x149: {  	[sflag:s10] =	ssyncadd.s32 $0xFFFFC000  }
0x14a: {  	_ =	swait.ge [sflag:s11], $0x4000  }
0x14b: {  	[sflag:s11] =	ssyncset.done $0x0  }
0x14c: {  	[sflag:s11] =	ssyncadd.s32 $0xFFFFC000  }
0x14d: {  	_ =	swait.ge [sflag:s7], $0x4000  }
0x14e: {  	[sflag:s7] =	ssyncset.done $0x0  }
0x14f: {  	s0 =	rddreg [dreg:$0x16];
	[sflag:s7] =	ssyncadd.s32 $0xFFFFC000  }
0x150: {  	[spmem:s2] =	stream.indirect.scatter.add.f32 [tilespmem:s6], [sflag:$0x1], $0x80, s0, s8, $0xb8;
	[tilespmem:$0x19000] =	vst v63  }
0x151: {  	s12 =	rddreg [dreg:$0x17]  }
0x152: {  	[spmem:s2] =	stream.indirect.scatter.add.f32 [tilespmem:s6], [sflag:$0x2], $0x80, s12, s8, $0xb8;
	[tilespmem:$0x19000] =	vst v63  }
0x153: {  	s0 =	rddreg [dreg:$0x18]  }
0x154: {  	[spmem:s2] =	stream.indirect.scatter.add.f32 [tilespmem:s6], [sflag:$0x3], $0x80, s0, s8, $0xb8;
	[tilespmem:$0x19000] =	vst v63  }
0x155: {  	s12 =	rddreg [dreg:$0x19]  }
0x156: {  	[spmem:s2] =	stream.indirect.scatter.add.f32 [tilespmem:s6], [sflag:$0x4], $0x80, s12, s8, $0xb8;
	[tilespmem:$0x19000] =	vst v63  }
0x157: {  	_ =	swait.ge [sflag:s9], $0x4000  }
0x158: {  	[sflag:s9] =	ssyncset.done $0x0  }
0x159: {  	[sflag:s9] =	ssyncadd.s32 $0xFFFFC000  }
0x15a: {  	_ =	swait.ge [sflag:s10], $0x4000  }
0x15b: {  	[sflag:s10] =	ssyncset.done $0x0  }
0x15c: {  	[sflag:s10] =	ssyncadd.s32 $0xFFFFC000  }
0x15d: {  	_ =	swait.ge [sflag:s11], $0x4000  }
0x15e: {  	[sflag:s11] =	ssyncset.done $0x0  }
0x15f: {  	[sflag:s11] =	ssyncadd.s32 $0xFFFFC000  }
0x160: {  	_ =	swait.ge [sflag:s7], $0x4000  }
0x161: {  	[sflag:s7] =	ssyncset.done $0x0  }
0x162: {  	s0 =	rddreg [dreg:$0x1a];
	[sflag:s7] =	ssyncadd.s32 $0xFFFFC000  }
0x163: {  	[spmem:s2] =	stream.indirect.scatter.add.f32 [tilespmem:s6], [sflag:$0x1], $0x80, s0, s8, $0xb8;
	[tilespmem:$0x19000] =	vst v63  }
0x164: {  	s12 =	rddreg [dreg:$0x1b]  }
0x165: {  	[spmem:s2] =	stream.indirect.scatter.add.f32 [tilespmem:s6], [sflag:$0x2], $0x80, s12, s8, $0xb8;
	[tilespmem:$0x19000] =	vst v63  }
0x166: {  	s0 =	rddreg [dreg:$0x1c]  }
0x167: {  	[spmem:s2] =	stream.indirect.scatter.add.f32 [tilespmem:s6], [sflag:$0x3], $0x80, s0, s8, $0xb8;
	[tilespmem:$0x19000] =	vst v63  }
0x168: {  	_ = 	snop  }
0x169: {  	[spmem:s2] =	stream.indirect.scatter.add.f32 [tilespmem:s6], [sflag:$0x4], $0x80, s17, s8, $0xb8;
	[tilespmem:$0x19000] =	vst v63  }
0x16a: {  	_ =	swait.ge [sflag:s9], $0x4000  }
0x16b: {  	[sflag:s9] =	ssyncset.done $0x0  }
0x16c: {  	[sflag:s9] =	ssyncadd.s32 $0xFFFFC000  }
0x16d: {  	_ =	swait.ge [sflag:s10], $0x4000  }
0x16e: {  	[sflag:s10] =	ssyncset.done $0x0  }
0x16f: {  	[sflag:s10] =	ssyncadd.s32 $0xFFFFC000  }
0x170: {  	_ =	swait.ge [sflag:s11], $0x4000  }
0x171: {  	[sflag:s11] =	ssyncset.done $0x0  }
0x172: {  	[sflag:s11] =	ssyncadd.s32 $0xFFFFC000  }
0x173: {  	_ =	swait.ge [sflag:s7], $0x4000  }
0x174: {  	[sflag:s7] =	ssyncset.done $0x0  }
0x175: {  	[sflag:s7] =	ssyncadd.s32 $0xFFFFC000  }
0x176: {  	[spmem:s2] =	stream.indirect.scatter.add.f32 [tilespmem:s6], [sflag:$0x1], $0x80, s25, s8, $0xb8;
	[tilespmem:$0x19000] =	vst v63  }
0x177: {  	_ = 	snop  }
0x178: {  	[spmem:s2] =	stream.indirect.scatter.add.f32 [tilespmem:s6], [sflag:$0x2], $0x80, s26, s8, $0xb8;
	[tilespmem:$0x19000] =	vst v63  }
0x179: {  	_ = 	snop  }
0x17a: {  	[spmem:s2] =	stream.indirect.scatter.add.f32 [tilespmem:s6], [sflag:$0x3], $0x80, s28, s8, $0xb8;
	[tilespmem:$0x19000] =	vst v63  }
0x17b: {  	_ = 	snop  }
0x17c: {  	[spmem:s2] =	stream.indirect.scatter.add.f32 [tilespmem:s6], [sflag:$0x4], $0x80, s29, s8, $0xb8;
	[tilespmem:$0x19000] =	vst v63  }
0x17d: {  	_ =	swait.ge [sflag:s9], $0x4000  }
0x17e: {  	[sflag:s9] =	ssyncset.done $0x0  }
0x17f: {  	[sflag:s9] =	ssyncadd.s32 $0xFFFFC000  }
0x180: {  	_ =	swait.ge [sflag:s10], $0x4000  }
0x181: {  	[sflag:s10] =	ssyncset.done $0x0  }
0x182: {  	[sflag:s10] =	ssyncadd.s32 $0xFFFFC000  }
0x183: {  	_ =	swait.ge [sflag:s11], $0x4000  }
0x184: {  	[sflag:s11] =	ssyncset.done $0x0  }
0x185: {  	[sflag:s11] =	ssyncadd.s32 $0xFFFFC000  }
0x186: {  	_ =	swait.ge [sflag:s7], $0x4000  }
0x187: {  	[sflag:s7] =	ssyncset.done $0x0  }
0x188: {  	[sflag:s7] =	ssyncadd.s32 $0xFFFFC000  }
0x189: {  	[spmem:s2] =	stream.indirect.scatter.add.f32 [tilespmem:s6], [sflag:$0x1], $0x80, s21, s8, $0xb8;
	[tilespmem:$0x19000] =	vst v63  }
0x18a: {  	_ = 	snop  }
0x18b: {  	[spmem:s2] =	stream.indirect.scatter.add.f32 [tilespmem:s6], [sflag:$0x2], $0x80, s22, s8, $0xb8;
	[tilespmem:$0x19000] =	vst v63  }
0x18c: {  	_ = 	snop  }
0x18d: {  	[spmem:s2] =	stream.indirect.scatter.add.f32 [tilespmem:s6], [sflag:$0x3], $0x80, s23, s8, $0xb8;
	[tilespmem:$0x19000] =	vst v63  }
0x18e: {  	_ = 	snop  }
0x18f: {  	[spmem:s2] =	stream.indirect.scatter.add.f32 [tilespmem:s6], [sflag:$0x4], $0x80, s24, s8, $0xb8;
	[tilespmem:$0x19000] =	vst v63  }
0x190: {  	_ =	swait.ge [sflag:s9], $0x4000  }
0x191: {  	[sflag:s9] =	ssyncset.done $0x0  }
0x192: {  	[sflag:s9] =	ssyncadd.s32 $0xFFFFC000  }
0x193: {  	_ =	swait.ge [sflag:s10], $0x4000  }
0x194: {  	[sflag:s10] =	ssyncset.done $0x0  }
0x195: {  	[sflag:s10] =	ssyncadd.s32 $0xFFFFC000  }
0x196: {  	_ =	swait.ge [sflag:s11], $0x4000  }
0x197: {  	[sflag:s11] =	ssyncset.done $0x0  }
0x198: {  	[sflag:s11] =	ssyncadd.s32 $0xFFFFC000  }
0x199: {  	_ =	swait.ge [sflag:s7], $0x4000  }
0x19a: {  	[sflag:s7] =	ssyncset.done $0x0  }
0x19b: {  	s12 =	simm.s32 $0x14C00;
	[sflag:s7] =	ssyncadd.s32 $0xFFFFC000  }
0x19c: {  	[spmem:s2] =	stream.indirect.scatter.add.f32 [tilespmem:s6], [sflag:$0x1], $0x80, s12, s8, $0xb8;
	[tilespmem:$0x19000] =	vst v63  }
0x19d: {  	_ = 	snop  }
0x19e: {  	[spmem:s2] =	stream.indirect.scatter.add.f32 [tilespmem:s6], [sflag:$0x2], $0x80, s18, s8, $0xb8;
	[tilespmem:$0x19000] =	vst v63  }
0x19f: {  	_ = 	snop  }
0x1a0: {  	[spmem:s2] =	stream.indirect.scatter.add.f32 [tilespmem:s6], [sflag:$0x3], $0x80, s19, s8, $0xb8;
	[tilespmem:$0x19000] =	vst v63  }
0x1a1: {  	_ = 	snop  }
0x1a2: {  	[spmem:s2] =	stream.indirect.scatter.add.f32 [tilespmem:s6], [sflag:$0x4], $0x80, s20, s8, $0xb8;
	[tilespmem:$0x19000] =	vst v63  }
0x1a3: {  	_ =	swait.ge [sflag:s9], $0x4000  }
0x1a4: {  	[sflag:s9] =	ssyncset.done $0x0  }
0x1a5: {  	[sflag:s9] =	ssyncadd.s32 $0xFFFFC000  }
0x1a6: {  	_ =	swait.ge [sflag:s10], $0x4000  }
0x1a7: {  	[sflag:s10] =	ssyncset.done $0x0  }
0x1a8: {  	[sflag:s10] =	ssyncadd.s32 $0xFFFFC000  }
0x1a9: {  	_ =	swait.ge [sflag:s11], $0x4000  }
0x1aa: {  	[sflag:s11] =	ssyncset.done $0x0  }
0x1ab: {  	[sflag:s11] =	ssyncadd.s32 $0xFFFFC000  }
0x1ac: {  	_ =	swait.ge [sflag:s7], $0x4000  }
0x1ad: {  	[sflag:s7] =	ssyncset.done $0x0  }
0x1ae: {  	[sflag:s7] =	ssyncadd.s32 $0xFFFFC000  }
0x1af: {  	[spmem:s2] =	stream.indirect.scatter.add.f32 [tilespmem:s6], [sflag:$0x1], $0x80, s13, s8, $0xb8;
	[tilespmem:$0x19000] =	vst v63  }
0x1b0: {  	_ = 	snop  }
0x1b1: {  	[spmem:s2] =	stream.indirect.scatter.add.f32 [tilespmem:s6], [sflag:$0x2], $0x80, s14, s8, $0xb8;
	[tilespmem:$0x19000] =	vst v63  }
0x1b2: {  	_ = 	snop  }
0x1b3: {  	[spmem:s2] =	stream.indirect.scatter.add.f32 [tilespmem:s6], [sflag:$0x3], $0x80, s15, s8, $0xb8;
	[tilespmem:$0x19000] =	vst v63  }
0x1b4: {  	_ = 	snop  }
0x1b5: {  	[spmem:s2] =	stream.indirect.scatter.add.f32 [tilespmem:s6], [sflag:$0x4], $0x80, s16, s8, $0xb8;
	[tilespmem:$0x19000] =	vst v63  }
0x1b6: {  	_ =	swait.ge [sflag:s9], $0x4000  }
0x1b7: {  	[sflag:s9] =	ssyncset.done $0x0  }
0x1b8: {  	[sflag:s9] =	ssyncadd.s32 $0xFFFFC000  }
0x1b9: {  	_ =	swait.ge [sflag:s10], $0x4000  }
0x1ba: {  	[sflag:s10] =	ssyncset.done $0x0  }
0x1bb: {  	[sflag:s10] =	ssyncadd.s32 $0xFFFFC000  }
0x1bc: {  	_ =	swait.ge [sflag:s11], $0x4000  }
0x1bd: {  	[sflag:s11] =	ssyncset.done $0x0  }
0x1be: {  	[sflag:s11] =	ssyncadd.s32 $0xFFFFC000  }
0x1bf: {  	_ =	swait.ge [sflag:s7], $0x4000  }
0x1c0: {  	[sflag:s7] =	ssyncset.done $0x0  }
0x1c1: {  	p1 =	sne.s32 s1, $0x1;
	[sflag:s7] =	ssyncadd.s32 $0xFFFFC000  }
.Ltmp2:
0x1c2: {  	[bflag:$0x0] =	sbarrier.arrive $0xFFFF;
	(pc) =	sbr.rel @p1 .LBB2_4-.Ltmp2, $4  }
0x1c3: {  	s12 =	rddreg [dreg:$0x6]  }
0x1c4: {  	[hbm:s12], [sflag:s3] =	dma.local [spmem:s4], $0x2780  }
0x1c5: {  	_ =	swait.ge [sflag:s5], $0x2780  }
0x1c6: {  	s1 =	sadd.s32 $0xFFFFFFFF, s1;
	s0 =	rddreg [dreg:$0x3];
	[sflag:s5] =	ssyncset.done $0x0  }
0x1c7: {  	s16 =	simm.s32 $0x14780;
	s29 =	simm.s32 $0x14980  }
0x1c8: {  	s28 =	simm.s32 $0x14900;
	s26 =	simm.s32 $0x14880;
	s25 =	simm.s32 $0x14800  }
0x1c9: {  	s24 =	simm.s32 $0x14B80;
	s23 =	simm.s32 $0x14B00;
	s22 =	simm.s32 $0x14A80  }
0x1ca: {  	s21 =	simm.s32 $0x14A00;
	s20 =	simm.s32 $0x14D80;
	s19 =	simm.s32 $0x14D00  }
0x1cb: {  	s18 =	simm.s32 $0x14C80;
	s17 =	simm.s32 $0x14C00;
	s15 =	simm.s32 $0x14F00  }
0x1cc: {  	s14 =	simm.s32 $0x14E80;
	s13 =	simm.s32 $0x14E00;
	s12 =	stileid.u32  }
.LBB2_6:
0x1cd: {  	[sflag:s5] =	ssyncadd.s32 @p0 $0xFFFFD880  }
0x1ce: {  	[spmem:s4], [sflag:s3] =	dma.local [hbm:s0], $0x2780  }
0x1cf: {  	_ =	swait.ge [sflag:s5], $0x2780  }
0x1d0: {  	[sflag:s5] =	ssyncset.done $0x0  }
0x1d1: {  	s1 =	rddreg [dreg:$0x4];
	[sflag:s5] =	ssyncadd.s32 $0xFFFFD880  }
0x1d2: {  	[tilespmem:s6], [sflag:$0x5] =	stream.linear.gather [hbm4b:s1+s30], $0x4000, $0x38;
	[tilespmem:$0x19000] =	vst v63  }
0x1d3: {  	_ =	swait.ge [sflag:s5], $0x4000  }
0x1d4: {  	[sflag:s5] =	ssyncset.done $0x0  }
0x1d5: {  	s1 =	rddreg [dreg:$0x5];
	[sflag:s5] =	ssyncadd.s32 $0xFFFFC000  }
0x1d6: {  	[tilespmem:s31], [sflag:$0x5] =	stream.linear.gather [hbm4b:s1+s30], $0x1400, $0x38;
	[tilespmem:$0x19000] =	vst v63  }
0x1d7: {  	_ =	swait.ge [sflag:s5], $0x1400  }
0x1d8: {  	[sflag:s5] =	ssyncset.done $0x0  }
0x1d9: {  	[sflag:s5] =	ssyncadd.s32 $0xFFFFEC00  }
0x1da: {  	[bflag:$0x0] =	sbarrier.arrive $0xFFFF  }
0x1db: {  	[spmem:s2] =	stream.indirect.scatter.add.f32 [tilespmem:s6], [sflag:$0x1], $0x80, s31, s8, $0xb8;
	[tilespmem:$0x19000] =	vst v63  }
0x1dc: {  	s30 =	rddreg [dreg:$0x7]  }
0x1dd: {  	[spmem:s2] =	stream.indirect.scatter.add.f32 [tilespmem:s6], [sflag:$0x2], $0x80, s30, s8, $0xb8;
	[tilespmem:$0x19000] =	vst v63  }
0x1de: {  	s1 =	rddreg [dreg:$0x8]  }
0x1df: {  	[spmem:s2] =	stream.indirect.scatter.add.f32 [tilespmem:s6], [sflag:$0x3], $0x80, s1, s8, $0xb8;
	[tilespmem:$0x19000] =	vst v63  }
0x1e0: {  	s31 =	rddreg [dreg:$0x9]  }
0x1e1: {  	[spmem:s2] =	stream.indirect.scatter.add.f32 [tilespmem:s6], [sflag:$0x4], $0x80, s31, s8, $0xb8;
	[tilespmem:$0x19000] =	vst v63  }
0x1e2: {  	_ =	swait.ge [sflag:s9], $0x4000  }
0x1e3: {  	[sflag:s9] =	ssyncset.done $0x0  }
0x1e4: {  	[sflag:s9] =	ssyncadd.s32 $0xFFFFC000  }
0x1e5: {  	_ =	swait.ge [sflag:s10], $0x4000  }
0x1e6: {  	[sflag:s10] =	ssyncset.done $0x0  }
0x1e7: {  	[sflag:s10] =	ssyncadd.s32 $0xFFFFC000  }
0x1e8: {  	_ =	swait.ge [sflag:s11], $0x4000  }
0x1e9: {  	[sflag:s11] =	ssyncset.done $0x0  }
0x1ea: {  	[sflag:s11] =	ssyncadd.s32 $0xFFFFC000  }
0x1eb: {  	_ =	swait.ge [sflag:s7], $0x4000  }
0x1ec: {  	[sflag:s7] =	ssyncset.done $0x0  }
0x1ed: {  	s30 =	rddreg [dreg:$0xa];
	[sflag:s7] =	ssyncadd.s32 $0xFFFFC000  }
0x1ee: {  	[spmem:s2] =	stream.indirect.scatter.add.f32 [tilespmem:s6], [sflag:$0x1], $0x80, s30, s8, $0xb8;
	[tilespmem:$0x19000] =	vst v63  }
0x1ef: {  	s31 =	rddreg [dreg:$0xb]  }
0x1f0: {  	[spmem:s2] =	stream.indirect.scatter.add.f32 [tilespmem:s6], [sflag:$0x2], $0x80, s31, s8, $0xb8;
	[tilespmem:$0x19000] =	vst v63  }
0x1f1: {  	s30 =	rddreg [dreg:$0xc]  }
0x1f2: {  	[spmem:s2] =	stream.indirect.scatter.add.f32 [tilespmem:s6], [sflag:$0x3], $0x80, s30, s8, $0xb8;
	[tilespmem:$0x19000] =	vst v63  }
0x1f3: {  	s31 =	rddreg [dreg:$0xd]  }
0x1f4: {  	[spmem:s2] =	stream.indirect.scatter.add.f32 [tilespmem:s6], [sflag:$0x4], $0x80, s31, s8, $0xb8;
	[tilespmem:$0x19000] =	vst v63  }
0x1f5: {  	_ =	swait.ge [sflag:s9], $0x4000  }
0x1f6: {  	[sflag:s9] =	ssyncset.done $0x0  }
0x1f7: {  	[sflag:s9] =	ssyncadd.s32 $0xFFFFC000  }
0x1f8: {  	_ =	swait.ge [sflag:s10], $0x4000  }
0x1f9: {  	[sflag:s10] =	ssyncset.done $0x0  }
0x1fa: {  	[sflag:s10] =	ssyncadd.s32 $0xFFFFC000  }
0x1fb: {  	_ =	swait.ge [sflag:s11], $0x4000  }
0x1fc: {  	[sflag:s11] =	ssyncset.done $0x0  }
0x1fd: {  	[sflag:s11] =	ssyncadd.s32 $0xFFFFC000  }
0x1fe: {  	_ =	swait.ge [sflag:s7], $0x4000  }
0x1ff: {  	[sflag:s7] =	ssyncset.done $0x0  }
0x200: {  	s30 =	rddreg [dreg:$0xe];
	[sflag:s7] =	ssyncadd.s32 $0xFFFFC000  }
0x201: {  	[spmem:s2] =	stream.indirect.scatter.add.f32 [tilespmem:s6], [sflag:$0x1], $0x80, s30, s8, $0xb8;
	[tilespmem:$0x19000] =	vst v63  }
0x202: {  	s31 =	rddreg [dreg:$0xf]  }
0x203: {  	[spmem:s2] =	stream.indirect.scatter.add.f32 [tilespmem:s6], [sflag:$0x2], $0x80, s31, s8, $0xb8;
	[tilespmem:$0x19000] =	vst v63  }
0x204: {  	s30 =	rddreg [dreg:$0x10]  }
0x205: {  	[spmem:s2] =	stream.indirect.scatter.add.f32 [tilespmem:s6], [sflag:$0x3], $0x80, s30, s8, $0xb8;
	[tilespmem:$0x19000] =	vst v63  }
0x206: {  	s31 =	rddreg [dreg:$0x11]  }
0x207: {  	[spmem:s2] =	stream.indirect.scatter.add.f32 [tilespmem:s6], [sflag:$0x4], $0x80, s31, s8, $0xb8;
	[tilespmem:$0x19000] =	vst v63  }
0x208: {  	_ =	swait.ge [sflag:s9], $0x4000  }
0x209: {  	[sflag:s9] =	ssyncset.done $0x0  }
0x20a: {  	[sflag:s9] =	ssyncadd.s32 $0xFFFFC000  }
0x20b: {  	_ =	swait.ge [sflag:s10], $0x4000  }
0x20c: {  	[sflag:s10] =	ssyncset.done $0x0  }
0x20d: {  	[sflag:s10] =	ssyncadd.s32 $0xFFFFC000  }
0x20e: {  	_ =	swait.ge [sflag:s11], $0x4000  }
0x20f: {  	[sflag:s11] =	ssyncset.done $0x0  }
0x210: {  	[sflag:s11] =	ssyncadd.s32 $0xFFFFC000  }
0x211: {  	_ =	swait.ge [sflag:s7], $0x4000  }
0x212: {  	[sflag:s7] =	ssyncset.done $0x0  }
0x213: {  	s30 =	rddreg [dreg:$0x12];
	[sflag:s7] =	ssyncadd.s32 $0xFFFFC000  }
0x214: {  	[spmem:s2] =	stream.indirect.scatter.add.f32 [tilespmem:s6], [sflag:$0x1], $0x80, s30, s8, $0xb8;
	[tilespmem:$0x19000] =	vst v63  }
0x215: {  	s31 =	rddreg [dreg:$0x13]  }
0x216: {  	[spmem:s2] =	stream.indirect.scatter.add.f32 [tilespmem:s6], [sflag:$0x2], $0x80, s31, s8, $0xb8;
	[tilespmem:$0x19000] =	vst v63  }
0x217: {  	s30 =	rddreg [dreg:$0x14]  }
0x218: {  	[spmem:s2] =	stream.indirect.scatter.add.f32 [tilespmem:s6], [sflag:$0x3], $0x80, s30, s8, $0xb8;
	[tilespmem:$0x19000] =	vst v63  }
0x219: {  	s31 =	rddreg [dreg:$0x15]  }
0x21a: {  	[spmem:s2] =	stream.indirect.scatter.add.f32 [tilespmem:s6], [sflag:$0x4], $0x80, s31, s8, $0xb8;
	[tilespmem:$0x19000] =	vst v63  }
0x21b: {  	_ =	swait.ge [sflag:s9], $0x4000  }
0x21c: {  	[sflag:s9] =	ssyncset.done $0x0  }
0x21d: {  	[sflag:s9] =	ssyncadd.s32 $0xFFFFC000  }
0x21e: {  	_ =	swait.ge [sflag:s10], $0x4000  }
0x21f: {  	[sflag:s10] =	ssyncset.done $0x0  }
0x220: {  	[sflag:s10] =	ssyncadd.s32 $0xFFFFC000  }
0x221: {  	_ =	swait.ge [sflag:s11], $0x4000  }
0x222: {  	[sflag:s11] =	ssyncset.done $0x0  }
0x223: {  	[sflag:s11] =	ssyncadd.s32 $0xFFFFC000  }
0x224: {  	_ =	swait.ge [sflag:s7], $0x4000  }
0x225: {  	[sflag:s7] =	ssyncset.done $0x0  }
0x226: {  	s30 =	rddreg [dreg:$0x16];
	[sflag:s7] =	ssyncadd.s32 $0xFFFFC000  }
0x227: {  	[spmem:s2] =	stream.indirect.scatter.add.f32 [tilespmem:s6], [sflag:$0x1], $0x80, s30, s8, $0xb8;
	[tilespmem:$0x19000] =	vst v63  }
0x228: {  	s31 =	rddreg [dreg:$0x17]  }
0x229: {  	[spmem:s2] =	stream.indirect.scatter.add.f32 [tilespmem:s6], [sflag:$0x2], $0x80, s31, s8, $0xb8;
	[tilespmem:$0x19000] =	vst v63  }
0x22a: {  	s30 =	rddreg [dreg:$0x18]  }
0x22b: {  	[spmem:s2] =	stream.indirect.scatter.add.f32 [tilespmem:s6], [sflag:$0x3], $0x80, s30, s8, $0xb8;
	[tilespmem:$0x19000] =	vst v63  }
0x22c: {  	s31 =	rddreg [dreg:$0x19]  }
0x22d: {  	[spmem:s2] =	stream.indirect.scatter.add.f32 [tilespmem:s6], [sflag:$0x4], $0x80, s31, s8, $0xb8;
	[tilespmem:$0x19000] =	vst v63  }
0x22e: {  	_ =	swait.ge [sflag:s9], $0x4000  }
0x22f: {  	[sflag:s9] =	ssyncset.done $0x0  }
0x230: {  	[sflag:s9] =	ssyncadd.s32 $0xFFFFC000  }
0x231: {  	_ =	swait.ge [sflag:s10], $0x4000  }
0x232: {  	[sflag:s10] =	ssyncset.done $0x0  }
0x233: {  	[sflag:s10] =	ssyncadd.s32 $0xFFFFC000  }
0x234: {  	_ =	swait.ge [sflag:s11], $0x4000  }
0x235: {  	[sflag:s11] =	ssyncset.done $0x0  }
0x236: {  	[sflag:s11] =	ssyncadd.s32 $0xFFFFC000  }
0x237: {  	_ =	swait.ge [sflag:s7], $0x4000  }
0x238: {  	[sflag:s7] =	ssyncset.done $0x0  }
0x239: {  	s1 =	rddreg [dreg:$0x1a];
	[sflag:s7] =	ssyncadd.s32 $0xFFFFC000  }
0x23a: {  	[spmem:s2] =	stream.indirect.scatter.add.f32 [tilespmem:s6], [sflag:$0x1], $0x80, s1, s8, $0xb8;
	[tilespmem:$0x19000] =	vst v63  }
0x23b: {  	s30 =	rddreg [dreg:$0x1b]  }
0x23c: {  	[spmem:s2] =	stream.indirect.scatter.add.f32 [tilespmem:s6], [sflag:$0x2], $0x80, s30, s8, $0xb8;
	[tilespmem:$0x19000] =	vst v63  }
0x23d: {  	s31 =	rddreg [dreg:$0x1c]  }
0x23e: {  	[spmem:s2] =	stream.indirect.scatter.add.f32 [tilespmem:s6], [sflag:$0x3], $0x80, s31, s8, $0xb8;
	[tilespmem:$0x19000] =	vst v63  }
0x23f: {  	_ = 	snop  }
0x240: {  	[spmem:s2] =	stream.indirect.scatter.add.f32 [tilespmem:s6], [sflag:$0x4], $0x80, s16, s8, $0xb8;
	[tilespmem:$0x19000] =	vst v63  }
0x241: {  	_ =	swait.ge [sflag:s9], $0x4000  }
0x242: {  	[sflag:s9] =	ssyncset.done $0x0  }
0x243: {  	[sflag:s9] =	ssyncadd.s32 $0xFFFFC000  }
0x244: {  	_ =	swait.ge [sflag:s10], $0x4000  }
0x245: {  	[sflag:s10] =	ssyncset.done $0x0  }
0x246: {  	[sflag:s10] =	ssyncadd.s32 $0xFFFFC000  }
0x247: {  	_ =	swait.ge [sflag:s11], $0x4000  }
0x248: {  	[sflag:s11] =	ssyncset.done $0x0  }
0x249: {  	[sflag:s11] =	ssyncadd.s32 $0xFFFFC000  }
0x24a: {  	_ =	swait.ge [sflag:s7], $0x4000  }
0x24b: {  	[sflag:s7] =	ssyncset.done $0x0  }
0x24c: {  	[sflag:s7] =	ssyncadd.s32 $0xFFFFC000  }
0x24d: {  	[spmem:s2] =	stream.indirect.scatter.add.f32 [tilespmem:s6], [sflag:$0x1], $0x80, s25, s8, $0xb8;
	[tilespmem:$0x19000] =	vst v63  }
0x24e: {  	_ = 	snop  }
0x24f: {  	[spmem:s2] =	stream.indirect.scatter.add.f32 [tilespmem:s6], [sflag:$0x2], $0x80, s26, s8, $0xb8;
	[tilespmem:$0x19000] =	vst v63  }
0x250: {  	_ = 	snop  }
0x251: {  	[spmem:s2] =	stream.indirect.scatter.add.f32 [tilespmem:s6], [sflag:$0x3], $0x80, s28, s8, $0xb8;
	[tilespmem:$0x19000] =	vst v63  }
0x252: {  	_ = 	snop  }
0x253: {  	[spmem:s2] =	stream.indirect.scatter.add.f32 [tilespmem:s6], [sflag:$0x4], $0x80, s29, s8, $0xb8;
	[tilespmem:$0x19000] =	vst v63  }
0x254: {  	_ =	swait.ge [sflag:s9], $0x4000  }
0x255: {  	[sflag:s9] =	ssyncset.done $0x0  }
0x256: {  	[sflag:s9] =	ssyncadd.s32 $0xFFFFC000  }
0x257: {  	_ =	swait.ge [sflag:s10], $0x4000  }
0x258: {  	[sflag:s10] =	ssyncset.done $0x0  }
0x259: {  	[sflag:s10] =	ssyncadd.s32 $0xFFFFC000  }
0x25a: {  	_ =	swait.ge [sflag:s11], $0x4000  }
0x25b: {  	[sflag:s11] =	ssyncset.done $0x0  }
0x25c: {  	[sflag:s11] =	ssyncadd.s32 $0xFFFFC000  }
0x25d: {  	_ =	swait.ge [sflag:s7], $0x4000  }
0x25e: {  	[sflag:s7] =	ssyncset.done $0x0  }
0x25f: {  	[sflag:s7] =	ssyncadd.s32 $0xFFFFC000  }
0x260: {  	[spmem:s2] =	stream.indirect.scatter.add.f32 [tilespmem:s6], [sflag:$0x1], $0x80, s21, s8, $0xb8;
	[tilespmem:$0x19000] =	vst v63  }
0x261: {  	_ = 	snop  }
0x262: {  	[spmem:s2] =	stream.indirect.scatter.add.f32 [tilespmem:s6], [sflag:$0x2], $0x80, s22, s8, $0xb8;
	[tilespmem:$0x19000] =	vst v63  }
0x263: {  	_ = 	snop  }
0x264: {  	[spmem:s2] =	stream.indirect.scatter.add.f32 [tilespmem:s6], [sflag:$0x3], $0x80, s23, s8, $0xb8;
	[tilespmem:$0x19000] =	vst v63  }
0x265: {  	_ = 	snop  }
0x266: {  	[spmem:s2] =	stream.indirect.scatter.add.f32 [tilespmem:s6], [sflag:$0x4], $0x80, s24, s8, $0xb8;
	[tilespmem:$0x19000] =	vst v63  }
0x267: {  	_ =	swait.ge [sflag:s9], $0x4000  }
0x268: {  	[sflag:s9] =	ssyncset.done $0x0  }
0x269: {  	[sflag:s9] =	ssyncadd.s32 $0xFFFFC000  }
0x26a: {  	_ =	swait.ge [sflag:s10], $0x4000  }
0x26b: {  	[sflag:s10] =	ssyncset.done $0x0  }
0x26c: {  	[sflag:s10] =	ssyncadd.s32 $0xFFFFC000  }
0x26d: {  	_ =	swait.ge [sflag:s11], $0x4000  }
0x26e: {  	[sflag:s11] =	ssyncset.done $0x0  }
0x26f: {  	[sflag:s11] =	ssyncadd.s32 $0xFFFFC000  }
0x270: {  	_ =	swait.ge [sflag:s7], $0x4000  }
0x271: {  	[sflag:s7] =	ssyncset.done $0x0  }
0x272: {  	[sflag:s7] =	ssyncadd.s32 $0xFFFFC000  }
0x273: {  	[spmem:s2] =	stream.indirect.scatter.add.f32 [tilespmem:s6], [sflag:$0x1], $0x80, s17, s8, $0xb8;
	[tilespmem:$0x19000] =	vst v63  }
0x274: {  	_ = 	snop  }
0x275: {  	[spmem:s2] =	stream.indirect.scatter.add.f32 [tilespmem:s6], [sflag:$0x2], $0x80, s18, s8, $0xb8;
	[tilespmem:$0x19000] =	vst v63  }
0x276: {  	_ = 	snop  }
0x277: {  	[spmem:s2] =	stream.indirect.scatter.add.f32 [tilespmem:s6], [sflag:$0x3], $0x80, s19, s8, $0xb8;
	[tilespmem:$0x19000] =	vst v63  }
0x278: {  	_ = 	snop  }
0x279: {  	[spmem:s2] =	stream.indirect.scatter.add.f32 [tilespmem:s6], [sflag:$0x4], $0x80, s20, s8, $0xb8;
	[tilespmem:$0x19000] =	vst v63  }
0x27a: {  	_ =	swait.ge [sflag:s9], $0x4000  }
0x27b: {  	[sflag:s9] =	ssyncset.done $0x0  }
0x27c: {  	[sflag:s9] =	ssyncadd.s32 $0xFFFFC000  }
0x27d: {  	_ =	swait.ge [sflag:s10], $0x4000  }
0x27e: {  	[sflag:s10] =	ssyncset.done $0x0  }
0x27f: {  	[sflag:s10] =	ssyncadd.s32 $0xFFFFC000  }
0x280: {  	_ =	swait.ge [sflag:s11], $0x4000  }
0x281: {  	[sflag:s11] =	ssyncset.done $0x0  }
0x282: {  	[sflag:s11] =	ssyncadd.s32 $0xFFFFC000  }
0x283: {  	_ =	swait.ge [sflag:s7], $0x4000  }
0x284: {  	[sflag:s7] =	ssyncset.done $0x0  }
0x285: {  	[sflag:s7] =	ssyncadd.s32 $0xFFFFC000  }
0x286: {  	[spmem:s2] =	stream.indirect.scatter.add.f32 [tilespmem:s6], [sflag:$0x1], $0x80, s13, s8, $0xb8;
	[tilespmem:$0x19000] =	vst v63  }
0x287: {  	_ = 	snop  }
0x288: {  	[spmem:s2] =	stream.indirect.scatter.add.f32 [tilespmem:s6], [sflag:$0x2], $0x80, s14, s8, $0xb8;
	[tilespmem:$0x19000] =	vst v63  }
0x289: {  	_ = 	snop  }
0x28a: {  	[spmem:s2] =	stream.indirect.scatter.add.f32 [tilespmem:s6], [sflag:$0x3], $0x80, s15, s8, $0xb8;
	[tilespmem:$0x19000] =	vst v63  }
0x28b: {  	s30 =	simm.s32 $0x14F80  }
0x28c: {  	[spmem:s2] =	stream.indirect.scatter.add.f32 [tilespmem:s6], [sflag:$0x4], $0x80, s30, s8, $0xb8;
	[tilespmem:$0x19000] =	vst v63  }
0x28d: {  	_ =	swait.ge [sflag:s9], $0x4000  }
0x28e: {  	[sflag:s9] =	ssyncset.done $0x0  }
0x28f: {  	[sflag:s9] =	ssyncadd.s32 $0xFFFFC000  }
0x290: {  	_ =	swait.ge [sflag:s10], $0x4000  }
0x291: {  	[sflag:s10] =	ssyncset.done $0x0  }
0x292: {  	[sflag:s10] =	ssyncadd.s32 $0xFFFFC000  }
0x293: {  	_ =	swait.ge [sflag:s11], $0x4000  }
0x294: {  	[sflag:s11] =	ssyncset.done $0x0  }
0x295: {  	[sflag:s11] =	ssyncadd.s32 $0xFFFFC000  }
0x296: {  	_ =	swait.ge [sflag:s7], $0x4000  }
0x297: {  	[sflag:s7] =	ssyncset.done $0x0  }
0x298: {  	[sflag:s7] =	ssyncadd.s32 $0xFFFFC000  }
0x299: {  	[bflag:$0x0] =	sbarrier.arrive $0xFFFF  }
0x29a: {  	s31 =	rddreg [dreg:$0x6]  }
0x29b: {  	[hbm:s31], [sflag:s3] =	dma.local [spmem:s4], $0x2780  }
0x29c: {  	_ =	swait.ge [sflag:s5], $0x2780  }
0x29d: {  	[sflag:s5] =	ssyncset.done $0x0  }
0x29e: {  	[sflag:s5] =	ssyncadd.s32 $0xFFFFD880  }
0x29f: {  	_ =	sfence.sel $0x180000  }
0x2a0: {  	[bflag:$0x0] =	sbarrier.arrive $0xFFFF  }
0x2a1: {  	_ =	strace $0x9000004A  }
0x2a2: {  	[bflag:$0x2] =	sbarrier.arrive $0xFFFF  }
0x2a3: {  	p0 =	sne.s32 s12, $0x0;
	s0 =	rddreg [dreg:$0x2]  }
0x2a4: {  	s0 =	sadd.s32 @!p0 $0x100000, s0  }
0x2a5: {  	[sflag:s0] =	ssyncadd.tile.s32 @!p0 $0x1;
	_ =	shalt  }
.LBB2_1:
0x2a6: {  	s16 =	simm.s32 $0x14780;
	s29 =	simm.s32 $0x14980  }
.Ltmp3:
0x2a7: {  	s28 =	simm.s32 $0x14900;
	s26 =	simm.s32 $0x14880;
	(pc) =	sbr.rel .LBB2_6-.Ltmp3, $4  }
0x2a8: {  	s25 =	simm.s32 $0x14800;
	s24 =	simm.s32 $0x14B80;
	s23 =	simm.s32 $0x14B00  }
0x2a9: {  	s22 =	simm.s32 $0x14A80;
	s21 =	simm.s32 $0x14A00;
	s20 =	simm.s32 $0x14D80  }
0x2aa: {  	s19 =	simm.s32 $0x14D00;
	s18 =	simm.s32 $0x14C80;
	s17 =	simm.s32 $0x14C00  }
0x2ab: {  	s15 =	simm.s32 $0x14F00;
	s14 =	simm.s32 $0x14E80;
	s13 =	simm.s32 $0x14E00  }
.LBB2_3:
0x2ac: {  	s16 =	simm.s32 $0x14780;
	s29 =	simm.s32 $0x14980;
	s28 =	simm.s32 $0x14900  }
.Ltmp4:
0x2ad: {  	s26 =	simm.s32 $0x14880;
	s25 =	simm.s32 $0x14800;
	(pc) =	sbr.rel .LBB2_6-.Ltmp4, $4  }
0x2ae: {  	s24 =	simm.s32 $0x14B80;
	s23 =	simm.s32 $0x14B00;
	s22 =	simm.s32 $0x14A80  }
0x2af: {  	s21 =	simm.s32 $0x14A00;
	s20 =	simm.s32 $0x14D80;
	s19 =	simm.s32 $0x14D00  }
0x2b0: {  	s18 =	simm.s32 $0x14C80;
	s17 =	simm.s32 $0x14C00;
	s15 =	simm.s32 $0x14F00  }
0x2b1: {  	s14 =	simm.s32 $0x14E80;
	s13 =	simm.s32 $0x14E00;
	s12 =	stileid.u32  }
.Lfunc_end2:
_tile_overlayer_lowered:
.L_overlay_start_2:
0x2b2: {  	(tag) =	ssettag $0x2  }
0x2b3: {  	s0 =	rddreg [dreg:$0x0];
	s2 =	stileid.u32  }
0x2b4: {  	s1 =	rddreg [dreg:$0x1];
	p0 =	sne.s32 s2, $0x0  }
0x2b5: {  	s3 =	rddreg [dreg:$0x2];
	[bflag:$0x3] =	sbarrier.arrive $0xFFFF;
	s2 =	simm.s32 @!p0 $0x1C05  }
0x2b6: {  	[timem:s3], [sflag:s2] =	dma.local @!p0 [hbm:s0], s1  }
0x2b7: {  	s0 =	simm.s32 @!p0 $0x5  }
0x2b8: {  	_ =	swait.ge @!p0 [sflag:s0], s1  }
0x2b9: {  	s1 =	ssub.s32 @!p0 $0x0, s1;
	[sflag:s0] =	ssyncset.done @!p0 $0x0  }
0x2ba: {  	[sflag:s0] =	ssyncadd.s32 @!p0 s1  }
0x2bb: {  	[bflag:$0x3] =	sbarrier.arrive $0xFFFF  }
0x2bc: {  	_ =	shalt  }

// kernel: kernel.13.cloned.1.call-start
scs
__scs_entry_jumppad:
0x0: {  	(pc) =	sbr.rel $0x88, $3  }
0x1: {  	(tag) =	ssettag $0x0;
	lr =	simm.s32 $0x1  }
0x2: {  	[smem:$0x3F87] =	sst lr;
	_ =	strace $0xD0000000  }
0x3: {  	_ = 	snop  }
0x4: {  	_ = 	snop  }
0x5: {  	_ = 	snop  }
0x6: {  	_ = 	snop  }
0x7: {  	_ = 	snop  }
__scs_overlays_trampoline_lowered:
0x8: {  	[smem:$0x3F96] =	sst s0  }
0x9: {  	[smem:$0x3F97] =	sst s1  }
0xa: {  	[smem:$0x3F98] =	sst s2  }
0xb: {  	[smem:$0x3F99] =	sst s3  }
0xc: {  	[smem:$0x3F9A] =	sst s4  }
0xd: {  	[smem:$0x3F9B] =	sst s5  }
0xe: {  	[smem:$0x3F9C] =	sst s6  }
0xf: {  	[smem:$0x3F9D] =	sst s7  }
0x10: {  	[smem:$0x3F9E] =	sst s8  }
0x11: {  	[smem:$0x3F9F] =	sst s9;
	s0 =	simm.s32 @!p0 $0x0  }
0x12: {  	s1 =	sld [smem:$0x3F85];
	s0 =	simm.s32 @p0 $0x1  }
0x13: {  	[smem:$0x3FA0] =	sst s0;
	s0 =	simm.s32 @!p1 $0x0  }
0x14: {  	s2 =	sld [smem:$0x3F84];
	s0 =	simm.s32 @p1 $0x1  }
0x15: {  	[smem:$0x3FA1] =	sst s0;
	s0 =	simm.s32 @!p2 $0x0  }
0x16: {  	s3 =	sld [smem:$0x3FDB];
	s0 =	simm.s32 @p2 $0x1  }
0x17: {  	s4 =	simm.s32 $0x1BF5;
	[smem:$0x3FA3] =	sst s0  }
0x18: {  	s0 =	sld [smem:$0x3F86];
	_ =	swait.ge [sflag:s4], $0x0  }
0x19: {  	s7 =	sld [smem:$0x3F87]  }
0x1a: {  	s8 =	sadd.s32 $0xFFFFE003, lr  }
0x1b: {  	s9 =	sadd.s32 $0xFFFFFEF7, lr;
	s5 =	simm.s32 $0xFFFFFFFF;
	p2 =	slt.u32 s8, $0xFFFFF086  }
0x1c: {  	p1 =	slt.u32 s9, $0xF7A;
	s5 =	simm.s32 @!p2 $0x0  }
0x1d: {  	s5 =	simm.s32 @p1 $0x1;
	p0 =	seq.s32 s7, s2  }
0x1e: {  	s7 =	smul.u32 @!p0 $0xF7A, s2;
	p2 =	seq.s32 @!p0 s5, $0x0  }
0x1f: {  	s9 =	smul.u32 $0xF7A, s1;
	s8 =	simm.s32 @!p0 $0x1BF5;
	p2 =	por !p2, p0  }
0x20: {  	[sflag:s8] =	ssyncset.s32 @!p0 $0xFFFFF086;
	s6 =	sadd.s32 @!p0 s3, s7;
	s7 =	simm.s32 @!p0 $0x108  }
0x21: {  	s3 =	sadd.s32 s3, s9;
	s6 =	sadd.s32 @!p0 $0x88, s6;
	s7 =	simm.s32 @p2 $0x1082  }
0x22: {  	[simem:s7], [sflag:s8] =	dma.local @!p0 [hbm:s6], $0xF7A  }
0x23: {  	s9 =	sor.u32 $0xD0000000, s2;
	s6 =	simm.s32 $0x108;
	_ =	swait.ge @!p0 [sflag:s8], $0x0  }
0x24: {  	s3 =	sadd.s32 $0x88, s3;
	s6 =	simm.s32 @!p1 $0x1082;
	[sflag:s4] =	ssyncset.s32 $0xFFFFF086  }
0x25: {  	[simem:s6], [sflag:s4] =	dma.local [hbm:s3], $0xF7A  }
0x26: {  	[smem:$0x3F87] =	sst s1;
	(tag) =	ssettag s2;
	_ =	strace s9  }
0x27: {  	s1 =	sld [smem:$0x3F97]  }
0x28: {  	s2 =	sld [smem:$0x3F98]  }
0x29: {  	s4 =	sld [smem:$0x3F9A]  }
0x2a: {  	p0 =	seq.s32 s5, $0x0;
	s5 =	sld [smem:$0x3F9B]  }
0x2b: {  	s6 =	sld [smem:$0x3F9C]  }
0x2c: {  	s7 =	sld [smem:$0x3F9D]  }
0x2d: {  	s3 =	simm.s32 $0x108;
	s8 =	sld [smem:$0x3F9E]  }
0x2e: {  	s3 =	simm.s32 @!p0 $0x1082;
	s9 =	sld [smem:$0x3F9F]  }
0x2f: {  	lr =	sadd.s32 s0, s3;
	s0 =	sld [smem:$0x3F96]  }
0x30: {  	s3 =	sld [smem:$0x3F99]  }
0x31: {  	[smem:$0x3FA2] =	sst s10  }
0x32: {  	s10 =	sld [smem:$0x3FA0];
	_ =	sdelay $0x3  }
0x33: {  	p0 =	seq.s32 s10, $0x1;
	s10 =	sld [smem:$0x3FA2];
	_ =	sdelay $0x3  }
0x34: {  	[smem:$0x3FA2] =	sst s10  }
0x35: {  	s10 =	sld [smem:$0x3FA1];
	_ =	sdelay $0x3  }
0x36: {  	p1 =	seq.s32 s10, $0x1;
	s10 =	sld [smem:$0x3FA2];
	_ =	sdelay $0x3  }
0x37: {  	[smem:$0x3FA2] =	sst s10  }
0x38: {  	s10 =	sld [smem:$0x3FA3]  }
0x39: {  	_ = 	snop;
	(pc) =	sbr.ind lr, $3  }
0x3a: {  	_ = 	snop  }
0x3b: {  	_ = 	snop  }
0x3c: {  	p2 =	seq.s32 s10, $0x1;
	s10 =	sld [smem:$0x3FA2]  }
0x3d: {  	_ =	shalt  }
0x3e: {  	_ =	shalt  }
0x3f: {  	_ =	shalt  }
0x40: {  	_ =	shalt  }
0x41: {  	_ =	shalt  }
0x42: {  	_ =	shalt  }
0x43: {  	_ =	shalt  }
0x44: {  	_ =	shalt  }
0x45: {  	_ =	shalt  }
0x46: {  	_ =	shalt  }
0x47: {  	_ =	shalt  }
0x48: {  	_ =	shalt  }
0x49: {  	_ =	shalt  }
0x4a: {  	_ =	shalt  }
0x4b: {  	_ =	shalt  }
0x4c: {  	_ =	shalt  }
0x4d: {  	_ =	shalt  }
0x4e: {  	_ =	shalt  }
0x4f: {  	_ =	shalt  }
0x50: {  	_ =	shalt  }
0x51: {  	_ =	shalt  }
0x52: {  	_ =	shalt  }
0x53: {  	_ =	shalt  }
0x54: {  	_ =	shalt  }
0x55: {  	_ =	shalt  }
0x56: {  	_ =	shalt  }
0x57: {  	_ =	shalt  }
0x58: {  	_ =	shalt  }
0x59: {  	_ =	shalt  }
0x5a: {  	_ =	shalt  }
0x5b: {  	_ =	shalt  }
0x5c: {  	_ =	shalt  }
0x5d: {  	_ =	shalt  }
0x5e: {  	_ =	shalt  }
0x5f: {  	_ =	shalt  }
0x60: {  	_ =	shalt  }
0x61: {  	_ =	shalt  }
0x62: {  	_ =	shalt  }
0x63: {  	_ =	shalt  }
0x64: {  	_ =	shalt  }
0x65: {  	_ =	shalt  }
0x66: {  	_ =	shalt  }
0x67: {  	_ =	shalt  }
0x68: {  	_ =	shalt  }
0x69: {  	_ =	shalt  }
0x6a: {  	_ =	shalt  }
0x6b: {  	_ =	shalt  }
0x6c: {  	_ =	shalt  }
0x6d: {  	_ =	shalt  }
0x6e: {  	_ =	shalt  }
0x6f: {  	_ =	shalt  }
0x70: {  	_ =	shalt  }
0x71: {  	_ =	shalt  }
0x72: {  	_ =	shalt  }
0x73: {  	_ =	shalt  }
0x74: {  	_ =	shalt  }
0x75: {  	_ =	shalt  }
0x76: {  	_ =	shalt  }
0x77: {  	_ =	shalt  }
0x78: {  	_ =	shalt  }
0x79: {  	_ =	shalt  }
0x7a: {  	_ =	shalt  }
0x7b: {  	_ =	shalt  }
0x7c: {  	_ =	shalt  }
0x7d: {  	_ =	shalt  }
0x7e: {  	_ =	shalt  }
0x7f: {  	_ =	shalt  }
0x80: {  	_ =	shalt  }
0x81: {  	_ =	shalt  }
0x82: {  	_ =	shalt  }
0x83: {  	_ =	shalt  }
0x84: {  	_ =	shalt  }
0x85: {  	_ =	shalt  }
0x86: {  	_ =	shalt  }
0x87: {  	_ =	shalt  }
.Lfunc_end0:
.L_simem_size_0:
called_computation.1_lowered:
.L_overlay_start_0:
0x88: {  	s2 =	sld [smem:$0x3FD9]  }
0x89: {  	s3 =	sld [smem:$0x3FFE];
	_ =	sdelay $0x1  }
0x8a: {  	s1 =	srdreg.scid  }
0x8b: {  	s0 =	sand.u32 $0x1, s1  }
0x8c: {  	s16 =	sshll.u32 s0, $0xA;
	s2 =	sadd.s32 s3, s2  }
0x8d: {  	s2 =	sadd.s32 s2, s16  }
0x8e: {  	[smem:$0x3FAE] =	sst s2  }
0x8f: {  	_ = 	snop  }
0x90: {  	(tm) =	ssettm $0x1  }
0x91: {  	s17 =	sld [smem:$0x3FFB];
	_ =	sdelay $0x3  }
0x92: {  	_ =	strace s17  }
0x93: {  	s2 =	sld [smem:$0x3FFC];
	_ =	sdelay $0x3  }
0x94: {  	_ =	strace s2  }
0x95: {  	s2 =	sld [smem:$0x3FFD];
	_ =	sdelay $0x3  }
0x96: {  	_ =	strace s2  }
0x97: {  	_ =	strace $0x8FFFFFFF  }
0x98: {  	s18 =	sld [smem:$0x3FDB];
	_ =	sdelay $0x1  }
0x99: {  	s19 =	simm.s32 $_scs_section_size  }
0x9a: {  	s4 =	simm.s32 $_size__tile_overlayer_lowered;
	s5 =	simm.s32 $_tile_overlayer_lowered  }
0x9b: {  	s22 =	simm.s32 $0x1BFF;
	s21 =	sshll.u32 s5, $0x1;
	s2 =	sadd.s32 s19, s18  }
0x9c: {  	s6 =	simm.s32 $0x0;
	s20 =	sshll.u32 s4, $0x1;
	s4 =	sadd.s32 s21, s2  }
0x9d: {  	[timem:s6], [sflag:s22] =	dma.local [hbm:s4], s20  }
0x9e: {  	_ =	swait.ge [sflag:s22], s20  }
0x9f: {  	s3 =	ssub.s32 $0x0, s20;
	[sflag:s22] =	ssyncset.done $0x0  }
0xa0: {  	[sflag:s22] =	ssyncadd.s32 s3;
	_ =	sdelay $0x1  }
0xa1: {  	s23 =	simm.s32 $0x1B8B  }
0xa2: {  	_ =	swait.ge [sflag:s23], $0x1  }
0xa3: {  	[sflag:s23] =	ssyncset.done $0x0  }
0xa4: {  	s25 =	simm.s32 $0x1B8E;
	s24 =	sld [smem:$0x3FFE];
	[sflag:s23] =	ssyncadd.s32 $0xFFFFFFFF  }
0xa5: {  	s26 =	simm.s32 $execute0_lowered;
	[smem:$0x3FD2] =	sst s25  }
0xa6: {  	s4 =	sshll.u32 s26, $0x1;
	_ =	strace $0x80000046;
	[dreg:$0x1] =	wrdreg $0xFFFFFFFF  }
0xa7: {  	s28 =	simm.s32 $_size_execute0_lowered;
	s2 =	sadd.s32 s2, s4;
	[dreg:$0x0] =	wrdreg $0x0  }
0xa8: {  	s4 =	sshll.u32 s28, $0x1;
	[dreg:$0x2] =	wrdreg s2  }
0xa9: {  	[dreg:$0x3] =	wrdreg s4  }
0xaa: {  	[dreg:$0x4] =	wrdreg $0xC0  }
0xab: {  	_ =	task [dreg:s6], $0x5FFFF  }
0xac: {  	[dreg:$0x1] =	wrdreg $0xFFFFFFFF  }
0xad: {  	[dreg:$0x0] =	wrdreg $0x60  }
0xae: {  	[dreg:$0x2] =	wrdreg s24  }
0xaf: {  	[dreg:$0x3] =	wrdreg $0x0  }
0xb0: {  	[dreg:$0x4] =	wrdreg $0xA  }
0xb1: {  	_ =	task.clear_ibuf [dreg:s6], $0x5FFFF;
	_ =	strace $0x90000046  }
0xb2: {  	s29 =	simm.s32 $0xA;
	_ =	strace $0x80000048  }
0xb3: {  	_ =	swait.ge [sflag:s29], $0x1  }
0xb4: {  	[sflag:s29] =	ssyncadd.s32 $0xFFFFFFFF  }
0xb5: {  	_ =	strace $0x90000048  }
0xb6: {  	_ =	sfence  }
0xb7: {  	s30 =	sld [smem:$0x0];
	_ =	sdelay $0x2  }
0xb8: {  	s31 =	sshll.u32 s1, $0xD;
	s1 =	sshrl.u32 s1, $0x2  }
0xb9: {  	s3 =	sand.u32 $0x4000, s31;
	s1 =	sadd.s32 s1, s30  }
0xba: {  	s0 =	sor.u32 s3, s0;
	s1 =	sshll.u32 s1, $0x11  }
0xbb: {  	s0 =	sor.u32 s1, s0  }
0xbc: {  	s0 =	sadd.s32 $0x8F2B, s0  }
0xbd: {  	[sflag:s0] =	ssyncadd.remote.s32 $0x1  }
0xbe: {  	_ =	sfence.sel $0xFFFF  }
0xbf: {  	[dreg:$0x0] =	wrdreg $0xFFFFFFFF;
	(pc) =	sbr.abs _section_cstart, $3  }
0xc0: {  	[dreg:$0x1] =	wrdreg $0xFFFFFFFF  }
0xc1: {  	_ =	task.clear_ibuf [dreg:s6], $0x2FFFF;
	_ =	strace $0x9FFFFFFF  }
0xc2: {  	(tm) =	ssettm $0x7FFFFFFF  }
0xc3: {  	_ =	shalt  }
tec
execute0_lowered:
.L_overlay_start_1:
0x0: {  	(tag) =	ssettag $0x1  }
0x1: {  	s0 =	rddreg [dreg:$0x0]  }
0x2: {  	s2 =	rddreg [dreg:$0x1];
	s3 =	simm.s32 $0x0;
	s10 =	stileid.u32  }
0x3: {  	s6 =	srdreg.scid;
	s16 =	simm.s32 $0x13C00;
	s17 =	simm.s32 $0x6  }
0x4: {  	s18 =	simm.s32 $0x80;
	s19 =	simm.s32 $0x16800;
	s28 =	simm.s32 $0x3  }
0x5: {  	s29 =	simm.s32 $0x4;
	s30 =	simm.s32 $0x16500;
	s31 =	simm.s32 $0x16580  }
0x6: {  	s20 =	simm.s32 $0x0;
	[smem:$0x7FF] =	sst s3;
	s1 =	smul.u32 $0x500, s10  }
0x7: {  	s4 =	sadd.s32 $0x11800, s0;
	s5 =	sadd.s32 $0x38A00, s0;
	s6 =	sand.u32 $0x1, s6  }
0x8: {  	s7 =	smul.u32 $0x4F000, s10;
	s8 =	sadd.s32 $0x5FC00, s0;
	s21 =	sadd.s32 $0x62400, s0  }
0x9: {  	s9 =	sshll.u32 s10, $0x6;
	_ =	strace $0x80000047;
	[dreg:$0x3] =	wrdreg s8  }
0xa: {  	s26 =	smul.u32 $0x2780, s10;
	[dreg:$0x4] =	wrdreg s21;
	s22 =	ssub.s32 $0x2, s6  }
0xb: {  	s24 =	sor.u32 $0x1C05, s9;
	p0 =	sne.s32 s6, $0x0;
	s21 =	simm.s32 $0x1A800  }
0xc: {  	s8 =	simm.s32 $0x16780;
	s1 =	sadd.s32 s1, s0;
	s0 =	sadd.s32 $0x89C00, s0  }
0xd: {  	s23 =	sshrl.u32 s22, $0x1;
	s7 =	sshrl.u32 s7, $0x2;
	[dreg:$0x6] =	wrdreg s24  }
0xe: {  	[dreg:$0x8] =	wrdreg s26;
	s24 =	simm.s32 $0x1;
	s26 =	simm.s32 $0x16480  }
.Ltmp0:
0xf: {  	[dreg:$0x5] =	wrdreg s0;
	s0 =	ssub.s32 s22, s23;
	(pc) =	sbr.rel .LBB2_1-.Ltmp0, $4  }
0x10: {  	s7 =	sadd.s32 s7, s2;
	s25 =	sadd.s32 $0xC800, s1;
	s10 =	sadd.s32 $0x7800, s1  }
0x11: {  	s22 =	simm.s32 $0x5;
	s23 =	simm.s32 $0x16400;
	s1 =	simm.s32 $0x16680  }
0x12: {  	[dreg:$0x7] =	wrdreg s25;
	s13 =	smax.u32 s0, $0x1;
	s15 =	sshrl.u32 s7, $0x3  }
0x13: {  	s25 =	simm.s32 $0x2;
	s0 =	simm.s32 $0x16600;
	s7 =	simm.s32 $0x16700  }
.LBB2_8:
0x14: {  	s6 =	rddreg [dreg:$0x5]  }
.LBB2_9:
0x15: {  	_ =	swait.ge [sflag:s29], $0x4000  }
0x16: {  	s14 =	sor.u32 $0x1C06, s9;
	s20 =	sadd.s32 $0x1, s20;
	[sflag:s29] =	ssyncset.done $0x0  }
0x17: {  	s11 =	rddreg [dreg:$0x8];
	p1 =	sne.s32 s20, s13;
	[sflag:s29] =	ssyncadd.s32 $0xFFFFC000  }
.Ltmp1:
0x18: {  	s6 =	sadd.s32 s6, s11;
	[bflag:$0x0] =	sbarrier.arrive $0xFFFF;
	(pc) =	sbr.rel @!p1 .LBB2_10-.Ltmp1, $4  }
0x19: {  	[hbm:s6], [sflag:s14] =	dma.local [spmem:s15], $0x2780  }
0x1a: {  	_ =	swait.ge [sflag:s17], $0x2780  }
0x1b: {  	[sflag:s17] =	ssyncset.done $0x0  }
0x1c: {  	[sflag:s17] =	ssyncadd.s32 $0xFFFFD880  }
.LBB2_1:
0x1d: {  	s6 =	rddreg [dreg:$0x3]  }
0x1e: {  	s11 =	rddreg [dreg:$0x6]  }
0x1f: {  	[spmem:s15], [sflag:s11] =	dma.local [hbm:s6], $0x2780  }
.Ltmp2:
0x20: {  	s6 =	rddreg [dreg:$0x7];
	(pc) =	sbr.rel @p0 .LBB2_6-.Ltmp2, $4  }
0x21: {  	[tilespmem:s16], [sflag:$0x6] =	stream.linear.gather [hbm4b:s6+s3], $0x2800, $0x38;
	[tilespmem:$0x1E800] =	vst v63  }
0x22: {  	_ =	swait.ge [sflag:s17], $0x2800  }
0x23: {  	[sflag:s17] =	ssyncset.done $0x0  }
0x24: {  	[sflag:s17] =	ssyncadd.s32 $0xFFFFD800  }
0x25: {  	[tilespmem:s19], [sflag:$0x1] =	stream.indirect.gather [hbm4b:s4+s18], $0x80, s16, s18, $0xb8;
	[tilespmem:$0x1E800] =	vst v63  }
0x26: {  	s6 =	simm.s32 $0x13C80  }
0x27: {  	[tilespmem:s21], [sflag:$0x2] =	stream.indirect.gather [hbm4b:s4+s18], $0x80, s6, s18, $0xb8;
	[tilespmem:$0x1E800] =	vst v63  }
0x28: {  	_ =	swait.ge [sflag:s22], $0x2780  }
0x29: {  	[sflag:s22] =	ssyncset.done $0x0  }
0x2a: {  	[sflag:s22] =	ssyncadd.s32 $0xFFFFD880  }
0x2b: {  	s14 =	smov.u32 s10;
	s6 =	simm.s32 $0x0;
	[bflag:$0x0] =	sbarrier.arrive $0xFFFF  }
.LBB2_3:
0x2c: {  	[tilespmem:s23], [sflag:$0x6] =	stream.linear.gather [hbm4b:s14+s3], $0x400, $0x38;
	[tilespmem:$0x1E800] =	vst v63  }
0x2d: {  	_ =	swait.ge [sflag:s17], $0x400  }
0x2e: {  	[sflag:s17] =	ssyncset.done $0x0  }
0x2f: {  	[sflag:s17] =	ssyncadd.s32 $0xFFFFFC00  }
0x30: {  	_ =	swait.ge [sflag:s24], $0x4000  }
0x31: {  	[sflag:s24] =	ssyncset.done $0x0  }
0x32: {  	[sflag:s24] =	ssyncadd.s32 $0xFFFFC000  }
0x33: {  	[spmem:s2] =	stream.indirect.scatter.add.f32 [tilespmem:s19], [sflag:$0x3], $0x80, s23, s18, $0xb8;
	[tilespmem:$0x1E800] =	vst v63  }
0x34: {  	_ =	swait.ge [sflag:s25], $0x4000  }
0x35: {  	[sflag:s25] =	ssyncset.done $0x0  }
0x36: {  	[sflag:s25] =	ssyncadd.s32 $0xFFFFC000  }
0x37: {  	[spmem:s2] =	stream.indirect.scatter.add.f32 [tilespmem:s21], [sflag:$0x4], $0x80, s26, s18, $0xb8;
	[tilespmem:$0x1E800] =	vst v63  }
0x38: {  	_ =	swait.ge [sflag:s28], $0x4000  }
0x39: {  	s11 =	sshra.s32 s6, $0x2;
	[sflag:s28] =	ssyncset.done $0x0  }
0x3a: {  	s12 =	sadd.s32 $0x13D00, s11;
	[sflag:s28] =	ssyncadd.s32 $0xFFFFC000  }
0x3b: {  	[tilespmem:s19], [sflag:$0x1] =	stream.indirect.gather [hbm4b:s4+s18], $0x80, s12, s18, $0xb8;
	[tilespmem:$0x1E800] =	vst v63  }
0x3c: {  	_ =	swait.ge [sflag:s29], $0x4000  }
0x3d: {  	[sflag:s29] =	ssyncset.done $0x0  }
0x3e: {  	s12 =	sadd.s32 $0x13D80, s11;
	[sflag:s29] =	ssyncadd.s32 $0xFFFFC000  }
0x3f: {  	[tilespmem:s21], [sflag:$0x2] =	stream.indirect.gather [hbm4b:s4+s18], $0x80, s12, s18, $0xb8;
	[tilespmem:$0x1E800] =	vst v63  }
0x40: {  	_ =	swait.ge [sflag:s24], $0x4000  }
0x41: {  	[sflag:s24] =	ssyncset.done $0x0  }
0x42: {  	[sflag:s24] =	ssyncadd.s32 $0xFFFFC000  }
0x43: {  	[spmem:s2] =	stream.indirect.scatter.add.f32 [tilespmem:s19], [sflag:$0x3], $0x80, s30, s18, $0xb8;
	[tilespmem:$0x1E800] =	vst v63  }
0x44: {  	_ =	swait.ge [sflag:s25], $0x4000  }
0x45: {  	[sflag:s25] =	ssyncset.done $0x0  }
0x46: {  	[sflag:s25] =	ssyncadd.s32 $0xFFFFC000  }
0x47: {  	[spmem:s2] =	stream.indirect.scatter.add.f32 [tilespmem:s21], [sflag:$0x4], $0x80, s31, s18, $0xb8;
	[tilespmem:$0x1E800] =	vst v63  }
0x48: {  	_ =	swait.ge [sflag:s28], $0x4000  }
0x49: {  	[sflag:s28] =	ssyncset.done $0x0  }
0x4a: {  	s12 =	sadd.s32 $0x13E00, s11;
	[sflag:s28] =	ssyncadd.s32 $0xFFFFC000  }
0x4b: {  	[tilespmem:s19], [sflag:$0x1] =	stream.indirect.gather [hbm4b:s4+s18], $0x80, s12, s18, $0xb8;
	[tilespmem:$0x1E800] =	vst v63  }
0x4c: {  	_ =	swait.ge [sflag:s29], $0x4000  }
0x4d: {  	[sflag:s29] =	ssyncset.done $0x0  }
0x4e: {  	s12 =	sadd.s32 $0x13E80, s11;
	[sflag:s29] =	ssyncadd.s32 $0xFFFFC000  }
0x4f: {  	[tilespmem:s21], [sflag:$0x2] =	stream.indirect.gather [hbm4b:s4+s18], $0x80, s12, s18, $0xb8;
	[tilespmem:$0x1E800] =	vst v63  }
0x50: {  	_ =	swait.ge [sflag:s24], $0x4000  }
0x51: {  	[sflag:s24] =	ssyncset.done $0x0  }
0x52: {  	[sflag:s24] =	ssyncadd.s32 $0xFFFFC000  }
0x53: {  	[spmem:s2] =	stream.indirect.scatter.add.f32 [tilespmem:s19], [sflag:$0x3], $0x80, s0, s18, $0xb8;
	[tilespmem:$0x1E800] =	vst v63  }
0x54: {  	_ =	swait.ge [sflag:s25], $0x4000  }
0x55: {  	[sflag:s25] =	ssyncset.done $0x0  }
0x56: {  	[sflag:s25] =	ssyncadd.s32 $0xFFFFC000  }
0x57: {  	[spmem:s2] =	stream.indirect.scatter.add.f32 [tilespmem:s21], [sflag:$0x4], $0x80, s1, s18, $0xb8;
	[tilespmem:$0x1E800] =	vst v63  }
0x58: {  	_ =	swait.ge [sflag:s28], $0x4000  }
0x59: {  	[sflag:s28] =	ssyncset.done $0x0  }
0x5a: {  	s12 =	sadd.s32 $0x13F00, s11;
	[sflag:s28] =	ssyncadd.s32 $0xFFFFC000  }
0x5b: {  	[tilespmem:s19], [sflag:$0x1] =	stream.indirect.gather [hbm4b:s4+s18], $0x80, s12, s18, $0xb8;
	[tilespmem:$0x1E800] =	vst v63  }
0x5c: {  	_ =	swait.ge [sflag:s29], $0x4000  }
0x5d: {  	[sflag:s29] =	ssyncset.done $0x0  }
0x5e: {  	s12 =	sadd.s32 $0x13F80, s11;
	[sflag:s29] =	ssyncadd.s32 $0xFFFFC000  }
0x5f: {  	[tilespmem:s21], [sflag:$0x2] =	stream.indirect.gather [hbm4b:s4+s18], $0x80, s12, s18, $0xb8;
	[tilespmem:$0x1E800] =	vst v63  }
0x60: {  	_ =	swait.ge [sflag:s24], $0x4000  }
0x61: {  	[sflag:s24] =	ssyncset.done $0x0  }
0x62: {  	[sflag:s24] =	ssyncadd.s32 $0xFFFFC000  }
0x63: {  	[spmem:s2] =	stream.indirect.scatter.add.f32 [tilespmem:s19], [sflag:$0x3], $0x80, s7, s18, $0xb8;
	[tilespmem:$0x1E800] =	vst v63  }
0x64: {  	_ =	swait.ge [sflag:s25], $0x4000  }
0x65: {  	p1 =	seq.s32 s6, $0x9000;
	[sflag:s25] =	ssyncset.done $0x0  }
.Ltmp3:
0x66: {  	[sflag:s25] =	ssyncadd.s32 $0xFFFFC000;
	(pc) =	sbr.rel @p1 .LBB2_4-.Ltmp3, $4  }
0x67: {  	[spmem:s2] =	stream.indirect.scatter.add.f32 [tilespmem:s21], [sflag:$0x4], $0x80, s8, s18, $0xb8;
	[tilespmem:$0x1E800] =	vst v63  }
0x68: {  	_ =	swait.ge [sflag:s28], $0x4000  }
0x69: {  	[sflag:s28] =	ssyncset.done $0x0  }
0x6a: {  	[sflag:s28] =	ssyncadd.s32 $0xFFFFC000  }
0x6b: {  	s12 =	sadd.s32 $0x14000, s11  }
0x6c: {  	[tilespmem:s19], [sflag:$0x1] =	stream.indirect.gather [hbm4b:s4+s18], $0x80, s12, s18, $0xb8;
	[tilespmem:$0x1E800] =	vst v63  }
.Ltmp4:
0x6d: {  	_ = 	snop;
	(pc) =	sbr.rel .LBB2_3-.Ltmp4, $4  }
0x6e: {  	_ =	swait.ge [sflag:s29], $0x4000  }
0x6f: {  	s14 =	sadd.s32 $0x80, s14;
	[sflag:s29] =	ssyncset.done $0x0  }
0x70: {  	s6 =	sadd.s32 $0x1000, s6;
	s12 =	sadd.s32 $0x14080, s11;
	[sflag:s29] =	ssyncadd.s32 $0xFFFFC000  }
0x71: {  	[tilespmem:s21], [sflag:$0x2] =	stream.indirect.gather [hbm4b:s4+s18], $0x80, s12, s18, $0xb8;
	[tilespmem:$0x1E800] =	vst v63  }
.LBB2_6:
0x72: {  	[tilespmem:s19], [sflag:$0x1] =	stream.indirect.gather [hbm4b:s5+s18], $0x80, s16, s18, $0xb8;
	[tilespmem:$0x1E800] =	vst v63  }
0x73: {  	s6 =	simm.s32 $0x13C80  }
0x74: {  	[tilespmem:s21], [sflag:$0x2] =	stream.indirect.gather [hbm4b:s5+s18], $0x80, s6, s18, $0xb8;
	[tilespmem:$0x1E800] =	vst v63  }
0x75: {  	_ =	swait.ge [sflag:s22], $0x2780  }
0x76: {  	[sflag:s22] =	ssyncset.done $0x0  }
0x77: {  	[sflag:s22] =	ssyncadd.s32 $0xFFFFD880  }
0x78: {  	s14 =	smov.u32 s10;
	s6 =	simm.s32 $0x0;
	[bflag:$0x0] =	sbarrier.arrive $0xFFFF  }
.LBB2_7:
0x79: {  	[tilespmem:s23], [sflag:$0x6] =	stream.linear.gather [hbm4b:s14+s3], $0x400, $0x38;
	[tilespmem:$0x1E800] =	vst v63  }
0x7a: {  	_ =	swait.ge [sflag:s17], $0x400  }
0x7b: {  	[sflag:s17] =	ssyncset.done $0x0  }
0x7c: {  	[sflag:s17] =	ssyncadd.s32 $0xFFFFFC00  }
0x7d: {  	_ =	swait.ge [sflag:s24], $0x4000  }
0x7e: {  	[sflag:s24] =	ssyncset.done $0x0  }
0x7f: {  	[sflag:s24] =	ssyncadd.s32 $0xFFFFC000  }
0x80: {  	[spmem:s2] =	stream.indirect.scatter.add.f32 [tilespmem:s19], [sflag:$0x3], $0x80, s23, s18, $0xb8;
	[tilespmem:$0x1E800] =	vst v63  }
0x81: {  	_ =	swait.ge [sflag:s25], $0x4000  }
0x82: {  	[sflag:s25] =	ssyncset.done $0x0  }
0x83: {  	[sflag:s25] =	ssyncadd.s32 $0xFFFFC000  }
0x84: {  	[spmem:s2] =	stream.indirect.scatter.add.f32 [tilespmem:s21], [sflag:$0x4], $0x80, s26, s18, $0xb8;
	[tilespmem:$0x1E800] =	vst v63  }
0x85: {  	_ =	swait.ge [sflag:s28], $0x4000  }
0x86: {  	s11 =	sshra.s32 s6, $0x2;
	[sflag:s28] =	ssyncset.done $0x0  }
0x87: {  	s12 =	sadd.s32 $0x13D00, s11;
	[sflag:s28] =	ssyncadd.s32 $0xFFFFC000  }
0x88: {  	[tilespmem:s19], [sflag:$0x1] =	stream.indirect.gather [hbm4b:s5+s18], $0x80, s12, s18, $0xb8;
	[tilespmem:$0x1E800] =	vst v63  }
0x89: {  	_ =	swait.ge [sflag:s29], $0x4000  }
0x8a: {  	[sflag:s29] =	ssyncset.done $0x0  }
0x8b: {  	s12 =	sadd.s32 $0x13D80, s11;
	[sflag:s29] =	ssyncadd.s32 $0xFFFFC000  }
0x8c: {  	[tilespmem:s21], [sflag:$0x2] =	stream.indirect.gather [hbm4b:s5+s18], $0x80, s12, s18, $0xb8;
	[tilespmem:$0x1E800] =	vst v63  }
0x8d: {  	_ =	swait.ge [sflag:s24], $0x4000  }
0x8e: {  	[sflag:s24] =	ssyncset.done $0x0  }
0x8f: {  	[sflag:s24] =	ssyncadd.s32 $0xFFFFC000  }
0x90: {  	[spmem:s2] =	stream.indirect.scatter.add.f32 [tilespmem:s19], [sflag:$0x3], $0x80, s30, s18, $0xb8;
	[tilespmem:$0x1E800] =	vst v63  }
0x91: {  	_ =	swait.ge [sflag:s25], $0x4000  }
0x92: {  	[sflag:s25] =	ssyncset.done $0x0  }
0x93: {  	[sflag:s25] =	ssyncadd.s32 $0xFFFFC000  }
0x94: {  	[spmem:s2] =	stream.indirect.scatter.add.f32 [tilespmem:s21], [sflag:$0x4], $0x80, s31, s18, $0xb8;
	[tilespmem:$0x1E800] =	vst v63  }
0x95: {  	_ =	swait.ge [sflag:s28], $0x4000  }
0x96: {  	[sflag:s28] =	ssyncset.done $0x0  }
0x97: {  	s12 =	sadd.s32 $0x13E00, s11;
	[sflag:s28] =	ssyncadd.s32 $0xFFFFC000  }
0x98: {  	[tilespmem:s19], [sflag:$0x1] =	stream.indirect.gather [hbm4b:s5+s18], $0x80, s12, s18, $0xb8;
	[tilespmem:$0x1E800] =	vst v63  }
0x99: {  	_ =	swait.ge [sflag:s29], $0x4000  }
0x9a: {  	[sflag:s29] =	ssyncset.done $0x0  }
0x9b: {  	s12 =	sadd.s32 $0x13E80, s11;
	[sflag:s29] =	ssyncadd.s32 $0xFFFFC000  }
0x9c: {  	[tilespmem:s21], [sflag:$0x2] =	stream.indirect.gather [hbm4b:s5+s18], $0x80, s12, s18, $0xb8;
	[tilespmem:$0x1E800] =	vst v63  }
0x9d: {  	_ =	swait.ge [sflag:s24], $0x4000  }
0x9e: {  	[sflag:s24] =	ssyncset.done $0x0  }
0x9f: {  	[sflag:s24] =	ssyncadd.s32 $0xFFFFC000  }
0xa0: {  	[spmem:s2] =	stream.indirect.scatter.add.f32 [tilespmem:s19], [sflag:$0x3], $0x80, s0, s18, $0xb8;
	[tilespmem:$0x1E800] =	vst v63  }
0xa1: {  	_ =	swait.ge [sflag:s25], $0x4000  }
0xa2: {  	[sflag:s25] =	ssyncset.done $0x0  }
0xa3: {  	[sflag:s25] =	ssyncadd.s32 $0xFFFFC000  }
0xa4: {  	[spmem:s2] =	stream.indirect.scatter.add.f32 [tilespmem:s21], [sflag:$0x4], $0x80, s1, s18, $0xb8;
	[tilespmem:$0x1E800] =	vst v63  }
0xa5: {  	_ =	swait.ge [sflag:s28], $0x4000  }
0xa6: {  	[sflag:s28] =	ssyncset.done $0x0  }
0xa7: {  	s12 =	sadd.s32 $0x13F00, s11;
	[sflag:s28] =	ssyncadd.s32 $0xFFFFC000  }
0xa8: {  	[tilespmem:s19], [sflag:$0x1] =	stream.indirect.gather [hbm4b:s5+s18], $0x80, s12, s18, $0xb8;
	[tilespmem:$0x1E800] =	vst v63  }
0xa9: {  	_ =	swait.ge [sflag:s29], $0x4000  }
0xaa: {  	[sflag:s29] =	ssyncset.done $0x0  }
0xab: {  	s12 =	sadd.s32 $0x13F80, s11;
	[sflag:s29] =	ssyncadd.s32 $0xFFFFC000  }
0xac: {  	[tilespmem:s21], [sflag:$0x2] =	stream.indirect.gather [hbm4b:s5+s18], $0x80, s12, s18, $0xb8;
	[tilespmem:$0x1E800] =	vst v63  }
0xad: {  	_ =	swait.ge [sflag:s24], $0x4000  }
0xae: {  	[sflag:s24] =	ssyncset.done $0x0  }
0xaf: {  	[sflag:s24] =	ssyncadd.s32 $0xFFFFC000  }
0xb0: {  	[spmem:s2] =	stream.indirect.scatter.add.f32 [tilespmem:s19], [sflag:$0x3], $0x80, s7, s18, $0xb8;
	[tilespmem:$0x1E800] =	vst v63  }
0xb1: {  	_ =	swait.ge [sflag:s25], $0x4000  }
0xb2: {  	p1 =	seq.s32 s6, $0x9000;
	[sflag:s25] =	ssyncset.done $0x0  }
.Ltmp5:
0xb3: {  	[sflag:s25] =	ssyncadd.s32 $0xFFFFC000;
	(pc) =	sbr.rel @p1 .LBB2_8-.Ltmp5, $4  }
0xb4: {  	[spmem:s2] =	stream.indirect.scatter.add.f32 [tilespmem:s21], [sflag:$0x4], $0x80, s8, s18, $0xb8;
	[tilespmem:$0x1E800] =	vst v63  }
0xb5: {  	_ =	swait.ge [sflag:s28], $0x4000  }
0xb6: {  	[sflag:s28] =	ssyncset.done $0x0  }
0xb7: {  	[sflag:s28] =	ssyncadd.s32 $0xFFFFC000  }
0xb8: {  	s12 =	sadd.s32 $0x14000, s11  }
0xb9: {  	[tilespmem:s19], [sflag:$0x1] =	stream.indirect.gather [hbm4b:s5+s18], $0x80, s12, s18, $0xb8;
	[tilespmem:$0x1E800] =	vst v63  }
.Ltmp6:
0xba: {  	_ = 	snop;
	(pc) =	sbr.rel .LBB2_7-.Ltmp6, $4  }
0xbb: {  	_ =	swait.ge [sflag:s29], $0x4000  }
0xbc: {  	s14 =	sadd.s32 $0x80, s14;
	[sflag:s29] =	ssyncset.done $0x0  }
0xbd: {  	s6 =	sadd.s32 $0x1000, s6;
	s12 =	sadd.s32 $0x14080, s11;
	[sflag:s29] =	ssyncadd.s32 $0xFFFFC000  }
0xbe: {  	[tilespmem:s21], [sflag:$0x2] =	stream.indirect.gather [hbm4b:s5+s18], $0x80, s12, s18, $0xb8;
	[tilespmem:$0x1E800] =	vst v63  }
.LBB2_4:
.Ltmp7:
0xbf: {  	(pc) =	sbr.rel .LBB2_9-.Ltmp7, $2  }
0xc0: {  	_ =	sdelay $0x2  }
0xc1: {  	s6 =	rddreg [dreg:$0x4]  }
.LBB2_10:
0xc2: {  	_ =	sfence.sel $0x180000  }
0xc3: {  	[bflag:$0x0] =	sbarrier.arrive $0xFFFF  }
0xc4: {  	_ =	strace $0x90000047  }
0xc5: {  	s0 =	stileid.u32;
	[bflag:$0x2] =	sbarrier.arrive $0xFFFF  }
0xc6: {  	p0 =	sne.s32 s0, $0x0;
	s0 =	rddreg [dreg:$0x2]  }
0xc7: {  	s0 =	sadd.s32 @!p0 $0x100000, s0  }
0xc8: {  	[sflag:s0] =	ssyncadd.tile.s32 @!p0 $0x1;
	_ =	shalt  }
.Lfunc_end2:
_tile_overlayer_lowered:
.L_overlay_start_2:
0xc9: {  	(tag) =	ssettag $0x2  }
0xca: {  	s0 =	rddreg [dreg:$0x0];
	s2 =	stileid.u32  }
0xcb: {  	s1 =	rddreg [dreg:$0x1];
	p0 =	sne.s32 s2, $0x0  }
0xcc: {  	s3 =	rddreg [dreg:$0x2];
	[bflag:$0x3] =	sbarrier.arrive $0xFFFF;
	s2 =	simm.s32 @!p0 $0x1C06  }
0xcd: {  	[timem:s3], [sflag:s2] =	dma.local @!p0 [hbm:s0], s1  }
0xce: {  	s0 =	simm.s32 @!p0 $0x6  }
0xcf: {  	_ =	swait.ge @!p0 [sflag:s0], s1  }
0xd0: {  	s1 =	ssub.s32 @!p0 $0x0, s1;
	[sflag:s0] =	ssyncset.done @!p0 $0x0  }
0xd1: {  	[sflag:s0] =	ssyncadd.s32 @!p0 s1  }
0xd2: {  	[bflag:$0x3] =	sbarrier.arrive $0xFFFF  }
0xd3: {  	_ =	shalt  }

// kernel: kernel.16.cloned.1.call-start
scs
__scs_entry_jumppad:
0x0: {  	(pc) =	sbr.rel $0x88, $3  }
0x1: {  	(tag) =	ssettag $0x0;
	lr =	simm.s32 $0x1  }
0x2: {  	[smem:$0x3F87] =	sst lr;
	_ =	strace $0xD0000000  }
0x3: {  	_ = 	snop  }
0x4: {  	_ = 	snop  }
0x5: {  	_ = 	snop  }
0x6: {  	_ = 	snop  }
0x7: {  	_ = 	snop  }
__scs_overlays_trampoline_lowered:
0x8: {  	[smem:$0x3F96] =	sst s0  }
0x9: {  	[smem:$0x3F97] =	sst s1  }
0xa: {  	[smem:$0x3F98] =	sst s2  }
0xb: {  	[smem:$0x3F99] =	sst s3  }
0xc: {  	[smem:$0x3F9A] =	sst s4  }
0xd: {  	[smem:$0x3F9B] =	sst s5  }
0xe: {  	[smem:$0x3F9C] =	sst s6  }
0xf: {  	[smem:$0x3F9D] =	sst s7  }
0x10: {  	[smem:$0x3F9E] =	sst s8  }
0x11: {  	[smem:$0x3F9F] =	sst s9;
	s0 =	simm.s32 @!p0 $0x0  }
0x12: {  	s1 =	sld [smem:$0x3F85];
	s0 =	simm.s32 @p0 $0x1  }
0x13: {  	[smem:$0x3FA0] =	sst s0;
	s0 =	simm.s32 @!p1 $0x0  }
0x14: {  	s2 =	sld [smem:$0x3F84];
	s0 =	simm.s32 @p1 $0x1  }
0x15: {  	[smem:$0x3FA1] =	sst s0;
	s0 =	simm.s32 @!p2 $0x0  }
0x16: {  	s3 =	sld [smem:$0x3FDB];
	s0 =	simm.s32 @p2 $0x1  }
0x17: {  	s4 =	simm.s32 $0x1BF5;
	[smem:$0x3FA3] =	sst s0  }
0x18: {  	s0 =	sld [smem:$0x3F86];
	_ =	swait.ge [sflag:s4], $0x0  }
0x19: {  	s7 =	sld [smem:$0x3F87]  }
0x1a: {  	s8 =	sadd.s32 $0xFFFFE003, lr  }
0x1b: {  	s9 =	sadd.s32 $0xFFFFFEF7, lr;
	s5 =	simm.s32 $0xFFFFFFFF;
	p2 =	slt.u32 s8, $0xFFFFF086  }
0x1c: {  	p1 =	slt.u32 s9, $0xF7A;
	s5 =	simm.s32 @!p2 $0x0  }
0x1d: {  	s5 =	simm.s32 @p1 $0x1;
	p0 =	seq.s32 s7, s2  }
0x1e: {  	s7 =	smul.u32 @!p0 $0xF7A, s2;
	p2 =	seq.s32 @!p0 s5, $0x0  }
0x1f: {  	s9 =	smul.u32 $0xF7A, s1;
	s8 =	simm.s32 @!p0 $0x1BF5;
	p2 =	por !p2, p0  }
0x20: {  	[sflag:s8] =	ssyncset.s32 @!p0 $0xFFFFF086;
	s6 =	sadd.s32 @!p0 s3, s7;
	s7 =	simm.s32 @!p0 $0x108  }
0x21: {  	s3 =	sadd.s32 s3, s9;
	s6 =	sadd.s32 @!p0 $0x88, s6;
	s7 =	simm.s32 @p2 $0x1082  }
0x22: {  	[simem:s7], [sflag:s8] =	dma.local @!p0 [hbm:s6], $0xF7A  }
0x23: {  	s9 =	sor.u32 $0xD0000000, s2;
	s6 =	simm.s32 $0x108;
	_ =	swait.ge @!p0 [sflag:s8], $0x0  }
0x24: {  	s3 =	sadd.s32 $0x88, s3;
	s6 =	simm.s32 @!p1 $0x1082;
	[sflag:s4] =	ssyncset.s32 $0xFFFFF086  }
0x25: {  	[simem:s6], [sflag:s4] =	dma.local [hbm:s3], $0xF7A  }
0x26: {  	[smem:$0x3F87] =	sst s1;
	(tag) =	ssettag s2;
	_ =	strace s9  }
0x27: {  	s1 =	sld [smem:$0x3F97]  }
0x28: {  	s2 =	sld [smem:$0x3F98]  }
0x29: {  	s4 =	sld [smem:$0x3F9A]  }
0x2a: {  	p0 =	seq.s32 s5, $0x0;
	s5 =	sld [smem:$0x3F9B]  }
0x2b: {  	s6 =	sld [smem:$0x3F9C]  }
0x2c: {  	s7 =	sld [smem:$0x3F9D]  }
0x2d: {  	s3 =	simm.s32 $0x108;
	s8 =	sld [smem:$0x3F9E]  }
0x2e: {  	s3 =	simm.s32 @!p0 $0x1082;
	s9 =	sld [smem:$0x3F9F]  }
0x2f: {  	lr =	sadd.s32 s0, s3;
	s0 =	sld [smem:$0x3F96]  }
0x30: {  	s3 =	sld [smem:$0x3F99]  }
0x31: {  	[smem:$0x3FA2] =	sst s10  }
0x32: {  	s10 =	sld [smem:$0x3FA0];
	_ =	sdelay $0x3  }
0x33: {  	p0 =	seq.s32 s10, $0x1;
	s10 =	sld [smem:$0x3FA2];
	_ =	sdelay $0x3  }
0x34: {  	[smem:$0x3FA2] =	sst s10  }
0x35: {  	s10 =	sld [smem:$0x3FA1];
	_ =	sdelay $0x3  }
0x36: {  	p1 =	seq.s32 s10, $0x1;
	s10 =	sld [smem:$0x3FA2];
	_ =	sdelay $0x3  }
0x37: {  	[smem:$0x3FA2] =	sst s10  }
0x38: {  	s10 =	sld [smem:$0x3FA3]  }
0x39: {  	_ = 	snop;
	(pc) =	sbr.ind lr, $3  }
0x3a: {  	_ = 	snop  }
0x3b: {  	_ = 	snop  }
0x3c: {  	p2 =	seq.s32 s10, $0x1;
	s10 =	sld [smem:$0x3FA2]  }
0x3d: {  	_ =	shalt  }
0x3e: {  	_ =	shalt  }
0x3f: {  	_ =	shalt  }
0x40: {  	_ =	shalt  }
0x41: {  	_ =	shalt  }
0x42: {  	_ =	shalt  }
0x43: {  	_ =	shalt  }
0x44: {  	_ =	shalt  }
0x45: {  	_ =	shalt  }
0x46: {  	_ =	shalt  }
0x47: {  	_ =	shalt  }
0x48: {  	_ =	shalt  }
0x49: {  	_ =	shalt  }
0x4a: {  	_ =	shalt  }
0x4b: {  	_ =	shalt  }
0x4c: {  	_ =	shalt  }
0x4d: {  	_ =	shalt  }
0x4e: {  	_ =	shalt  }
0x4f: {  	_ =	shalt  }
0x50: {  	_ =	shalt  }
0x51: {  	_ =	shalt  }
0x52: {  	_ =	shalt  }
0x53: {  	_ =	shalt  }
0x54: {  	_ =	shalt  }
0x55: {  	_ =	shalt  }
0x56: {  	_ =	shalt  }
0x57: {  	_ =	shalt  }
0x58: {  	_ =	shalt  }
0x59: {  	_ =	shalt  }
0x5a: {  	_ =	shalt  }
0x5b: {  	_ =	shalt  }
0x5c: {  	_ =	shalt  }
0x5d: {  	_ =	shalt  }
0x5e: {  	_ =	shalt  }
0x5f: {  	_ =	shalt  }
0x60: {  	_ =	shalt  }
0x61: {  	_ =	shalt  }
0x62: {  	_ =	shalt  }
0x63: {  	_ =	shalt  }
0x64: {  	_ =	shalt  }
0x65: {  	_ =	shalt  }
0x66: {  	_ =	shalt  }
0x67: {  	_ =	shalt  }
0x68: {  	_ =	shalt  }
0x69: {  	_ =	shalt  }
0x6a: {  	_ =	shalt  }
0x6b: {  	_ =	shalt  }
0x6c: {  	_ =	shalt  }
0x6d: {  	_ =	shalt  }
0x6e: {  	_ =	shalt  }
0x6f: {  	_ =	shalt  }
0x70: {  	_ =	shalt  }
0x71: {  	_ =	shalt  }
0x72: {  	_ =	shalt  }
0x73: {  	_ =	shalt  }
0x74: {  	_ =	shalt  }
0x75: {  	_ =	shalt  }
0x76: {  	_ =	shalt  }
0x77: {  	_ =	shalt  }
0x78: {  	_ =	shalt  }
0x79: {  	_ =	shalt  }
0x7a: {  	_ =	shalt  }
0x7b: {  	_ =	shalt  }
0x7c: {  	_ =	shalt  }
0x7d: {  	_ =	shalt  }
0x7e: {  	_ =	shalt  }
0x7f: {  	_ =	shalt  }
0x80: {  	_ =	shalt  }
0x81: {  	_ =	shalt  }
0x82: {  	_ =	shalt  }
0x83: {  	_ =	shalt  }
0x84: {  	_ =	shalt  }
0x85: {  	_ =	shalt  }
0x86: {  	_ =	shalt  }
0x87: {  	_ =	shalt  }
.Lfunc_end0:
.L_simem_size_0:
called_computation.2_lowered:
.L_overlay_start_0:
0x88: {  	s2 =	sld [smem:$0x3FD9]  }
0x89: {  	s3 =	sld [smem:$0x3FFE];
	_ =	sdelay $0x1  }
0x8a: {  	s1 =	srdreg.scid  }
0x8b: {  	s0 =	sand.u32 $0x1, s1  }
0x8c: {  	s17 =	sshll.u32 s0, $0xA;
	s2 =	sadd.s32 s3, s2  }
0x8d: {  	s2 =	sadd.s32 s2, s17  }
0x8e: {  	[smem:$0x3FAE] =	sst s2  }
0x8f: {  	_ = 	snop  }
0x90: {  	s2 =	sld [smem:$0x3FD0];
	(tm) =	ssettm $0x1  }
0x91: {  	s18 =	sld [smem:$0x3FFB];
	_ =	sdelay $0x3  }
0x92: {  	_ =	strace s18  }
0x93: {  	s3 =	sld [smem:$0x3FFC];
	_ =	sdelay $0x3  }
0x94: {  	_ =	strace s3  }
0x95: {  	s3 =	sld [smem:$0x3FFD];
	_ =	sdelay $0x3  }
0x96: {  	_ =	strace s3  }
0x97: {  	_ =	strace $0x8FFFFFFF  }
0x98: {  	s19 =	sld [smem:$0x3FDB];
	_ =	sdelay $0x1  }
0x99: {  	s4 =	simm.s32 $_scs_section_size  }
0x9a: {  	s5 =	simm.s32 $_size__tile_overlayer_lowered;
	s6 =	simm.s32 $_tile_overlayer_lowered  }
0x9b: {  	s22 =	simm.s32 $0x1BFF;
	s21 =	sshll.u32 s6, $0x1;
	s3 =	sadd.s32 s4, s19  }
0x9c: {  	s7 =	simm.s32 $0x0;
	s20 =	sshll.u32 s5, $0x1;
	s5 =	sadd.s32 s21, s3  }
0x9d: {  	[timem:s7], [sflag:s22] =	dma.local [hbm:s5], s20  }
0x9e: {  	_ =	swait.ge [sflag:s22], s20  }
0x9f: {  	s4 =	ssub.s32 $0x0, s20;
	[sflag:s22] =	ssyncset.done $0x0  }
0xa0: {  	[sflag:s22] =	ssyncadd.s32 s4;
	_ =	sdelay $0x1  }
0xa1: {  	s23 =	simm.s32 $0x1B8B  }
0xa2: {  	_ =	swait.ge [sflag:s23], $0x1  }
0xa3: {  	[sflag:s23] =	ssyncset.done $0x0  }
0xa4: {  	s25 =	simm.s32 $0x1B8E;
	s24 =	sld [smem:$0x3FFE];
	[sflag:s23] =	ssyncadd.s32 $0xFFFFFFFF  }
0xa5: {  	s26 =	simm.s32 $execute0_lowered;
	[smem:$0x3FD2] =	sst s25  }
0xa6: {  	s5 =	sshll.u32 s26, $0x1;
	_ =	strace $0x8000004C;
	[dreg:$0x1] =	wrdreg $0xFFFFFFFF  }
0xa7: {  	s28 =	simm.s32 $_size_execute0_lowered;
	s3 =	sadd.s32 s3, s5;
	[dreg:$0x0] =	wrdreg $0x0  }
0xa8: {  	s5 =	sshll.u32 s28, $0x1;
	[dreg:$0x2] =	wrdreg s3  }
0xa9: {  	[dreg:$0x3] =	wrdreg s5  }
0xaa: {  	[dreg:$0x4] =	wrdreg $0xC0  }
0xab: {  	_ =	task [dreg:s7], $0x5FFFF  }
0xac: {  	[dreg:$0x1] =	wrdreg $0xFFFFFFFF  }
0xad: {  	[dreg:$0x0] =	wrdreg $0x60  }
0xae: {  	[dreg:$0x2] =	wrdreg s24  }
0xaf: {  	[dreg:$0x3] =	wrdreg s2  }
0xb0: {  	[dreg:$0x4] =	wrdreg $0x0  }
0xb1: {  	[dreg:$0x5] =	wrdreg $0x9  }
0xb2: {  	_ =	task.clear_ibuf [dreg:s7], $0x6FFFF;
	_ =	strace $0x9000004C  }
0xb3: {  	s29 =	simm.s32 $0x9;
	_ =	strace $0x8000004E  }
0xb4: {  	_ =	swait.ge [sflag:s29], $0x1  }
0xb5: {  	[sflag:s29] =	ssyncadd.s32 $0xFFFFFFFF  }
0xb6: {  	_ =	strace $0x9000004E  }
0xb7: {  	_ =	sfence  }
0xb8: {  	s30 =	sld [smem:$0x0];
	_ =	sdelay $0x2  }
0xb9: {  	s31 =	sshll.u32 s1, $0xD;
	s1 =	sshrl.u32 s1, $0x2  }
0xba: {  	s3 =	sand.u32 $0x4000, s31;
	s1 =	sadd.s32 s1, s30  }
0xbb: {  	s0 =	sor.u32 s3, s0;
	s1 =	sshll.u32 s1, $0x11  }
0xbc: {  	s0 =	sor.u32 s1, s0  }
0xbd: {  	s0 =	sadd.s32 $0x8F2B, s0  }
0xbe: {  	[sflag:s0] =	ssyncadd.remote.s32 $0x1  }
0xbf: {  	_ =	sfence.sel $0xFFFF  }
0xc0: {  	[dreg:$0x0] =	wrdreg $0xFFFFFFFF;
	(pc) =	sbr.abs _section_cstart, $3  }
0xc1: {  	[dreg:$0x1] =	wrdreg $0xFFFFFFFF  }
0xc2: {  	_ =	task.clear_ibuf [dreg:s7], $0x2FFFF;
	_ =	strace $0x9FFFFFFF  }
0xc3: {  	(tm) =	ssettm $0x7FFFFFFF  }
tec
execute0_lowered:
.L_overlay_start_1:
0x0: {  	(tag) =	ssettag $0x1  }
0x1: {  	s0 =	rddreg [dreg:$0x0]  }
0x2: {  	s2 =	rddreg [dreg:$0x2]  }
0x3: {  	s4 =	simm.s32 $0x0;
	s10 =	stileid.u32;
	s3 =	srdreg.scid  }
0x4: {  	s16 =	simm.s32 $0x13C00;
	s17 =	simm.s32 $0x6;
	s18 =	simm.s32 $0x80  }
0x5: {  	s19 =	simm.s32 $0x16800;
	s21 =	simm.s32 $0x1A800;
	s28 =	simm.s32 $0x3  }
0x6: {  	s29 =	simm.s32 $0x4;
	s30 =	simm.s32 $0x16500;
	s31 =	simm.s32 $0x16580  }
0x7: {  	s20 =	simm.s32 $0x0;
	[smem:$0x7FF] =	sst s4;
	s5 =	sadd.s32 $0x11800, s0  }
0x8: {  	s1 =	smul.u32 $0x500, s10;
	s6 =	sadd.s32 $0x38A00, s0;
	s3 =	sand.u32 $0x1, s3  }
0x9: {  	s7 =	smul.u32 $0x4F000, s10;
	s8 =	sadd.s32 $0x5FC00, s0;
	s9 =	sshll.u32 s10, $0x6  }
0xa: {  	s26 =	smul.u32 $0x2780, s10;
	_ =	strace $0x8000004D;
	[dreg:$0x4] =	wrdreg s8  }
0xb: {  	s22 =	ssub.s32 $0x2, s3;
	s24 =	sor.u32 $0x1C05, s9;
	p0 =	sne.s32 s3, $0x0  }
0xc: {  	s3 =	simm.s32 $0x16680;
	s8 =	simm.s32 $0x16780;
	s1 =	sadd.s32 s1, s0  }
0xd: {  	s0 =	sadd.s32 $0x62400, s0;
	s23 =	sshrl.u32 s22, $0x1;
	[dreg:$0x6] =	wrdreg s24  }
0xe: {  	s7 =	sshrl.u32 s7, $0x2;
	[dreg:$0x8] =	wrdreg s26;
	s24 =	simm.s32 $0x1  }
.Ltmp0:
0xf: {  	s26 =	simm.s32 $0x16480;
	[dreg:$0x5] =	wrdreg s0;
	(pc) =	sbr.rel .LBB2_1-.Ltmp0, $4  }
0x10: {  	s0 =	ssub.s32 s22, s23;
	s7 =	sadd.s32 s7, s2;
	s25 =	sadd.s32 $0xC800, s1  }
0x11: {  	s10 =	sadd.s32 $0x7800, s1;
	s22 =	simm.s32 $0x5;
	s23 =	simm.s32 $0x16400  }
0x12: {  	s1 =	simm.s32 $0x16700;
	[dreg:$0x7] =	wrdreg s25;
	s13 =	smax.u32 s0, $0x1  }
0x13: {  	s15 =	sshrl.u32 s7, $0x3;
	s25 =	simm.s32 $0x2;
	s0 =	simm.s32 $0x16600  }
.LBB2_8:
0x14: {  	s7 =	rddreg [dreg:$0x5]  }
.LBB2_9:
0x15: {  	_ =	swait.ge [sflag:s29], $0x4000  }
0x16: {  	s14 =	sor.u32 $0x1C06, s9;
	s20 =	sadd.s32 $0x1, s20;
	[sflag:s29] =	ssyncset.done $0x0  }
0x17: {  	s11 =	rddreg [dreg:$0x8];
	p1 =	sne.s32 s20, s13;
	[sflag:s29] =	ssyncadd.s32 $0xFFFFC000  }
.Ltmp1:
0x18: {  	s7 =	sadd.s32 s7, s11;
	[bflag:$0x0] =	sbarrier.arrive $0xFFFF;
	(pc) =	sbr.rel @!p1 .LBB2_10-.Ltmp1, $4  }
0x19: {  	[hbm:s7], [sflag:s14] =	dma.local [spmem:s15], $0x2780  }
0x1a: {  	_ =	swait.ge [sflag:s17], $0x2780  }
0x1b: {  	[sflag:s17] =	ssyncset.done $0x0  }
0x1c: {  	[sflag:s17] =	ssyncadd.s32 $0xFFFFD880  }
.LBB2_1:
0x1d: {  	s7 =	rddreg [dreg:$0x4]  }
0x1e: {  	s11 =	rddreg [dreg:$0x6]  }
0x1f: {  	[spmem:s15], [sflag:s11] =	dma.local [hbm:s7], $0x2780  }
.Ltmp2:
0x20: {  	s7 =	rddreg [dreg:$0x7];
	(pc) =	sbr.rel @p0 .LBB2_6-.Ltmp2, $4  }
0x21: {  	[tilespmem:s16], [sflag:$0x6] =	stream.linear.gather [hbm4b:s7+s4], $0x2800, $0x38;
	[tilespmem:$0x1E800] =	vst v63  }
0x22: {  	_ =	swait.ge [sflag:s17], $0x2800  }
0x23: {  	[sflag:s17] =	ssyncset.done $0x0  }
0x24: {  	[sflag:s17] =	ssyncadd.s32 $0xFFFFD800  }
0x25: {  	[tilespmem:s19], [sflag:$0x1] =	stream.indirect.gather [hbm4b:s5+s18], $0x80, s16, s18, $0xb8;
	[tilespmem:$0x1E800] =	vst v63  }
0x26: {  	s7 =	simm.s32 $0x13C80  }
0x27: {  	[tilespmem:s21], [sflag:$0x2] =	stream.indirect.gather [hbm4b:s5+s18], $0x80, s7, s18, $0xb8;
	[tilespmem:$0x1E800] =	vst v63  }
0x28: {  	_ =	swait.ge [sflag:s22], $0x2780  }
0x29: {  	[sflag:s22] =	ssyncset.done $0x0  }
0x2a: {  	[sflag:s22] =	ssyncadd.s32 $0xFFFFD880  }
0x2b: {  	s14 =	smov.u32 s10;
	s7 =	simm.s32 $0x0;
	[bflag:$0x0] =	sbarrier.arrive $0xFFFF  }
.LBB2_3:
0x2c: {  	[tilespmem:s23], [sflag:$0x6] =	stream.linear.gather [hbm4b:s14+s4], $0x400, $0x38;
	[tilespmem:$0x1E800] =	vst v63  }
0x2d: {  	_ =	swait.ge [sflag:s17], $0x400  }
0x2e: {  	[sflag:s17] =	ssyncset.done $0x0  }
0x2f: {  	[sflag:s17] =	ssyncadd.s32 $0xFFFFFC00  }
0x30: {  	_ =	swait.ge [sflag:s24], $0x4000  }
0x31: {  	[sflag:s24] =	ssyncset.done $0x0  }
0x32: {  	[sflag:s24] =	ssyncadd.s32 $0xFFFFC000  }
0x33: {  	[spmem:s2] =	stream.indirect.scatter.add.f32 [tilespmem:s19], [sflag:$0x3], $0x80, s23, s18, $0xb8;
	[tilespmem:$0x1E800] =	vst v63  }
0x34: {  	_ =	swait.ge [sflag:s25], $0x4000  }
0x35: {  	[sflag:s25] =	ssyncset.done $0x0  }
0x36: {  	[sflag:s25] =	ssyncadd.s32 $0xFFFFC000  }
0x37: {  	[spmem:s2] =	stream.indirect.scatter.add.f32 [tilespmem:s21], [sflag:$0x4], $0x80, s26, s18, $0xb8;
	[tilespmem:$0x1E800] =	vst v63  }
0x38: {  	_ =	swait.ge [sflag:s28], $0x4000  }
0x39: {  	s11 =	sshra.s32 s7, $0x2;
	[sflag:s28] =	ssyncset.done $0x0  }
0x3a: {  	s12 =	sadd.s32 $0x13D00, s11;
	[sflag:s28] =	ssyncadd.s32 $0xFFFFC000  }
0x3b: {  	[tilespmem:s19], [sflag:$0x1] =	stream.indirect.gather [hbm4b:s5+s18], $0x80, s12, s18, $0xb8;
	[tilespmem:$0x1E800] =	vst v63  }
0x3c: {  	_ =	swait.ge [sflag:s29], $0x4000  }
0x3d: {  	[sflag:s29] =	ssyncset.done $0x0  }
0x3e: {  	s12 =	sadd.s32 $0x13D80, s11;
	[sflag:s29] =	ssyncadd.s32 $0xFFFFC000  }
0x3f: {  	[tilespmem:s21], [sflag:$0x2] =	stream.indirect.gather [hbm4b:s5+s18], $0x80, s12, s18, $0xb8;
	[tilespmem:$0x1E800] =	vst v63  }
0x40: {  	_ =	swait.ge [sflag:s24], $0x4000  }
0x41: {  	[sflag:s24] =	ssyncset.done $0x0  }
0x42: {  	[sflag:s24] =	ssyncadd.s32 $0xFFFFC000  }
0x43: {  	[spmem:s2] =	stream.indirect.scatter.add.f32 [tilespmem:s19], [sflag:$0x3], $0x80, s30, s18, $0xb8;
	[tilespmem:$0x1E800] =	vst v63  }
0x44: {  	_ =	swait.ge [sflag:s25], $0x4000  }
0x45: {  	[sflag:s25] =	ssyncset.done $0x0  }
0x46: {  	[sflag:s25] =	ssyncadd.s32 $0xFFFFC000  }
0x47: {  	[spmem:s2] =	stream.indirect.scatter.add.f32 [tilespmem:s21], [sflag:$0x4], $0x80, s31, s18, $0xb8;
	[tilespmem:$0x1E800] =	vst v63  }
0x48: {  	_ =	swait.ge [sflag:s28], $0x4000  }
0x49: {  	[sflag:s28] =	ssyncset.done $0x0  }
0x4a: {  	s12 =	sadd.s32 $0x13E00, s11;
	[sflag:s28] =	ssyncadd.s32 $0xFFFFC000  }
0x4b: {  	[tilespmem:s19], [sflag:$0x1] =	stream.indirect.gather [hbm4b:s5+s18], $0x80, s12, s18, $0xb8;
	[tilespmem:$0x1E800] =	vst v63  }
0x4c: {  	_ =	swait.ge [sflag:s29], $0x4000  }
0x4d: {  	[sflag:s29] =	ssyncset.done $0x0  }
0x4e: {  	s12 =	sadd.s32 $0x13E80, s11;
	[sflag:s29] =	ssyncadd.s32 $0xFFFFC000  }
0x4f: {  	[tilespmem:s21], [sflag:$0x2] =	stream.indirect.gather [hbm4b:s5+s18], $0x80, s12, s18, $0xb8;
	[tilespmem:$0x1E800] =	vst v63  }
0x50: {  	_ =	swait.ge [sflag:s24], $0x4000  }
0x51: {  	[sflag:s24] =	ssyncset.done $0x0  }
0x52: {  	[sflag:s24] =	ssyncadd.s32 $0xFFFFC000  }
0x53: {  	[spmem:s2] =	stream.indirect.scatter.add.f32 [tilespmem:s19], [sflag:$0x3], $0x80, s0, s18, $0xb8;
	[tilespmem:$0x1E800] =	vst v63  }
0x54: {  	_ =	swait.ge [sflag:s25], $0x4000  }
0x55: {  	[sflag:s25] =	ssyncset.done $0x0  }
0x56: {  	[sflag:s25] =	ssyncadd.s32 $0xFFFFC000  }
0x57: {  	[spmem:s2] =	stream.indirect.scatter.add.f32 [tilespmem:s21], [sflag:$0x4], $0x80, s3, s18, $0xb8;
	[tilespmem:$0x1E800] =	vst v63  }
0x58: {  	_ =	swait.ge [sflag:s28], $0x4000  }
0x59: {  	[sflag:s28] =	ssyncset.done $0x0  }
0x5a: {  	s12 =	sadd.s32 $0x13F00, s11;
	[sflag:s28] =	ssyncadd.s32 $0xFFFFC000  }
0x5b: {  	[tilespmem:s19], [sflag:$0x1] =	stream.indirect.gather [hbm4b:s5+s18], $0x80, s12, s18, $0xb8;
	[tilespmem:$0x1E800] =	vst v63  }
0x5c: {  	_ =	swait.ge [sflag:s29], $0x4000  }
0x5d: {  	[sflag:s29] =	ssyncset.done $0x0  }
0x5e: {  	s12 =	sadd.s32 $0x13F80, s11;
	[sflag:s29] =	ssyncadd.s32 $0xFFFFC000  }
0x5f: {  	[tilespmem:s21], [sflag:$0x2] =	stream.indirect.gather [hbm4b:s5+s18], $0x80, s12, s18, $0xb8;
	[tilespmem:$0x1E800] =	vst v63  }
0x60: {  	_ =	swait.ge [sflag:s24], $0x4000  }
0x61: {  	[sflag:s24] =	ssyncset.done $0x0  }
0x62: {  	[sflag:s24] =	ssyncadd.s32 $0xFFFFC000  }
0x63: {  	[spmem:s2] =	stream.indirect.scatter.add.f32 [tilespmem:s19], [sflag:$0x3], $0x80, s1, s18, $0xb8;
	[tilespmem:$0x1E800] =	vst v63  }
0x64: {  	_ =	swait.ge [sflag:s25], $0x4000  }
0x65: {  	p1 =	seq.s32 s7, $0x9000;
	[sflag:s25] =	ssyncset.done $0x0  }
.Ltmp3:
0x66: {  	[sflag:s25] =	ssyncadd.s32 $0xFFFFC000;
	(pc) =	sbr.rel @p1 .LBB2_4-.Ltmp3, $4  }
0x67: {  	[spmem:s2] =	stream.indirect.scatter.add.f32 [tilespmem:s21], [sflag:$0x4], $0x80, s8, s18, $0xb8;
	[tilespmem:$0x1E800] =	vst v63  }
0x68: {  	_ =	swait.ge [sflag:s28], $0x4000  }
0x69: {  	[sflag:s28] =	ssyncset.done $0x0  }
0x6a: {  	[sflag:s28] =	ssyncadd.s32 $0xFFFFC000  }
0x6b: {  	s12 =	sadd.s32 $0x14000, s11  }
0x6c: {  	[tilespmem:s19], [sflag:$0x1] =	stream.indirect.gather [hbm4b:s5+s18], $0x80, s12, s18, $0xb8;
	[tilespmem:$0x1E800] =	vst v63  }
.Ltmp4:
0x6d: {  	_ = 	snop;
	(pc) =	sbr.rel .LBB2_3-.Ltmp4, $4  }
0x6e: {  	_ =	swait.ge [sflag:s29], $0x4000  }
0x6f: {  	s14 =	sadd.s32 $0x80, s14;
	[sflag:s29] =	ssyncset.done $0x0  }
0x70: {  	s7 =	sadd.s32 $0x1000, s7;
	s12 =	sadd.s32 $0x14080, s11;
	[sflag:s29] =	ssyncadd.s32 $0xFFFFC000  }
0x71: {  	[tilespmem:s21], [sflag:$0x2] =	stream.indirect.gather [hbm4b:s5+s18], $0x80, s12, s18, $0xb8;
	[tilespmem:$0x1E800] =	vst v63  }
.LBB2_6:
0x72: {  	[tilespmem:s19], [sflag:$0x1] =	stream.indirect.gather [hbm4b:s6+s18], $0x80, s16, s18, $0xb8;
	[tilespmem:$0x1E800] =	vst v63  }
0x73: {  	s7 =	simm.s32 $0x13C80  }
0x74: {  	[tilespmem:s21], [sflag:$0x2] =	stream.indirect.gather [hbm4b:s6+s18], $0x80, s7, s18, $0xb8;
	[tilespmem:$0x1E800] =	vst v63  }
0x75: {  	_ =	swait.ge [sflag:s22], $0x2780  }
0x76: {  	[sflag:s22] =	ssyncset.done $0x0  }
0x77: {  	[sflag:s22] =	ssyncadd.s32 $0xFFFFD880  }
0x78: {  	s14 =	smov.u32 s10;
	s7 =	simm.s32 $0x0;
	[bflag:$0x0] =	sbarrier.arrive $0xFFFF  }
.LBB2_7:
0x79: {  	[tilespmem:s23], [sflag:$0x6] =	stream.linear.gather [hbm4b:s14+s4], $0x400, $0x38;
	[tilespmem:$0x1E800] =	vst v63  }
0x7a: {  	_ =	swait.ge [sflag:s17], $0x400  }
0x7b: {  	[sflag:s17] =	ssyncset.done $0x0  }
0x7c: {  	[sflag:s17] =	ssyncadd.s32 $0xFFFFFC00  }
0x7d: {  	_ =	swait.ge [sflag:s24], $0x4000  }
0x7e: {  	[sflag:s24] =	ssyncset.done $0x0  }
0x7f: {  	[sflag:s24] =	ssyncadd.s32 $0xFFFFC000  }
0x80: {  	[spmem:s2] =	stream.indirect.scatter.add.f32 [tilespmem:s19], [sflag:$0x3], $0x80, s23, s18, $0xb8;
	[tilespmem:$0x1E800] =	vst v63  }
0x81: {  	_ =	swait.ge [sflag:s25], $0x4000  }
0x82: {  	[sflag:s25] =	ssyncset.done $0x0  }
0x83: {  	[sflag:s25] =	ssyncadd.s32 $0xFFFFC000  }
0x84: {  	[spmem:s2] =	stream.indirect.scatter.add.f32 [tilespmem:s21], [sflag:$0x4], $0x80, s26, s18, $0xb8;
	[tilespmem:$0x1E800] =	vst v63  }
0x85: {  	_ =	swait.ge [sflag:s28], $0x4000  }
0x86: {  	s11 =	sshra.s32 s7, $0x2;
	[sflag:s28] =	ssyncset.done $0x0  }
0x87: {  	s12 =	sadd.s32 $0x13D00, s11;
	[sflag:s28] =	ssyncadd.s32 $0xFFFFC000  }
0x88: {  	[tilespmem:s19], [sflag:$0x1] =	stream.indirect.gather [hbm4b:s6+s18], $0x80, s12, s18, $0xb8;
	[tilespmem:$0x1E800] =	vst v63  }
0x89: {  	_ =	swait.ge [sflag:s29], $0x4000  }
0x8a: {  	[sflag:s29] =	ssyncset.done $0x0  }
0x8b: {  	s12 =	sadd.s32 $0x13D80, s11;
	[sflag:s29] =	ssyncadd.s32 $0xFFFFC000  }
0x8c: {  	[tilespmem:s21], [sflag:$0x2] =	stream.indirect.gather [hbm4b:s6+s18], $0x80, s12, s18, $0xb8;
	[tilespmem:$0x1E800] =	vst v63  }
0x8d: {  	_ =	swait.ge [sflag:s24], $0x4000  }
0x8e: {  	[sflag:s24] =	ssyncset.done $0x0  }
0x8f: {  	[sflag:s24] =	ssyncadd.s32 $0xFFFFC000  }
0x90: {  	[spmem:s2] =	stream.indirect.scatter.add.f32 [tilespmem:s19], [sflag:$0x3], $0x80, s30, s18, $0xb8;
	[tilespmem:$0x1E800] =	vst v63  }
0x91: {  	_ =	swait.ge [sflag:s25], $0x4000  }
0x92: {  	[sflag:s25] =	ssyncset.done $0x0  }
0x93: {  	[sflag:s25] =	ssyncadd.s32 $0xFFFFC000  }
0x94: {  	[spmem:s2] =	stream.indirect.scatter.add.f32 [tilespmem:s21], [sflag:$0x4], $0x80, s31, s18, $0xb8;
	[tilespmem:$0x1E800] =	vst v63  }
0x95: {  	_ =	swait.ge [sflag:s28], $0x4000  }
0x96: {  	[sflag:s28] =	ssyncset.done $0x0  }
0x97: {  	s12 =	sadd.s32 $0x13E00, s11;
	[sflag:s28] =	ssyncadd.s32 $0xFFFFC000  }
0x98: {  	[tilespmem:s19], [sflag:$0x1] =	stream.indirect.gather [hbm4b:s6+s18], $0x80, s12, s18, $0xb8;
	[tilespmem:$0x1E800] =	vst v63  }
0x99: {  	_ =	swait.ge [sflag:s29], $0x4000  }
0x9a: {  	[sflag:s29] =	ssyncset.done $0x0  }
0x9b: {  	s12 =	sadd.s32 $0x13E80, s11;
	[sflag:s29] =	ssyncadd.s32 $0xFFFFC000  }
0x9c: {  	[tilespmem:s21], [sflag:$0x2] =	stream.indirect.gather [hbm4b:s6+s18], $0x80, s12, s18, $0xb8;
	[tilespmem:$0x1E800] =	vst v63  }
0x9d: {  	_ =	swait.ge [sflag:s24], $0x4000  }
0x9e: {  	[sflag:s24] =	ssyncset.done $0x0  }
0x9f: {  	[sflag:s24] =	ssyncadd.s32 $0xFFFFC000  }
0xa0: {  	[spmem:s2] =	stream.indirect.scatter.add.f32 [tilespmem:s19], [sflag:$0x3], $0x80, s0, s18, $0xb8;
	[tilespmem:$0x1E800] =	vst v63  }
0xa1: {  	_ =	swait.ge [sflag:s25], $0x4000  }
0xa2: {  	[sflag:s25] =	ssyncset.done $0x0  }
0xa3: {  	[sflag:s25] =	ssyncadd.s32 $0xFFFFC000  }
0xa4: {  	[spmem:s2] =	stream.indirect.scatter.add.f32 [tilespmem:s21], [sflag:$0x4], $0x80, s3, s18, $0xb8;
	[tilespmem:$0x1E800] =	vst v63  }
0xa5: {  	_ =	swait.ge [sflag:s28], $0x4000  }
0xa6: {  	[sflag:s28] =	ssyncset.done $0x0  }
0xa7: {  	s12 =	sadd.s32 $0x13F00, s11;
	[sflag:s28] =	ssyncadd.s32 $0xFFFFC000  }
0xa8: {  	[tilespmem:s19], [sflag:$0x1] =	stream.indirect.gather [hbm4b:s6+s18], $0x80, s12, s18, $0xb8;
	[tilespmem:$0x1E800] =	vst v63  }
0xa9: {  	_ =	swait.ge [sflag:s29], $0x4000  }
0xaa: {  	[sflag:s29] =	ssyncset.done $0x0  }
0xab: {  	s12 =	sadd.s32 $0x13F80, s11;
	[sflag:s29] =	ssyncadd.s32 $0xFFFFC000  }
0xac: {  	[tilespmem:s21], [sflag:$0x2] =	stream.indirect.gather [hbm4b:s6+s18], $0x80, s12, s18, $0xb8;
	[tilespmem:$0x1E800] =	vst v63  }
0xad: {  	_ =	swait.ge [sflag:s24], $0x4000  }
0xae: {  	[sflag:s24] =	ssyncset.done $0x0  }
0xaf: {  	[sflag:s24] =	ssyncadd.s32 $0xFFFFC000  }
0xb0: {  	[spmem:s2] =	stream.indirect.scatter.add.f32 [tilespmem:s19], [sflag:$0x3], $0x80, s1, s18, $0xb8;
	[tilespmem:$0x1E800] =	vst v63  }
0xb1: {  	_ =	swait.ge [sflag:s25], $0x4000  }
0xb2: {  	p1 =	seq.s32 s7, $0x9000;
	[sflag:s25] =	ssyncset.done $0x0  }
.Ltmp5:
0xb3: {  	[sflag:s25] =	ssyncadd.s32 $0xFFFFC000;
	(pc) =	sbr.rel @p1 .LBB2_8-.Ltmp5, $4  }
0xb4: {  	[spmem:s2] =	stream.indirect.scatter.add.f32 [tilespmem:s21], [sflag:$0x4], $0x80, s8, s18, $0xb8;
	[tilespmem:$0x1E800] =	vst v63  }
0xb5: {  	_ =	swait.ge [sflag:s28], $0x4000  }
0xb6: {  	[sflag:s28] =	ssyncset.done $0x0  }
0xb7: {  	[sflag:s28] =	ssyncadd.s32 $0xFFFFC000  }
0xb8: {  	s12 =	sadd.s32 $0x14000, s11  }
0xb9: {  	[tilespmem:s19], [sflag:$0x1] =	stream.indirect.gather [hbm4b:s6+s18], $0x80, s12, s18, $0xb8;
	[tilespmem:$0x1E800] =	vst v63  }
.Ltmp6:
0xba: {  	_ = 	snop;
	(pc) =	sbr.rel .LBB2_7-.Ltmp6, $4  }
0xbb: {  	_ =	swait.ge [sflag:s29], $0x4000  }
0xbc: {  	s14 =	sadd.s32 $0x80, s14;
	[sflag:s29] =	ssyncset.done $0x0  }
0xbd: {  	s7 =	sadd.s32 $0x1000, s7;
	s12 =	sadd.s32 $0x14080, s11;
	[sflag:s29] =	ssyncadd.s32 $0xFFFFC000  }
0xbe: {  	[tilespmem:s21], [sflag:$0x2] =	stream.indirect.gather [hbm4b:s6+s18], $0x80, s12, s18, $0xb8;
	[tilespmem:$0x1E800] =	vst v63  }
.LBB2_4:
.Ltmp7:
0xbf: {  	(pc) =	sbr.rel .LBB2_9-.Ltmp7, $2  }
0xc0: {  	_ =	sdelay $0x2  }
0xc1: {  	s7 =	rddreg [dreg:$0x1]  }
.LBB2_10:
0xc2: {  	_ =	sfence.sel $0x180000  }
0xc3: {  	[bflag:$0x0] =	sbarrier.arrive $0xFFFF  }
0xc4: {  	_ =	strace $0x9000004D  }
0xc5: {  	s0 =	stileid.u32;
	[bflag:$0x2] =	sbarrier.arrive $0xFFFF  }
0xc6: {  	p0 =	sne.s32 s0, $0x0;
	s0 =	rddreg [dreg:$0x3]  }
0xc7: {  	s0 =	sadd.s32 @!p0 $0x100000, s0  }
0xc8: {  	[sflag:s0] =	ssyncadd.tile.s32 @!p0 $0x1;
	_ =	shalt  }
.Lfunc_end2:
_tile_overlayer_lowered:
.L_overlay_start_2:
0xc9: {  	(tag) =	ssettag $0x2  }
0xca: {  	s0 =	rddreg [dreg:$0x0];
	s2 =	stileid.u32  }
0xcb: {  	s1 =	rddreg [dreg:$0x1];
	p0 =	sne.s32 s2, $0x0  }
0xcc: {  	s3 =	rddreg [dreg:$0x2];
	[bflag:$0x3] =	sbarrier.arrive $0xFFFF;
	s2 =	simm.s32 @!p0 $0x1C06  }
0xcd: {  	[timem:s3], [sflag:s2] =	dma.local @!p0 [hbm:s0], s1  }
0xce: {  	s0 =	simm.s32 @!p0 $0x6  }
0xcf: {  	_ =	swait.ge @!p0 [sflag:s0], s1  }
0xd0: {  	s1 =	ssub.s32 @!p0 $0x0, s1;
	[sflag:s0] =	ssyncset.done @!p0 $0x0  }
0xd1: {  	[sflag:s0] =	ssyncadd.s32 @!p0 s1  }
0xd2: {  	[bflag:$0x3] =	sbarrier.arrive $0xFFFF  }
0xd3: {  	_ =	shalt  }

</sc_bundles>
